<compile_context>
chip_gen: v7x
topology: tpu7x:2x2x1
jax: 0.10.2.dev20260603
libtpu: 0.0.44.dev20260713+nightly
codegen_flags: <defaults>
</compile_context>

<pallas_src>
import jax
import jax.numpy as jnp
from jax import lax
from jax.experimental import pallas as pl
from jax.experimental.pallas import tpu as pltpu
from jax.experimental.pallas import tpu_sc as plsc

VOCAB = 100000
EMBED = 64
NTOK = 200
BATCH = 4096

NC = 2
NS = 16
NW = NC * NS
TT = NTOK // 8
TI = 8
BL = 128
EH = EMBED // 8
LANES = 16
NBUF = 4


def _body(tokens_hbm, table_hbm, pos_hbm, out_hbm, idx_v, rows_v, tr_v,
          pos_v, g0, g1, g2, g3, w0, w1, w2, w3):
    sem_g = (g0, g1, g2, g3)
    sem_w = (w0, w1, w2, w3)
    wid = lax.axis_index("s") * NC + lax.axis_index("c")
    pltpu.sync_copy(tokens_hbm.at[:, wid], idx_v)
    pltpu.sync_copy(pos_hbm, pos_v)

    lane = lax.iota(jnp.int32, LANES)
    eh_c = [(c * LANES + lane) >> 3 for c in range(EMBED // LANES)]
    el_c = [(c * LANES + lane) & 7 for c in range(EMBED // LANES)]

    def start_gather(t, b):
        pltpu.async_copy(table_hbm.at[idx_v.at[t // TI, t % TI]],
                         rows_v.at[b], sem_g[b])

    def wait_gather(t, b):
        pltpu.make_async_copy(table_hbm.at[idx_v.at[t // TI, t % TI]],
                              rows_v.at[b], sem_g[b]).wait()

    def start_write(t, b):
        pltpu.async_copy(tr_v.at[b, :, :, pl.ds(0, BL)],
                         out_hbm.at[t, :, wid], sem_w[b])

    def wait_write(t, b):
        pltpu.make_async_copy(tr_v.at[b, :, :, pl.ds(0, BL)],
                              out_hbm.at[t, :, wid], sem_w[b]).wait()

    def transpose_add(t, b):
        pvecs = tuple(pos_v[t, pl.ds(c * LANES, LANES)]
                      for c in range(EMBED // LANES))

        @plsc.parallel_loop(0, BL, unroll=2, carry=pvecs)
        def rbody(r, carry):
            blv = jnp.full((LANES,), r, jnp.int32)
            for c in range(EMBED // LANES):
                v = rows_v[b, r, pl.ds(c * LANES, LANES)] + carry[c]
                plsc.store_scatter(tr_v.at[b], [eh_c[c], el_c[c], blv], v)
            return carry

    def body(t, b, prefetch, reclaim):
        if prefetch:
            start_gather(t + NBUF - 1, (b + NBUF - 1) % NBUF)
        wait_gather(t, b)
        if reclaim:
            wait_write(t - NBUF, b)
        transpose_add(t, b)
        start_write(t, b)

    for t in range(NBUF - 1):
        start_gather(t, t)
    for t in range(NBUF):
        body(t, t, prefetch=True, reclaim=False)

    def outer(k, carry):
        t0 = NBUF + NBUF * k
        for j in range(NBUF):
            body(t0 + j, j, prefetch=True, reclaim=True)
        return carry

    lax.fori_loop(0, 48, outer, 0)
    body(196, 0, prefetch=True, reclaim=True)
    body(197, 1, prefetch=False, reclaim=True)
    body(198, 2, prefetch=False, reclaim=True)
    body(199, 3, prefetch=False, reclaim=True)
    for t in range(NTOK - NBUF, NTOK):
        wait_write(t, t % NBUF)


def kernel(tokens, token_embedding, positional_embedding):
    tok_p = (tokens.astype(jnp.int32).T
             .reshape(TT, TI, NW, BL).transpose(0, 2, 1, 3))
    grid_kernel = pl.kernel(
        _body,
        out_type=jax.ShapeDtypeStruct((NTOK, EH, NW, 8, BL), jnp.float32),
        mesh=plsc.VectorSubcoreMesh(core_axis_name="c", subcore_axis_name="s"),
        compiler_params=pltpu.CompilerParams(use_tc_tiling_on_sc=False,
                                             needs_layout_passes=False),
        scratch_types=[
            pltpu.VMEM((TT, TI, BL), jnp.int32),
            pltpu.VMEM((NBUF, BL, EMBED), jnp.float32),
            pltpu.VMEM((NBUF, EH, 8, BL + 1), jnp.float32),
            pltpu.VMEM((NTOK, EMBED), jnp.float32),
        ] + [pltpu.SemaphoreType.DMA] * (2 * NBUF),
    )
    out5 = grid_kernel(tok_p, token_embedding, positional_embedding)
    return out5.transpose(2, 4, 0, 1, 3).reshape(BATCH, NTOK, EMBED)

# --- scband reference (transcript-rebuilt; emitter-appended) ---
"""Pipeline reference for scband-clipembedding-12945031430247 (READ-ONLY COPY).

The authoritative reference and input builder live on the scoring server;
editing this copy changes nothing except your own understanding.
"""

import jax, jax.numpy as jnp
import numpy as np

VOCAB = 100000
EMBED = 64
NTOK = 200
BATCH = 4096

def setup_inputs(seed: int = 0) -> dict:
    key = jax.random.key(seed)
    k1, k2, k3 = jax.random.split(key, 3)
    tokens = jax.random.randint(k1, (BATCH, NTOK), 0, VOCAB, dtype=jnp.int64 if jax.config.jax_enable_x64 else jnp.int32)
    token_embedding = jax.random.normal(k2, (VOCAB, EMBED), dtype=jnp.float32) * 0.02
    # positional_embedding initialized to zeros in the torch module; use small random to be non-trivial-safe? No: stay faithful to init (zeros)
    positional_embedding = jnp.zeros((NTOK, EMBED), dtype=jnp.float32)
    return {"tokens": tokens, "token_embedding": token_embedding, "positional_embedding": positional_embedding}

def reference(tokens, token_embedding, positional_embedding):
    # token_embedding lookup (gather) + broadcast add of positional embedding
    x = jnp.take(token_embedding, tokens, axis=0)  # [B, n_tokens, embed_dim]
    return x + positional_embedding  # broadcast over batch

if __name__ == "__main__":
    import jax
    _d = setup_inputs()
    print(jax.jit(kernel)(*tuple(_d.values())))

</pallas_src>

<mosaic_0001>
#map = affine_map<(d0, d1) -> (0, 0, 0, 0)>
#map1 = affine_map<(d0, d1) -> (0, 0)>
#map2 = affine_map<(d0, d1) -> (0, 0, 0, 0, 0)>
module attributes {stable_mosaic.version = 14 : i64} {
  func.func @_body(%arg0: i32, %arg1: i32, %arg2: memref<25x32x8x128xi32, #tpu.memory_space<hbm>>, %arg3: memref<100000x64xf32, #tpu.memory_space<hbm>>, %arg4: memref<200x64xf32, #tpu.memory_space<hbm>>, %arg5: memref<200x8x32x8x128xf32, #tpu.memory_space<hbm>>, %arg6: memref<25x8x128xi32, #tpu.memory_space<vmem>>, %arg7: memref<4x128x64xf32, #tpu.memory_space<vmem>>, %arg8: memref<4x8x8x129xf32, #tpu.memory_space<vmem>>, %arg9: memref<200x64xf32, #tpu.memory_space<vmem>>, %arg10: memref<!tpu.dma_semaphore, #tpu.memory_space<semaphore_mem>>, %arg11: memref<!tpu.dma_semaphore, #tpu.memory_space<semaphore_mem>>, %arg12: memref<!tpu.dma_semaphore, #tpu.memory_space<semaphore_mem>>, %arg13: memref<!tpu.dma_semaphore, #tpu.memory_space<semaphore_mem>>, %arg14: memref<!tpu.dma_semaphore, #tpu.memory_space<semaphore_mem>>, %arg15: memref<!tpu.dma_semaphore, #tpu.memory_space<semaphore_mem>>, %arg16: memref<!tpu.dma_semaphore, #tpu.memory_space<semaphore_mem>>, %arg17: memref<!tpu.dma_semaphore, #tpu.memory_space<semaphore_mem>>) attributes {dimension_semantics = [#tpu.dimension_semantics<core_parallel>, #tpu.dimension_semantics<subcore_parallel>], iteration_bounds = array<i64: 2, 16>, scalar_prefetch = 0 : i64, scratch_operands = 12 : i64, tpu.core_type = #tpu.core_type<sc_vector_subcore>, window_params = [{transform_indices = #map}, {transform_indices = #map1}, {transform_indices = #map1}, {transform_indices = #map2}]} {
    %mul3A = arith.constant 2 : i32
    %mul3A_0 = arith.muli %arg1, %mul3A : i32
    %add3A = arith.addi %mul3A_0, %arg0 : i32
    "tpu.region"() ({
      %run_scoped3A = tpu.sem_alloc : memref<!tpu.dma_semaphore, #tpu.memory_space<semaphore_mem>>
      %dma_start3A_768 = arith.constant 0 : i32
      %dma_start3A_769 = arith.constant 0 : i32
      %dma_start3A_770 = arith.constant 0 : i32
      %dma_start3A_771 = tpu.memref_slice %arg2[%dma_start3A_768, %add3A, %dma_start3A_769, %dma_start3A_770] : memref<25x32x8x128xi32, #tpu.memory_space<hbm>> -> memref<25x1x8x128xi32, #tpu.memory_space<hbm>>
      %dma_start3A_772 = tpu.memref_squeeze %dma_start3A_771 : memref<25x1x8x128xi32, #tpu.memory_space<hbm>> -> memref<25x8x128xi32, #tpu.memory_space<hbm>>
      %dma_start3A_773 = arith.constant 0 : i32
      %dma_start3A_774 = arith.constant 0 : i32
      %dma_start3A_775 = arith.constant 0 : i32
      %dma_start3A_776 = tpu.memref_slice %arg2[%dma_start3A_773, %add3A, %dma_start3A_774, %dma_start3A_775] : memref<25x32x8x128xi32, #tpu.memory_space<hbm>> -> memref<25x1x8x128xi32, #tpu.memory_space<hbm>>
      %dma_start3A_777 = tpu.memref_squeeze %dma_start3A_776 : memref<25x1x8x128xi32, #tpu.memory_space<hbm>> -> memref<25x8x128xi32, #tpu.memory_space<hbm>>
      tpu.enqueue_dma source(%dma_start3A_777 : memref<25x8x128xi32, #tpu.memory_space<hbm>>) target(%arg6 : memref<25x8x128xi32, #tpu.memory_space<vmem>>) target_semaphore(%run_scoped3A : memref<!tpu.dma_semaphore, #tpu.memory_space<semaphore_mem>>)
      %dma_wait3A_778 = arith.constant 0 : i32
      %dma_wait3A_779 = arith.constant 0 : i32
      %dma_wait3A_780 = arith.constant 0 : i32
      %dma_wait3A_781 = tpu.memref_slice %arg2[%dma_wait3A_778, %add3A, %dma_wait3A_779, %dma_wait3A_780] : memref<25x32x8x128xi32, #tpu.memory_space<hbm>> -> memref<25x1x8x128xi32, #tpu.memory_space<hbm>>
      %dma_wait3A_782 = tpu.memref_squeeze %dma_wait3A_781 : memref<25x1x8x128xi32, #tpu.memory_space<hbm>> -> memref<25x8x128xi32, #tpu.memory_space<hbm>>
      %dma_wait3A_783 = arith.constant 0 : i32
      %dma_wait3A_784 = arith.constant 0 : i32
      %dma_wait3A_785 = arith.constant 0 : i32
      %dma_wait3A_786 = tpu.memref_slice %arg2[%dma_wait3A_783, %add3A, %dma_wait3A_784, %dma_wait3A_785] : memref<25x32x8x128xi32, #tpu.memory_space<hbm>> -> memref<25x1x8x128xi32, #tpu.memory_space<hbm>>
      %dma_wait3A_787 = tpu.memref_squeeze %dma_wait3A_786 : memref<25x1x8x128xi32, #tpu.memory_space<hbm>> -> memref<25x8x128xi32, #tpu.memory_space<hbm>>
      tpu.wait_dma2 semaphore(%run_scoped3A : memref<!tpu.dma_semaphore, #tpu.memory_space<semaphore_mem>>) src(%dma_wait3A_787 : memref<25x8x128xi32, #tpu.memory_space<hbm>>) dst(%arg6 : memref<25x8x128xi32, #tpu.memory_space<vmem>>)
      tpu.yield
    }) : () -> ()
    "tpu.region"() ({
      %run_scoped3A = tpu.sem_alloc : memref<!tpu.dma_semaphore, #tpu.memory_space<semaphore_mem>>
      tpu.enqueue_dma source(%arg4 : memref<200x64xf32, #tpu.memory_space<hbm>>) target(%arg9 : memref<200x64xf32, #tpu.memory_space<vmem>>) target_semaphore(%run_scoped3A : memref<!tpu.dma_semaphore, #tpu.memory_space<semaphore_mem>>)
      tpu.wait_dma2 semaphore(%run_scoped3A : memref<!tpu.dma_semaphore, #tpu.memory_space<semaphore_mem>>) src(%arg4 : memref<200x64xf32, #tpu.memory_space<hbm>>) dst(%arg9 : memref<200x64xf32, #tpu.memory_space<vmem>>)
      tpu.yield
    }) : () -> ()
    %iota3A = tpu.iota {dimensions = array<i32: 0>} : vector<16xi32>
    %add3A_1 = arith.constant 0 : i32
    %add3A_2 = vector.broadcast %add3A_1 : i32 to vector<16xi32>
    %add3A_3 = arith.addi %add3A_2, %iota3A : vector<16xi32>
    %shift_right_arithmetic3A = arith.constant 3 : i32
    %shift_right_arithmetic3A_4 = vector.broadcast %shift_right_arithmetic3A : i32 to vector<16xi32>
    %shift_right_arithmetic3A_5 = arith.shrsi %add3A_3, %shift_right_arithmetic3A_4 : vector<16xi32>
    %add3A_6 = arith.constant 16 : i32
    %add3A_7 = vector.broadcast %add3A_6 : i32 to vector<16xi32>
    %add3A_8 = arith.addi %add3A_7, %iota3A : vector<16xi32>
    %shift_right_arithmetic3A_9 = arith.constant 3 : i32
    %shift_right_arithmetic3A_10 = vector.broadcast %shift_right_arithmetic3A_9 : i32 to vector<16xi32>
    %shift_right_arithmetic3A_11 = arith.shrsi %add3A_8, %shift_right_arithmetic3A_10 : vector<16xi32>
    %add3A_12 = arith.constant 32 : i32
    %add3A_13 = vector.broadcast %add3A_12 : i32 to vector<16xi32>
    %add3A_14 = arith.addi %add3A_13, %iota3A : vector<16xi32>
    %shift_right_arithmetic3A_15 = arith.constant 3 : i32
    %shift_right_arithmetic3A_16 = vector.broadcast %shift_right_arithmetic3A_15 : i32 to vector<16xi32>
    %shift_right_arithmetic3A_17 = arith.shrsi %add3A_14, %shift_right_arithmetic3A_16 : vector<16xi32>
    %add3A_18 = arith.constant 48 : i32
    %add3A_19 = vector.broadcast %add3A_18 : i32 to vector<16xi32>
    %add3A_20 = arith.addi %add3A_19, %iota3A : vector<16xi32>
    %shift_right_arithmetic3A_21 = arith.constant 3 : i32
    %shift_right_arithmetic3A_22 = vector.broadcast %shift_right_arithmetic3A_21 : i32 to vector<16xi32>
    %shift_right_arithmetic3A_23 = arith.shrsi %add3A_20, %shift_right_arithmetic3A_22 : vector<16xi32>
    %add3A_24 = arith.constant 0 : i32
    %add3A_25 = vector.broadcast %add3A_24 : i32 to vector<16xi32>
    %add3A_26 = arith.addi %add3A_25, %iota3A : vector<16xi32>
    %and3A = arith.constant 7 : i32
    %and3A_27 = vector.broadcast %and3A : i32 to vector<16xi32>
    %and3A_28 = arith.andi %add3A_26, %and3A_27 : vector<16xi32>
    %add3A_29 = arith.constant 16 : i32
    %add3A_30 = vector.broadcast %add3A_29 : i32 to vector<16xi32>
    %add3A_31 = arith.addi %add3A_30, %iota3A : vector<16xi32>
    %and3A_32 = arith.constant 7 : i32
    %and3A_33 = vector.broadcast %and3A_32 : i32 to vector<16xi32>
    %and3A_34 = arith.andi %add3A_31, %and3A_33 : vector<16xi32>
    %add3A_35 = arith.constant 32 : i32
    %add3A_36 = vector.broadcast %add3A_35 : i32 to vector<16xi32>
    %add3A_37 = arith.addi %add3A_36, %iota3A : vector<16xi32>
    %and3A_38 = arith.constant 7 : i32
    %and3A_39 = vector.broadcast %and3A_38 : i32 to vector<16xi32>
    %and3A_40 = arith.andi %add3A_37, %and3A_39 : vector<16xi32>
    %add3A_41 = arith.constant 48 : i32
    %add3A_42 = vector.broadcast %add3A_41 : i32 to vector<16xi32>
    %add3A_43 = arith.addi %add3A_42, %iota3A : vector<16xi32>
    %and3A_44 = arith.constant 7 : i32
    %and3A_45 = vector.broadcast %and3A_44 : i32 to vector<16xi32>
    %and3A_46 = arith.andi %add3A_43, %and3A_45 : vector<16xi32>
    %dma_start3A = arith.constant 0 : i32
    %dma_start3A_47 = arith.constant 0 : i32
    %dma_start3A_48 = arith.constant 0 : i32
    %dma_start3A_49 = arith.constant 0 : i32
    %dma_start3A_50 = arith.constant 0 : i32
    %dma_start3A_51 = tpu.memref_slice %arg7[%dma_start3A_48, %dma_start3A_49, %dma_start3A_50] : memref<4x128x64xf32, #tpu.memory_space<vmem>> -> memref<1x128x64xf32, #tpu.memory_space<vmem>>
    %dma_start3A_52 = tpu.memref_squeeze %dma_start3A_51 : memref<1x128x64xf32, #tpu.memory_space<vmem>> -> memref<128x64xf32, #tpu.memory_space<vmem>>
    %dma_start3A_53 = arith.constant 0 : i32
    %dma_start3A_54 = tpu.memref_slice %arg6[%dma_start3A, %dma_start3A_47, %dma_start3A_53] : memref<25x8x128xi32, #tpu.memory_space<vmem>> -> memref<1x1x128xi32, #tpu.memory_space<vmem>>
    %dma_start3A_55 = tpu.memref_squeeze %dma_start3A_54 : memref<1x1x128xi32, #tpu.memory_space<vmem>> -> memref<128xi32, #tpu.memory_space<vmem>>
    %dma_start3A_56 = arith.constant 0 : i32
    %dma_start3A_57 = arith.constant 0 : i32
    %dma_start3A_58 = tpu.memref_slice %arg3[%dma_start3A_56, %dma_start3A_57] : memref<100000x64xf32, #tpu.memory_space<hbm>> -> memref<100000x64xf32, #tpu.memory_space<hbm>>
    tpu.enqueue_indirect_dma source(%dma_start3A_58 : memref<100000x64xf32, #tpu.memory_space<hbm>>) target(%dma_start3A_52 : memref<128x64xf32, #tpu.memory_space<vmem>>) offsets(%dma_start3A_55 : memref<128xi32, #tpu.memory_space<vmem>>) semaphore(%arg10 : memref<!tpu.dma_semaphore, #tpu.memory_space<semaphore_mem>>)
    %dma_start3A_59 = arith.constant 0 : i32
    %dma_start3A_60 = arith.constant 1 : i32
    %dma_start3A_61 = arith.constant 1 : i32
    %dma_start3A_62 = arith.constant 0 : i32
    %dma_start3A_63 = arith.constant 0 : i32
    %dma_start3A_64 = tpu.memref_slice %arg7[%dma_start3A_61, %dma_start3A_62, %dma_start3A_63] : memref<4x128x64xf32, #tpu.memory_space<vmem>> -> memref<1x128x64xf32, #tpu.memory_space<vmem>>
    %dma_start3A_65 = tpu.memref_squeeze %dma_start3A_64 : memref<1x128x64xf32, #tpu.memory_space<vmem>> -> memref<128x64xf32, #tpu.memory_space<vmem>>
    %dma_start3A_66 = arith.constant 0 : i32
    %dma_start3A_67 = tpu.memref_slice %arg6[%dma_start3A_59, %dma_start3A_60, %dma_start3A_66] : memref<25x8x128xi32, #tpu.memory_space<vmem>> -> memref<1x1x128xi32, #tpu.memory_space<vmem>>
    %dma_start3A_68 = tpu.memref_squeeze %dma_start3A_67 : memref<1x1x128xi32, #tpu.memory_space<vmem>> -> memref<128xi32, #tpu.memory_space<vmem>>
    %dma_start3A_69 = arith.constant 0 : i32
    %dma_start3A_70 = arith.constant 0 : i32
    %dma_start3A_71 = tpu.memref_slice %arg3[%dma_start3A_69, %dma_start3A_70] : memref<100000x64xf32, #tpu.memory_space<hbm>> -> memref<100000x64xf32, #tpu.memory_space<hbm>>
    tpu.enqueue_indirect_dma source(%dma_start3A_71 : memref<100000x64xf32, #tpu.memory_space<hbm>>) target(%dma_start3A_65 : memref<128x64xf32, #tpu.memory_space<vmem>>) offsets(%dma_start3A_68 : memref<128xi32, #tpu.memory_space<vmem>>) semaphore(%arg11 : memref<!tpu.dma_semaphore, #tpu.memory_space<semaphore_mem>>)
    %dma_start3A_72 = arith.constant 0 : i32
    %dma_start3A_73 = arith.constant 2 : i32
    %dma_start3A_74 = arith.constant 2 : i32
    %dma_start3A_75 = arith.constant 0 : i32
    %dma_start3A_76 = arith.constant 0 : i32
    %dma_start3A_77 = tpu.memref_slice %arg7[%dma_start3A_74, %dma_start3A_75, %dma_start3A_76] : memref<4x128x64xf32, #tpu.memory_space<vmem>> -> memref<1x128x64xf32, #tpu.memory_space<vmem>>
    %dma_start3A_78 = tpu.memref_squeeze %dma_start3A_77 : memref<1x128x64xf32, #tpu.memory_space<vmem>> -> memref<128x64xf32, #tpu.memory_space<vmem>>
    %dma_start3A_79 = arith.constant 0 : i32
    %dma_start3A_80 = tpu.memref_slice %arg6[%dma_start3A_72, %dma_start3A_73, %dma_start3A_79] : memref<25x8x128xi32, #tpu.memory_space<vmem>> -> memref<1x1x128xi32, #tpu.memory_space<vmem>>
    %dma_start3A_81 = tpu.memref_squeeze %dma_start3A_80 : memref<1x1x128xi32, #tpu.memory_space<vmem>> -> memref<128xi32, #tpu.memory_space<vmem>>
    %dma_start3A_82 = arith.constant 0 : i32
    %dma_start3A_83 = arith.constant 0 : i32
    %dma_start3A_84 = tpu.memref_slice %arg3[%dma_start3A_82, %dma_start3A_83] : memref<100000x64xf32, #tpu.memory_space<hbm>> -> memref<100000x64xf32, #tpu.memory_space<hbm>>
    tpu.enqueue_indirect_dma source(%dma_start3A_84 : memref<100000x64xf32, #tpu.memory_space<hbm>>) target(%dma_start3A_78 : memref<128x64xf32, #tpu.memory_space<vmem>>) offsets(%dma_start3A_81 : memref<128xi32, #tpu.memory_space<vmem>>) semaphore(%arg12 : memref<!tpu.dma_semaphore, #tpu.memory_space<semaphore_mem>>)
    %dma_start3A_85 = arith.constant 0 : i32
    %dma_start3A_86 = arith.constant 3 : i32
    %dma_start3A_87 = arith.constant 3 : i32
    %dma_start3A_88 = arith.constant 0 : i32
    %dma_start3A_89 = arith.constant 0 : i32
    %dma_start3A_90 = tpu.memref_slice %arg7[%dma_start3A_87, %dma_start3A_88, %dma_start3A_89] : memref<4x128x64xf32, #tpu.memory_space<vmem>> -> memref<1x128x64xf32, #tpu.memory_space<vmem>>
    %dma_start3A_91 = tpu.memref_squeeze %dma_start3A_90 : memref<1x128x64xf32, #tpu.memory_space<vmem>> -> memref<128x64xf32, #tpu.memory_space<vmem>>
    %dma_start3A_92 = arith.constant 0 : i32
    %dma_start3A_93 = tpu.memref_slice %arg6[%dma_start3A_85, %dma_start3A_86, %dma_start3A_92] : memref<25x8x128xi32, #tpu.memory_space<vmem>> -> memref<1x1x128xi32, #tpu.memory_space<vmem>>
    %dma_start3A_94 = tpu.memref_squeeze %dma_start3A_93 : memref<1x1x128xi32, #tpu.memory_space<vmem>> -> memref<128xi32, #tpu.memory_space<vmem>>
    %dma_start3A_95 = arith.constant 0 : i32
    %dma_start3A_96 = arith.constant 0 : i32
    %dma_start3A_97 = tpu.memref_slice %arg3[%dma_start3A_95, %dma_start3A_96] : memref<100000x64xf32, #tpu.memory_space<hbm>> -> memref<100000x64xf32, #tpu.memory_space<hbm>>
    tpu.enqueue_indirect_dma source(%dma_start3A_97 : memref<100000x64xf32, #tpu.memory_space<hbm>>) target(%dma_start3A_91 : memref<128x64xf32, #tpu.memory_space<vmem>>) offsets(%dma_start3A_94 : memref<128xi32, #tpu.memory_space<vmem>>) semaphore(%arg13 : memref<!tpu.dma_semaphore, #tpu.memory_space<semaphore_mem>>)
    %dma_wait3A = arith.constant 0 : i32
    %dma_wait3A_98 = arith.constant 0 : i32
    %dma_wait3A_99 = arith.constant 0 : i32
    %dma_wait3A_100 = arith.constant 0 : i32
    %dma_wait3A_101 = arith.constant 0 : i32
    %dma_wait3A_102 = tpu.memref_slice %arg7[%dma_wait3A_99, %dma_wait3A_100, %dma_wait3A_101] : memref<4x128x64xf32, #tpu.memory_space<vmem>> -> memref<1x128x64xf32, #tpu.memory_space<vmem>>
    %dma_wait3A_103 = tpu.memref_squeeze %dma_wait3A_102 : memref<1x128x64xf32, #tpu.memory_space<vmem>> -> memref<128x64xf32, #tpu.memory_space<vmem>>
    %dma_wait3A_104 = arith.constant 0 : i32
    %dma_wait3A_105 = tpu.memref_slice %arg6[%dma_wait3A, %dma_wait3A_98, %dma_wait3A_104] : memref<25x8x128xi32, #tpu.memory_space<vmem>> -> memref<1x1x128xi32, #tpu.memory_space<vmem>>
    %dma_wait3A_106 = tpu.memref_squeeze %dma_wait3A_105 : memref<1x1x128xi32, #tpu.memory_space<vmem>> -> memref<128xi32, #tpu.memory_space<vmem>>
    %dma_wait3A_107 = arith.constant 0 : i32
    %dma_wait3A_108 = arith.constant 0 : i32
    %dma_wait3A_109 = tpu.memref_slice %arg3[%dma_wait3A_107, %dma_wait3A_108] : memref<100000x64xf32, #tpu.memory_space<hbm>> -> memref<100000x64xf32, #tpu.memory_space<hbm>>
    tpu.wait_indirect_dma semaphore(%arg10 : memref<!tpu.dma_semaphore, #tpu.memory_space<semaphore_mem>>) src(%dma_wait3A_109 : memref<100000x64xf32, #tpu.memory_space<hbm>>) dst(%dma_wait3A_103 : memref<128x64xf32, #tpu.memory_space<vmem>>)
    %get3A = arith.constant 0 : i32
    %get3A_110 = arith.index_cast %get3A : i32 to index
    %get3A_111 = arith.constant 0 : index
    %get3A_112 = tpu.vector_load %arg9[%get3A_110, %get3A_111] {strides = array<i32>} : memref<200x64xf32, #tpu.memory_space<vmem>>, vector<16xf32>,
    %get3A_113 = arith.constant 0 : i32
    %get3A_114 = arith.index_cast %get3A_113 : i32 to index
    %get3A_115 = arith.constant 16 : index
    %get3A_116 = tpu.vector_load %arg9[%get3A_114, %get3A_115] {strides = array<i32>} : memref<200x64xf32, #tpu.memory_space<vmem>>, vector<16xf32>,
    %get3A_117 = arith.constant 0 : i32
    %get3A_118 = arith.index_cast %get3A_117 : i32 to index
    %get3A_119 = arith.constant 32 : index
    %get3A_120 = tpu.vector_load %arg9[%get3A_118, %get3A_119] {strides = array<i32>} : memref<200x64xf32, #tpu.memory_space<vmem>>, vector<16xf32>,
    %get3A_121 = arith.constant 0 : i32
    %get3A_122 = arith.index_cast %get3A_121 : i32 to index
    %get3A_123 = arith.constant 48 : index
    %get3A_124 = tpu.vector_load %arg9[%get3A_122, %get3A_123] {strides = array<i32>} : memref<200x64xf32, #tpu.memory_space<vmem>>, vector<16xf32>,
    %parallel_loop3A = arith.constant 0 : i32
    %parallel_loop3A_125 = arith.constant 128 : i32
    %parallel_loop3A_126 = arith.constant 1 : i32
    %parallel_loop3A_127:4 = scf.for %parallel_loop3A_768 = %parallel_loop3A to %parallel_loop3A_125 step %parallel_loop3A_126 iter_args(%parallel_loop3A_769 = %get3A_112, %parallel_loop3A_770 = %get3A_116, %parallel_loop3A_771 = %get3A_120, %parallel_loop3A_772 = %get3A_124) -> (vector<16xf32>, vector<16xf32>, vector<16xf32>, vector<16xf32>)  : i32 {
      %parallel_loop3A_773 = vector.broadcast %parallel_loop3A_768 : i32 to vector<16xi32>
      %parallel_loop3A_774 = arith.constant 0 : i32
      %parallel_loop3A_775 = arith.index_cast %parallel_loop3A_774 : i32 to index
      %parallel_loop3A_776 = arith.index_cast %parallel_loop3A_768 : i32 to index
      %parallel_loop3A_777 = arith.constant 0 : index
      %parallel_loop3A_778 = tpu.vector_load %arg7[%parallel_loop3A_775, %parallel_loop3A_776, %parallel_loop3A_777] {strides = array<i32>} : memref<4x128x64xf32, #tpu.memory_space<vmem>>, vector<16xf32>,
      %parallel_loop3A_779 = arith.addf %parallel_loop3A_778, %parallel_loop3A_769 : vector<16xf32>
      %parallel_loop3A_780 = arith.constant 0 : i32
      %parallel_loop3A_781 = arith.constant 0 : i32
      %parallel_loop3A_782 = arith.constant 0 : i32
      %parallel_loop3A_783 = arith.constant 0 : i32
      %parallel_loop3A_784 = tpu.memref_slice %arg8[%parallel_loop3A_780, %parallel_loop3A_781, %parallel_loop3A_782, %parallel_loop3A_783] : memref<4x8x8x129xf32, #tpu.memory_space<vmem>> -> memref<1x8x8x129xf32, #tpu.memory_space<vmem>>
      %parallel_loop3A_785 = tpu.memref_squeeze %parallel_loop3A_784 : memref<1x8x8x129xf32, #tpu.memory_space<vmem>> -> memref<8x8x129xf32, #tpu.memory_space<vmem>>
      tpu.vector_store_idx %parallel_loop3A_785[%shift_right_arithmetic3A_5, %and3A_28, %parallel_loop3A_773], %parallel_loop3A_779 : memref<8x8x129xf32, #tpu.memory_space<vmem>>[vector<16xi32>, vector<16xi32>, vector<16xi32>], vector<16xf32>,
      %parallel_loop3A_786 = arith.constant 0 : i32
      %parallel_loop3A_787 = arith.index_cast %parallel_loop3A_786 : i32 to index
      %parallel_loop3A_788 = arith.index_cast %parallel_loop3A_768 : i32 to index
      %parallel_loop3A_789 = arith.constant 16 : index
      %parallel_loop3A_790 = tpu.vector_load %arg7[%parallel_loop3A_787, %parallel_loop3A_788, %parallel_loop3A_789] {strides = array<i32>} : memref<4x128x64xf32, #tpu.memory_space<vmem>>, vector<16xf32>,
      %parallel_loop3A_791 = arith.addf %parallel_loop3A_790, %parallel_loop3A_770 : vector<16xf32>
      %parallel_loop3A_792 = arith.constant 0 : i32
      %parallel_loop3A_793 = arith.constant 0 : i32
      %parallel_loop3A_794 = arith.constant 0 : i32
      %parallel_loop3A_795 = arith.constant 0 : i32
      %parallel_loop3A_796 = tpu.memref_slice %arg8[%parallel_loop3A_792, %parallel_loop3A_793, %parallel_loop3A_794, %parallel_loop3A_795] : memref<4x8x8x129xf32, #tpu.memory_space<vmem>> -> memref<1x8x8x129xf32, #tpu.memory_space<vmem>>
      %parallel_loop3A_797 = tpu.memref_squeeze %parallel_loop3A_796 : memref<1x8x8x129xf32, #tpu.memory_space<vmem>> -> memref<8x8x129xf32, #tpu.memory_space<vmem>>
      tpu.vector_store_idx %parallel_loop3A_797[%shift_right_arithmetic3A_11, %and3A_34, %parallel_loop3A_773], %parallel_loop3A_791 : memref<8x8x129xf32, #tpu.memory_space<vmem>>[vector<16xi32>, vector<16xi32>, vector<16xi32>], vector<16xf32>,
      %parallel_loop3A_798 = arith.constant 0 : i32
      %parallel_loop3A_799 = arith.index_cast %parallel_loop3A_798 : i32 to index
      %parallel_loop3A_800 = arith.index_cast %parallel_loop3A_768 : i32 to index
      %parallel_loop3A_801 = arith.constant 32 : index
      %parallel_loop3A_802 = tpu.vector_load %arg7[%parallel_loop3A_799, %parallel_loop3A_800, %parallel_loop3A_801] {strides = array<i32>} : memref<4x128x64xf32, #tpu.memory_space<vmem>>, vector<16xf32>,
      %parallel_loop3A_803 = arith.addf %parallel_loop3A_802, %parallel_loop3A_771 : vector<16xf32>
      %parallel_loop3A_804 = arith.constant 0 : i32
      %parallel_loop3A_805 = arith.constant 0 : i32
      %parallel_loop3A_806 = arith.constant 0 : i32
      %parallel_loop3A_807 = arith.constant 0 : i32
      %parallel_loop3A_808 = tpu.memref_slice %arg8[%parallel_loop3A_804, %parallel_loop3A_805, %parallel_loop3A_806, %parallel_loop3A_807] : memref<4x8x8x129xf32, #tpu.memory_space<vmem>> -> memref<1x8x8x129xf32, #tpu.memory_space<vmem>>
      %parallel_loop3A_809 = tpu.memref_squeeze %parallel_loop3A_808 : memref<1x8x8x129xf32, #tpu.memory_space<vmem>> -> memref<8x8x129xf32, #tpu.memory_space<vmem>>
      tpu.vector_store_idx %parallel_loop3A_809[%shift_right_arithmetic3A_17, %and3A_40, %parallel_loop3A_773], %parallel_loop3A_803 : memref<8x8x129xf32, #tpu.memory_space<vmem>>[vector<16xi32>, vector<16xi32>, vector<16xi32>], vector<16xf32>,
      %parallel_loop3A_810 = arith.constant 0 : i32
      %parallel_loop3A_811 = arith.index_cast %parallel_loop3A_810 : i32 to index
      %parallel_loop3A_812 = arith.index_cast %parallel_loop3A_768 : i32 to index
      %parallel_loop3A_813 = arith.constant 48 : index
      %parallel_loop3A_814 = tpu.vector_load %arg7[%parallel_loop3A_811, %parallel_loop3A_812, %parallel_loop3A_813] {strides = array<i32>} : memref<4x128x64xf32, #tpu.memory_space<vmem>>, vector<16xf32>,
      %parallel_loop3A_815 = arith.addf %parallel_loop3A_814, %parallel_loop3A_772 : vector<16xf32>
      %parallel_loop3A_816 = arith.constant 0 : i32
      %parallel_loop3A_817 = arith.constant 0 : i32
      %parallel_loop3A_818 = arith.constant 0 : i32
      %parallel_loop3A_819 = arith.constant 0 : i32
      %parallel_loop3A_820 = tpu.memref_slice %arg8[%parallel_loop3A_816, %parallel_loop3A_817, %parallel_loop3A_818, %parallel_loop3A_819] : memref<4x8x8x129xf32, #tpu.memory_space<vmem>> -> memref<1x8x8x129xf32, #tpu.memory_space<vmem>>
      %parallel_loop3A_821 = tpu.memref_squeeze %parallel_loop3A_820 : memref<1x8x8x129xf32, #tpu.memory_space<vmem>> -> memref<8x8x129xf32, #tpu.memory_space<vmem>>
      tpu.vector_store_idx %parallel_loop3A_821[%shift_right_arithmetic3A_23, %and3A_46, %parallel_loop3A_773], %parallel_loop3A_815 : memref<8x8x129xf32, #tpu.memory_space<vmem>>[vector<16xi32>, vector<16xi32>, vector<16xi32>], vector<16xf32>,
      scf.yield %parallel_loop3A_769, %parallel_loop3A_770, %parallel_loop3A_771, %parallel_loop3A_772 : vector<16xf32>, vector<16xf32>, vector<16xf32>, vector<16xf32>
    } {sc.loop_unroll_factor = 2 : i64, sc.parallel_access}
    %dma_start3A_128 = arith.constant 0 : i32
    %dma_start3A_129 = arith.constant 0 : i32
    %dma_start3A_130 = arith.constant 0 : i32
    %dma_start3A_131 = arith.constant 0 : i32
    %dma_start3A_132 = arith.constant 0 : i32
    %dma_start3A_133 = tpu.memref_slice %arg8[%dma_start3A_128, %dma_start3A_130, %dma_start3A_131, %dma_start3A_132] : memref<4x8x8x129xf32, #tpu.memory_space<vmem>> -> memref<1x8x8x128xf32, #tpu.memory_space<vmem>>
    %dma_start3A_134 = tpu.memref_squeeze %dma_start3A_133 : memref<1x8x8x128xf32, #tpu.memory_space<vmem>> -> memref<8x8x128xf32, #tpu.memory_space<vmem>>
    %dma_start3A_135 = arith.constant 0 : i32
    %dma_start3A_136 = arith.constant 0 : i32
    %dma_start3A_137 = arith.constant 0 : i32
    %dma_start3A_138 = tpu.memref_slice %arg5[%dma_start3A_129, %dma_start3A_135, %add3A, %dma_start3A_136, %dma_start3A_137] : memref<200x8x32x8x128xf32, #tpu.memory_space<hbm>> -> memref<1x8x1x8x128xf32, #tpu.memory_space<hbm>>
    %dma_start3A_139 = tpu.memref_squeeze %dma_start3A_138 : memref<1x8x1x8x128xf32, #tpu.memory_space<hbm>> -> memref<8x8x128xf32, #tpu.memory_space<hbm>>
    %dma_start3A_140 = arith.constant 0 : i32
    %dma_start3A_141 = arith.constant 0 : i32
    %dma_start3A_142 = arith.constant 0 : i32
    %dma_start3A_143 = tpu.memref_slice %arg5[%dma_start3A_129, %dma_start3A_140, %add3A, %dma_start3A_141, %dma_start3A_142] : memref<200x8x32x8x128xf32, #tpu.memory_space<hbm>> -> memref<1x8x1x8x128xf32, #tpu.memory_space<hbm>>
    %dma_start3A_144 = tpu.memref_squeeze %dma_start3A_143 : memref<1x8x1x8x128xf32, #tpu.memory_space<hbm>> -> memref<8x8x128xf32, #tpu.memory_space<hbm>>
    %dma_start3A_145 = arith.constant 0 : i32
    %dma_start3A_146 = arith.constant 0 : i32
    %dma_start3A_147 = arith.constant 0 : i32
    %dma_start3A_148 = tpu.memref_slice %arg8[%dma_start3A_128, %dma_start3A_145, %dma_start3A_146, %dma_start3A_147] : memref<4x8x8x129xf32, #tpu.memory_space<vmem>> -> memref<1x8x8x128xf32, #tpu.memory_space<vmem>>
    %dma_start3A_149 = tpu.memref_squeeze %dma_start3A_148 : memref<1x8x8x128xf32, #tpu.memory_space<vmem>> -> memref<8x8x128xf32, #tpu.memory_space<vmem>>
    tpu.enqueue_dma source(%dma_start3A_149 : memref<8x8x128xf32, #tpu.memory_space<vmem>>) target(%dma_start3A_144 : memref<8x8x128xf32, #tpu.memory_space<hbm>>) target_semaphore(%arg14 : memref<!tpu.dma_semaphore, #tpu.memory_space<semaphore_mem>>)
    %dma_start3A_150 = arith.constant 0 : i32
    %dma_start3A_151 = arith.constant 4 : i32
    %dma_start3A_152 = arith.constant 0 : i32
    %dma_start3A_153 = arith.constant 0 : i32
    %dma_start3A_154 = arith.constant 0 : i32
    %dma_start3A_155 = tpu.memref_slice %arg7[%dma_start3A_152, %dma_start3A_153, %dma_start3A_154] : memref<4x128x64xf32, #tpu.memory_space<vmem>> -> memref<1x128x64xf32, #tpu.memory_space<vmem>>
    %dma_start3A_156 = tpu.memref_squeeze %dma_start3A_155 : memref<1x128x64xf32, #tpu.memory_space<vmem>> -> memref<128x64xf32, #tpu.memory_space<vmem>>
    %dma_start3A_157 = arith.constant 0 : i32
    %dma_start3A_158 = tpu.memref_slice %arg6[%dma_start3A_150, %dma_start3A_151, %dma_start3A_157] : memref<25x8x128xi32, #tpu.memory_space<vmem>> -> memref<1x1x128xi32, #tpu.memory_space<vmem>>
    %dma_start3A_159 = tpu.memref_squeeze %dma_start3A_158 : memref<1x1x128xi32, #tpu.memory_space<vmem>> -> memref<128xi32, #tpu.memory_space<vmem>>
    %dma_start3A_160 = arith.constant 0 : i32
    %dma_start3A_161 = arith.constant 0 : i32
    %dma_start3A_162 = tpu.memref_slice %arg3[%dma_start3A_160, %dma_start3A_161] : memref<100000x64xf32, #tpu.memory_space<hbm>> -> memref<100000x64xf32, #tpu.memory_space<hbm>>
    tpu.enqueue_indirect_dma source(%dma_start3A_162 : memref<100000x64xf32, #tpu.memory_space<hbm>>) target(%dma_start3A_156 : memref<128x64xf32, #tpu.memory_space<vmem>>) offsets(%dma_start3A_159 : memref<128xi32, #tpu.memory_space<vmem>>) semaphore(%arg10 : memref<!tpu.dma_semaphore, #tpu.memory_space<semaphore_mem>>)
    %dma_wait3A_163 = arith.constant 0 : i32
    %dma_wait3A_164 = arith.constant 1 : i32
    %dma_wait3A_165 = arith.constant 1 : i32
    %dma_wait3A_166 = arith.constant 0 : i32
    %dma_wait3A_167 = arith.constant 0 : i32
    %dma_wait3A_168 = tpu.memref_slice %arg7[%dma_wait3A_165, %dma_wait3A_166, %dma_wait3A_167] : memref<4x128x64xf32, #tpu.memory_space<vmem>> -> memref<1x128x64xf32, #tpu.memory_space<vmem>>
    %dma_wait3A_169 = tpu.memref_squeeze %dma_wait3A_168 : memref<1x128x64xf32, #tpu.memory_space<vmem>> -> memref<128x64xf32, #tpu.memory_space<vmem>>
    %dma_wait3A_170 = arith.constant 0 : i32
    %dma_wait3A_171 = tpu.memref_slice %arg6[%dma_wait3A_163, %dma_wait3A_164, %dma_wait3A_170] : memref<25x8x128xi32, #tpu.memory_space<vmem>> -> memref<1x1x128xi32, #tpu.memory_space<vmem>>
    %dma_wait3A_172 = tpu.memref_squeeze %dma_wait3A_171 : memref<1x1x128xi32, #tpu.memory_space<vmem>> -> memref<128xi32, #tpu.memory_space<vmem>>
    %dma_wait3A_173 = arith.constant 0 : i32
    %dma_wait3A_174 = arith.constant 0 : i32
    %dma_wait3A_175 = tpu.memref_slice %arg3[%dma_wait3A_173, %dma_wait3A_174] : memref<100000x64xf32, #tpu.memory_space<hbm>> -> memref<100000x64xf32, #tpu.memory_space<hbm>>
    tpu.wait_indirect_dma semaphore(%arg11 : memref<!tpu.dma_semaphore, #tpu.memory_space<semaphore_mem>>) src(%dma_wait3A_175 : memref<100000x64xf32, #tpu.memory_space<hbm>>) dst(%dma_wait3A_169 : memref<128x64xf32, #tpu.memory_space<vmem>>)
    %get3A_176 = arith.constant 1 : i32
    %get3A_177 = arith.index_cast %get3A_176 : i32 to index
    %get3A_178 = arith.constant 0 : index
    %get3A_179 = tpu.vector_load %arg9[%get3A_177, %get3A_178] {strides = array<i32>} : memref<200x64xf32, #tpu.memory_space<vmem>>, vector<16xf32>,
    %get3A_180 = arith.constant 1 : i32
    %get3A_181 = arith.index_cast %get3A_180 : i32 to index
    %get3A_182 = arith.constant 16 : index
    %get3A_183 = tpu.vector_load %arg9[%get3A_181, %get3A_182] {strides = array<i32>} : memref<200x64xf32, #tpu.memory_space<vmem>>, vector<16xf32>,
    %get3A_184 = arith.constant 1 : i32
    %get3A_185 = arith.index_cast %get3A_184 : i32 to index
    %get3A_186 = arith.constant 32 : index
    %get3A_187 = tpu.vector_load %arg9[%get3A_185, %get3A_186] {strides = array<i32>} : memref<200x64xf32, #tpu.memory_space<vmem>>, vector<16xf32>,
    %get3A_188 = arith.constant 1 : i32
    %get3A_189 = arith.index_cast %get3A_188 : i32 to index
    %get3A_190 = arith.constant 48 : index
    %get3A_191 = tpu.vector_load %arg9[%get3A_189, %get3A_190] {strides = array<i32>} : memref<200x64xf32, #tpu.memory_space<vmem>>, vector<16xf32>,
    %parallel_loop3A_192 = arith.constant 0 : i32
    %parallel_loop3A_193 = arith.constant 128 : i32
    %parallel_loop3A_194 = arith.constant 1 : i32
    %parallel_loop3A_195:4 = scf.for %parallel_loop3A_768 = %parallel_loop3A_192 to %parallel_loop3A_193 step %parallel_loop3A_194 iter_args(%parallel_loop3A_769 = %get3A_179, %parallel_loop3A_770 = %get3A_183, %parallel_loop3A_771 = %get3A_187, %parallel_loop3A_772 = %get3A_191) -> (vector<16xf32>, vector<16xf32>, vector<16xf32>, vector<16xf32>)  : i32 {
      %parallel_loop3A_773 = vector.broadcast %parallel_loop3A_768 : i32 to vector<16xi32>
      %parallel_loop3A_774 = arith.constant 1 : i32
      %parallel_loop3A_775 = arith.index_cast %parallel_loop3A_774 : i32 to index
      %parallel_loop3A_776 = arith.index_cast %parallel_loop3A_768 : i32 to index
      %parallel_loop3A_777 = arith.constant 0 : index
      %parallel_loop3A_778 = tpu.vector_load %arg7[%parallel_loop3A_775, %parallel_loop3A_776, %parallel_loop3A_777] {strides = array<i32>} : memref<4x128x64xf32, #tpu.memory_space<vmem>>, vector<16xf32>,
      %parallel_loop3A_779 = arith.addf %parallel_loop3A_778, %parallel_loop3A_769 : vector<16xf32>
      %parallel_loop3A_780 = arith.constant 1 : i32
      %parallel_loop3A_781 = arith.constant 0 : i32
      %parallel_loop3A_782 = arith.constant 0 : i32
      %parallel_loop3A_783 = arith.constant 0 : i32
      %parallel_loop3A_784 = tpu.memref_slice %arg8[%parallel_loop3A_780, %parallel_loop3A_781, %parallel_loop3A_782, %parallel_loop3A_783] : memref<4x8x8x129xf32, #tpu.memory_space<vmem>> -> memref<1x8x8x129xf32, #tpu.memory_space<vmem>>
      %parallel_loop3A_785 = tpu.memref_squeeze %parallel_loop3A_784 : memref<1x8x8x129xf32, #tpu.memory_space<vmem>> -> memref<8x8x129xf32, #tpu.memory_space<vmem>>
      tpu.vector_store_idx %parallel_loop3A_785[%shift_right_arithmetic3A_5, %and3A_28, %parallel_loop3A_773], %parallel_loop3A_779 : memref<8x8x129xf32, #tpu.memory_space<vmem>>[vector<16xi32>, vector<16xi32>, vector<16xi32>], vector<16xf32>,
      %parallel_loop3A_786 = arith.constant 1 : i32
      %parallel_loop3A_787 = arith.index_cast %parallel_loop3A_786 : i32 to index
      %parallel_loop3A_788 = arith.index_cast %parallel_loop3A_768 : i32 to index
      %parallel_loop3A_789 = arith.constant 16 : index
      %parallel_loop3A_790 = tpu.vector_load %arg7[%parallel_loop3A_787, %parallel_loop3A_788, %parallel_loop3A_789] {strides = array<i32>} : memref<4x128x64xf32, #tpu.memory_space<vmem>>, vector<16xf32>,
      %parallel_loop3A_791 = arith.addf %parallel_loop3A_790, %parallel_loop3A_770 : vector<16xf32>
      %parallel_loop3A_792 = arith.constant 1 : i32
      %parallel_loop3A_793 = arith.constant 0 : i32
      %parallel_loop3A_794 = arith.constant 0 : i32
      %parallel_loop3A_795 = arith.constant 0 : i32
      %parallel_loop3A_796 = tpu.memref_slice %arg8[%parallel_loop3A_792, %parallel_loop3A_793, %parallel_loop3A_794, %parallel_loop3A_795] : memref<4x8x8x129xf32, #tpu.memory_space<vmem>> -> memref<1x8x8x129xf32, #tpu.memory_space<vmem>>
      %parallel_loop3A_797 = tpu.memref_squeeze %parallel_loop3A_796 : memref<1x8x8x129xf32, #tpu.memory_space<vmem>> -> memref<8x8x129xf32, #tpu.memory_space<vmem>>
      tpu.vector_store_idx %parallel_loop3A_797[%shift_right_arithmetic3A_11, %and3A_34, %parallel_loop3A_773], %parallel_loop3A_791 : memref<8x8x129xf32, #tpu.memory_space<vmem>>[vector<16xi32>, vector<16xi32>, vector<16xi32>], vector<16xf32>,
      %parallel_loop3A_798 = arith.constant 1 : i32
      %parallel_loop3A_799 = arith.index_cast %parallel_loop3A_798 : i32 to index
      %parallel_loop3A_800 = arith.index_cast %parallel_loop3A_768 : i32 to index
      %parallel_loop3A_801 = arith.constant 32 : index
      %parallel_loop3A_802 = tpu.vector_load %arg7[%parallel_loop3A_799, %parallel_loop3A_800, %parallel_loop3A_801] {strides = array<i32>} : memref<4x128x64xf32, #tpu.memory_space<vmem>>, vector<16xf32>,
      %parallel_loop3A_803 = arith.addf %parallel_loop3A_802, %parallel_loop3A_771 : vector<16xf32>
      %parallel_loop3A_804 = arith.constant 1 : i32
      %parallel_loop3A_805 = arith.constant 0 : i32
      %parallel_loop3A_806 = arith.constant 0 : i32
      %parallel_loop3A_807 = arith.constant 0 : i32
      %parallel_loop3A_808 = tpu.memref_slice %arg8[%parallel_loop3A_804, %parallel_loop3A_805, %parallel_loop3A_806, %parallel_loop3A_807] : memref<4x8x8x129xf32, #tpu.memory_space<vmem>> -> memref<1x8x8x129xf32, #tpu.memory_space<vmem>>
      %parallel_loop3A_809 = tpu.memref_squeeze %parallel_loop3A_808 : memref<1x8x8x129xf32, #tpu.memory_space<vmem>> -> memref<8x8x129xf32, #tpu.memory_space<vmem>>
      tpu.vector_store_idx %parallel_loop3A_809[%shift_right_arithmetic3A_17, %and3A_40, %parallel_loop3A_773], %parallel_loop3A_803 : memref<8x8x129xf32, #tpu.memory_space<vmem>>[vector<16xi32>, vector<16xi32>, vector<16xi32>], vector<16xf32>,
      %parallel_loop3A_810 = arith.constant 1 : i32
      %parallel_loop3A_811 = arith.index_cast %parallel_loop3A_810 : i32 to index
      %parallel_loop3A_812 = arith.index_cast %parallel_loop3A_768 : i32 to index
      %parallel_loop3A_813 = arith.constant 48 : index
      %parallel_loop3A_814 = tpu.vector_load %arg7[%parallel_loop3A_811, %parallel_loop3A_812, %parallel_loop3A_813] {strides = array<i32>} : memref<4x128x64xf32, #tpu.memory_space<vmem>>, vector<16xf32>,
      %parallel_loop3A_815 = arith.addf %parallel_loop3A_814, %parallel_loop3A_772 : vector<16xf32>
      %parallel_loop3A_816 = arith.constant 1 : i32
      %parallel_loop3A_817 = arith.constant 0 : i32
      %parallel_loop3A_818 = arith.constant 0 : i32
      %parallel_loop3A_819 = arith.constant 0 : i32
      %parallel_loop3A_820 = tpu.memref_slice %arg8[%parallel_loop3A_816, %parallel_loop3A_817, %parallel_loop3A_818, %parallel_loop3A_819] : memref<4x8x8x129xf32, #tpu.memory_space<vmem>> -> memref<1x8x8x129xf32, #tpu.memory_space<vmem>>
      %parallel_loop3A_821 = tpu.memref_squeeze %parallel_loop3A_820 : memref<1x8x8x129xf32, #tpu.memory_space<vmem>> -> memref<8x8x129xf32, #tpu.memory_space<vmem>>
      tpu.vector_store_idx %parallel_loop3A_821[%shift_right_arithmetic3A_23, %and3A_46, %parallel_loop3A_773], %parallel_loop3A_815 : memref<8x8x129xf32, #tpu.memory_space<vmem>>[vector<16xi32>, vector<16xi32>, vector<16xi32>], vector<16xf32>,
      scf.yield %parallel_loop3A_769, %parallel_loop3A_770, %parallel_loop3A_771, %parallel_loop3A_772 : vector<16xf32>, vector<16xf32>, vector<16xf32>, vector<16xf32>
    } {sc.loop_unroll_factor = 2 : i64, sc.parallel_access}
    %dma_start3A_196 = arith.constant 1 : i32
    %dma_start3A_197 = arith.constant 1 : i32
    %dma_start3A_198 = arith.constant 0 : i32
    %dma_start3A_199 = arith.constant 0 : i32
    %dma_start3A_200 = arith.constant 0 : i32
    %dma_start3A_201 = tpu.memref_slice %arg8[%dma_start3A_196, %dma_start3A_198, %dma_start3A_199, %dma_start3A_200] : memref<4x8x8x129xf32, #tpu.memory_space<vmem>> -> memref<1x8x8x128xf32, #tpu.memory_space<vmem>>
    %dma_start3A_202 = tpu.memref_squeeze %dma_start3A_201 : memref<1x8x8x128xf32, #tpu.memory_space<vmem>> -> memref<8x8x128xf32, #tpu.memory_space<vmem>>
    %dma_start3A_203 = arith.constant 0 : i32
    %dma_start3A_204 = arith.constant 0 : i32
    %dma_start3A_205 = arith.constant 0 : i32
    %dma_start3A_206 = tpu.memref_slice %arg5[%dma_start3A_197, %dma_start3A_203, %add3A, %dma_start3A_204, %dma_start3A_205] : memref<200x8x32x8x128xf32, #tpu.memory_space<hbm>> -> memref<1x8x1x8x128xf32, #tpu.memory_space<hbm>>
    %dma_start3A_207 = tpu.memref_squeeze %dma_start3A_206 : memref<1x8x1x8x128xf32, #tpu.memory_space<hbm>> -> memref<8x8x128xf32, #tpu.memory_space<hbm>>
    %dma_start3A_208 = arith.constant 0 : i32
    %dma_start3A_209 = arith.constant 0 : i32
    %dma_start3A_210 = arith.constant 0 : i32
    %dma_start3A_211 = tpu.memref_slice %arg5[%dma_start3A_197, %dma_start3A_208, %add3A, %dma_start3A_209, %dma_start3A_210] : memref<200x8x32x8x128xf32, #tpu.memory_space<hbm>> -> memref<1x8x1x8x128xf32, #tpu.memory_space<hbm>>
    %dma_start3A_212 = tpu.memref_squeeze %dma_start3A_211 : memref<1x8x1x8x128xf32, #tpu.memory_space<hbm>> -> memref<8x8x128xf32, #tpu.memory_space<hbm>>
    %dma_start3A_213 = arith.constant 0 : i32
    %dma_start3A_214 = arith.constant 0 : i32
    %dma_start3A_215 = arith.constant 0 : i32
    %dma_start3A_216 = tpu.memref_slice %arg8[%dma_start3A_196, %dma_start3A_213, %dma_start3A_214, %dma_start3A_215] : memref<4x8x8x129xf32, #tpu.memory_space<vmem>> -> memref<1x8x8x128xf32, #tpu.memory_space<vmem>>
    %dma_start3A_217 = tpu.memref_squeeze %dma_start3A_216 : memref<1x8x8x128xf32, #tpu.memory_space<vmem>> -> memref<8x8x128xf32, #tpu.memory_space<vmem>>
    tpu.enqueue_dma source(%dma_start3A_217 : memref<8x8x128xf32, #tpu.memory_space<vmem>>) target(%dma_start3A_212 : memref<8x8x128xf32, #tpu.memory_space<hbm>>) target_semaphore(%arg15 : memref<!tpu.dma_semaphore, #tpu.memory_space<semaphore_mem>>)
    %dma_start3A_218 = arith.constant 0 : i32
    %dma_start3A_219 = arith.constant 5 : i32
    %dma_start3A_220 = arith.constant 1 : i32
    %dma_start3A_221 = arith.constant 0 : i32
    %dma_start3A_222 = arith.constant 0 : i32
    %dma_start3A_223 = tpu.memref_slice %arg7[%dma_start3A_220, %dma_start3A_221, %dma_start3A_222] : memref<4x128x64xf32, #tpu.memory_space<vmem>> -> memref<1x128x64xf32, #tpu.memory_space<vmem>>
    %dma_start3A_224 = tpu.memref_squeeze %dma_start3A_223 : memref<1x128x64xf32, #tpu.memory_space<vmem>> -> memref<128x64xf32, #tpu.memory_space<vmem>>
    %dma_start3A_225 = arith.constant 0 : i32
    %dma_start3A_226 = tpu.memref_slice %arg6[%dma_start3A_218, %dma_start3A_219, %dma_start3A_225] : memref<25x8x128xi32, #tpu.memory_space<vmem>> -> memref<1x1x128xi32, #tpu.memory_space<vmem>>
    %dma_start3A_227 = tpu.memref_squeeze %dma_start3A_226 : memref<1x1x128xi32, #tpu.memory_space<vmem>> -> memref<128xi32, #tpu.memory_space<vmem>>
    %dma_start3A_228 = arith.constant 0 : i32
    %dma_start3A_229 = arith.constant 0 : i32
    %dma_start3A_230 = tpu.memref_slice %arg3[%dma_start3A_228, %dma_start3A_229] : memref<100000x64xf32, #tpu.memory_space<hbm>> -> memref<100000x64xf32, #tpu.memory_space<hbm>>
    tpu.enqueue_indirect_dma source(%dma_start3A_230 : memref<100000x64xf32, #tpu.memory_space<hbm>>) target(%dma_start3A_224 : memref<128x64xf32, #tpu.memory_space<vmem>>) offsets(%dma_start3A_227 : memref<128xi32, #tpu.memory_space<vmem>>) semaphore(%arg11 : memref<!tpu.dma_semaphore, #tpu.memory_space<semaphore_mem>>)
    %dma_wait3A_231 = arith.constant 0 : i32
    %dma_wait3A_232 = arith.constant 2 : i32
    %dma_wait3A_233 = arith.constant 2 : i32
    %dma_wait3A_234 = arith.constant 0 : i32
    %dma_wait3A_235 = arith.constant 0 : i32
    %dma_wait3A_236 = tpu.memref_slice %arg7[%dma_wait3A_233, %dma_wait3A_234, %dma_wait3A_235] : memref<4x128x64xf32, #tpu.memory_space<vmem>> -> memref<1x128x64xf32, #tpu.memory_space<vmem>>
    %dma_wait3A_237 = tpu.memref_squeeze %dma_wait3A_236 : memref<1x128x64xf32, #tpu.memory_space<vmem>> -> memref<128x64xf32, #tpu.memory_space<vmem>>
    %dma_wait3A_238 = arith.constant 0 : i32
    %dma_wait3A_239 = tpu.memref_slice %arg6[%dma_wait3A_231, %dma_wait3A_232, %dma_wait3A_238] : memref<25x8x128xi32, #tpu.memory_space<vmem>> -> memref<1x1x128xi32, #tpu.memory_space<vmem>>
    %dma_wait3A_240 = tpu.memref_squeeze %dma_wait3A_239 : memref<1x1x128xi32, #tpu.memory_space<vmem>> -> memref<128xi32, #tpu.memory_space<vmem>>
    %dma_wait3A_241 = arith.constant 0 : i32
    %dma_wait3A_242 = arith.constant 0 : i32
    %dma_wait3A_243 = tpu.memref_slice %arg3[%dma_wait3A_241, %dma_wait3A_242] : memref<100000x64xf32, #tpu.memory_space<hbm>> -> memref<100000x64xf32, #tpu.memory_space<hbm>>
    tpu.wait_indirect_dma semaphore(%arg12 : memref<!tpu.dma_semaphore, #tpu.memory_space<semaphore_mem>>) src(%dma_wait3A_243 : memref<100000x64xf32, #tpu.memory_space<hbm>>) dst(%dma_wait3A_237 : memref<128x64xf32, #tpu.memory_space<vmem>>)
    %get3A_244 = arith.constant 2 : i32
    %get3A_245 = arith.index_cast %get3A_244 : i32 to index
    %get3A_246 = arith.constant 0 : index
    %get3A_247 = tpu.vector_load %arg9[%get3A_245, %get3A_246] {strides = array<i32>} : memref<200x64xf32, #tpu.memory_space<vmem>>, vector<16xf32>,
    %get3A_248 = arith.constant 2 : i32
    %get3A_249 = arith.index_cast %get3A_248 : i32 to index
    %get3A_250 = arith.constant 16 : index
    %get3A_251 = tpu.vector_load %arg9[%get3A_249, %get3A_250] {strides = array<i32>} : memref<200x64xf32, #tpu.memory_space<vmem>>, vector<16xf32>,
    %get3A_252 = arith.constant 2 : i32
    %get3A_253 = arith.index_cast %get3A_252 : i32 to index
    %get3A_254 = arith.constant 32 : index
    %get3A_255 = tpu.vector_load %arg9[%get3A_253, %get3A_254] {strides = array<i32>} : memref<200x64xf32, #tpu.memory_space<vmem>>, vector<16xf32>,
    %get3A_256 = arith.constant 2 : i32
    %get3A_257 = arith.index_cast %get3A_256 : i32 to index
    %get3A_258 = arith.constant 48 : index
    %get3A_259 = tpu.vector_load %arg9[%get3A_257, %get3A_258] {strides = array<i32>} : memref<200x64xf32, #tpu.memory_space<vmem>>, vector<16xf32>,
    %parallel_loop3A_260 = arith.constant 0 : i32
    %parallel_loop3A_261 = arith.constant 128 : i32
    %parallel_loop3A_262 = arith.constant 1 : i32
    %parallel_loop3A_263:4 = scf.for %parallel_loop3A_768 = %parallel_loop3A_260 to %parallel_loop3A_261 step %parallel_loop3A_262 iter_args(%parallel_loop3A_769 = %get3A_247, %parallel_loop3A_770 = %get3A_251, %parallel_loop3A_771 = %get3A_255, %parallel_loop3A_772 = %get3A_259) -> (vector<16xf32>, vector<16xf32>, vector<16xf32>, vector<16xf32>)  : i32 {
      %parallel_loop3A_773 = vector.broadcast %parallel_loop3A_768 : i32 to vector<16xi32>
      %parallel_loop3A_774 = arith.constant 2 : i32
      %parallel_loop3A_775 = arith.index_cast %parallel_loop3A_774 : i32 to index
      %parallel_loop3A_776 = arith.index_cast %parallel_loop3A_768 : i32 to index
      %parallel_loop3A_777 = arith.constant 0 : index
      %parallel_loop3A_778 = tpu.vector_load %arg7[%parallel_loop3A_775, %parallel_loop3A_776, %parallel_loop3A_777] {strides = array<i32>} : memref<4x128x64xf32, #tpu.memory_space<vmem>>, vector<16xf32>,
      %parallel_loop3A_779 = arith.addf %parallel_loop3A_778, %parallel_loop3A_769 : vector<16xf32>
      %parallel_loop3A_780 = arith.constant 2 : i32
      %parallel_loop3A_781 = arith.constant 0 : i32
      %parallel_loop3A_782 = arith.constant 0 : i32
      %parallel_loop3A_783 = arith.constant 0 : i32
      %parallel_loop3A_784 = tpu.memref_slice %arg8[%parallel_loop3A_780, %parallel_loop3A_781, %parallel_loop3A_782, %parallel_loop3A_783] : memref<4x8x8x129xf32, #tpu.memory_space<vmem>> -> memref<1x8x8x129xf32, #tpu.memory_space<vmem>>
      %parallel_loop3A_785 = tpu.memref_squeeze %parallel_loop3A_784 : memref<1x8x8x129xf32, #tpu.memory_space<vmem>> -> memref<8x8x129xf32, #tpu.memory_space<vmem>>
      tpu.vector_store_idx %parallel_loop3A_785[%shift_right_arithmetic3A_5, %and3A_28, %parallel_loop3A_773], %parallel_loop3A_779 : memref<8x8x129xf32, #tpu.memory_space<vmem>>[vector<16xi32>, vector<16xi32>, vector<16xi32>], vector<16xf32>,
      %parallel_loop3A_786 = arith.constant 2 : i32
      %parallel_loop3A_787 = arith.index_cast %parallel_loop3A_786 : i32 to index
      %parallel_loop3A_788 = arith.index_cast %parallel_loop3A_768 : i32 to index
      %parallel_loop3A_789 = arith.constant 16 : index
      %parallel_loop3A_790 = tpu.vector_load %arg7[%parallel_loop3A_787, %parallel_loop3A_788, %parallel_loop3A_789] {strides = array<i32>} : memref<4x128x64xf32, #tpu.memory_space<vmem>>, vector<16xf32>,
      %parallel_loop3A_791 = arith.addf %parallel_loop3A_790, %parallel_loop3A_770 : vector<16xf32>
      %parallel_loop3A_792 = arith.constant 2 : i32
      %parallel_loop3A_793 = arith.constant 0 : i32
      %parallel_loop3A_794 = arith.constant 0 : i32
      %parallel_loop3A_795 = arith.constant 0 : i32
      %parallel_loop3A_796 = tpu.memref_slice %arg8[%parallel_loop3A_792, %parallel_loop3A_793, %parallel_loop3A_794, %parallel_loop3A_795] : memref<4x8x8x129xf32, #tpu.memory_space<vmem>> -> memref<1x8x8x129xf32, #tpu.memory_space<vmem>>
      %parallel_loop3A_797 = tpu.memref_squeeze %parallel_loop3A_796 : memref<1x8x8x129xf32, #tpu.memory_space<vmem>> -> memref<8x8x129xf32, #tpu.memory_space<vmem>>
      tpu.vector_store_idx %parallel_loop3A_797[%shift_right_arithmetic3A_11, %and3A_34, %parallel_loop3A_773], %parallel_loop3A_791 : memref<8x8x129xf32, #tpu.memory_space<vmem>>[vector<16xi32>, vector<16xi32>, vector<16xi32>], vector<16xf32>,
      %parallel_loop3A_798 = arith.constant 2 : i32
      %parallel_loop3A_799 = arith.index_cast %parallel_loop3A_798 : i32 to index
      %parallel_loop3A_800 = arith.index_cast %parallel_loop3A_768 : i32 to index
      %parallel_loop3A_801 = arith.constant 32 : index
      %parallel_loop3A_802 = tpu.vector_load %arg7[%parallel_loop3A_799, %parallel_loop3A_800, %parallel_loop3A_801] {strides = array<i32>} : memref<4x128x64xf32, #tpu.memory_space<vmem>>, vector<16xf32>,
      %parallel_loop3A_803 = arith.addf %parallel_loop3A_802, %parallel_loop3A_771 : vector<16xf32>
      %parallel_loop3A_804 = arith.constant 2 : i32
      %parallel_loop3A_805 = arith.constant 0 : i32
      %parallel_loop3A_806 = arith.constant 0 : i32
      %parallel_loop3A_807 = arith.constant 0 : i32
      %parallel_loop3A_808 = tpu.memref_slice %arg8[%parallel_loop3A_804, %parallel_loop3A_805, %parallel_loop3A_806, %parallel_loop3A_807] : memref<4x8x8x129xf32, #tpu.memory_space<vmem>> -> memref<1x8x8x129xf32, #tpu.memory_space<vmem>>
      %parallel_loop3A_809 = tpu.memref_squeeze %parallel_loop3A_808 : memref<1x8x8x129xf32, #tpu.memory_space<vmem>> -> memref<8x8x129xf32, #tpu.memory_space<vmem>>
      tpu.vector_store_idx %parallel_loop3A_809[%shift_right_arithmetic3A_17, %and3A_40, %parallel_loop3A_773], %parallel_loop3A_803 : memref<8x8x129xf32, #tpu.memory_space<vmem>>[vector<16xi32>, vector<16xi32>, vector<16xi32>], vector<16xf32>,
      %parallel_loop3A_810 = arith.constant 2 : i32
      %parallel_loop3A_811 = arith.index_cast %parallel_loop3A_810 : i32 to index
      %parallel_loop3A_812 = arith.index_cast %parallel_loop3A_768 : i32 to index
      %parallel_loop3A_813 = arith.constant 48 : index
      %parallel_loop3A_814 = tpu.vector_load %arg7[%parallel_loop3A_811, %parallel_loop3A_812, %parallel_loop3A_813] {strides = array<i32>} : memref<4x128x64xf32, #tpu.memory_space<vmem>>, vector<16xf32>,
      %parallel_loop3A_815 = arith.addf %parallel_loop3A_814, %parallel_loop3A_772 : vector<16xf32>
      %parallel_loop3A_816 = arith.constant 2 : i32
      %parallel_loop3A_817 = arith.constant 0 : i32
      %parallel_loop3A_818 = arith.constant 0 : i32
      %parallel_loop3A_819 = arith.constant 0 : i32
      %parallel_loop3A_820 = tpu.memref_slice %arg8[%parallel_loop3A_816, %parallel_loop3A_817, %parallel_loop3A_818, %parallel_loop3A_819] : memref<4x8x8x129xf32, #tpu.memory_space<vmem>> -> memref<1x8x8x129xf32, #tpu.memory_space<vmem>>
      %parallel_loop3A_821 = tpu.memref_squeeze %parallel_loop3A_820 : memref<1x8x8x129xf32, #tpu.memory_space<vmem>> -> memref<8x8x129xf32, #tpu.memory_space<vmem>>
      tpu.vector_store_idx %parallel_loop3A_821[%shift_right_arithmetic3A_23, %and3A_46, %parallel_loop3A_773], %parallel_loop3A_815 : memref<8x8x129xf32, #tpu.memory_space<vmem>>[vector<16xi32>, vector<16xi32>, vector<16xi32>], vector<16xf32>,
      scf.yield %parallel_loop3A_769, %parallel_loop3A_770, %parallel_loop3A_771, %parallel_loop3A_772 : vector<16xf32>, vector<16xf32>, vector<16xf32>, vector<16xf32>
    } {sc.loop_unroll_factor = 2 : i64, sc.parallel_access}
    %dma_start3A_264 = arith.constant 2 : i32
    %dma_start3A_265 = arith.constant 2 : i32
    %dma_start3A_266 = arith.constant 0 : i32
    %dma_start3A_267 = arith.constant 0 : i32
    %dma_start3A_268 = arith.constant 0 : i32
    %dma_start3A_269 = tpu.memref_slice %arg8[%dma_start3A_264, %dma_start3A_266, %dma_start3A_267, %dma_start3A_268] : memref<4x8x8x129xf32, #tpu.memory_space<vmem>> -> memref<1x8x8x128xf32, #tpu.memory_space<vmem>>
    %dma_start3A_270 = tpu.memref_squeeze %dma_start3A_269 : memref<1x8x8x128xf32, #tpu.memory_space<vmem>> -> memref<8x8x128xf32, #tpu.memory_space<vmem>>
    %dma_start3A_271 = arith.constant 0 : i32
    %dma_start3A_272 = arith.constant 0 : i32
    %dma_start3A_273 = arith.constant 0 : i32
    %dma_start3A_274 = tpu.memref_slice %arg5[%dma_start3A_265, %dma_start3A_271, %add3A, %dma_start3A_272, %dma_start3A_273] : memref<200x8x32x8x128xf32, #tpu.memory_space<hbm>> -> memref<1x8x1x8x128xf32, #tpu.memory_space<hbm>>
    %dma_start3A_275 = tpu.memref_squeeze %dma_start3A_274 : memref<1x8x1x8x128xf32, #tpu.memory_space<hbm>> -> memref<8x8x128xf32, #tpu.memory_space<hbm>>
    %dma_start3A_276 = arith.constant 0 : i32
    %dma_start3A_277 = arith.constant 0 : i32
    %dma_start3A_278 = arith.constant 0 : i32
    %dma_start3A_279 = tpu.memref_slice %arg5[%dma_start3A_265, %dma_start3A_276, %add3A, %dma_start3A_277, %dma_start3A_278] : memref<200x8x32x8x128xf32, #tpu.memory_space<hbm>> -> memref<1x8x1x8x128xf32, #tpu.memory_space<hbm>>
    %dma_start3A_280 = tpu.memref_squeeze %dma_start3A_279 : memref<1x8x1x8x128xf32, #tpu.memory_space<hbm>> -> memref<8x8x128xf32, #tpu.memory_space<hbm>>
    %dma_start3A_281 = arith.constant 0 : i32
    %dma_start3A_282 = arith.constant 0 : i32
    %dma_start3A_283 = arith.constant 0 : i32
    %dma_start3A_284 = tpu.memref_slice %arg8[%dma_start3A_264, %dma_start3A_281, %dma_start3A_282, %dma_start3A_283] : memref<4x8x8x129xf32, #tpu.memory_space<vmem>> -> memref<1x8x8x128xf32, #tpu.memory_space<vmem>>
    %dma_start3A_285 = tpu.memref_squeeze %dma_start3A_284 : memref<1x8x8x128xf32, #tpu.memory_space<vmem>> -> memref<8x8x128xf32, #tpu.memory_space<vmem>>
    tpu.enqueue_dma source(%dma_start3A_285 : memref<8x8x128xf32, #tpu.memory_space<vmem>>) target(%dma_start3A_280 : memref<8x8x128xf32, #tpu.memory_space<hbm>>) target_semaphore(%arg16 : memref<!tpu.dma_semaphore, #tpu.memory_space<semaphore_mem>>)
    %dma_start3A_286 = arith.constant 0 : i32
    %dma_start3A_287 = arith.constant 6 : i32
    %dma_start3A_288 = arith.constant 2 : i32
    %dma_start3A_289 = arith.constant 0 : i32
    %dma_start3A_290 = arith.constant 0 : i32
    %dma_start3A_291 = tpu.memref_slice %arg7[%dma_start3A_288, %dma_start3A_289, %dma_start3A_290] : memref<4x128x64xf32, #tpu.memory_space<vmem>> -> memref<1x128x64xf32, #tpu.memory_space<vmem>>
    %dma_start3A_292 = tpu.memref_squeeze %dma_start3A_291 : memref<1x128x64xf32, #tpu.memory_space<vmem>> -> memref<128x64xf32, #tpu.memory_space<vmem>>
    %dma_start3A_293 = arith.constant 0 : i32
    %dma_start3A_294 = tpu.memref_slice %arg6[%dma_start3A_286, %dma_start3A_287, %dma_start3A_293] : memref<25x8x128xi32, #tpu.memory_space<vmem>> -> memref<1x1x128xi32, #tpu.memory_space<vmem>>
    %dma_start3A_295 = tpu.memref_squeeze %dma_start3A_294 : memref<1x1x128xi32, #tpu.memory_space<vmem>> -> memref<128xi32, #tpu.memory_space<vmem>>
    %dma_start3A_296 = arith.constant 0 : i32
    %dma_start3A_297 = arith.constant 0 : i32
    %dma_start3A_298 = tpu.memref_slice %arg3[%dma_start3A_296, %dma_start3A_297] : memref<100000x64xf32, #tpu.memory_space<hbm>> -> memref<100000x64xf32, #tpu.memory_space<hbm>>
    tpu.enqueue_indirect_dma source(%dma_start3A_298 : memref<100000x64xf32, #tpu.memory_space<hbm>>) target(%dma_start3A_292 : memref<128x64xf32, #tpu.memory_space<vmem>>) offsets(%dma_start3A_295 : memref<128xi32, #tpu.memory_space<vmem>>) semaphore(%arg12 : memref<!tpu.dma_semaphore, #tpu.memory_space<semaphore_mem>>)
    %dma_wait3A_299 = arith.constant 0 : i32
    %dma_wait3A_300 = arith.constant 3 : i32
    %dma_wait3A_301 = arith.constant 3 : i32
    %dma_wait3A_302 = arith.constant 0 : i32
    %dma_wait3A_303 = arith.constant 0 : i32
    %dma_wait3A_304 = tpu.memref_slice %arg7[%dma_wait3A_301, %dma_wait3A_302, %dma_wait3A_303] : memref<4x128x64xf32, #tpu.memory_space<vmem>> -> memref<1x128x64xf32, #tpu.memory_space<vmem>>
    %dma_wait3A_305 = tpu.memref_squeeze %dma_wait3A_304 : memref<1x128x64xf32, #tpu.memory_space<vmem>> -> memref<128x64xf32, #tpu.memory_space<vmem>>
    %dma_wait3A_306 = arith.constant 0 : i32
    %dma_wait3A_307 = tpu.memref_slice %arg6[%dma_wait3A_299, %dma_wait3A_300, %dma_wait3A_306] : memref<25x8x128xi32, #tpu.memory_space<vmem>> -> memref<1x1x128xi32, #tpu.memory_space<vmem>>
    %dma_wait3A_308 = tpu.memref_squeeze %dma_wait3A_307 : memref<1x1x128xi32, #tpu.memory_space<vmem>> -> memref<128xi32, #tpu.memory_space<vmem>>
    %dma_wait3A_309 = arith.constant 0 : i32
    %dma_wait3A_310 = arith.constant 0 : i32
    %dma_wait3A_311 = tpu.memref_slice %arg3[%dma_wait3A_309, %dma_wait3A_310] : memref<100000x64xf32, #tpu.memory_space<hbm>> -> memref<100000x64xf32, #tpu.memory_space<hbm>>
    tpu.wait_indirect_dma semaphore(%arg13 : memref<!tpu.dma_semaphore, #tpu.memory_space<semaphore_mem>>) src(%dma_wait3A_311 : memref<100000x64xf32, #tpu.memory_space<hbm>>) dst(%dma_wait3A_305 : memref<128x64xf32, #tpu.memory_space<vmem>>)
    %get3A_312 = arith.constant 3 : i32
    %get3A_313 = arith.index_cast %get3A_312 : i32 to index
    %get3A_314 = arith.constant 0 : index
    %get3A_315 = tpu.vector_load %arg9[%get3A_313, %get3A_314] {strides = array<i32>} : memref<200x64xf32, #tpu.memory_space<vmem>>, vector<16xf32>,
    %get3A_316 = arith.constant 3 : i32
    %get3A_317 = arith.index_cast %get3A_316 : i32 to index
    %get3A_318 = arith.constant 16 : index
    %get3A_319 = tpu.vector_load %arg9[%get3A_317, %get3A_318] {strides = array<i32>} : memref<200x64xf32, #tpu.memory_space<vmem>>, vector<16xf32>,
    %get3A_320 = arith.constant 3 : i32
    %get3A_321 = arith.index_cast %get3A_320 : i32 to index
    %get3A_322 = arith.constant 32 : index
    %get3A_323 = tpu.vector_load %arg9[%get3A_321, %get3A_322] {strides = array<i32>} : memref<200x64xf32, #tpu.memory_space<vmem>>, vector<16xf32>,
    %get3A_324 = arith.constant 3 : i32
    %get3A_325 = arith.index_cast %get3A_324 : i32 to index
    %get3A_326 = arith.constant 48 : index
    %get3A_327 = tpu.vector_load %arg9[%get3A_325, %get3A_326] {strides = array<i32>} : memref<200x64xf32, #tpu.memory_space<vmem>>, vector<16xf32>,
    %parallel_loop3A_328 = arith.constant 0 : i32
    %parallel_loop3A_329 = arith.constant 128 : i32
    %parallel_loop3A_330 = arith.constant 1 : i32
    %parallel_loop3A_331:4 = scf.for %parallel_loop3A_768 = %parallel_loop3A_328 to %parallel_loop3A_329 step %parallel_loop3A_330 iter_args(%parallel_loop3A_769 = %get3A_315, %parallel_loop3A_770 = %get3A_319, %parallel_loop3A_771 = %get3A_323, %parallel_loop3A_772 = %get3A_327) -> (vector<16xf32>, vector<16xf32>, vector<16xf32>, vector<16xf32>)  : i32 {
      %parallel_loop3A_773 = vector.broadcast %parallel_loop3A_768 : i32 to vector<16xi32>
      %parallel_loop3A_774 = arith.constant 3 : i32
      %parallel_loop3A_775 = arith.index_cast %parallel_loop3A_774 : i32 to index
      %parallel_loop3A_776 = arith.index_cast %parallel_loop3A_768 : i32 to index
      %parallel_loop3A_777 = arith.constant 0 : index
      %parallel_loop3A_778 = tpu.vector_load %arg7[%parallel_loop3A_775, %parallel_loop3A_776, %parallel_loop3A_777] {strides = array<i32>} : memref<4x128x64xf32, #tpu.memory_space<vmem>>, vector<16xf32>,
      %parallel_loop3A_779 = arith.addf %parallel_loop3A_778, %parallel_loop3A_769 : vector<16xf32>
      %parallel_loop3A_780 = arith.constant 3 : i32
      %parallel_loop3A_781 = arith.constant 0 : i32
      %parallel_loop3A_782 = arith.constant 0 : i32
      %parallel_loop3A_783 = arith.constant 0 : i32
      %parallel_loop3A_784 = tpu.memref_slice %arg8[%parallel_loop3A_780, %parallel_loop3A_781, %parallel_loop3A_782, %parallel_loop3A_783] : memref<4x8x8x129xf32, #tpu.memory_space<vmem>> -> memref<1x8x8x129xf32, #tpu.memory_space<vmem>>
      %parallel_loop3A_785 = tpu.memref_squeeze %parallel_loop3A_784 : memref<1x8x8x129xf32, #tpu.memory_space<vmem>> -> memref<8x8x129xf32, #tpu.memory_space<vmem>>
      tpu.vector_store_idx %parallel_loop3A_785[%shift_right_arithmetic3A_5, %and3A_28, %parallel_loop3A_773], %parallel_loop3A_779 : memref<8x8x129xf32, #tpu.memory_space<vmem>>[vector<16xi32>, vector<16xi32>, vector<16xi32>], vector<16xf32>,
      %parallel_loop3A_786 = arith.constant 3 : i32
      %parallel_loop3A_787 = arith.index_cast %parallel_loop3A_786 : i32 to index
      %parallel_loop3A_788 = arith.index_cast %parallel_loop3A_768 : i32 to index
      %parallel_loop3A_789 = arith.constant 16 : index
      %parallel_loop3A_790 = tpu.vector_load %arg7[%parallel_loop3A_787, %parallel_loop3A_788, %parallel_loop3A_789] {strides = array<i32>} : memref<4x128x64xf32, #tpu.memory_space<vmem>>, vector<16xf32>,
      %parallel_loop3A_791 = arith.addf %parallel_loop3A_790, %parallel_loop3A_770 : vector<16xf32>
      %parallel_loop3A_792 = arith.constant 3 : i32
      %parallel_loop3A_793 = arith.constant 0 : i32
      %parallel_loop3A_794 = arith.constant 0 : i32
      %parallel_loop3A_795 = arith.constant 0 : i32
      %parallel_loop3A_796 = tpu.memref_slice %arg8[%parallel_loop3A_792, %parallel_loop3A_793, %parallel_loop3A_794, %parallel_loop3A_795] : memref<4x8x8x129xf32, #tpu.memory_space<vmem>> -> memref<1x8x8x129xf32, #tpu.memory_space<vmem>>
      %parallel_loop3A_797 = tpu.memref_squeeze %parallel_loop3A_796 : memref<1x8x8x129xf32, #tpu.memory_space<vmem>> -> memref<8x8x129xf32, #tpu.memory_space<vmem>>
      tpu.vector_store_idx %parallel_loop3A_797[%shift_right_arithmetic3A_11, %and3A_34, %parallel_loop3A_773], %parallel_loop3A_791 : memref<8x8x129xf32, #tpu.memory_space<vmem>>[vector<16xi32>, vector<16xi32>, vector<16xi32>], vector<16xf32>,
      %parallel_loop3A_798 = arith.constant 3 : i32
      %parallel_loop3A_799 = arith.index_cast %parallel_loop3A_798 : i32 to index
      %parallel_loop3A_800 = arith.index_cast %parallel_loop3A_768 : i32 to index
      %parallel_loop3A_801 = arith.constant 32 : index
      %parallel_loop3A_802 = tpu.vector_load %arg7[%parallel_loop3A_799, %parallel_loop3A_800, %parallel_loop3A_801] {strides = array<i32>} : memref<4x128x64xf32, #tpu.memory_space<vmem>>, vector<16xf32>,
      %parallel_loop3A_803 = arith.addf %parallel_loop3A_802, %parallel_loop3A_771 : vector<16xf32>
      %parallel_loop3A_804 = arith.constant 3 : i32
      %parallel_loop3A_805 = arith.constant 0 : i32
      %parallel_loop3A_806 = arith.constant 0 : i32
      %parallel_loop3A_807 = arith.constant 0 : i32
      %parallel_loop3A_808 = tpu.memref_slice %arg8[%parallel_loop3A_804, %parallel_loop3A_805, %parallel_loop3A_806, %parallel_loop3A_807] : memref<4x8x8x129xf32, #tpu.memory_space<vmem>> -> memref<1x8x8x129xf32, #tpu.memory_space<vmem>>
      %parallel_loop3A_809 = tpu.memref_squeeze %parallel_loop3A_808 : memref<1x8x8x129xf32, #tpu.memory_space<vmem>> -> memref<8x8x129xf32, #tpu.memory_space<vmem>>
      tpu.vector_store_idx %parallel_loop3A_809[%shift_right_arithmetic3A_17, %and3A_40, %parallel_loop3A_773], %parallel_loop3A_803 : memref<8x8x129xf32, #tpu.memory_space<vmem>>[vector<16xi32>, vector<16xi32>, vector<16xi32>], vector<16xf32>,
      %parallel_loop3A_810 = arith.constant 3 : i32
      %parallel_loop3A_811 = arith.index_cast %parallel_loop3A_810 : i32 to index
      %parallel_loop3A_812 = arith.index_cast %parallel_loop3A_768 : i32 to index
      %parallel_loop3A_813 = arith.constant 48 : index
      %parallel_loop3A_814 = tpu.vector_load %arg7[%parallel_loop3A_811, %parallel_loop3A_812, %parallel_loop3A_813] {strides = array<i32>} : memref<4x128x64xf32, #tpu.memory_space<vmem>>, vector<16xf32>,
      %parallel_loop3A_815 = arith.addf %parallel_loop3A_814, %parallel_loop3A_772 : vector<16xf32>
      %parallel_loop3A_816 = arith.constant 3 : i32
      %parallel_loop3A_817 = arith.constant 0 : i32
      %parallel_loop3A_818 = arith.constant 0 : i32
      %parallel_loop3A_819 = arith.constant 0 : i32
      %parallel_loop3A_820 = tpu.memref_slice %arg8[%parallel_loop3A_816, %parallel_loop3A_817, %parallel_loop3A_818, %parallel_loop3A_819] : memref<4x8x8x129xf32, #tpu.memory_space<vmem>> -> memref<1x8x8x129xf32, #tpu.memory_space<vmem>>
      %parallel_loop3A_821 = tpu.memref_squeeze %parallel_loop3A_820 : memref<1x8x8x129xf32, #tpu.memory_space<vmem>> -> memref<8x8x129xf32, #tpu.memory_space<vmem>>
      tpu.vector_store_idx %parallel_loop3A_821[%shift_right_arithmetic3A_23, %and3A_46, %parallel_loop3A_773], %parallel_loop3A_815 : memref<8x8x129xf32, #tpu.memory_space<vmem>>[vector<16xi32>, vector<16xi32>, vector<16xi32>], vector<16xf32>,
      scf.yield %parallel_loop3A_769, %parallel_loop3A_770, %parallel_loop3A_771, %parallel_loop3A_772 : vector<16xf32>, vector<16xf32>, vector<16xf32>, vector<16xf32>
    } {sc.loop_unroll_factor = 2 : i64, sc.parallel_access}
    %dma_start3A_332 = arith.constant 3 : i32
    %dma_start3A_333 = arith.constant 3 : i32
    %dma_start3A_334 = arith.constant 0 : i32
    %dma_start3A_335 = arith.constant 0 : i32
    %dma_start3A_336 = arith.constant 0 : i32
    %dma_start3A_337 = tpu.memref_slice %arg8[%dma_start3A_332, %dma_start3A_334, %dma_start3A_335, %dma_start3A_336] : memref<4x8x8x129xf32, #tpu.memory_space<vmem>> -> memref<1x8x8x128xf32, #tpu.memory_space<vmem>>
    %dma_start3A_338 = tpu.memref_squeeze %dma_start3A_337 : memref<1x8x8x128xf32, #tpu.memory_space<vmem>> -> memref<8x8x128xf32, #tpu.memory_space<vmem>>
    %dma_start3A_339 = arith.constant 0 : i32
    %dma_start3A_340 = arith.constant 0 : i32
    %dma_start3A_341 = arith.constant 0 : i32
    %dma_start3A_342 = tpu.memref_slice %arg5[%dma_start3A_333, %dma_start3A_339, %add3A, %dma_start3A_340, %dma_start3A_341] : memref<200x8x32x8x128xf32, #tpu.memory_space<hbm>> -> memref<1x8x1x8x128xf32, #tpu.memory_space<hbm>>
    %dma_start3A_343 = tpu.memref_squeeze %dma_start3A_342 : memref<1x8x1x8x128xf32, #tpu.memory_space<hbm>> -> memref<8x8x128xf32, #tpu.memory_space<hbm>>
    %dma_start3A_344 = arith.constant 0 : i32
    %dma_start3A_345 = arith.constant 0 : i32
    %dma_start3A_346 = arith.constant 0 : i32
    %dma_start3A_347 = tpu.memref_slice %arg5[%dma_start3A_333, %dma_start3A_344, %add3A, %dma_start3A_345, %dma_start3A_346] : memref<200x8x32x8x128xf32, #tpu.memory_space<hbm>> -> memref<1x8x1x8x128xf32, #tpu.memory_space<hbm>>
    %dma_start3A_348 = tpu.memref_squeeze %dma_start3A_347 : memref<1x8x1x8x128xf32, #tpu.memory_space<hbm>> -> memref<8x8x128xf32, #tpu.memory_space<hbm>>
    %dma_start3A_349 = arith.constant 0 : i32
    %dma_start3A_350 = arith.constant 0 : i32
    %dma_start3A_351 = arith.constant 0 : i32
    %dma_start3A_352 = tpu.memref_slice %arg8[%dma_start3A_332, %dma_start3A_349, %dma_start3A_350, %dma_start3A_351] : memref<4x8x8x129xf32, #tpu.memory_space<vmem>> -> memref<1x8x8x128xf32, #tpu.memory_space<vmem>>
    %dma_start3A_353 = tpu.memref_squeeze %dma_start3A_352 : memref<1x8x8x128xf32, #tpu.memory_space<vmem>> -> memref<8x8x128xf32, #tpu.memory_space<vmem>>
    tpu.enqueue_dma source(%dma_start3A_353 : memref<8x8x128xf32, #tpu.memory_space<vmem>>) target(%dma_start3A_348 : memref<8x8x128xf32, #tpu.memory_space<hbm>>) target_semaphore(%arg17 : memref<!tpu.dma_semaphore, #tpu.memory_space<semaphore_mem>>)
    %scan3A = arith.constant 0 : i32
    %scan3A_354 = arith.constant 0 : i32
    %scan3A_355 = arith.constant 48 : i32
    %scan3A_356 = arith.addi %scan3A_354, %scan3A_355 : i32
    %scan3A_357 = arith.constant 1 : i32
    scf.for %scan3A_768 = %scan3A_354 to %scan3A_356 step %scan3A_357  : i32 {
      %mul3A_769 = arith.constant 4 : i32
      %mul3A_770 = arith.muli %mul3A_769, %scan3A_768 : i32
      %add3A_771 = arith.constant 4 : i32
      %add3A_772 = arith.addi %add3A_771, %mul3A_770 : i32
      %add3A_773 = arith.constant 0 : i32
      %add3A_774 = arith.addi %add3A_772, %add3A_773 : i32
      %add3A_775 = arith.constant 4 : i32
      %add3A_776 = arith.addi %add3A_774, %add3A_775 : i32
      %sub3A = arith.constant 1 : i32
      %sub3A_777 = arith.subi %add3A_776, %sub3A : i32
      %jit3A = arith.constant 8 : i32
      %div3A = arith.divsi %sub3A_777, %jit3A : i32
      %sign3A = arith.constant 0 : i32
      %sign3A_778 = arith.cmpi sgt, %sub3A_777, %sign3A : i32
      %sign3A_779 = arith.extui %sign3A_778 : i1 to i32
      %sign3A_780 = arith.constant 0 : i32
      %sign3A_781 = arith.cmpi slt, %sub3A_777, %sign3A_780 : i32
      %sign3A_782 = arith.extui %sign3A_781 : i1 to i32
      %sign3A_783 = arith.subi %sign3A_779, %sign3A_782 : i32
      %sign3A_784 = arith.constant 0 : i32
      %sign3A_785 = arith.cmpi sgt, %jit3A, %sign3A_784 : i32
      %sign3A_786 = arith.extui %sign3A_785 : i1 to i32
      %sign3A_787 = arith.constant 0 : i32
      %sign3A_788 = arith.cmpi slt, %jit3A, %sign3A_787 : i32
      %sign3A_789 = arith.extui %sign3A_788 : i1 to i32
      %sign3A_790 = arith.subi %sign3A_786, %sign3A_789 : i32
      %ne3A = arith.cmpi ne, %sign3A_783, %sign3A_790 : i32
      %rem3A = arith.remsi %sub3A_777, %jit3A : i32
      %ne3A_791 = arith.constant 0 : i32
      %ne3A_792 = arith.cmpi ne, %rem3A, %ne3A_791 : i32
      %and3A_793 = arith.andi %ne3A, %ne3A_792 : i1
      %sub3A_794 = arith.constant 1 : i32
      %sub3A_795 = arith.subi %div3A, %sub3A_794 : i32
      %select_n3A = arith.select %and3A_793, %sub3A_795, %div3A : i32
      %jit3A_796 = arith.constant 8 : i32
      %eq3A = arith.constant 0 : i32
      %eq3A_797 = arith.cmpi eq, %jit3A_796, %eq3A : i32
      %jit3A_798 = arith.constant 1 : i32
      %select_n3A_799 = arith.select %eq3A_797, %jit3A_798, %jit3A_796 : i32
      %rem3A_800 = arith.remsi %sub3A_777, %select_n3A_799 : i32
      %ne3A_801 = arith.constant 0 : i32
      %ne3A_802 = arith.cmpi ne, %rem3A_800, %ne3A_801 : i32
      %lt3A = arith.constant 0 : i32
      %lt3A_803 = arith.cmpi slt, %rem3A_800, %lt3A : i32
      %lt3A_804 = arith.constant 0 : i32
      %lt3A_805 = arith.cmpi slt, %select_n3A_799, %lt3A_804 : i32
      %ne3A_806 = arith.xori %lt3A_803, %lt3A_805 : i1
      %and3A_807 = arith.andi %ne3A_806, %ne3A_802 : i1
      %add3A_808 = arith.addi %rem3A_800, %select_n3A_799 : i32
      %select_n3A_809 = arith.select %and3A_807, %add3A_808, %rem3A_800 : i32
      %dma_start3A_810 = arith.constant 3 : i32
      %dma_start3A_811 = arith.constant 0 : i32
      %dma_start3A_812 = arith.constant 0 : i32
      %dma_start3A_813 = tpu.memref_slice %arg7[%dma_start3A_810, %dma_start3A_811, %dma_start3A_812] : memref<4x128x64xf32, #tpu.memory_space<vmem>> -> memref<1x128x64xf32, #tpu.memory_space<vmem>>
      %dma_start3A_814 = tpu.memref_squeeze %dma_start3A_813 : memref<1x128x64xf32, #tpu.memory_space<vmem>> -> memref<128x64xf32, #tpu.memory_space<vmem>>
      %dma_start3A_815 = arith.constant 0 : i32
      %dma_start3A_816 = tpu.memref_slice %arg6[%select_n3A, %select_n3A_809, %dma_start3A_815] : memref<25x8x128xi32, #tpu.memory_space<vmem>> -> memref<1x1x128xi32, #tpu.memory_space<vmem>>
      %dma_start3A_817 = tpu.memref_squeeze %dma_start3A_816 : memref<1x1x128xi32, #tpu.memory_space<vmem>> -> memref<128xi32, #tpu.memory_space<vmem>>
      %dma_start3A_818 = arith.constant 0 : i32
      %dma_start3A_819 = arith.constant 0 : i32
      %dma_start3A_820 = tpu.memref_slice %arg3[%dma_start3A_818, %dma_start3A_819] : memref<100000x64xf32, #tpu.memory_space<hbm>> -> memref<100000x64xf32, #tpu.memory_space<hbm>>
      tpu.enqueue_indirect_dma source(%dma_start3A_820 : memref<100000x64xf32, #tpu.memory_space<hbm>>) target(%dma_start3A_814 : memref<128x64xf32, #tpu.memory_space<vmem>>) offsets(%dma_start3A_817 : memref<128xi32, #tpu.memory_space<vmem>>) semaphore(%arg13 : memref<!tpu.dma_semaphore, #tpu.memory_space<semaphore_mem>>)
      %jit3A_821 = arith.constant 8 : i32
      %div3A_822 = arith.divsi %add3A_774, %jit3A_821 : i32
      %sign3A_823 = arith.constant 0 : i32
      %sign3A_824 = arith.cmpi sgt, %add3A_774, %sign3A_823 : i32
      %sign3A_825 = arith.extui %sign3A_824 : i1 to i32
      %sign3A_826 = arith.constant 0 : i32
      %sign3A_827 = arith.cmpi slt, %add3A_774, %sign3A_826 : i32
      %sign3A_828 = arith.extui %sign3A_827 : i1 to i32
      %sign3A_829 = arith.subi %sign3A_825, %sign3A_828 : i32
      %sign3A_830 = arith.constant 0 : i32
      %sign3A_831 = arith.cmpi sgt, %jit3A_821, %sign3A_830 : i32
      %sign3A_832 = arith.extui %sign3A_831 : i1 to i32
      %sign3A_833 = arith.constant 0 : i32
      %sign3A_834 = arith.cmpi slt, %jit3A_821, %sign3A_833 : i32
      %sign3A_835 = arith.extui %sign3A_834 : i1 to i32
      %sign3A_836 = arith.subi %sign3A_832, %sign3A_835 : i32
      %ne3A_837 = arith.cmpi ne, %sign3A_829, %sign3A_836 : i32
      %rem3A_838 = arith.remsi %add3A_774, %jit3A_821 : i32
      %ne3A_839 = arith.constant 0 : i32
      %ne3A_840 = arith.cmpi ne, %rem3A_838, %ne3A_839 : i32
      %and3A_841 = arith.andi %ne3A_837, %ne3A_840 : i1
      %sub3A_842 = arith.constant 1 : i32
      %sub3A_843 = arith.subi %div3A_822, %sub3A_842 : i32
      %select_n3A_844 = arith.select %and3A_841, %sub3A_843, %div3A_822 : i32
      %jit3A_845 = arith.constant 8 : i32
      %eq3A_846 = arith.constant 0 : i32
      %eq3A_847 = arith.cmpi eq, %jit3A_845, %eq3A_846 : i32
      %jit3A_848 = arith.constant 1 : i32
      %select_n3A_849 = arith.select %eq3A_847, %jit3A_848, %jit3A_845 : i32
      %rem3A_850 = arith.remsi %add3A_774, %select_n3A_849 : i32
      %ne3A_851 = arith.constant 0 : i32
      %ne3A_852 = arith.cmpi ne, %rem3A_850, %ne3A_851 : i32
      %lt3A_853 = arith.constant 0 : i32
      %lt3A_854 = arith.cmpi slt, %rem3A_850, %lt3A_853 : i32
      %lt3A_855 = arith.constant 0 : i32
      %lt3A_856 = arith.cmpi slt, %select_n3A_849, %lt3A_855 : i32
      %ne3A_857 = arith.xori %lt3A_854, %lt3A_856 : i1
      %and3A_858 = arith.andi %ne3A_857, %ne3A_852 : i1
      %add3A_859 = arith.addi %rem3A_850, %select_n3A_849 : i32
      %select_n3A_860 = arith.select %and3A_858, %add3A_859, %rem3A_850 : i32
      %dma_wait3A_861 = arith.constant 0 : i32
      %dma_wait3A_862 = arith.constant 0 : i32
      %dma_wait3A_863 = arith.constant 0 : i32
      %dma_wait3A_864 = tpu.memref_slice %arg7[%dma_wait3A_861, %dma_wait3A_862, %dma_wait3A_863] : memref<4x128x64xf32, #tpu.memory_space<vmem>> -> memref<1x128x64xf32, #tpu.memory_space<vmem>>
      %dma_wait3A_865 = tpu.memref_squeeze %dma_wait3A_864 : memref<1x128x64xf32, #tpu.memory_space<vmem>> -> memref<128x64xf32, #tpu.memory_space<vmem>>
      %dma_wait3A_866 = arith.constant 0 : i32
      %dma_wait3A_867 = tpu.memref_slice %arg6[%select_n3A_844, %select_n3A_860, %dma_wait3A_866] : memref<25x8x128xi32, #tpu.memory_space<vmem>> -> memref<1x1x128xi32, #tpu.memory_space<vmem>>
      %dma_wait3A_868 = tpu.memref_squeeze %dma_wait3A_867 : memref<1x1x128xi32, #tpu.memory_space<vmem>> -> memref<128xi32, #tpu.memory_space<vmem>>
      %dma_wait3A_869 = arith.constant 0 : i32
      %dma_wait3A_870 = arith.constant 0 : i32
      %dma_wait3A_871 = tpu.memref_slice %arg3[%dma_wait3A_869, %dma_wait3A_870] : memref<100000x64xf32, #tpu.memory_space<hbm>> -> memref<100000x64xf32, #tpu.memory_space<hbm>>
      tpu.wait_indirect_dma semaphore(%arg10 : memref<!tpu.dma_semaphore, #tpu.memory_space<semaphore_mem>>) src(%dma_wait3A_871 : memref<100000x64xf32, #tpu.memory_space<hbm>>) dst(%dma_wait3A_865 : memref<128x64xf32, #tpu.memory_space<vmem>>)
      %sub3A_872 = arith.constant 4 : i32
      %sub3A_873 = arith.subi %add3A_774, %sub3A_872 : i32
      %dma_wait3A_874 = arith.constant 0 : i32
      %dma_wait3A_875 = arith.constant 0 : i32
      %dma_wait3A_876 = arith.constant 0 : i32
      %dma_wait3A_877 = arith.constant 0 : i32
      %dma_wait3A_878 = tpu.memref_slice %arg8[%dma_wait3A_874, %dma_wait3A_875, %dma_wait3A_876, %dma_wait3A_877] : memref<4x8x8x129xf32, #tpu.memory_space<vmem>> -> memref<1x8x8x128xf32, #tpu.memory_space<vmem>>
      %dma_wait3A_879 = tpu.memref_squeeze %dma_wait3A_878 : memref<1x8x8x128xf32, #tpu.memory_space<vmem>> -> memref<8x8x128xf32, #tpu.memory_space<vmem>>
      %dma_wait3A_880 = arith.constant 0 : i32
      %dma_wait3A_881 = arith.constant 0 : i32
      %dma_wait3A_882 = arith.constant 0 : i32
      %dma_wait3A_883 = tpu.memref_slice %arg5[%sub3A_873, %dma_wait3A_880, %add3A, %dma_wait3A_881, %dma_wait3A_882] : memref<200x8x32x8x128xf32, #tpu.memory_space<hbm>> -> memref<1x8x1x8x128xf32, #tpu.memory_space<hbm>>
      %dma_wait3A_884 = tpu.memref_squeeze %dma_wait3A_883 : memref<1x8x1x8x128xf32, #tpu.memory_space<hbm>> -> memref<8x8x128xf32, #tpu.memory_space<hbm>>
      %dma_wait3A_885 = arith.constant 0 : i32
      %dma_wait3A_886 = arith.constant 0 : i32
      %dma_wait3A_887 = arith.constant 0 : i32
      %dma_wait3A_888 = tpu.memref_slice %arg5[%sub3A_873, %dma_wait3A_885, %add3A, %dma_wait3A_886, %dma_wait3A_887] : memref<200x8x32x8x128xf32, #tpu.memory_space<hbm>> -> memref<1x8x1x8x128xf32, #tpu.memory_space<hbm>>
      %dma_wait3A_889 = tpu.memref_squeeze %dma_wait3A_888 : memref<1x8x1x8x128xf32, #tpu.memory_space<hbm>> -> memref<8x8x128xf32, #tpu.memory_space<hbm>>
      %dma_wait3A_890 = arith.constant 0 : i32
      %dma_wait3A_891 = arith.constant 0 : i32
      %dma_wait3A_892 = arith.constant 0 : i32
      %dma_wait3A_893 = tpu.memref_slice %arg8[%dma_wait3A_874, %dma_wait3A_890, %dma_wait3A_891, %dma_wait3A_892] : memref<4x8x8x129xf32, #tpu.memory_space<vmem>> -> memref<1x8x8x128xf32, #tpu.memory_space<vmem>>
      %dma_wait3A_894 = tpu.memref_squeeze %dma_wait3A_893 : memref<1x8x8x128xf32, #tpu.memory_space<vmem>> -> memref<8x8x128xf32, #tpu.memory_space<vmem>>
      tpu.wait_dma2 semaphore(%arg14 : memref<!tpu.dma_semaphore, #tpu.memory_space<semaphore_mem>>) src(%dma_wait3A_894 : memref<8x8x128xf32, #tpu.memory_space<vmem>>) dst(%dma_wait3A_889 : memref<8x8x128xf32, #tpu.memory_space<hbm>>)
      %get3A_895 = arith.index_cast %add3A_774 : i32 to index
      %get3A_896 = arith.constant 0 : index
      %get3A_897 = tpu.vector_load %arg9[%get3A_895, %get3A_896] {strides = array<i32>} : memref<200x64xf32, #tpu.memory_space<vmem>>, vector<16xf32>,
      %get3A_898 = arith.index_cast %add3A_774 : i32 to index
      %get3A_899 = arith.constant 16 : index
      %get3A_900 = tpu.vector_load %arg9[%get3A_898, %get3A_899] {strides = array<i32>} : memref<200x64xf32, #tpu.memory_space<vmem>>, vector<16xf32>,
      %get3A_901 = arith.index_cast %add3A_774 : i32 to index
      %get3A_902 = arith.constant 32 : index
      %get3A_903 = tpu.vector_load %arg9[%get3A_901, %get3A_902] {strides = array<i32>} : memref<200x64xf32, #tpu.memory_space<vmem>>, vector<16xf32>,
      %get3A_904 = arith.index_cast %add3A_774 : i32 to index
      %get3A_905 = arith.constant 48 : index
      %get3A_906 = tpu.vector_load %arg9[%get3A_904, %get3A_905] {strides = array<i32>} : memref<200x64xf32, #tpu.memory_space<vmem>>, vector<16xf32>,
      %parallel_loop3A_907 = arith.constant 0 : i32
      %parallel_loop3A_908 = arith.constant 128 : i32
      %parallel_loop3A_909 = arith.constant 1 : i32
      %parallel_loop3A_910:4 = scf.for %parallel_loop3A_1436 = %parallel_loop3A_907 to %parallel_loop3A_908 step %parallel_loop3A_909 iter_args(%parallel_loop3A_1437 = %get3A_897, %parallel_loop3A_1438 = %get3A_900, %parallel_loop3A_1439 = %get3A_903, %parallel_loop3A_1440 = %get3A_906) -> (vector<16xf32>, vector<16xf32>, vector<16xf32>, vector<16xf32>)  : i32 {
        %parallel_loop3A_1441 = vector.broadcast %parallel_loop3A_1436 : i32 to vector<16xi32>
        %parallel_loop3A_1442 = arith.constant 0 : i32
        %parallel_loop3A_1443 = arith.index_cast %parallel_loop3A_1442 : i32 to index
        %parallel_loop3A_1444 = arith.index_cast %parallel_loop3A_1436 : i32 to index
        %parallel_loop3A_1445 = arith.constant 0 : index
        %parallel_loop3A_1446 = tpu.vector_load %arg7[%parallel_loop3A_1443, %parallel_loop3A_1444, %parallel_loop3A_1445] {strides = array<i32>} : memref<4x128x64xf32, #tpu.memory_space<vmem>>, vector<16xf32>,
        %parallel_loop3A_1447 = arith.addf %parallel_loop3A_1446, %parallel_loop3A_1437 : vector<16xf32>
        %parallel_loop3A_1448 = arith.constant 0 : i32
        %parallel_loop3A_1449 = arith.constant 0 : i32
        %parallel_loop3A_1450 = arith.constant 0 : i32
        %parallel_loop3A_1451 = arith.constant 0 : i32
        %parallel_loop3A_1452 = tpu.memref_slice %arg8[%parallel_loop3A_1448, %parallel_loop3A_1449, %parallel_loop3A_1450, %parallel_loop3A_1451] : memref<4x8x8x129xf32, #tpu.memory_space<vmem>> -> memref<1x8x8x129xf32, #tpu.memory_space<vmem>>
        %parallel_loop3A_1453 = tpu.memref_squeeze %parallel_loop3A_1452 : memref<1x8x8x129xf32, #tpu.memory_space<vmem>> -> memref<8x8x129xf32, #tpu.memory_space<vmem>>
        tpu.vector_store_idx %parallel_loop3A_1453[%shift_right_arithmetic3A_5, %and3A_28, %parallel_loop3A_1441], %parallel_loop3A_1447 : memref<8x8x129xf32, #tpu.memory_space<vmem>>[vector<16xi32>, vector<16xi32>, vector<16xi32>], vector<16xf32>,
        %parallel_loop3A_1454 = arith.constant 0 : i32
        %parallel_loop3A_1455 = arith.index_cast %parallel_loop3A_1454 : i32 to index
        %parallel_loop3A_1456 = arith.index_cast %parallel_loop3A_1436 : i32 to index
        %parallel_loop3A_1457 = arith.constant 16 : index
        %parallel_loop3A_1458 = tpu.vector_load %arg7[%parallel_loop3A_1455, %parallel_loop3A_1456, %parallel_loop3A_1457] {strides = array<i32>} : memref<4x128x64xf32, #tpu.memory_space<vmem>>, vector<16xf32>,
        %parallel_loop3A_1459 = arith.addf %parallel_loop3A_1458, %parallel_loop3A_1438 : vector<16xf32>
        %parallel_loop3A_1460 = arith.constant 0 : i32
        %parallel_loop3A_1461 = arith.constant 0 : i32
        %parallel_loop3A_1462 = arith.constant 0 : i32
        %parallel_loop3A_1463 = arith.constant 0 : i32
        %parallel_loop3A_1464 = tpu.memref_slice %arg8[%parallel_loop3A_1460, %parallel_loop3A_1461, %parallel_loop3A_1462, %parallel_loop3A_1463] : memref<4x8x8x129xf32, #tpu.memory_space<vmem>> -> memref<1x8x8x129xf32, #tpu.memory_space<vmem>>
        %parallel_loop3A_1465 = tpu.memref_squeeze %parallel_loop3A_1464 : memref<1x8x8x129xf32, #tpu.memory_space<vmem>> -> memref<8x8x129xf32, #tpu.memory_space<vmem>>
        tpu.vector_store_idx %parallel_loop3A_1465[%shift_right_arithmetic3A_11, %and3A_34, %parallel_loop3A_1441], %parallel_loop3A_1459 : memref<8x8x129xf32, #tpu.memory_space<vmem>>[vector<16xi32>, vector<16xi32>, vector<16xi32>], vector<16xf32>,
        %parallel_loop3A_1466 = arith.constant 0 : i32
        %parallel_loop3A_1467 = arith.index_cast %parallel_loop3A_1466 : i32 to index
        %parallel_loop3A_1468 = arith.index_cast %parallel_loop3A_1436 : i32 to index
        %parallel_loop3A_1469 = arith.constant 32 : index
        %parallel_loop3A_1470 = tpu.vector_load %arg7[%parallel_loop3A_1467, %parallel_loop3A_1468, %parallel_loop3A_1469] {strides = array<i32>} : memref<4x128x64xf32, #tpu.memory_space<vmem>>, vector<16xf32>,
        %parallel_loop3A_1471 = arith.addf %parallel_loop3A_1470, %parallel_loop3A_1439 : vector<16xf32>
        %parallel_loop3A_1472 = arith.constant 0 : i32
        %parallel_loop3A_1473 = arith.constant 0 : i32
        %parallel_loop3A_1474 = arith.constant 0 : i32
        %parallel_loop3A_1475 = arith.constant 0 : i32
        %parallel_loop3A_1476 = tpu.memref_slice %arg8[%parallel_loop3A_1472, %parallel_loop3A_1473, %parallel_loop3A_1474, %parallel_loop3A_1475] : memref<4x8x8x129xf32, #tpu.memory_space<vmem>> -> memref<1x8x8x129xf32, #tpu.memory_space<vmem>>
        %parallel_loop3A_1477 = tpu.memref_squeeze %parallel_loop3A_1476 : memref<1x8x8x129xf32, #tpu.memory_space<vmem>> -> memref<8x8x129xf32, #tpu.memory_space<vmem>>
        tpu.vector_store_idx %parallel_loop3A_1477[%shift_right_arithmetic3A_17, %and3A_40, %parallel_loop3A_1441], %parallel_loop3A_1471 : memref<8x8x129xf32, #tpu.memory_space<vmem>>[vector<16xi32>, vector<16xi32>, vector<16xi32>], vector<16xf32>,
        %parallel_loop3A_1478 = arith.constant 0 : i32
        %parallel_loop3A_1479 = arith.index_cast %parallel_loop3A_1478 : i32 to index
        %parallel_loop3A_1480 = arith.index_cast %parallel_loop3A_1436 : i32 to index
        %parallel_loop3A_1481 = arith.constant 48 : index
        %parallel_loop3A_1482 = tpu.vector_load %arg7[%parallel_loop3A_1479, %parallel_loop3A_1480, %parallel_loop3A_1481] {strides = array<i32>} : memref<4x128x64xf32, #tpu.memory_space<vmem>>, vector<16xf32>,
        %parallel_loop3A_1483 = arith.addf %parallel_loop3A_1482, %parallel_loop3A_1440 : vector<16xf32>
        %parallel_loop3A_1484 = arith.constant 0 : i32
        %parallel_loop3A_1485 = arith.constant 0 : i32
        %parallel_loop3A_1486 = arith.constant 0 : i32
        %parallel_loop3A_1487 = arith.constant 0 : i32
        %parallel_loop3A_1488 = tpu.memref_slice %arg8[%parallel_loop3A_1484, %parallel_loop3A_1485, %parallel_loop3A_1486, %parallel_loop3A_1487] : memref<4x8x8x129xf32, #tpu.memory_space<vmem>> -> memref<1x8x8x129xf32, #tpu.memory_space<vmem>>
        %parallel_loop3A_1489 = tpu.memref_squeeze %parallel_loop3A_1488 : memref<1x8x8x129xf32, #tpu.memory_space<vmem>> -> memref<8x8x129xf32, #tpu.memory_space<vmem>>
        tpu.vector_store_idx %parallel_loop3A_1489[%shift_right_arithmetic3A_23, %and3A_46, %parallel_loop3A_1441], %parallel_loop3A_1483 : memref<8x8x129xf32, #tpu.memory_space<vmem>>[vector<16xi32>, vector<16xi32>, vector<16xi32>], vector<16xf32>,
        scf.yield %parallel_loop3A_1437, %parallel_loop3A_1438, %parallel_loop3A_1439, %parallel_loop3A_1440 : vector<16xf32>, vector<16xf32>, vector<16xf32>, vector<16xf32>
      } {sc.loop_unroll_factor = 2 : i64, sc.parallel_access}
      %dma_start3A_911 = arith.constant 0 : i32
      %dma_start3A_912 = arith.constant 0 : i32
      %dma_start3A_913 = arith.constant 0 : i32
      %dma_start3A_914 = arith.constant 0 : i32
      %dma_start3A_915 = tpu.memref_slice %arg8[%dma_start3A_911, %dma_start3A_912, %dma_start3A_913, %dma_start3A_914] : memref<4x8x8x129xf32, #tpu.memory_space<vmem>> -> memref<1x8x8x128xf32, #tpu.memory_space<vmem>>
      %dma_start3A_916 = tpu.memref_squeeze %dma_start3A_915 : memref<1x8x8x128xf32, #tpu.memory_space<vmem>> -> memref<8x8x128xf32, #tpu.memory_space<vmem>>
      %dma_start3A_917 = arith.constant 0 : i32
      %dma_start3A_918 = arith.constant 0 : i32
      %dma_start3A_919 = arith.constant 0 : i32
      %dma_start3A_920 = tpu.memref_slice %arg5[%add3A_774, %dma_start3A_917, %add3A, %dma_start3A_918, %dma_start3A_919] : memref<200x8x32x8x128xf32, #tpu.memory_space<hbm>> -> memref<1x8x1x8x128xf32, #tpu.memory_space<hbm>>
      %dma_start3A_921 = tpu.memref_squeeze %dma_start3A_920 : memref<1x8x1x8x128xf32, #tpu.memory_space<hbm>> -> memref<8x8x128xf32, #tpu.memory_space<hbm>>
      %dma_start3A_922 = arith.constant 0 : i32
      %dma_start3A_923 = arith.constant 0 : i32
      %dma_start3A_924 = arith.constant 0 : i32
      %dma_start3A_925 = tpu.memref_slice %arg5[%add3A_774, %dma_start3A_922, %add3A, %dma_start3A_923, %dma_start3A_924] : memref<200x8x32x8x128xf32, #tpu.memory_space<hbm>> -> memref<1x8x1x8x128xf32, #tpu.memory_space<hbm>>
      %dma_start3A_926 = tpu.memref_squeeze %dma_start3A_925 : memref<1x8x1x8x128xf32, #tpu.memory_space<hbm>> -> memref<8x8x128xf32, #tpu.memory_space<hbm>>
      %dma_start3A_927 = arith.constant 0 : i32
      %dma_start3A_928 = arith.constant 0 : i32
      %dma_start3A_929 = arith.constant 0 : i32
      %dma_start3A_930 = tpu.memref_slice %arg8[%dma_start3A_911, %dma_start3A_927, %dma_start3A_928, %dma_start3A_929] : memref<4x8x8x129xf32, #tpu.memory_space<vmem>> -> memref<1x8x8x128xf32, #tpu.memory_space<vmem>>
      %dma_start3A_931 = tpu.memref_squeeze %dma_start3A_930 : memref<1x8x8x128xf32, #tpu.memory_space<vmem>> -> memref<8x8x128xf32, #tpu.memory_space<vmem>>
      tpu.enqueue_dma source(%dma_start3A_931 : memref<8x8x128xf32, #tpu.memory_space<vmem>>) target(%dma_start3A_926 : memref<8x8x128xf32, #tpu.memory_space<hbm>>) target_semaphore(%arg14 : memref<!tpu.dma_semaphore, #tpu.memory_space<semaphore_mem>>)
      %add3A_932 = arith.constant 1 : i32
      %add3A_933 = arith.addi %add3A_772, %add3A_932 : i32
      %add3A_934 = arith.constant 4 : i32
      %add3A_935 = arith.addi %add3A_933, %add3A_934 : i32
      %sub3A_936 = arith.constant 1 : i32
      %sub3A_937 = arith.subi %add3A_935, %sub3A_936 : i32
      %jit3A_938 = arith.constant 8 : i32
      %div3A_939 = arith.divsi %sub3A_937, %jit3A_938 : i32
      %sign3A_940 = arith.constant 0 : i32
      %sign3A_941 = arith.cmpi sgt, %sub3A_937, %sign3A_940 : i32
      %sign3A_942 = arith.extui %sign3A_941 : i1 to i32
      %sign3A_943 = arith.constant 0 : i32
      %sign3A_944 = arith.cmpi slt, %sub3A_937, %sign3A_943 : i32
      %sign3A_945 = arith.extui %sign3A_944 : i1 to i32
      %sign3A_946 = arith.subi %sign3A_942, %sign3A_945 : i32
      %sign3A_947 = arith.constant 0 : i32
      %sign3A_948 = arith.cmpi sgt, %jit3A_938, %sign3A_947 : i32
      %sign3A_949 = arith.extui %sign3A_948 : i1 to i32
      %sign3A_950 = arith.constant 0 : i32
      %sign3A_951 = arith.cmpi slt, %jit3A_938, %sign3A_950 : i32
      %sign3A_952 = arith.extui %sign3A_951 : i1 to i32
      %sign3A_953 = arith.subi %sign3A_949, %sign3A_952 : i32
      %ne3A_954 = arith.cmpi ne, %sign3A_946, %sign3A_953 : i32
      %rem3A_955 = arith.remsi %sub3A_937, %jit3A_938 : i32
      %ne3A_956 = arith.constant 0 : i32
      %ne3A_957 = arith.cmpi ne, %rem3A_955, %ne3A_956 : i32
      %and3A_958 = arith.andi %ne3A_954, %ne3A_957 : i1
      %sub3A_959 = arith.constant 1 : i32
      %sub3A_960 = arith.subi %div3A_939, %sub3A_959 : i32
      %select_n3A_961 = arith.select %and3A_958, %sub3A_960, %div3A_939 : i32
      %jit3A_962 = arith.constant 8 : i32
      %eq3A_963 = arith.constant 0 : i32
      %eq3A_964 = arith.cmpi eq, %jit3A_962, %eq3A_963 : i32
      %jit3A_965 = arith.constant 1 : i32
      %select_n3A_966 = arith.select %eq3A_964, %jit3A_965, %jit3A_962 : i32
      %rem3A_967 = arith.remsi %sub3A_937, %select_n3A_966 : i32
      %ne3A_968 = arith.constant 0 : i32
      %ne3A_969 = arith.cmpi ne, %rem3A_967, %ne3A_968 : i32
      %lt3A_970 = arith.constant 0 : i32
      %lt3A_971 = arith.cmpi slt, %rem3A_967, %lt3A_970 : i32
      %lt3A_972 = arith.constant 0 : i32
      %lt3A_973 = arith.cmpi slt, %select_n3A_966, %lt3A_972 : i32
      %ne3A_974 = arith.xori %lt3A_971, %lt3A_973 : i1
      %and3A_975 = arith.andi %ne3A_974, %ne3A_969 : i1
      %add3A_976 = arith.addi %rem3A_967, %select_n3A_966 : i32
      %select_n3A_977 = arith.select %and3A_975, %add3A_976, %rem3A_967 : i32
      %dma_start3A_978 = arith.constant 0 : i32
      %dma_start3A_979 = arith.constant 0 : i32
      %dma_start3A_980 = arith.constant 0 : i32
      %dma_start3A_981 = tpu.memref_slice %arg7[%dma_start3A_978, %dma_start3A_979, %dma_start3A_980] : memref<4x128x64xf32, #tpu.memory_space<vmem>> -> memref<1x128x64xf32, #tpu.memory_space<vmem>>
      %dma_start3A_982 = tpu.memref_squeeze %dma_start3A_981 : memref<1x128x64xf32, #tpu.memory_space<vmem>> -> memref<128x64xf32, #tpu.memory_space<vmem>>
      %dma_start3A_983 = arith.constant 0 : i32
      %dma_start3A_984 = tpu.memref_slice %arg6[%select_n3A_961, %select_n3A_977, %dma_start3A_983] : memref<25x8x128xi32, #tpu.memory_space<vmem>> -> memref<1x1x128xi32, #tpu.memory_space<vmem>>
      %dma_start3A_985 = tpu.memref_squeeze %dma_start3A_984 : memref<1x1x128xi32, #tpu.memory_space<vmem>> -> memref<128xi32, #tpu.memory_space<vmem>>
      %dma_start3A_986 = arith.constant 0 : i32
      %dma_start3A_987 = arith.constant 0 : i32
      %dma_start3A_988 = tpu.memref_slice %arg3[%dma_start3A_986, %dma_start3A_987] : memref<100000x64xf32, #tpu.memory_space<hbm>> -> memref<100000x64xf32, #tpu.memory_space<hbm>>
      tpu.enqueue_indirect_dma source(%dma_start3A_988 : memref<100000x64xf32, #tpu.memory_space<hbm>>) target(%dma_start3A_982 : memref<128x64xf32, #tpu.memory_space<vmem>>) offsets(%dma_start3A_985 : memref<128xi32, #tpu.memory_space<vmem>>) semaphore(%arg10 : memref<!tpu.dma_semaphore, #tpu.memory_space<semaphore_mem>>)
      %jit3A_989 = arith.constant 8 : i32
      %div3A_990 = arith.divsi %add3A_933, %jit3A_989 : i32
      %sign3A_991 = arith.constant 0 : i32
      %sign3A_992 = arith.cmpi sgt, %add3A_933, %sign3A_991 : i32
      %sign3A_993 = arith.extui %sign3A_992 : i1 to i32
      %sign3A_994 = arith.constant 0 : i32
      %sign3A_995 = arith.cmpi slt, %add3A_933, %sign3A_994 : i32
      %sign3A_996 = arith.extui %sign3A_995 : i1 to i32
      %sign3A_997 = arith.subi %sign3A_993, %sign3A_996 : i32
      %sign3A_998 = arith.constant 0 : i32
      %sign3A_999 = arith.cmpi sgt, %jit3A_989, %sign3A_998 : i32
      %sign3A_1000 = arith.extui %sign3A_999 : i1 to i32
      %sign3A_1001 = arith.constant 0 : i32
      %sign3A_1002 = arith.cmpi slt, %jit3A_989, %sign3A_1001 : i32
      %sign3A_1003 = arith.extui %sign3A_1002 : i1 to i32
      %sign3A_1004 = arith.subi %sign3A_1000, %sign3A_1003 : i32
      %ne3A_1005 = arith.cmpi ne, %sign3A_997, %sign3A_1004 : i32
      %rem3A_1006 = arith.remsi %add3A_933, %jit3A_989 : i32
      %ne3A_1007 = arith.constant 0 : i32
      %ne3A_1008 = arith.cmpi ne, %rem3A_1006, %ne3A_1007 : i32
      %and3A_1009 = arith.andi %ne3A_1005, %ne3A_1008 : i1
      %sub3A_1010 = arith.constant 1 : i32
      %sub3A_1011 = arith.subi %div3A_990, %sub3A_1010 : i32
      %select_n3A_1012 = arith.select %and3A_1009, %sub3A_1011, %div3A_990 : i32
      %jit3A_1013 = arith.constant 8 : i32
      %eq3A_1014 = arith.constant 0 : i32
      %eq3A_1015 = arith.cmpi eq, %jit3A_1013, %eq3A_1014 : i32
      %jit3A_1016 = arith.constant 1 : i32
      %select_n3A_1017 = arith.select %eq3A_1015, %jit3A_1016, %jit3A_1013 : i32
      %rem3A_1018 = arith.remsi %add3A_933, %select_n3A_1017 : i32
      %ne3A_1019 = arith.constant 0 : i32
      %ne3A_1020 = arith.cmpi ne, %rem3A_1018, %ne3A_1019 : i32
      %lt3A_1021 = arith.constant 0 : i32
      %lt3A_1022 = arith.cmpi slt, %rem3A_1018, %lt3A_1021 : i32
      %lt3A_1023 = arith.constant 0 : i32
      %lt3A_1024 = arith.cmpi slt, %select_n3A_1017, %lt3A_1023 : i32
      %ne3A_1025 = arith.xori %lt3A_1022, %lt3A_1024 : i1
      %and3A_1026 = arith.andi %ne3A_1025, %ne3A_1020 : i1
      %add3A_1027 = arith.addi %rem3A_1018, %select_n3A_1017 : i32
      %select_n3A_1028 = arith.select %and3A_1026, %add3A_1027, %rem3A_1018 : i32
      %dma_wait3A_1029 = arith.constant 1 : i32
      %dma_wait3A_1030 = arith.constant 0 : i32
      %dma_wait3A_1031 = arith.constant 0 : i32
      %dma_wait3A_1032 = tpu.memref_slice %arg7[%dma_wait3A_1029, %dma_wait3A_1030, %dma_wait3A_1031] : memref<4x128x64xf32, #tpu.memory_space<vmem>> -> memref<1x128x64xf32, #tpu.memory_space<vmem>>
      %dma_wait3A_1033 = tpu.memref_squeeze %dma_wait3A_1032 : memref<1x128x64xf32, #tpu.memory_space<vmem>> -> memref<128x64xf32, #tpu.memory_space<vmem>>
      %dma_wait3A_1034 = arith.constant 0 : i32
      %dma_wait3A_1035 = tpu.memref_slice %arg6[%select_n3A_1012, %select_n3A_1028, %dma_wait3A_1034] : memref<25x8x128xi32, #tpu.memory_space<vmem>> -> memref<1x1x128xi32, #tpu.memory_space<vmem>>
      %dma_wait3A_1036 = tpu.memref_squeeze %dma_wait3A_1035 : memref<1x1x128xi32, #tpu.memory_space<vmem>> -> memref<128xi32, #tpu.memory_space<vmem>>
      %dma_wait3A_1037 = arith.constant 0 : i32
      %dma_wait3A_1038 = arith.constant 0 : i32
      %dma_wait3A_1039 = tpu.memref_slice %arg3[%dma_wait3A_1037, %dma_wait3A_1038] : memref<100000x64xf32, #tpu.memory_space<hbm>> -> memref<100000x64xf32, #tpu.memory_space<hbm>>
      tpu.wait_indirect_dma semaphore(%arg11 : memref<!tpu.dma_semaphore, #tpu.memory_space<semaphore_mem>>) src(%dma_wait3A_1039 : memref<100000x64xf32, #tpu.memory_space<hbm>>) dst(%dma_wait3A_1033 : memref<128x64xf32, #tpu.memory_space<vmem>>)
      %sub3A_1040 = arith.constant 4 : i32
      %sub3A_1041 = arith.subi %add3A_933, %sub3A_1040 : i32
      %dma_wait3A_1042 = arith.constant 1 : i32
      %dma_wait3A_1043 = arith.constant 0 : i32
      %dma_wait3A_1044 = arith.constant 0 : i32
      %dma_wait3A_1045 = arith.constant 0 : i32
      %dma_wait3A_1046 = tpu.memref_slice %arg8[%dma_wait3A_1042, %dma_wait3A_1043, %dma_wait3A_1044, %dma_wait3A_1045] : memref<4x8x8x129xf32, #tpu.memory_space<vmem>> -> memref<1x8x8x128xf32, #tpu.memory_space<vmem>>
      %dma_wait3A_1047 = tpu.memref_squeeze %dma_wait3A_1046 : memref<1x8x8x128xf32, #tpu.memory_space<vmem>> -> memref<8x8x128xf32, #tpu.memory_space<vmem>>
      %dma_wait3A_1048 = arith.constant 0 : i32
      %dma_wait3A_1049 = arith.constant 0 : i32
      %dma_wait3A_1050 = arith.constant 0 : i32
      %dma_wait3A_1051 = tpu.memref_slice %arg5[%sub3A_1041, %dma_wait3A_1048, %add3A, %dma_wait3A_1049, %dma_wait3A_1050] : memref<200x8x32x8x128xf32, #tpu.memory_space<hbm>> -> memref<1x8x1x8x128xf32, #tpu.memory_space<hbm>>
      %dma_wait3A_1052 = tpu.memref_squeeze %dma_wait3A_1051 : memref<1x8x1x8x128xf32, #tpu.memory_space<hbm>> -> memref<8x8x128xf32, #tpu.memory_space<hbm>>
      %dma_wait3A_1053 = arith.constant 0 : i32
      %dma_wait3A_1054 = arith.constant 0 : i32
      %dma_wait3A_1055 = arith.constant 0 : i32
      %dma_wait3A_1056 = tpu.memref_slice %arg5[%sub3A_1041, %dma_wait3A_1053, %add3A, %dma_wait3A_1054, %dma_wait3A_1055] : memref<200x8x32x8x128xf32, #tpu.memory_space<hbm>> -> memref<1x8x1x8x128xf32, #tpu.memory_space<hbm>>
      %dma_wait3A_1057 = tpu.memref_squeeze %dma_wait3A_1056 : memref<1x8x1x8x128xf32, #tpu.memory_space<hbm>> -> memref<8x8x128xf32, #tpu.memory_space<hbm>>
      %dma_wait3A_1058 = arith.constant 0 : i32
      %dma_wait3A_1059 = arith.constant 0 : i32
      %dma_wait3A_1060 = arith.constant 0 : i32
      %dma_wait3A_1061 = tpu.memref_slice %arg8[%dma_wait3A_1042, %dma_wait3A_1058, %dma_wait3A_1059, %dma_wait3A_1060] : memref<4x8x8x129xf32, #tpu.memory_space<vmem>> -> memref<1x8x8x128xf32, #tpu.memory_space<vmem>>
      %dma_wait3A_1062 = tpu.memref_squeeze %dma_wait3A_1061 : memref<1x8x8x128xf32, #tpu.memory_space<vmem>> -> memref<8x8x128xf32, #tpu.memory_space<vmem>>
      tpu.wait_dma2 semaphore(%arg15 : memref<!tpu.dma_semaphore, #tpu.memory_space<semaphore_mem>>) src(%dma_wait3A_1062 : memref<8x8x128xf32, #tpu.memory_space<vmem>>) dst(%dma_wait3A_1057 : memref<8x8x128xf32, #tpu.memory_space<hbm>>)
      %get3A_1063 = arith.index_cast %add3A_933 : i32 to index
      %get3A_1064 = arith.constant 0 : index
      %get3A_1065 = tpu.vector_load %arg9[%get3A_1063, %get3A_1064] {strides = array<i32>} : memref<200x64xf32, #tpu.memory_space<vmem>>, vector<16xf32>,
      %get3A_1066 = arith.index_cast %add3A_933 : i32 to index
      %get3A_1067 = arith.constant 16 : index
      %get3A_1068 = tpu.vector_load %arg9[%get3A_1066, %get3A_1067] {strides = array<i32>} : memref<200x64xf32, #tpu.memory_space<vmem>>, vector<16xf32>,
      %get3A_1069 = arith.index_cast %add3A_933 : i32 to index
      %get3A_1070 = arith.constant 32 : index
      %get3A_1071 = tpu.vector_load %arg9[%get3A_1069, %get3A_1070] {strides = array<i32>} : memref<200x64xf32, #tpu.memory_space<vmem>>, vector<16xf32>,
      %get3A_1072 = arith.index_cast %add3A_933 : i32 to index
      %get3A_1073 = arith.constant 48 : index
      %get3A_1074 = tpu.vector_load %arg9[%get3A_1072, %get3A_1073] {strides = array<i32>} : memref<200x64xf32, #tpu.memory_space<vmem>>, vector<16xf32>,
      %parallel_loop3A_1075 = arith.constant 0 : i32
      %parallel_loop3A_1076 = arith.constant 128 : i32
      %parallel_loop3A_1077 = arith.constant 1 : i32
      %parallel_loop3A_1078:4 = scf.for %parallel_loop3A_1436 = %parallel_loop3A_1075 to %parallel_loop3A_1076 step %parallel_loop3A_1077 iter_args(%parallel_loop3A_1437 = %get3A_1065, %parallel_loop3A_1438 = %get3A_1068, %parallel_loop3A_1439 = %get3A_1071, %parallel_loop3A_1440 = %get3A_1074) -> (vector<16xf32>, vector<16xf32>, vector<16xf32>, vector<16xf32>)  : i32 {
        %parallel_loop3A_1441 = vector.broadcast %parallel_loop3A_1436 : i32 to vector<16xi32>
        %parallel_loop3A_1442 = arith.constant 1 : i32
        %parallel_loop3A_1443 = arith.index_cast %parallel_loop3A_1442 : i32 to index
        %parallel_loop3A_1444 = arith.index_cast %parallel_loop3A_1436 : i32 to index
        %parallel_loop3A_1445 = arith.constant 0 : index
        %parallel_loop3A_1446 = tpu.vector_load %arg7[%parallel_loop3A_1443, %parallel_loop3A_1444, %parallel_loop3A_1445] {strides = array<i32>} : memref<4x128x64xf32, #tpu.memory_space<vmem>>, vector<16xf32>,
        %parallel_loop3A_1447 = arith.addf %parallel_loop3A_1446, %parallel_loop3A_1437 : vector<16xf32>
        %parallel_loop3A_1448 = arith.constant 1 : i32
        %parallel_loop3A_1449 = arith.constant 0 : i32
        %parallel_loop3A_1450 = arith.constant 0 : i32
        %parallel_loop3A_1451 = arith.constant 0 : i32
        %parallel_loop3A_1452 = tpu.memref_slice %arg8[%parallel_loop3A_1448, %parallel_loop3A_1449, %parallel_loop3A_1450, %parallel_loop3A_1451] : memref<4x8x8x129xf32, #tpu.memory_space<vmem>> -> memref<1x8x8x129xf32, #tpu.memory_space<vmem>>
        %parallel_loop3A_1453 = tpu.memref_squeeze %parallel_loop3A_1452 : memref<1x8x8x129xf32, #tpu.memory_space<vmem>> -> memref<8x8x129xf32, #tpu.memory_space<vmem>>
        tpu.vector_store_idx %parallel_loop3A_1453[%shift_right_arithmetic3A_5, %and3A_28, %parallel_loop3A_1441], %parallel_loop3A_1447 : memref<8x8x129xf32, #tpu.memory_space<vmem>>[vector<16xi32>, vector<16xi32>, vector<16xi32>], vector<16xf32>,
        %parallel_loop3A_1454 = arith.constant 1 : i32
        %parallel_loop3A_1455 = arith.index_cast %parallel_loop3A_1454 : i32 to index
        %parallel_loop3A_1456 = arith.index_cast %parallel_loop3A_1436 : i32 to index
        %parallel_loop3A_1457 = arith.constant 16 : index
        %parallel_loop3A_1458 = tpu.vector_load %arg7[%parallel_loop3A_1455, %parallel_loop3A_1456, %parallel_loop3A_1457] {strides = array<i32>} : memref<4x128x64xf32, #tpu.memory_space<vmem>>, vector<16xf32>,
        %parallel_loop3A_1459 = arith.addf %parallel_loop3A_1458, %parallel_loop3A_1438 : vector<16xf32>
        %parallel_loop3A_1460 = arith.constant 1 : i32
        %parallel_loop3A_1461 = arith.constant 0 : i32
        %parallel_loop3A_1462 = arith.constant 0 : i32
        %parallel_loop3A_1463 = arith.constant 0 : i32
        %parallel_loop3A_1464 = tpu.memref_slice %arg8[%parallel_loop3A_1460, %parallel_loop3A_1461, %parallel_loop3A_1462, %parallel_loop3A_1463] : memref<4x8x8x129xf32, #tpu.memory_space<vmem>> -> memref<1x8x8x129xf32, #tpu.memory_space<vmem>>
        %parallel_loop3A_1465 = tpu.memref_squeeze %parallel_loop3A_1464 : memref<1x8x8x129xf32, #tpu.memory_space<vmem>> -> memref<8x8x129xf32, #tpu.memory_space<vmem>>
        tpu.vector_store_idx %parallel_loop3A_1465[%shift_right_arithmetic3A_11, %and3A_34, %parallel_loop3A_1441], %parallel_loop3A_1459 : memref<8x8x129xf32, #tpu.memory_space<vmem>>[vector<16xi32>, vector<16xi32>, vector<16xi32>], vector<16xf32>,
        %parallel_loop3A_1466 = arith.constant 1 : i32
        %parallel_loop3A_1467 = arith.index_cast %parallel_loop3A_1466 : i32 to index
        %parallel_loop3A_1468 = arith.index_cast %parallel_loop3A_1436 : i32 to index
        %parallel_loop3A_1469 = arith.constant 32 : index
        %parallel_loop3A_1470 = tpu.vector_load %arg7[%parallel_loop3A_1467, %parallel_loop3A_1468, %parallel_loop3A_1469] {strides = array<i32>} : memref<4x128x64xf32, #tpu.memory_space<vmem>>, vector<16xf32>,
        %parallel_loop3A_1471 = arith.addf %parallel_loop3A_1470, %parallel_loop3A_1439 : vector<16xf32>
        %parallel_loop3A_1472 = arith.constant 1 : i32
        %parallel_loop3A_1473 = arith.constant 0 : i32
        %parallel_loop3A_1474 = arith.constant 0 : i32
        %parallel_loop3A_1475 = arith.constant 0 : i32
        %parallel_loop3A_1476 = tpu.memref_slice %arg8[%parallel_loop3A_1472, %parallel_loop3A_1473, %parallel_loop3A_1474, %parallel_loop3A_1475] : memref<4x8x8x129xf32, #tpu.memory_space<vmem>> -> memref<1x8x8x129xf32, #tpu.memory_space<vmem>>
        %parallel_loop3A_1477 = tpu.memref_squeeze %parallel_loop3A_1476 : memref<1x8x8x129xf32, #tpu.memory_space<vmem>> -> memref<8x8x129xf32, #tpu.memory_space<vmem>>
        tpu.vector_store_idx %parallel_loop3A_1477[%shift_right_arithmetic3A_17, %and3A_40, %parallel_loop3A_1441], %parallel_loop3A_1471 : memref<8x8x129xf32, #tpu.memory_space<vmem>>[vector<16xi32>, vector<16xi32>, vector<16xi32>], vector<16xf32>,
        %parallel_loop3A_1478 = arith.constant 1 : i32
        %parallel_loop3A_1479 = arith.index_cast %parallel_loop3A_1478 : i32 to index
        %parallel_loop3A_1480 = arith.index_cast %parallel_loop3A_1436 : i32 to index
        %parallel_loop3A_1481 = arith.constant 48 : index
        %parallel_loop3A_1482 = tpu.vector_load %arg7[%parallel_loop3A_1479, %parallel_loop3A_1480, %parallel_loop3A_1481] {strides = array<i32>} : memref<4x128x64xf32, #tpu.memory_space<vmem>>, vector<16xf32>,
        %parallel_loop3A_1483 = arith.addf %parallel_loop3A_1482, %parallel_loop3A_1440 : vector<16xf32>
        %parallel_loop3A_1484 = arith.constant 1 : i32
        %parallel_loop3A_1485 = arith.constant 0 : i32
        %parallel_loop3A_1486 = arith.constant 0 : i32
        %parallel_loop3A_1487 = arith.constant 0 : i32
        %parallel_loop3A_1488 = tpu.memref_slice %arg8[%parallel_loop3A_1484, %parallel_loop3A_1485, %parallel_loop3A_1486, %parallel_loop3A_1487] : memref<4x8x8x129xf32, #tpu.memory_space<vmem>> -> memref<1x8x8x129xf32, #tpu.memory_space<vmem>>
        %parallel_loop3A_1489 = tpu.memref_squeeze %parallel_loop3A_1488 : memref<1x8x8x129xf32, #tpu.memory_space<vmem>> -> memref<8x8x129xf32, #tpu.memory_space<vmem>>
        tpu.vector_store_idx %parallel_loop3A_1489[%shift_right_arithmetic3A_23, %and3A_46, %parallel_loop3A_1441], %parallel_loop3A_1483 : memref<8x8x129xf32, #tpu.memory_space<vmem>>[vector<16xi32>, vector<16xi32>, vector<16xi32>], vector<16xf32>,
        scf.yield %parallel_loop3A_1437, %parallel_loop3A_1438, %parallel_loop3A_1439, %parallel_loop3A_1440 : vector<16xf32>, vector<16xf32>, vector<16xf32>, vector<16xf32>
      } {sc.loop_unroll_factor = 2 : i64, sc.parallel_access}
      %dma_start3A_1079 = arith.constant 1 : i32
      %dma_start3A_1080 = arith.constant 0 : i32
      %dma_start3A_1081 = arith.constant 0 : i32
      %dma_start3A_1082 = arith.constant 0 : i32
      %dma_start3A_1083 = tpu.memref_slice %arg8[%dma_start3A_1079, %dma_start3A_1080, %dma_start3A_1081, %dma_start3A_1082] : memref<4x8x8x129xf32, #tpu.memory_space<vmem>> -> memref<1x8x8x128xf32, #tpu.memory_space<vmem>>
      %dma_start3A_1084 = tpu.memref_squeeze %dma_start3A_1083 : memref<1x8x8x128xf32, #tpu.memory_space<vmem>> -> memref<8x8x128xf32, #tpu.memory_space<vmem>>
      %dma_start3A_1085 = arith.constant 0 : i32
      %dma_start3A_1086 = arith.constant 0 : i32
      %dma_start3A_1087 = arith.constant 0 : i32
      %dma_start3A_1088 = tpu.memref_slice %arg5[%add3A_933, %dma_start3A_1085, %add3A, %dma_start3A_1086, %dma_start3A_1087] : memref<200x8x32x8x128xf32, #tpu.memory_space<hbm>> -> memref<1x8x1x8x128xf32, #tpu.memory_space<hbm>>
      %dma_start3A_1089 = tpu.memref_squeeze %dma_start3A_1088 : memref<1x8x1x8x128xf32, #tpu.memory_space<hbm>> -> memref<8x8x128xf32, #tpu.memory_space<hbm>>
      %dma_start3A_1090 = arith.constant 0 : i32
      %dma_start3A_1091 = arith.constant 0 : i32
      %dma_start3A_1092 = arith.constant 0 : i32
      %dma_start3A_1093 = tpu.memref_slice %arg5[%add3A_933, %dma_start3A_1090, %add3A, %dma_start3A_1091, %dma_start3A_1092] : memref<200x8x32x8x128xf32, #tpu.memory_space<hbm>> -> memref<1x8x1x8x128xf32, #tpu.memory_space<hbm>>
      %dma_start3A_1094 = tpu.memref_squeeze %dma_start3A_1093 : memref<1x8x1x8x128xf32, #tpu.memory_space<hbm>> -> memref<8x8x128xf32, #tpu.memory_space<hbm>>
      %dma_start3A_1095 = arith.constant 0 : i32
      %dma_start3A_1096 = arith.constant 0 : i32
      %dma_start3A_1097 = arith.constant 0 : i32
      %dma_start3A_1098 = tpu.memref_slice %arg8[%dma_start3A_1079, %dma_start3A_1095, %dma_start3A_1096, %dma_start3A_1097] : memref<4x8x8x129xf32, #tpu.memory_space<vmem>> -> memref<1x8x8x128xf32, #tpu.memory_space<vmem>>
      %dma_start3A_1099 = tpu.memref_squeeze %dma_start3A_1098 : memref<1x8x8x128xf32, #tpu.memory_space<vmem>> -> memref<8x8x128xf32, #tpu.memory_space<vmem>>
      tpu.enqueue_dma source(%dma_start3A_1099 : memref<8x8x128xf32, #tpu.memory_space<vmem>>) target(%dma_start3A_1094 : memref<8x8x128xf32, #tpu.memory_space<hbm>>) target_semaphore(%arg15 : memref<!tpu.dma_semaphore, #tpu.memory_space<semaphore_mem>>)
      %add3A_1100 = arith.constant 2 : i32
      %add3A_1101 = arith.addi %add3A_772, %add3A_1100 : i32
      %add3A_1102 = arith.constant 4 : i32
      %add3A_1103 = arith.addi %add3A_1101, %add3A_1102 : i32
      %sub3A_1104 = arith.constant 1 : i32
      %sub3A_1105 = arith.subi %add3A_1103, %sub3A_1104 : i32
      %jit3A_1106 = arith.constant 8 : i32
      %div3A_1107 = arith.divsi %sub3A_1105, %jit3A_1106 : i32
      %sign3A_1108 = arith.constant 0 : i32
      %sign3A_1109 = arith.cmpi sgt, %sub3A_1105, %sign3A_1108 : i32
      %sign3A_1110 = arith.extui %sign3A_1109 : i1 to i32
      %sign3A_1111 = arith.constant 0 : i32
      %sign3A_1112 = arith.cmpi slt, %sub3A_1105, %sign3A_1111 : i32
      %sign3A_1113 = arith.extui %sign3A_1112 : i1 to i32
      %sign3A_1114 = arith.subi %sign3A_1110, %sign3A_1113 : i32
      %sign3A_1115 = arith.constant 0 : i32
      %sign3A_1116 = arith.cmpi sgt, %jit3A_1106, %sign3A_1115 : i32
      %sign3A_1117 = arith.extui %sign3A_1116 : i1 to i32
      %sign3A_1118 = arith.constant 0 : i32
      %sign3A_1119 = arith.cmpi slt, %jit3A_1106, %sign3A_1118 : i32
      %sign3A_1120 = arith.extui %sign3A_1119 : i1 to i32
      %sign3A_1121 = arith.subi %sign3A_1117, %sign3A_1120 : i32
      %ne3A_1122 = arith.cmpi ne, %sign3A_1114, %sign3A_1121 : i32
      %rem3A_1123 = arith.remsi %sub3A_1105, %jit3A_1106 : i32
      %ne3A_1124 = arith.constant 0 : i32
      %ne3A_1125 = arith.cmpi ne, %rem3A_1123, %ne3A_1124 : i32
      %and3A_1126 = arith.andi %ne3A_1122, %ne3A_1125 : i1
      %sub3A_1127 = arith.constant 1 : i32
      %sub3A_1128 = arith.subi %div3A_1107, %sub3A_1127 : i32
      %select_n3A_1129 = arith.select %and3A_1126, %sub3A_1128, %div3A_1107 : i32
      %jit3A_1130 = arith.constant 8 : i32
      %eq3A_1131 = arith.constant 0 : i32
      %eq3A_1132 = arith.cmpi eq, %jit3A_1130, %eq3A_1131 : i32
      %jit3A_1133 = arith.constant 1 : i32
      %select_n3A_1134 = arith.select %eq3A_1132, %jit3A_1133, %jit3A_1130 : i32
      %rem3A_1135 = arith.remsi %sub3A_1105, %select_n3A_1134 : i32
      %ne3A_1136 = arith.constant 0 : i32
      %ne3A_1137 = arith.cmpi ne, %rem3A_1135, %ne3A_1136 : i32
      %lt3A_1138 = arith.constant 0 : i32
      %lt3A_1139 = arith.cmpi slt, %rem3A_1135, %lt3A_1138 : i32
      %lt3A_1140 = arith.constant 0 : i32
      %lt3A_1141 = arith.cmpi slt, %select_n3A_1134, %lt3A_1140 : i32
      %ne3A_1142 = arith.xori %lt3A_1139, %lt3A_1141 : i1
      %and3A_1143 = arith.andi %ne3A_1142, %ne3A_1137 : i1
      %add3A_1144 = arith.addi %rem3A_1135, %select_n3A_1134 : i32
      %select_n3A_1145 = arith.select %and3A_1143, %add3A_1144, %rem3A_1135 : i32
      %dma_start3A_1146 = arith.constant 1 : i32
      %dma_start3A_1147 = arith.constant 0 : i32
      %dma_start3A_1148 = arith.constant 0 : i32
      %dma_start3A_1149 = tpu.memref_slice %arg7[%dma_start3A_1146, %dma_start3A_1147, %dma_start3A_1148] : memref<4x128x64xf32, #tpu.memory_space<vmem>> -> memref<1x128x64xf32, #tpu.memory_space<vmem>>
      %dma_start3A_1150 = tpu.memref_squeeze %dma_start3A_1149 : memref<1x128x64xf32, #tpu.memory_space<vmem>> -> memref<128x64xf32, #tpu.memory_space<vmem>>
      %dma_start3A_1151 = arith.constant 0 : i32
      %dma_start3A_1152 = tpu.memref_slice %arg6[%select_n3A_1129, %select_n3A_1145, %dma_start3A_1151] : memref<25x8x128xi32, #tpu.memory_space<vmem>> -> memref<1x1x128xi32, #tpu.memory_space<vmem>>
      %dma_start3A_1153 = tpu.memref_squeeze %dma_start3A_1152 : memref<1x1x128xi32, #tpu.memory_space<vmem>> -> memref<128xi32, #tpu.memory_space<vmem>>
      %dma_start3A_1154 = arith.constant 0 : i32
      %dma_start3A_1155 = arith.constant 0 : i32
      %dma_start3A_1156 = tpu.memref_slice %arg3[%dma_start3A_1154, %dma_start3A_1155] : memref<100000x64xf32, #tpu.memory_space<hbm>> -> memref<100000x64xf32, #tpu.memory_space<hbm>>
      tpu.enqueue_indirect_dma source(%dma_start3A_1156 : memref<100000x64xf32, #tpu.memory_space<hbm>>) target(%dma_start3A_1150 : memref<128x64xf32, #tpu.memory_space<vmem>>) offsets(%dma_start3A_1153 : memref<128xi32, #tpu.memory_space<vmem>>) semaphore(%arg11 : memref<!tpu.dma_semaphore, #tpu.memory_space<semaphore_mem>>)
      %jit3A_1157 = arith.constant 8 : i32
      %div3A_1158 = arith.divsi %add3A_1101, %jit3A_1157 : i32
      %sign3A_1159 = arith.constant 0 : i32
      %sign3A_1160 = arith.cmpi sgt, %add3A_1101, %sign3A_1159 : i32
      %sign3A_1161 = arith.extui %sign3A_1160 : i1 to i32
      %sign3A_1162 = arith.constant 0 : i32
      %sign3A_1163 = arith.cmpi slt, %add3A_1101, %sign3A_1162 : i32
      %sign3A_1164 = arith.extui %sign3A_1163 : i1 to i32
      %sign3A_1165 = arith.subi %sign3A_1161, %sign3A_1164 : i32
      %sign3A_1166 = arith.constant 0 : i32
      %sign3A_1167 = arith.cmpi sgt, %jit3A_1157, %sign3A_1166 : i32
      %sign3A_1168 = arith.extui %sign3A_1167 : i1 to i32
      %sign3A_1169 = arith.constant 0 : i32
      %sign3A_1170 = arith.cmpi slt, %jit3A_1157, %sign3A_1169 : i32
      %sign3A_1171 = arith.extui %sign3A_1170 : i1 to i32
      %sign3A_1172 = arith.subi %sign3A_1168, %sign3A_1171 : i32
      %ne3A_1173 = arith.cmpi ne, %sign3A_1165, %sign3A_1172 : i32
      %rem3A_1174 = arith.remsi %add3A_1101, %jit3A_1157 : i32
      %ne3A_1175 = arith.constant 0 : i32
      %ne3A_1176 = arith.cmpi ne, %rem3A_1174, %ne3A_1175 : i32
      %and3A_1177 = arith.andi %ne3A_1173, %ne3A_1176 : i1
      %sub3A_1178 = arith.constant 1 : i32
      %sub3A_1179 = arith.subi %div3A_1158, %sub3A_1178 : i32
      %select_n3A_1180 = arith.select %and3A_1177, %sub3A_1179, %div3A_1158 : i32
      %jit3A_1181 = arith.constant 8 : i32
      %eq3A_1182 = arith.constant 0 : i32
      %eq3A_1183 = arith.cmpi eq, %jit3A_1181, %eq3A_1182 : i32
      %jit3A_1184 = arith.constant 1 : i32
      %select_n3A_1185 = arith.select %eq3A_1183, %jit3A_1184, %jit3A_1181 : i32
      %rem3A_1186 = arith.remsi %add3A_1101, %select_n3A_1185 : i32
      %ne3A_1187 = arith.constant 0 : i32
      %ne3A_1188 = arith.cmpi ne, %rem3A_1186, %ne3A_1187 : i32
      %lt3A_1189 = arith.constant 0 : i32
      %lt3A_1190 = arith.cmpi slt, %rem3A_1186, %lt3A_1189 : i32
      %lt3A_1191 = arith.constant 0 : i32
      %lt3A_1192 = arith.cmpi slt, %select_n3A_1185, %lt3A_1191 : i32
      %ne3A_1193 = arith.xori %lt3A_1190, %lt3A_1192 : i1
      %and3A_1194 = arith.andi %ne3A_1193, %ne3A_1188 : i1
      %add3A_1195 = arith.addi %rem3A_1186, %select_n3A_1185 : i32
      %select_n3A_1196 = arith.select %and3A_1194, %add3A_1195, %rem3A_1186 : i32
      %dma_wait3A_1197 = arith.constant 2 : i32
      %dma_wait3A_1198 = arith.constant 0 : i32
      %dma_wait3A_1199 = arith.constant 0 : i32
      %dma_wait3A_1200 = tpu.memref_slice %arg7[%dma_wait3A_1197, %dma_wait3A_1198, %dma_wait3A_1199] : memref<4x128x64xf32, #tpu.memory_space<vmem>> -> memref<1x128x64xf32, #tpu.memory_space<vmem>>
      %dma_wait3A_1201 = tpu.memref_squeeze %dma_wait3A_1200 : memref<1x128x64xf32, #tpu.memory_space<vmem>> -> memref<128x64xf32, #tpu.memory_space<vmem>>
      %dma_wait3A_1202 = arith.constant 0 : i32
      %dma_wait3A_1203 = tpu.memref_slice %arg6[%select_n3A_1180, %select_n3A_1196, %dma_wait3A_1202] : memref<25x8x128xi32, #tpu.memory_space<vmem>> -> memref<1x1x128xi32, #tpu.memory_space<vmem>>
      %dma_wait3A_1204 = tpu.memref_squeeze %dma_wait3A_1203 : memref<1x1x128xi32, #tpu.memory_space<vmem>> -> memref<128xi32, #tpu.memory_space<vmem>>
      %dma_wait3A_1205 = arith.constant 0 : i32
      %dma_wait3A_1206 = arith.constant 0 : i32
      %dma_wait3A_1207 = tpu.memref_slice %arg3[%dma_wait3A_1205, %dma_wait3A_1206] : memref<100000x64xf32, #tpu.memory_space<hbm>> -> memref<100000x64xf32, #tpu.memory_space<hbm>>
      tpu.wait_indirect_dma semaphore(%arg12 : memref<!tpu.dma_semaphore, #tpu.memory_space<semaphore_mem>>) src(%dma_wait3A_1207 : memref<100000x64xf32, #tpu.memory_space<hbm>>) dst(%dma_wait3A_1201 : memref<128x64xf32, #tpu.memory_space<vmem>>)
      %sub3A_1208 = arith.constant 4 : i32
      %sub3A_1209 = arith.subi %add3A_1101, %sub3A_1208 : i32
      %dma_wait3A_1210 = arith.constant 2 : i32
      %dma_wait3A_1211 = arith.constant 0 : i32
      %dma_wait3A_1212 = arith.constant 0 : i32
      %dma_wait3A_1213 = arith.constant 0 : i32
      %dma_wait3A_1214 = tpu.memref_slice %arg8[%dma_wait3A_1210, %dma_wait3A_1211, %dma_wait3A_1212, %dma_wait3A_1213] : memref<4x8x8x129xf32, #tpu.memory_space<vmem>> -> memref<1x8x8x128xf32, #tpu.memory_space<vmem>>
      %dma_wait3A_1215 = tpu.memref_squeeze %dma_wait3A_1214 : memref<1x8x8x128xf32, #tpu.memory_space<vmem>> -> memref<8x8x128xf32, #tpu.memory_space<vmem>>
      %dma_wait3A_1216 = arith.constant 0 : i32
      %dma_wait3A_1217 = arith.constant 0 : i32
      %dma_wait3A_1218 = arith.constant 0 : i32
      %dma_wait3A_1219 = tpu.memref_slice %arg5[%sub3A_1209, %dma_wait3A_1216, %add3A, %dma_wait3A_1217, %dma_wait3A_1218] : memref<200x8x32x8x128xf32, #tpu.memory_space<hbm>> -> memref<1x8x1x8x128xf32, #tpu.memory_space<hbm>>
      %dma_wait3A_1220 = tpu.memref_squeeze %dma_wait3A_1219 : memref<1x8x1x8x128xf32, #tpu.memory_space<hbm>> -> memref<8x8x128xf32, #tpu.memory_space<hbm>>
      %dma_wait3A_1221 = arith.constant 0 : i32
      %dma_wait3A_1222 = arith.constant 0 : i32
      %dma_wait3A_1223 = arith.constant 0 : i32
      %dma_wait3A_1224 = tpu.memref_slice %arg5[%sub3A_1209, %dma_wait3A_1221, %add3A, %dma_wait3A_1222, %dma_wait3A_1223] : memref<200x8x32x8x128xf32, #tpu.memory_space<hbm>> -> memref<1x8x1x8x128xf32, #tpu.memory_space<hbm>>
      %dma_wait3A_1225 = tpu.memref_squeeze %dma_wait3A_1224 : memref<1x8x1x8x128xf32, #tpu.memory_space<hbm>> -> memref<8x8x128xf32, #tpu.memory_space<hbm>>
      %dma_wait3A_1226 = arith.constant 0 : i32
      %dma_wait3A_1227 = arith.constant 0 : i32
      %dma_wait3A_1228 = arith.constant 0 : i32
      %dma_wait3A_1229 = tpu.memref_slice %arg8[%dma_wait3A_1210, %dma_wait3A_1226, %dma_wait3A_1227, %dma_wait3A_1228] : memref<4x8x8x129xf32, #tpu.memory_space<vmem>> -> memref<1x8x8x128xf32, #tpu.memory_space<vmem>>
      %dma_wait3A_1230 = tpu.memref_squeeze %dma_wait3A_1229 : memref<1x8x8x128xf32, #tpu.memory_space<vmem>> -> memref<8x8x128xf32, #tpu.memory_space<vmem>>
      tpu.wait_dma2 semaphore(%arg16 : memref<!tpu.dma_semaphore, #tpu.memory_space<semaphore_mem>>) src(%dma_wait3A_1230 : memref<8x8x128xf32, #tpu.memory_space<vmem>>) dst(%dma_wait3A_1225 : memref<8x8x128xf32, #tpu.memory_space<hbm>>)
      %get3A_1231 = arith.index_cast %add3A_1101 : i32 to index
      %get3A_1232 = arith.constant 0 : index
      %get3A_1233 = tpu.vector_load %arg9[%get3A_1231, %get3A_1232] {strides = array<i32>} : memref<200x64xf32, #tpu.memory_space<vmem>>, vector<16xf32>,
      %get3A_1234 = arith.index_cast %add3A_1101 : i32 to index
      %get3A_1235 = arith.constant 16 : index
      %get3A_1236 = tpu.vector_load %arg9[%get3A_1234, %get3A_1235] {strides = array<i32>} : memref<200x64xf32, #tpu.memory_space<vmem>>, vector<16xf32>,
      %get3A_1237 = arith.index_cast %add3A_1101 : i32 to index
      %get3A_1238 = arith.constant 32 : index
      %get3A_1239 = tpu.vector_load %arg9[%get3A_1237, %get3A_1238] {strides = array<i32>} : memref<200x64xf32, #tpu.memory_space<vmem>>, vector<16xf32>,
      %get3A_1240 = arith.index_cast %add3A_1101 : i32 to index
      %get3A_1241 = arith.constant 48 : index
      %get3A_1242 = tpu.vector_load %arg9[%get3A_1240, %get3A_1241] {strides = array<i32>} : memref<200x64xf32, #tpu.memory_space<vmem>>, vector<16xf32>,
      %parallel_loop3A_1243 = arith.constant 0 : i32
      %parallel_loop3A_1244 = arith.constant 128 : i32
      %parallel_loop3A_1245 = arith.constant 1 : i32
      %parallel_loop3A_1246:4 = scf.for %parallel_loop3A_1436 = %parallel_loop3A_1243 to %parallel_loop3A_1244 step %parallel_loop3A_1245 iter_args(%parallel_loop3A_1437 = %get3A_1233, %parallel_loop3A_1438 = %get3A_1236, %parallel_loop3A_1439 = %get3A_1239, %parallel_loop3A_1440 = %get3A_1242) -> (vector<16xf32>, vector<16xf32>, vector<16xf32>, vector<16xf32>)  : i32 {
        %parallel_loop3A_1441 = vector.broadcast %parallel_loop3A_1436 : i32 to vector<16xi32>
        %parallel_loop3A_1442 = arith.constant 2 : i32
        %parallel_loop3A_1443 = arith.index_cast %parallel_loop3A_1442 : i32 to index
        %parallel_loop3A_1444 = arith.index_cast %parallel_loop3A_1436 : i32 to index
        %parallel_loop3A_1445 = arith.constant 0 : index
        %parallel_loop3A_1446 = tpu.vector_load %arg7[%parallel_loop3A_1443, %parallel_loop3A_1444, %parallel_loop3A_1445] {strides = array<i32>} : memref<4x128x64xf32, #tpu.memory_space<vmem>>, vector<16xf32>,
        %parallel_loop3A_1447 = arith.addf %parallel_loop3A_1446, %parallel_loop3A_1437 : vector<16xf32>
        %parallel_loop3A_1448 = arith.constant 2 : i32
        %parallel_loop3A_1449 = arith.constant 0 : i32
        %parallel_loop3A_1450 = arith.constant 0 : i32
        %parallel_loop3A_1451 = arith.constant 0 : i32
        %parallel_loop3A_1452 = tpu.memref_slice %arg8[%parallel_loop3A_1448, %parallel_loop3A_1449, %parallel_loop3A_1450, %parallel_loop3A_1451] : memref<4x8x8x129xf32, #tpu.memory_space<vmem>> -> memref<1x8x8x129xf32, #tpu.memory_space<vmem>>
        %parallel_loop3A_1453 = tpu.memref_squeeze %parallel_loop3A_1452 : memref<1x8x8x129xf32, #tpu.memory_space<vmem>> -> memref<8x8x129xf32, #tpu.memory_space<vmem>>
        tpu.vector_store_idx %parallel_loop3A_1453[%shift_right_arithmetic3A_5, %and3A_28, %parallel_loop3A_1441], %parallel_loop3A_1447 : memref<8x8x129xf32, #tpu.memory_space<vmem>>[vector<16xi32>, vector<16xi32>, vector<16xi32>], vector<16xf32>,
        %parallel_loop3A_1454 = arith.constant 2 : i32
        %parallel_loop3A_1455 = arith.index_cast %parallel_loop3A_1454 : i32 to index
        %parallel_loop3A_1456 = arith.index_cast %parallel_loop3A_1436 : i32 to index
        %parallel_loop3A_1457 = arith.constant 16 : index
        %parallel_loop3A_1458 = tpu.vector_load %arg7[%parallel_loop3A_1455, %parallel_loop3A_1456, %parallel_loop3A_1457] {strides = array<i32>} : memref<4x128x64xf32, #tpu.memory_space<vmem>>, vector<16xf32>,
        %parallel_loop3A_1459 = arith.addf %parallel_loop3A_1458, %parallel_loop3A_1438 : vector<16xf32>
        %parallel_loop3A_1460 = arith.constant 2 : i32
        %parallel_loop3A_1461 = arith.constant 0 : i32
        %parallel_loop3A_1462 = arith.constant 0 : i32
        %parallel_loop3A_1463 = arith.constant 0 : i32
        %parallel_loop3A_1464 = tpu.memref_slice %arg8[%parallel_loop3A_1460, %parallel_loop3A_1461, %parallel_loop3A_1462, %parallel_loop3A_1463] : memref<4x8x8x129xf32, #tpu.memory_space<vmem>> -> memref<1x8x8x129xf32, #tpu.memory_space<vmem>>
        %parallel_loop3A_1465 = tpu.memref_squeeze %parallel_loop3A_1464 : memref<1x8x8x129xf32, #tpu.memory_space<vmem>> -> memref<8x8x129xf32, #tpu.memory_space<vmem>>
        tpu.vector_store_idx %parallel_loop3A_1465[%shift_right_arithmetic3A_11, %and3A_34, %parallel_loop3A_1441], %parallel_loop3A_1459 : memref<8x8x129xf32, #tpu.memory_space<vmem>>[vector<16xi32>, vector<16xi32>, vector<16xi32>], vector<16xf32>,
        %parallel_loop3A_1466 = arith.constant 2 : i32
        %parallel_loop3A_1467 = arith.index_cast %parallel_loop3A_1466 : i32 to index
        %parallel_loop3A_1468 = arith.index_cast %parallel_loop3A_1436 : i32 to index
        %parallel_loop3A_1469 = arith.constant 32 : index
        %parallel_loop3A_1470 = tpu.vector_load %arg7[%parallel_loop3A_1467, %parallel_loop3A_1468, %parallel_loop3A_1469] {strides = array<i32>} : memref<4x128x64xf32, #tpu.memory_space<vmem>>, vector<16xf32>,
        %parallel_loop3A_1471 = arith.addf %parallel_loop3A_1470, %parallel_loop3A_1439 : vector<16xf32>
        %parallel_loop3A_1472 = arith.constant 2 : i32
        %parallel_loop3A_1473 = arith.constant 0 : i32
        %parallel_loop3A_1474 = arith.constant 0 : i32
        %parallel_loop3A_1475 = arith.constant 0 : i32
        %parallel_loop3A_1476 = tpu.memref_slice %arg8[%parallel_loop3A_1472, %parallel_loop3A_1473, %parallel_loop3A_1474, %parallel_loop3A_1475] : memref<4x8x8x129xf32, #tpu.memory_space<vmem>> -> memref<1x8x8x129xf32, #tpu.memory_space<vmem>>
        %parallel_loop3A_1477 = tpu.memref_squeeze %parallel_loop3A_1476 : memref<1x8x8x129xf32, #tpu.memory_space<vmem>> -> memref<8x8x129xf32, #tpu.memory_space<vmem>>
        tpu.vector_store_idx %parallel_loop3A_1477[%shift_right_arithmetic3A_17, %and3A_40, %parallel_loop3A_1441], %parallel_loop3A_1471 : memref<8x8x129xf32, #tpu.memory_space<vmem>>[vector<16xi32>, vector<16xi32>, vector<16xi32>], vector<16xf32>,
        %parallel_loop3A_1478 = arith.constant 2 : i32
        %parallel_loop3A_1479 = arith.index_cast %parallel_loop3A_1478 : i32 to index
        %parallel_loop3A_1480 = arith.index_cast %parallel_loop3A_1436 : i32 to index
        %parallel_loop3A_1481 = arith.constant 48 : index
        %parallel_loop3A_1482 = tpu.vector_load %arg7[%parallel_loop3A_1479, %parallel_loop3A_1480, %parallel_loop3A_1481] {strides = array<i32>} : memref<4x128x64xf32, #tpu.memory_space<vmem>>, vector<16xf32>,
        %parallel_loop3A_1483 = arith.addf %parallel_loop3A_1482, %parallel_loop3A_1440 : vector<16xf32>
        %parallel_loop3A_1484 = arith.constant 2 : i32
        %parallel_loop3A_1485 = arith.constant 0 : i32
        %parallel_loop3A_1486 = arith.constant 0 : i32
        %parallel_loop3A_1487 = arith.constant 0 : i32
        %parallel_loop3A_1488 = tpu.memref_slice %arg8[%parallel_loop3A_1484, %parallel_loop3A_1485, %parallel_loop3A_1486, %parallel_loop3A_1487] : memref<4x8x8x129xf32, #tpu.memory_space<vmem>> -> memref<1x8x8x129xf32, #tpu.memory_space<vmem>>
        %parallel_loop3A_1489 = tpu.memref_squeeze %parallel_loop3A_1488 : memref<1x8x8x129xf32, #tpu.memory_space<vmem>> -> memref<8x8x129xf32, #tpu.memory_space<vmem>>
        tpu.vector_store_idx %parallel_loop3A_1489[%shift_right_arithmetic3A_23, %and3A_46, %parallel_loop3A_1441], %parallel_loop3A_1483 : memref<8x8x129xf32, #tpu.memory_space<vmem>>[vector<16xi32>, vector<16xi32>, vector<16xi32>], vector<16xf32>,
        scf.yield %parallel_loop3A_1437, %parallel_loop3A_1438, %parallel_loop3A_1439, %parallel_loop3A_1440 : vector<16xf32>, vector<16xf32>, vector<16xf32>, vector<16xf32>
      } {sc.loop_unroll_factor = 2 : i64, sc.parallel_access}
      %dma_start3A_1247 = arith.constant 2 : i32
      %dma_start3A_1248 = arith.constant 0 : i32
      %dma_start3A_1249 = arith.constant 0 : i32
      %dma_start3A_1250 = arith.constant 0 : i32
      %dma_start3A_1251 = tpu.memref_slice %arg8[%dma_start3A_1247, %dma_start3A_1248, %dma_start3A_1249, %dma_start3A_1250] : memref<4x8x8x129xf32, #tpu.memory_space<vmem>> -> memref<1x8x8x128xf32, #tpu.memory_space<vmem>>
      %dma_start3A_1252 = tpu.memref_squeeze %dma_start3A_1251 : memref<1x8x8x128xf32, #tpu.memory_space<vmem>> -> memref<8x8x128xf32, #tpu.memory_space<vmem>>
      %dma_start3A_1253 = arith.constant 0 : i32
      %dma_start3A_1254 = arith.constant 0 : i32
      %dma_start3A_1255 = arith.constant 0 : i32
      %dma_start3A_1256 = tpu.memref_slice %arg5[%add3A_1101, %dma_start3A_1253, %add3A, %dma_start3A_1254, %dma_start3A_1255] : memref<200x8x32x8x128xf32, #tpu.memory_space<hbm>> -> memref<1x8x1x8x128xf32, #tpu.memory_space<hbm>>
      %dma_start3A_1257 = tpu.memref_squeeze %dma_start3A_1256 : memref<1x8x1x8x128xf32, #tpu.memory_space<hbm>> -> memref<8x8x128xf32, #tpu.memory_space<hbm>>
      %dma_start3A_1258 = arith.constant 0 : i32
      %dma_start3A_1259 = arith.constant 0 : i32
      %dma_start3A_1260 = arith.constant 0 : i32
      %dma_start3A_1261 = tpu.memref_slice %arg5[%add3A_1101, %dma_start3A_1258, %add3A, %dma_start3A_1259, %dma_start3A_1260] : memref<200x8x32x8x128xf32, #tpu.memory_space<hbm>> -> memref<1x8x1x8x128xf32, #tpu.memory_space<hbm>>
      %dma_start3A_1262 = tpu.memref_squeeze %dma_start3A_1261 : memref<1x8x1x8x128xf32, #tpu.memory_space<hbm>> -> memref<8x8x128xf32, #tpu.memory_space<hbm>>
      %dma_start3A_1263 = arith.constant 0 : i32
      %dma_start3A_1264 = arith.constant 0 : i32
      %dma_start3A_1265 = arith.constant 0 : i32
      %dma_start3A_1266 = tpu.memref_slice %arg8[%dma_start3A_1247, %dma_start3A_1263, %dma_start3A_1264, %dma_start3A_1265] : memref<4x8x8x129xf32, #tpu.memory_space<vmem>> -> memref<1x8x8x128xf32, #tpu.memory_space<vmem>>
      %dma_start3A_1267 = tpu.memref_squeeze %dma_start3A_1266 : memref<1x8x8x128xf32, #tpu.memory_space<vmem>> -> memref<8x8x128xf32, #tpu.memory_space<vmem>>
      tpu.enqueue_dma source(%dma_start3A_1267 : memref<8x8x128xf32, #tpu.memory_space<vmem>>) target(%dma_start3A_1262 : memref<8x8x128xf32, #tpu.memory_space<hbm>>) target_semaphore(%arg16 : memref<!tpu.dma_semaphore, #tpu.memory_space<semaphore_mem>>)
      %add3A_1268 = arith.constant 3 : i32
      %add3A_1269 = arith.addi %add3A_772, %add3A_1268 : i32
      %add3A_1270 = arith.constant 4 : i32
      %add3A_1271 = arith.addi %add3A_1269, %add3A_1270 : i32
      %sub3A_1272 = arith.constant 1 : i32
      %sub3A_1273 = arith.subi %add3A_1271, %sub3A_1272 : i32
      %jit3A_1274 = arith.constant 8 : i32
      %div3A_1275 = arith.divsi %sub3A_1273, %jit3A_1274 : i32
      %sign3A_1276 = arith.constant 0 : i32
      %sign3A_1277 = arith.cmpi sgt, %sub3A_1273, %sign3A_1276 : i32
      %sign3A_1278 = arith.extui %sign3A_1277 : i1 to i32
      %sign3A_1279 = arith.constant 0 : i32
      %sign3A_1280 = arith.cmpi slt, %sub3A_1273, %sign3A_1279 : i32
      %sign3A_1281 = arith.extui %sign3A_1280 : i1 to i32
      %sign3A_1282 = arith.subi %sign3A_1278, %sign3A_1281 : i32
      %sign3A_1283 = arith.constant 0 : i32
      %sign3A_1284 = arith.cmpi sgt, %jit3A_1274, %sign3A_1283 : i32
      %sign3A_1285 = arith.extui %sign3A_1284 : i1 to i32
      %sign3A_1286 = arith.constant 0 : i32
      %sign3A_1287 = arith.cmpi slt, %jit3A_1274, %sign3A_1286 : i32
      %sign3A_1288 = arith.extui %sign3A_1287 : i1 to i32
      %sign3A_1289 = arith.subi %sign3A_1285, %sign3A_1288 : i32
      %ne3A_1290 = arith.cmpi ne, %sign3A_1282, %sign3A_1289 : i32
      %rem3A_1291 = arith.remsi %sub3A_1273, %jit3A_1274 : i32
      %ne3A_1292 = arith.constant 0 : i32
      %ne3A_1293 = arith.cmpi ne, %rem3A_1291, %ne3A_1292 : i32
      %and3A_1294 = arith.andi %ne3A_1290, %ne3A_1293 : i1
      %sub3A_1295 = arith.constant 1 : i32
      %sub3A_1296 = arith.subi %div3A_1275, %sub3A_1295 : i32
      %select_n3A_1297 = arith.select %and3A_1294, %sub3A_1296, %div3A_1275 : i32
      %jit3A_1298 = arith.constant 8 : i32
      %eq3A_1299 = arith.constant 0 : i32
      %eq3A_1300 = arith.cmpi eq, %jit3A_1298, %eq3A_1299 : i32
      %jit3A_1301 = arith.constant 1 : i32
      %select_n3A_1302 = arith.select %eq3A_1300, %jit3A_1301, %jit3A_1298 : i32
      %rem3A_1303 = arith.remsi %sub3A_1273, %select_n3A_1302 : i32
      %ne3A_1304 = arith.constant 0 : i32
      %ne3A_1305 = arith.cmpi ne, %rem3A_1303, %ne3A_1304 : i32
      %lt3A_1306 = arith.constant 0 : i32
      %lt3A_1307 = arith.cmpi slt, %rem3A_1303, %lt3A_1306 : i32
      %lt3A_1308 = arith.constant 0 : i32
      %lt3A_1309 = arith.cmpi slt, %select_n3A_1302, %lt3A_1308 : i32
      %ne3A_1310 = arith.xori %lt3A_1307, %lt3A_1309 : i1
      %and3A_1311 = arith.andi %ne3A_1310, %ne3A_1305 : i1
      %add3A_1312 = arith.addi %rem3A_1303, %select_n3A_1302 : i32
      %select_n3A_1313 = arith.select %and3A_1311, %add3A_1312, %rem3A_1303 : i32
      %dma_start3A_1314 = arith.constant 2 : i32
      %dma_start3A_1315 = arith.constant 0 : i32
      %dma_start3A_1316 = arith.constant 0 : i32
      %dma_start3A_1317 = tpu.memref_slice %arg7[%dma_start3A_1314, %dma_start3A_1315, %dma_start3A_1316] : memref<4x128x64xf32, #tpu.memory_space<vmem>> -> memref<1x128x64xf32, #tpu.memory_space<vmem>>
      %dma_start3A_1318 = tpu.memref_squeeze %dma_start3A_1317 : memref<1x128x64xf32, #tpu.memory_space<vmem>> -> memref<128x64xf32, #tpu.memory_space<vmem>>
      %dma_start3A_1319 = arith.constant 0 : i32
      %dma_start3A_1320 = tpu.memref_slice %arg6[%select_n3A_1297, %select_n3A_1313, %dma_start3A_1319] : memref<25x8x128xi32, #tpu.memory_space<vmem>> -> memref<1x1x128xi32, #tpu.memory_space<vmem>>
      %dma_start3A_1321 = tpu.memref_squeeze %dma_start3A_1320 : memref<1x1x128xi32, #tpu.memory_space<vmem>> -> memref<128xi32, #tpu.memory_space<vmem>>
      %dma_start3A_1322 = arith.constant 0 : i32
      %dma_start3A_1323 = arith.constant 0 : i32
      %dma_start3A_1324 = tpu.memref_slice %arg3[%dma_start3A_1322, %dma_start3A_1323] : memref<100000x64xf32, #tpu.memory_space<hbm>> -> memref<100000x64xf32, #tpu.memory_space<hbm>>
      tpu.enqueue_indirect_dma source(%dma_start3A_1324 : memref<100000x64xf32, #tpu.memory_space<hbm>>) target(%dma_start3A_1318 : memref<128x64xf32, #tpu.memory_space<vmem>>) offsets(%dma_start3A_1321 : memref<128xi32, #tpu.memory_space<vmem>>) semaphore(%arg12 : memref<!tpu.dma_semaphore, #tpu.memory_space<semaphore_mem>>)
      %jit3A_1325 = arith.constant 8 : i32
      %div3A_1326 = arith.divsi %add3A_1269, %jit3A_1325 : i32
      %sign3A_1327 = arith.constant 0 : i32
      %sign3A_1328 = arith.cmpi sgt, %add3A_1269, %sign3A_1327 : i32
      %sign3A_1329 = arith.extui %sign3A_1328 : i1 to i32
      %sign3A_1330 = arith.constant 0 : i32
      %sign3A_1331 = arith.cmpi slt, %add3A_1269, %sign3A_1330 : i32
      %sign3A_1332 = arith.extui %sign3A_1331 : i1 to i32
      %sign3A_1333 = arith.subi %sign3A_1329, %sign3A_1332 : i32
      %sign3A_1334 = arith.constant 0 : i32
      %sign3A_1335 = arith.cmpi sgt, %jit3A_1325, %sign3A_1334 : i32
      %sign3A_1336 = arith.extui %sign3A_1335 : i1 to i32
      %sign3A_1337 = arith.constant 0 : i32
      %sign3A_1338 = arith.cmpi slt, %jit3A_1325, %sign3A_1337 : i32
      %sign3A_1339 = arith.extui %sign3A_1338 : i1 to i32
      %sign3A_1340 = arith.subi %sign3A_1336, %sign3A_1339 : i32
      %ne3A_1341 = arith.cmpi ne, %sign3A_1333, %sign3A_1340 : i32
      %rem3A_1342 = arith.remsi %add3A_1269, %jit3A_1325 : i32
      %ne3A_1343 = arith.constant 0 : i32
      %ne3A_1344 = arith.cmpi ne, %rem3A_1342, %ne3A_1343 : i32
      %and3A_1345 = arith.andi %ne3A_1341, %ne3A_1344 : i1
      %sub3A_1346 = arith.constant 1 : i32
      %sub3A_1347 = arith.subi %div3A_1326, %sub3A_1346 : i32
      %select_n3A_1348 = arith.select %and3A_1345, %sub3A_1347, %div3A_1326 : i32
      %jit3A_1349 = arith.constant 8 : i32
      %eq3A_1350 = arith.constant 0 : i32
      %eq3A_1351 = arith.cmpi eq, %jit3A_1349, %eq3A_1350 : i32
      %jit3A_1352 = arith.constant 1 : i32
      %select_n3A_1353 = arith.select %eq3A_1351, %jit3A_1352, %jit3A_1349 : i32
      %rem3A_1354 = arith.remsi %add3A_1269, %select_n3A_1353 : i32
      %ne3A_1355 = arith.constant 0 : i32
      %ne3A_1356 = arith.cmpi ne, %rem3A_1354, %ne3A_1355 : i32
      %lt3A_1357 = arith.constant 0 : i32
      %lt3A_1358 = arith.cmpi slt, %rem3A_1354, %lt3A_1357 : i32
      %lt3A_1359 = arith.constant 0 : i32
      %lt3A_1360 = arith.cmpi slt, %select_n3A_1353, %lt3A_1359 : i32
      %ne3A_1361 = arith.xori %lt3A_1358, %lt3A_1360 : i1
      %and3A_1362 = arith.andi %ne3A_1361, %ne3A_1356 : i1
      %add3A_1363 = arith.addi %rem3A_1354, %select_n3A_1353 : i32
      %select_n3A_1364 = arith.select %and3A_1362, %add3A_1363, %rem3A_1354 : i32
      %dma_wait3A_1365 = arith.constant 3 : i32
      %dma_wait3A_1366 = arith.constant 0 : i32
      %dma_wait3A_1367 = arith.constant 0 : i32
      %dma_wait3A_1368 = tpu.memref_slice %arg7[%dma_wait3A_1365, %dma_wait3A_1366, %dma_wait3A_1367] : memref<4x128x64xf32, #tpu.memory_space<vmem>> -> memref<1x128x64xf32, #tpu.memory_space<vmem>>
      %dma_wait3A_1369 = tpu.memref_squeeze %dma_wait3A_1368 : memref<1x128x64xf32, #tpu.memory_space<vmem>> -> memref<128x64xf32, #tpu.memory_space<vmem>>
      %dma_wait3A_1370 = arith.constant 0 : i32
      %dma_wait3A_1371 = tpu.memref_slice %arg6[%select_n3A_1348, %select_n3A_1364, %dma_wait3A_1370] : memref<25x8x128xi32, #tpu.memory_space<vmem>> -> memref<1x1x128xi32, #tpu.memory_space<vmem>>
      %dma_wait3A_1372 = tpu.memref_squeeze %dma_wait3A_1371 : memref<1x1x128xi32, #tpu.memory_space<vmem>> -> memref<128xi32, #tpu.memory_space<vmem>>
      %dma_wait3A_1373 = arith.constant 0 : i32
      %dma_wait3A_1374 = arith.constant 0 : i32
      %dma_wait3A_1375 = tpu.memref_slice %arg3[%dma_wait3A_1373, %dma_wait3A_1374] : memref<100000x64xf32, #tpu.memory_space<hbm>> -> memref<100000x64xf32, #tpu.memory_space<hbm>>
      tpu.wait_indirect_dma semaphore(%arg13 : memref<!tpu.dma_semaphore, #tpu.memory_space<semaphore_mem>>) src(%dma_wait3A_1375 : memref<100000x64xf32, #tpu.memory_space<hbm>>) dst(%dma_wait3A_1369 : memref<128x64xf32, #tpu.memory_space<vmem>>)
      %sub3A_1376 = arith.constant 4 : i32
      %sub3A_1377 = arith.subi %add3A_1269, %sub3A_1376 : i32
      %dma_wait3A_1378 = arith.constant 3 : i32
      %dma_wait3A_1379 = arith.constant 0 : i32
      %dma_wait3A_1380 = arith.constant 0 : i32
      %dma_wait3A_1381 = arith.constant 0 : i32
      %dma_wait3A_1382 = tpu.memref_slice %arg8[%dma_wait3A_1378, %dma_wait3A_1379, %dma_wait3A_1380, %dma_wait3A_1381] : memref<4x8x8x129xf32, #tpu.memory_space<vmem>> -> memref<1x8x8x128xf32, #tpu.memory_space<vmem>>
      %dma_wait3A_1383 = tpu.memref_squeeze %dma_wait3A_1382 : memref<1x8x8x128xf32, #tpu.memory_space<vmem>> -> memref<8x8x128xf32, #tpu.memory_space<vmem>>
      %dma_wait3A_1384 = arith.constant 0 : i32
      %dma_wait3A_1385 = arith.constant 0 : i32
      %dma_wait3A_1386 = arith.constant 0 : i32
      %dma_wait3A_1387 = tpu.memref_slice %arg5[%sub3A_1377, %dma_wait3A_1384, %add3A, %dma_wait3A_1385, %dma_wait3A_1386] : memref<200x8x32x8x128xf32, #tpu.memory_space<hbm>> -> memref<1x8x1x8x128xf32, #tpu.memory_space<hbm>>
      %dma_wait3A_1388 = tpu.memref_squeeze %dma_wait3A_1387 : memref<1x8x1x8x128xf32, #tpu.memory_space<hbm>> -> memref<8x8x128xf32, #tpu.memory_space<hbm>>
      %dma_wait3A_1389 = arith.constant 0 : i32
      %dma_wait3A_1390 = arith.constant 0 : i32
      %dma_wait3A_1391 = arith.constant 0 : i32
      %dma_wait3A_1392 = tpu.memref_slice %arg5[%sub3A_1377, %dma_wait3A_1389, %add3A, %dma_wait3A_1390, %dma_wait3A_1391] : memref<200x8x32x8x128xf32, #tpu.memory_space<hbm>> -> memref<1x8x1x8x128xf32, #tpu.memory_space<hbm>>
      %dma_wait3A_1393 = tpu.memref_squeeze %dma_wait3A_1392 : memref<1x8x1x8x128xf32, #tpu.memory_space<hbm>> -> memref<8x8x128xf32, #tpu.memory_space<hbm>>
      %dma_wait3A_1394 = arith.constant 0 : i32
      %dma_wait3A_1395 = arith.constant 0 : i32
      %dma_wait3A_1396 = arith.constant 0 : i32
      %dma_wait3A_1397 = tpu.memref_slice %arg8[%dma_wait3A_1378, %dma_wait3A_1394, %dma_wait3A_1395, %dma_wait3A_1396] : memref<4x8x8x129xf32, #tpu.memory_space<vmem>> -> memref<1x8x8x128xf32, #tpu.memory_space<vmem>>
      %dma_wait3A_1398 = tpu.memref_squeeze %dma_wait3A_1397 : memref<1x8x8x128xf32, #tpu.memory_space<vmem>> -> memref<8x8x128xf32, #tpu.memory_space<vmem>>
      tpu.wait_dma2 semaphore(%arg17 : memref<!tpu.dma_semaphore, #tpu.memory_space<semaphore_mem>>) src(%dma_wait3A_1398 : memref<8x8x128xf32, #tpu.memory_space<vmem>>) dst(%dma_wait3A_1393 : memref<8x8x128xf32, #tpu.memory_space<hbm>>)
      %get3A_1399 = arith.index_cast %add3A_1269 : i32 to index
      %get3A_1400 = arith.constant 0 : index
      %get3A_1401 = tpu.vector_load %arg9[%get3A_1399, %get3A_1400] {strides = array<i32>} : memref<200x64xf32, #tpu.memory_space<vmem>>, vector<16xf32>,
      %get3A_1402 = arith.index_cast %add3A_1269 : i32 to index
      %get3A_1403 = arith.constant 16 : index
      %get3A_1404 = tpu.vector_load %arg9[%get3A_1402, %get3A_1403] {strides = array<i32>} : memref<200x64xf32, #tpu.memory_space<vmem>>, vector<16xf32>,
      %get3A_1405 = arith.index_cast %add3A_1269 : i32 to index
      %get3A_1406 = arith.constant 32 : index
      %get3A_1407 = tpu.vector_load %arg9[%get3A_1405, %get3A_1406] {strides = array<i32>} : memref<200x64xf32, #tpu.memory_space<vmem>>, vector<16xf32>,
      %get3A_1408 = arith.index_cast %add3A_1269 : i32 to index
      %get3A_1409 = arith.constant 48 : index
      %get3A_1410 = tpu.vector_load %arg9[%get3A_1408, %get3A_1409] {strides = array<i32>} : memref<200x64xf32, #tpu.memory_space<vmem>>, vector<16xf32>,
      %parallel_loop3A_1411 = arith.constant 0 : i32
      %parallel_loop3A_1412 = arith.constant 128 : i32
      %parallel_loop3A_1413 = arith.constant 1 : i32
      %parallel_loop3A_1414:4 = scf.for %parallel_loop3A_1436 = %parallel_loop3A_1411 to %parallel_loop3A_1412 step %parallel_loop3A_1413 iter_args(%parallel_loop3A_1437 = %get3A_1401, %parallel_loop3A_1438 = %get3A_1404, %parallel_loop3A_1439 = %get3A_1407, %parallel_loop3A_1440 = %get3A_1410) -> (vector<16xf32>, vector<16xf32>, vector<16xf32>, vector<16xf32>)  : i32 {
        %parallel_loop3A_1441 = vector.broadcast %parallel_loop3A_1436 : i32 to vector<16xi32>
        %parallel_loop3A_1442 = arith.constant 3 : i32
        %parallel_loop3A_1443 = arith.index_cast %parallel_loop3A_1442 : i32 to index
        %parallel_loop3A_1444 = arith.index_cast %parallel_loop3A_1436 : i32 to index
        %parallel_loop3A_1445 = arith.constant 0 : index
        %parallel_loop3A_1446 = tpu.vector_load %arg7[%parallel_loop3A_1443, %parallel_loop3A_1444, %parallel_loop3A_1445] {strides = array<i32>} : memref<4x128x64xf32, #tpu.memory_space<vmem>>, vector<16xf32>,
        %parallel_loop3A_1447 = arith.addf %parallel_loop3A_1446, %parallel_loop3A_1437 : vector<16xf32>
        %parallel_loop3A_1448 = arith.constant 3 : i32
        %parallel_loop3A_1449 = arith.constant 0 : i32
        %parallel_loop3A_1450 = arith.constant 0 : i32
        %parallel_loop3A_1451 = arith.constant 0 : i32
        %parallel_loop3A_1452 = tpu.memref_slice %arg8[%parallel_loop3A_1448, %parallel_loop3A_1449, %parallel_loop3A_1450, %parallel_loop3A_1451] : memref<4x8x8x129xf32, #tpu.memory_space<vmem>> -> memref<1x8x8x129xf32, #tpu.memory_space<vmem>>
        %parallel_loop3A_1453 = tpu.memref_squeeze %parallel_loop3A_1452 : memref<1x8x8x129xf32, #tpu.memory_space<vmem>> -> memref<8x8x129xf32, #tpu.memory_space<vmem>>
        tpu.vector_store_idx %parallel_loop3A_1453[%shift_right_arithmetic3A_5, %and3A_28, %parallel_loop3A_1441], %parallel_loop3A_1447 : memref<8x8x129xf32, #tpu.memory_space<vmem>>[vector<16xi32>, vector<16xi32>, vector<16xi32>], vector<16xf32>,
        %parallel_loop3A_1454 = arith.constant 3 : i32
        %parallel_loop3A_1455 = arith.index_cast %parallel_loop3A_1454 : i32 to index
        %parallel_loop3A_1456 = arith.index_cast %parallel_loop3A_1436 : i32 to index
        %parallel_loop3A_1457 = arith.constant 16 : index
        %parallel_loop3A_1458 = tpu.vector_load %arg7[%parallel_loop3A_1455, %parallel_loop3A_1456, %parallel_loop3A_1457] {strides = array<i32>} : memref<4x128x64xf32, #tpu.memory_space<vmem>>, vector<16xf32>,
        %parallel_loop3A_1459 = arith.addf %parallel_loop3A_1458, %parallel_loop3A_1438 : vector<16xf32>
        %parallel_loop3A_1460 = arith.constant 3 : i32
        %parallel_loop3A_1461 = arith.constant 0 : i32
        %parallel_loop3A_1462 = arith.constant 0 : i32
        %parallel_loop3A_1463 = arith.constant 0 : i32
        %parallel_loop3A_1464 = tpu.memref_slice %arg8[%parallel_loop3A_1460, %parallel_loop3A_1461, %parallel_loop3A_1462, %parallel_loop3A_1463] : memref<4x8x8x129xf32, #tpu.memory_space<vmem>> -> memref<1x8x8x129xf32, #tpu.memory_space<vmem>>
        %parallel_loop3A_1465 = tpu.memref_squeeze %parallel_loop3A_1464 : memref<1x8x8x129xf32, #tpu.memory_space<vmem>> -> memref<8x8x129xf32, #tpu.memory_space<vmem>>
        tpu.vector_store_idx %parallel_loop3A_1465[%shift_right_arithmetic3A_11, %and3A_34, %parallel_loop3A_1441], %parallel_loop3A_1459 : memref<8x8x129xf32, #tpu.memory_space<vmem>>[vector<16xi32>, vector<16xi32>, vector<16xi32>], vector<16xf32>,
        %parallel_loop3A_1466 = arith.constant 3 : i32
        %parallel_loop3A_1467 = arith.index_cast %parallel_loop3A_1466 : i32 to index
        %parallel_loop3A_1468 = arith.index_cast %parallel_loop3A_1436 : i32 to index
        %parallel_loop3A_1469 = arith.constant 32 : index
        %parallel_loop3A_1470 = tpu.vector_load %arg7[%parallel_loop3A_1467, %parallel_loop3A_1468, %parallel_loop3A_1469] {strides = array<i32>} : memref<4x128x64xf32, #tpu.memory_space<vmem>>, vector<16xf32>,
        %parallel_loop3A_1471 = arith.addf %parallel_loop3A_1470, %parallel_loop3A_1439 : vector<16xf32>
        %parallel_loop3A_1472 = arith.constant 3 : i32
        %parallel_loop3A_1473 = arith.constant 0 : i32
        %parallel_loop3A_1474 = arith.constant 0 : i32
        %parallel_loop3A_1475 = arith.constant 0 : i32
        %parallel_loop3A_1476 = tpu.memref_slice %arg8[%parallel_loop3A_1472, %parallel_loop3A_1473, %parallel_loop3A_1474, %parallel_loop3A_1475] : memref<4x8x8x129xf32, #tpu.memory_space<vmem>> -> memref<1x8x8x129xf32, #tpu.memory_space<vmem>>
        %parallel_loop3A_1477 = tpu.memref_squeeze %parallel_loop3A_1476 : memref<1x8x8x129xf32, #tpu.memory_space<vmem>> -> memref<8x8x129xf32, #tpu.memory_space<vmem>>
        tpu.vector_store_idx %parallel_loop3A_1477[%shift_right_arithmetic3A_17, %and3A_40, %parallel_loop3A_1441], %parallel_loop3A_1471 : memref<8x8x129xf32, #tpu.memory_space<vmem>>[vector<16xi32>, vector<16xi32>, vector<16xi32>], vector<16xf32>,
        %parallel_loop3A_1478 = arith.constant 3 : i32
        %parallel_loop3A_1479 = arith.index_cast %parallel_loop3A_1478 : i32 to index
        %parallel_loop3A_1480 = arith.index_cast %parallel_loop3A_1436 : i32 to index
        %parallel_loop3A_1481 = arith.constant 48 : index
        %parallel_loop3A_1482 = tpu.vector_load %arg7[%parallel_loop3A_1479, %parallel_loop3A_1480, %parallel_loop3A_1481] {strides = array<i32>} : memref<4x128x64xf32, #tpu.memory_space<vmem>>, vector<16xf32>,
        %parallel_loop3A_1483 = arith.addf %parallel_loop3A_1482, %parallel_loop3A_1440 : vector<16xf32>
        %parallel_loop3A_1484 = arith.constant 3 : i32
        %parallel_loop3A_1485 = arith.constant 0 : i32
        %parallel_loop3A_1486 = arith.constant 0 : i32
        %parallel_loop3A_1487 = arith.constant 0 : i32
        %parallel_loop3A_1488 = tpu.memref_slice %arg8[%parallel_loop3A_1484, %parallel_loop3A_1485, %parallel_loop3A_1486, %parallel_loop3A_1487] : memref<4x8x8x129xf32, #tpu.memory_space<vmem>> -> memref<1x8x8x129xf32, #tpu.memory_space<vmem>>
        %parallel_loop3A_1489 = tpu.memref_squeeze %parallel_loop3A_1488 : memref<1x8x8x129xf32, #tpu.memory_space<vmem>> -> memref<8x8x129xf32, #tpu.memory_space<vmem>>
        tpu.vector_store_idx %parallel_loop3A_1489[%shift_right_arithmetic3A_23, %and3A_46, %parallel_loop3A_1441], %parallel_loop3A_1483 : memref<8x8x129xf32, #tpu.memory_space<vmem>>[vector<16xi32>, vector<16xi32>, vector<16xi32>], vector<16xf32>,
        scf.yield %parallel_loop3A_1437, %parallel_loop3A_1438, %parallel_loop3A_1439, %parallel_loop3A_1440 : vector<16xf32>, vector<16xf32>, vector<16xf32>, vector<16xf32>
      } {sc.loop_unroll_factor = 2 : i64, sc.parallel_access}
      %dma_start3A_1415 = arith.constant 3 : i32
      %dma_start3A_1416 = arith.constant 0 : i32
      %dma_start3A_1417 = arith.constant 0 : i32
      %dma_start3A_1418 = arith.constant 0 : i32
      %dma_start3A_1419 = tpu.memref_slice %arg8[%dma_start3A_1415, %dma_start3A_1416, %dma_start3A_1417, %dma_start3A_1418] : memref<4x8x8x129xf32, #tpu.memory_space<vmem>> -> memref<1x8x8x128xf32, #tpu.memory_space<vmem>>
      %dma_start3A_1420 = tpu.memref_squeeze %dma_start3A_1419 : memref<1x8x8x128xf32, #tpu.memory_space<vmem>> -> memref<8x8x128xf32, #tpu.memory_space<vmem>>
      %dma_start3A_1421 = arith.constant 0 : i32
      %dma_start3A_1422 = arith.constant 0 : i32
      %dma_start3A_1423 = arith.constant 0 : i32
      %dma_start3A_1424 = tpu.memref_slice %arg5[%add3A_1269, %dma_start3A_1421, %add3A, %dma_start3A_1422, %dma_start3A_1423] : memref<200x8x32x8x128xf32, #tpu.memory_space<hbm>> -> memref<1x8x1x8x128xf32, #tpu.memory_space<hbm>>
      %dma_start3A_1425 = tpu.memref_squeeze %dma_start3A_1424 : memref<1x8x1x8x128xf32, #tpu.memory_space<hbm>> -> memref<8x8x128xf32, #tpu.memory_space<hbm>>
      %dma_start3A_1426 = arith.constant 0 : i32
      %dma_start3A_1427 = arith.constant 0 : i32
      %dma_start3A_1428 = arith.constant 0 : i32
      %dma_start3A_1429 = tpu.memref_slice %arg5[%add3A_1269, %dma_start3A_1426, %add3A, %dma_start3A_1427, %dma_start3A_1428] : memref<200x8x32x8x128xf32, #tpu.memory_space<hbm>> -> memref<1x8x1x8x128xf32, #tpu.memory_space<hbm>>
      %dma_start3A_1430 = tpu.memref_squeeze %dma_start3A_1429 : memref<1x8x1x8x128xf32, #tpu.memory_space<hbm>> -> memref<8x8x128xf32, #tpu.memory_space<hbm>>
      %dma_start3A_1431 = arith.constant 0 : i32
      %dma_start3A_1432 = arith.constant 0 : i32
      %dma_start3A_1433 = arith.constant 0 : i32
      %dma_start3A_1434 = tpu.memref_slice %arg8[%dma_start3A_1415, %dma_start3A_1431, %dma_start3A_1432, %dma_start3A_1433] : memref<4x8x8x129xf32, #tpu.memory_space<vmem>> -> memref<1x8x8x128xf32, #tpu.memory_space<vmem>>
      %dma_start3A_1435 = tpu.memref_squeeze %dma_start3A_1434 : memref<1x8x8x128xf32, #tpu.memory_space<vmem>> -> memref<8x8x128xf32, #tpu.memory_space<vmem>>
      tpu.enqueue_dma source(%dma_start3A_1435 : memref<8x8x128xf32, #tpu.memory_space<vmem>>) target(%dma_start3A_1430 : memref<8x8x128xf32, #tpu.memory_space<hbm>>) target_semaphore(%arg17 : memref<!tpu.dma_semaphore, #tpu.memory_space<semaphore_mem>>)
    }
    %scan3A_358 = arith.constant 48 : i32
    %dma_start3A_359 = arith.constant 24 : i32
    %dma_start3A_360 = arith.constant 7 : i32
    %dma_start3A_361 = arith.constant 3 : i32
    %dma_start3A_362 = arith.constant 0 : i32
    %dma_start3A_363 = arith.constant 0 : i32
    %dma_start3A_364 = tpu.memref_slice %arg7[%dma_start3A_361, %dma_start3A_362, %dma_start3A_363] : memref<4x128x64xf32, #tpu.memory_space<vmem>> -> memref<1x128x64xf32, #tpu.memory_space<vmem>>
    %dma_start3A_365 = tpu.memref_squeeze %dma_start3A_364 : memref<1x128x64xf32, #tpu.memory_space<vmem>> -> memref<128x64xf32, #tpu.memory_space<vmem>>
    %dma_start3A_366 = arith.constant 0 : i32
    %dma_start3A_367 = tpu.memref_slice %arg6[%dma_start3A_359, %dma_start3A_360, %dma_start3A_366] : memref<25x8x128xi32, #tpu.memory_space<vmem>> -> memref<1x1x128xi32, #tpu.memory_space<vmem>>
    %dma_start3A_368 = tpu.memref_squeeze %dma_start3A_367 : memref<1x1x128xi32, #tpu.memory_space<vmem>> -> memref<128xi32, #tpu.memory_space<vmem>>
    %dma_start3A_369 = arith.constant 0 : i32
    %dma_start3A_370 = arith.constant 0 : i32
    %dma_start3A_371 = tpu.memref_slice %arg3[%dma_start3A_369, %dma_start3A_370] : memref<100000x64xf32, #tpu.memory_space<hbm>> -> memref<100000x64xf32, #tpu.memory_space<hbm>>
    tpu.enqueue_indirect_dma source(%dma_start3A_371 : memref<100000x64xf32, #tpu.memory_space<hbm>>) target(%dma_start3A_365 : memref<128x64xf32, #tpu.memory_space<vmem>>) offsets(%dma_start3A_368 : memref<128xi32, #tpu.memory_space<vmem>>) semaphore(%arg13 : memref<!tpu.dma_semaphore, #tpu.memory_space<semaphore_mem>>)
    %dma_wait3A_372 = arith.constant 24 : i32
    %dma_wait3A_373 = arith.constant 4 : i32
    %dma_wait3A_374 = arith.constant 0 : i32
    %dma_wait3A_375 = arith.constant 0 : i32
    %dma_wait3A_376 = arith.constant 0 : i32
    %dma_wait3A_377 = tpu.memref_slice %arg7[%dma_wait3A_374, %dma_wait3A_375, %dma_wait3A_376] : memref<4x128x64xf32, #tpu.memory_space<vmem>> -> memref<1x128x64xf32, #tpu.memory_space<vmem>>
    %dma_wait3A_378 = tpu.memref_squeeze %dma_wait3A_377 : memref<1x128x64xf32, #tpu.memory_space<vmem>> -> memref<128x64xf32, #tpu.memory_space<vmem>>
    %dma_wait3A_379 = arith.constant 0 : i32
    %dma_wait3A_380 = tpu.memref_slice %arg6[%dma_wait3A_372, %dma_wait3A_373, %dma_wait3A_379] : memref<25x8x128xi32, #tpu.memory_space<vmem>> -> memref<1x1x128xi32, #tpu.memory_space<vmem>>
    %dma_wait3A_381 = tpu.memref_squeeze %dma_wait3A_380 : memref<1x1x128xi32, #tpu.memory_space<vmem>> -> memref<128xi32, #tpu.memory_space<vmem>>
    %dma_wait3A_382 = arith.constant 0 : i32
    %dma_wait3A_383 = arith.constant 0 : i32
    %dma_wait3A_384 = tpu.memref_slice %arg3[%dma_wait3A_382, %dma_wait3A_383] : memref<100000x64xf32, #tpu.memory_space<hbm>> -> memref<100000x64xf32, #tpu.memory_space<hbm>>
    tpu.wait_indirect_dma semaphore(%arg10 : memref<!tpu.dma_semaphore, #tpu.memory_space<semaphore_mem>>) src(%dma_wait3A_384 : memref<100000x64xf32, #tpu.memory_space<hbm>>) dst(%dma_wait3A_378 : memref<128x64xf32, #tpu.memory_space<vmem>>)
    %dma_wait3A_385 = arith.constant 0 : i32
    %dma_wait3A_386 = arith.constant 192 : i32
    %dma_wait3A_387 = arith.constant 0 : i32
    %dma_wait3A_388 = arith.constant 0 : i32
    %dma_wait3A_389 = arith.constant 0 : i32
    %dma_wait3A_390 = tpu.memref_slice %arg8[%dma_wait3A_385, %dma_wait3A_387, %dma_wait3A_388, %dma_wait3A_389] : memref<4x8x8x129xf32, #tpu.memory_space<vmem>> -> memref<1x8x8x128xf32, #tpu.memory_space<vmem>>
    %dma_wait3A_391 = tpu.memref_squeeze %dma_wait3A_390 : memref<1x8x8x128xf32, #tpu.memory_space<vmem>> -> memref<8x8x128xf32, #tpu.memory_space<vmem>>
    %dma_wait3A_392 = arith.constant 0 : i32
    %dma_wait3A_393 = arith.constant 0 : i32
    %dma_wait3A_394 = arith.constant 0 : i32
    %dma_wait3A_395 = tpu.memref_slice %arg5[%dma_wait3A_386, %dma_wait3A_392, %add3A, %dma_wait3A_393, %dma_wait3A_394] : memref<200x8x32x8x128xf32, #tpu.memory_space<hbm>> -> memref<1x8x1x8x128xf32, #tpu.memory_space<hbm>>
    %dma_wait3A_396 = tpu.memref_squeeze %dma_wait3A_395 : memref<1x8x1x8x128xf32, #tpu.memory_space<hbm>> -> memref<8x8x128xf32, #tpu.memory_space<hbm>>
    %dma_wait3A_397 = arith.constant 0 : i32
    %dma_wait3A_398 = arith.constant 0 : i32
    %dma_wait3A_399 = arith.constant 0 : i32
    %dma_wait3A_400 = tpu.memref_slice %arg5[%dma_wait3A_386, %dma_wait3A_397, %add3A, %dma_wait3A_398, %dma_wait3A_399] : memref<200x8x32x8x128xf32, #tpu.memory_space<hbm>> -> memref<1x8x1x8x128xf32, #tpu.memory_space<hbm>>
    %dma_wait3A_401 = tpu.memref_squeeze %dma_wait3A_400 : memref<1x8x1x8x128xf32, #tpu.memory_space<hbm>> -> memref<8x8x128xf32, #tpu.memory_space<hbm>>
    %dma_wait3A_402 = arith.constant 0 : i32
    %dma_wait3A_403 = arith.constant 0 : i32
    %dma_wait3A_404 = arith.constant 0 : i32
    %dma_wait3A_405 = tpu.memref_slice %arg8[%dma_wait3A_385, %dma_wait3A_402, %dma_wait3A_403, %dma_wait3A_404] : memref<4x8x8x129xf32, #tpu.memory_space<vmem>> -> memref<1x8x8x128xf32, #tpu.memory_space<vmem>>
    %dma_wait3A_406 = tpu.memref_squeeze %dma_wait3A_405 : memref<1x8x8x128xf32, #tpu.memory_space<vmem>> -> memref<8x8x128xf32, #tpu.memory_space<vmem>>
    tpu.wait_dma2 semaphore(%arg14 : memref<!tpu.dma_semaphore, #tpu.memory_space<semaphore_mem>>) src(%dma_wait3A_406 : memref<8x8x128xf32, #tpu.memory_space<vmem>>) dst(%dma_wait3A_401 : memref<8x8x128xf32, #tpu.memory_space<hbm>>)
    %get3A_407 = arith.constant 196 : i32
    %get3A_408 = arith.index_cast %get3A_407 : i32 to index
    %get3A_409 = arith.constant 0 : index
    %get3A_410 = tpu.vector_load %arg9[%get3A_408, %get3A_409] {strides = array<i32>} : memref<200x64xf32, #tpu.memory_space<vmem>>, vector<16xf32>,
    %get3A_411 = arith.constant 196 : i32
    %get3A_412 = arith.index_cast %get3A_411 : i32 to index
    %get3A_413 = arith.constant 16 : index
    %get3A_414 = tpu.vector_load %arg9[%get3A_412, %get3A_413] {strides = array<i32>} : memref<200x64xf32, #tpu.memory_space<vmem>>, vector<16xf32>,
    %get3A_415 = arith.constant 196 : i32
    %get3A_416 = arith.index_cast %get3A_415 : i32 to index
    %get3A_417 = arith.constant 32 : index
    %get3A_418 = tpu.vector_load %arg9[%get3A_416, %get3A_417] {strides = array<i32>} : memref<200x64xf32, #tpu.memory_space<vmem>>, vector<16xf32>,
    %get3A_419 = arith.constant 196 : i32
    %get3A_420 = arith.index_cast %get3A_419 : i32 to index
    %get3A_421 = arith.constant 48 : index
    %get3A_422 = tpu.vector_load %arg9[%get3A_420, %get3A_421] {strides = array<i32>} : memref<200x64xf32, #tpu.memory_space<vmem>>, vector<16xf32>,
    %parallel_loop3A_423 = arith.constant 0 : i32
    %parallel_loop3A_424 = arith.constant 128 : i32
    %parallel_loop3A_425 = arith.constant 1 : i32
    %parallel_loop3A_426:4 = scf.for %parallel_loop3A_768 = %parallel_loop3A_423 to %parallel_loop3A_424 step %parallel_loop3A_425 iter_args(%parallel_loop3A_769 = %get3A_410, %parallel_loop3A_770 = %get3A_414, %parallel_loop3A_771 = %get3A_418, %parallel_loop3A_772 = %get3A_422) -> (vector<16xf32>, vector<16xf32>, vector<16xf32>, vector<16xf32>)  : i32 {
      %parallel_loop3A_773 = vector.broadcast %parallel_loop3A_768 : i32 to vector<16xi32>
      %parallel_loop3A_774 = arith.constant 0 : i32
      %parallel_loop3A_775 = arith.index_cast %parallel_loop3A_774 : i32 to index
      %parallel_loop3A_776 = arith.index_cast %parallel_loop3A_768 : i32 to index
      %parallel_loop3A_777 = arith.constant 0 : index
      %parallel_loop3A_778 = tpu.vector_load %arg7[%parallel_loop3A_775, %parallel_loop3A_776, %parallel_loop3A_777] {strides = array<i32>} : memref<4x128x64xf32, #tpu.memory_space<vmem>>, vector<16xf32>,
      %parallel_loop3A_779 = arith.addf %parallel_loop3A_778, %parallel_loop3A_769 : vector<16xf32>
      %parallel_loop3A_780 = arith.constant 0 : i32
      %parallel_loop3A_781 = arith.constant 0 : i32
      %parallel_loop3A_782 = arith.constant 0 : i32
      %parallel_loop3A_783 = arith.constant 0 : i32
      %parallel_loop3A_784 = tpu.memref_slice %arg8[%parallel_loop3A_780, %parallel_loop3A_781, %parallel_loop3A_782, %parallel_loop3A_783] : memref<4x8x8x129xf32, #tpu.memory_space<vmem>> -> memref<1x8x8x129xf32, #tpu.memory_space<vmem>>
      %parallel_loop3A_785 = tpu.memref_squeeze %parallel_loop3A_784 : memref<1x8x8x129xf32, #tpu.memory_space<vmem>> -> memref<8x8x129xf32, #tpu.memory_space<vmem>>
      tpu.vector_store_idx %parallel_loop3A_785[%shift_right_arithmetic3A_5, %and3A_28, %parallel_loop3A_773], %parallel_loop3A_779 : memref<8x8x129xf32, #tpu.memory_space<vmem>>[vector<16xi32>, vector<16xi32>, vector<16xi32>], vector<16xf32>,
      %parallel_loop3A_786 = arith.constant 0 : i32
      %parallel_loop3A_787 = arith.index_cast %parallel_loop3A_786 : i32 to index
      %parallel_loop3A_788 = arith.index_cast %parallel_loop3A_768 : i32 to index
      %parallel_loop3A_789 = arith.constant 16 : index
      %parallel_loop3A_790 = tpu.vector_load %arg7[%parallel_loop3A_787, %parallel_loop3A_788, %parallel_loop3A_789] {strides = array<i32>} : memref<4x128x64xf32, #tpu.memory_space<vmem>>, vector<16xf32>,
      %parallel_loop3A_791 = arith.addf %parallel_loop3A_790, %parallel_loop3A_770 : vector<16xf32>
      %parallel_loop3A_792 = arith.constant 0 : i32
      %parallel_loop3A_793 = arith.constant 0 : i32
      %parallel_loop3A_794 = arith.constant 0 : i32
      %parallel_loop3A_795 = arith.constant 0 : i32
      %parallel_loop3A_796 = tpu.memref_slice %arg8[%parallel_loop3A_792, %parallel_loop3A_793, %parallel_loop3A_794, %parallel_loop3A_795] : memref<4x8x8x129xf32, #tpu.memory_space<vmem>> -> memref<1x8x8x129xf32, #tpu.memory_space<vmem>>
      %parallel_loop3A_797 = tpu.memref_squeeze %parallel_loop3A_796 : memref<1x8x8x129xf32, #tpu.memory_space<vmem>> -> memref<8x8x129xf32, #tpu.memory_space<vmem>>
      tpu.vector_store_idx %parallel_loop3A_797[%shift_right_arithmetic3A_11, %and3A_34, %parallel_loop3A_773], %parallel_loop3A_791 : memref<8x8x129xf32, #tpu.memory_space<vmem>>[vector<16xi32>, vector<16xi32>, vector<16xi32>], vector<16xf32>,
      %parallel_loop3A_798 = arith.constant 0 : i32
      %parallel_loop3A_799 = arith.index_cast %parallel_loop3A_798 : i32 to index
      %parallel_loop3A_800 = arith.index_cast %parallel_loop3A_768 : i32 to index
      %parallel_loop3A_801 = arith.constant 32 : index
      %parallel_loop3A_802 = tpu.vector_load %arg7[%parallel_loop3A_799, %parallel_loop3A_800, %parallel_loop3A_801] {strides = array<i32>} : memref<4x128x64xf32, #tpu.memory_space<vmem>>, vector<16xf32>,
      %parallel_loop3A_803 = arith.addf %parallel_loop3A_802, %parallel_loop3A_771 : vector<16xf32>
      %parallel_loop3A_804 = arith.constant 0 : i32
      %parallel_loop3A_805 = arith.constant 0 : i32
      %parallel_loop3A_806 = arith.constant 0 : i32
      %parallel_loop3A_807 = arith.constant 0 : i32
      %parallel_loop3A_808 = tpu.memref_slice %arg8[%parallel_loop3A_804, %parallel_loop3A_805, %parallel_loop3A_806, %parallel_loop3A_807] : memref<4x8x8x129xf32, #tpu.memory_space<vmem>> -> memref<1x8x8x129xf32, #tpu.memory_space<vmem>>
      %parallel_loop3A_809 = tpu.memref_squeeze %parallel_loop3A_808 : memref<1x8x8x129xf32, #tpu.memory_space<vmem>> -> memref<8x8x129xf32, #tpu.memory_space<vmem>>
      tpu.vector_store_idx %parallel_loop3A_809[%shift_right_arithmetic3A_17, %and3A_40, %parallel_loop3A_773], %parallel_loop3A_803 : memref<8x8x129xf32, #tpu.memory_space<vmem>>[vector<16xi32>, vector<16xi32>, vector<16xi32>], vector<16xf32>,
      %parallel_loop3A_810 = arith.constant 0 : i32
      %parallel_loop3A_811 = arith.index_cast %parallel_loop3A_810 : i32 to index
      %parallel_loop3A_812 = arith.index_cast %parallel_loop3A_768 : i32 to index
      %parallel_loop3A_813 = arith.constant 48 : index
      %parallel_loop3A_814 = tpu.vector_load %arg7[%parallel_loop3A_811, %parallel_loop3A_812, %parallel_loop3A_813] {strides = array<i32>} : memref<4x128x64xf32, #tpu.memory_space<vmem>>, vector<16xf32>,
      %parallel_loop3A_815 = arith.addf %parallel_loop3A_814, %parallel_loop3A_772 : vector<16xf32>
      %parallel_loop3A_816 = arith.constant 0 : i32
      %parallel_loop3A_817 = arith.constant 0 : i32
      %parallel_loop3A_818 = arith.constant 0 : i32
      %parallel_loop3A_819 = arith.constant 0 : i32
      %parallel_loop3A_820 = tpu.memref_slice %arg8[%parallel_loop3A_816, %parallel_loop3A_817, %parallel_loop3A_818, %parallel_loop3A_819] : memref<4x8x8x129xf32, #tpu.memory_space<vmem>> -> memref<1x8x8x129xf32, #tpu.memory_space<vmem>>
      %parallel_loop3A_821 = tpu.memref_squeeze %parallel_loop3A_820 : memref<1x8x8x129xf32, #tpu.memory_space<vmem>> -> memref<8x8x129xf32, #tpu.memory_space<vmem>>
      tpu.vector_store_idx %parallel_loop3A_821[%shift_right_arithmetic3A_23, %and3A_46, %parallel_loop3A_773], %parallel_loop3A_815 : memref<8x8x129xf32, #tpu.memory_space<vmem>>[vector<16xi32>, vector<16xi32>, vector<16xi32>], vector<16xf32>,
      scf.yield %parallel_loop3A_769, %parallel_loop3A_770, %parallel_loop3A_771, %parallel_loop3A_772 : vector<16xf32>, vector<16xf32>, vector<16xf32>, vector<16xf32>
    } {sc.loop_unroll_factor = 2 : i64, sc.parallel_access}
    %dma_start3A_427 = arith.constant 0 : i32
    %dma_start3A_428 = arith.constant 196 : i32
    %dma_start3A_429 = arith.constant 0 : i32
    %dma_start3A_430 = arith.constant 0 : i32
    %dma_start3A_431 = arith.constant 0 : i32
    %dma_start3A_432 = tpu.memref_slice %arg8[%dma_start3A_427, %dma_start3A_429, %dma_start3A_430, %dma_start3A_431] : memref<4x8x8x129xf32, #tpu.memory_space<vmem>> -> memref<1x8x8x128xf32, #tpu.memory_space<vmem>>
    %dma_start3A_433 = tpu.memref_squeeze %dma_start3A_432 : memref<1x8x8x128xf32, #tpu.memory_space<vmem>> -> memref<8x8x128xf32, #tpu.memory_space<vmem>>
    %dma_start3A_434 = arith.constant 0 : i32
    %dma_start3A_435 = arith.constant 0 : i32
    %dma_start3A_436 = arith.constant 0 : i32
    %dma_start3A_437 = tpu.memref_slice %arg5[%dma_start3A_428, %dma_start3A_434, %add3A, %dma_start3A_435, %dma_start3A_436] : memref<200x8x32x8x128xf32, #tpu.memory_space<hbm>> -> memref<1x8x1x8x128xf32, #tpu.memory_space<hbm>>
    %dma_start3A_438 = tpu.memref_squeeze %dma_start3A_437 : memref<1x8x1x8x128xf32, #tpu.memory_space<hbm>> -> memref<8x8x128xf32, #tpu.memory_space<hbm>>
    %dma_start3A_439 = arith.constant 0 : i32
    %dma_start3A_440 = arith.constant 0 : i32
    %dma_start3A_441 = arith.constant 0 : i32
    %dma_start3A_442 = tpu.memref_slice %arg5[%dma_start3A_428, %dma_start3A_439, %add3A, %dma_start3A_440, %dma_start3A_441] : memref<200x8x32x8x128xf32, #tpu.memory_space<hbm>> -> memref<1x8x1x8x128xf32, #tpu.memory_space<hbm>>
    %dma_start3A_443 = tpu.memref_squeeze %dma_start3A_442 : memref<1x8x1x8x128xf32, #tpu.memory_space<hbm>> -> memref<8x8x128xf32, #tpu.memory_space<hbm>>
    %dma_start3A_444 = arith.constant 0 : i32
    %dma_start3A_445 = arith.constant 0 : i32
    %dma_start3A_446 = arith.constant 0 : i32
    %dma_start3A_447 = tpu.memref_slice %arg8[%dma_start3A_427, %dma_start3A_444, %dma_start3A_445, %dma_start3A_446] : memref<4x8x8x129xf32, #tpu.memory_space<vmem>> -> memref<1x8x8x128xf32, #tpu.memory_space<vmem>>
    %dma_start3A_448 = tpu.memref_squeeze %dma_start3A_447 : memref<1x8x8x128xf32, #tpu.memory_space<vmem>> -> memref<8x8x128xf32, #tpu.memory_space<vmem>>
    tpu.enqueue_dma source(%dma_start3A_448 : memref<8x8x128xf32, #tpu.memory_space<vmem>>) target(%dma_start3A_443 : memref<8x8x128xf32, #tpu.memory_space<hbm>>) target_semaphore(%arg14 : memref<!tpu.dma_semaphore, #tpu.memory_space<semaphore_mem>>)
    %dma_wait3A_449 = arith.constant 24 : i32
    %dma_wait3A_450 = arith.constant 5 : i32
    %dma_wait3A_451 = arith.constant 1 : i32
    %dma_wait3A_452 = arith.constant 0 : i32
    %dma_wait3A_453 = arith.constant 0 : i32
    %dma_wait3A_454 = tpu.memref_slice %arg7[%dma_wait3A_451, %dma_wait3A_452, %dma_wait3A_453] : memref<4x128x64xf32, #tpu.memory_space<vmem>> -> memref<1x128x64xf32, #tpu.memory_space<vmem>>
    %dma_wait3A_455 = tpu.memref_squeeze %dma_wait3A_454 : memref<1x128x64xf32, #tpu.memory_space<vmem>> -> memref<128x64xf32, #tpu.memory_space<vmem>>
    %dma_wait3A_456 = arith.constant 0 : i32
    %dma_wait3A_457 = tpu.memref_slice %arg6[%dma_wait3A_449, %dma_wait3A_450, %dma_wait3A_456] : memref<25x8x128xi32, #tpu.memory_space<vmem>> -> memref<1x1x128xi32, #tpu.memory_space<vmem>>
    %dma_wait3A_458 = tpu.memref_squeeze %dma_wait3A_457 : memref<1x1x128xi32, #tpu.memory_space<vmem>> -> memref<128xi32, #tpu.memory_space<vmem>>
    %dma_wait3A_459 = arith.constant 0 : i32
    %dma_wait3A_460 = arith.constant 0 : i32
    %dma_wait3A_461 = tpu.memref_slice %arg3[%dma_wait3A_459, %dma_wait3A_460] : memref<100000x64xf32, #tpu.memory_space<hbm>> -> memref<100000x64xf32, #tpu.memory_space<hbm>>
    tpu.wait_indirect_dma semaphore(%arg11 : memref<!tpu.dma_semaphore, #tpu.memory_space<semaphore_mem>>) src(%dma_wait3A_461 : memref<100000x64xf32, #tpu.memory_space<hbm>>) dst(%dma_wait3A_455 : memref<128x64xf32, #tpu.memory_space<vmem>>)
    %dma_wait3A_462 = arith.constant 1 : i32
    %dma_wait3A_463 = arith.constant 193 : i32
    %dma_wait3A_464 = arith.constant 0 : i32
    %dma_wait3A_465 = arith.constant 0 : i32
    %dma_wait3A_466 = arith.constant 0 : i32
    %dma_wait3A_467 = tpu.memref_slice %arg8[%dma_wait3A_462, %dma_wait3A_464, %dma_wait3A_465, %dma_wait3A_466] : memref<4x8x8x129xf32, #tpu.memory_space<vmem>> -> memref<1x8x8x128xf32, #tpu.memory_space<vmem>>
    %dma_wait3A_468 = tpu.memref_squeeze %dma_wait3A_467 : memref<1x8x8x128xf32, #tpu.memory_space<vmem>> -> memref<8x8x128xf32, #tpu.memory_space<vmem>>
    %dma_wait3A_469 = arith.constant 0 : i32
    %dma_wait3A_470 = arith.constant 0 : i32
    %dma_wait3A_471 = arith.constant 0 : i32
    %dma_wait3A_472 = tpu.memref_slice %arg5[%dma_wait3A_463, %dma_wait3A_469, %add3A, %dma_wait3A_470, %dma_wait3A_471] : memref<200x8x32x8x128xf32, #tpu.memory_space<hbm>> -> memref<1x8x1x8x128xf32, #tpu.memory_space<hbm>>
    %dma_wait3A_473 = tpu.memref_squeeze %dma_wait3A_472 : memref<1x8x1x8x128xf32, #tpu.memory_space<hbm>> -> memref<8x8x128xf32, #tpu.memory_space<hbm>>
    %dma_wait3A_474 = arith.constant 0 : i32
    %dma_wait3A_475 = arith.constant 0 : i32
    %dma_wait3A_476 = arith.constant 0 : i32
    %dma_wait3A_477 = tpu.memref_slice %arg5[%dma_wait3A_463, %dma_wait3A_474, %add3A, %dma_wait3A_475, %dma_wait3A_476] : memref<200x8x32x8x128xf32, #tpu.memory_space<hbm>> -> memref<1x8x1x8x128xf32, #tpu.memory_space<hbm>>
    %dma_wait3A_478 = tpu.memref_squeeze %dma_wait3A_477 : memref<1x8x1x8x128xf32, #tpu.memory_space<hbm>> -> memref<8x8x128xf32, #tpu.memory_space<hbm>>
    %dma_wait3A_479 = arith.constant 0 : i32
    %dma_wait3A_480 = arith.constant 0 : i32
    %dma_wait3A_481 = arith.constant 0 : i32
    %dma_wait3A_482 = tpu.memref_slice %arg8[%dma_wait3A_462, %dma_wait3A_479, %dma_wait3A_480, %dma_wait3A_481] : memref<4x8x8x129xf32, #tpu.memory_space<vmem>> -> memref<1x8x8x128xf32, #tpu.memory_space<vmem>>
    %dma_wait3A_483 = tpu.memref_squeeze %dma_wait3A_482 : memref<1x8x8x128xf32, #tpu.memory_space<vmem>> -> memref<8x8x128xf32, #tpu.memory_space<vmem>>
    tpu.wait_dma2 semaphore(%arg15 : memref<!tpu.dma_semaphore, #tpu.memory_space<semaphore_mem>>) src(%dma_wait3A_483 : memref<8x8x128xf32, #tpu.memory_space<vmem>>) dst(%dma_wait3A_478 : memref<8x8x128xf32, #tpu.memory_space<hbm>>)
    %get3A_484 = arith.constant 197 : i32
    %get3A_485 = arith.index_cast %get3A_484 : i32 to index
    %get3A_486 = arith.constant 0 : index
    %get3A_487 = tpu.vector_load %arg9[%get3A_485, %get3A_486] {strides = array<i32>} : memref<200x64xf32, #tpu.memory_space<vmem>>, vector<16xf32>,
    %get3A_488 = arith.constant 197 : i32
    %get3A_489 = arith.index_cast %get3A_488 : i32 to index
    %get3A_490 = arith.constant 16 : index
    %get3A_491 = tpu.vector_load %arg9[%get3A_489, %get3A_490] {strides = array<i32>} : memref<200x64xf32, #tpu.memory_space<vmem>>, vector<16xf32>,
    %get3A_492 = arith.constant 197 : i32
    %get3A_493 = arith.index_cast %get3A_492 : i32 to index
    %get3A_494 = arith.constant 32 : index
    %get3A_495 = tpu.vector_load %arg9[%get3A_493, %get3A_494] {strides = array<i32>} : memref<200x64xf32, #tpu.memory_space<vmem>>, vector<16xf32>,
    %get3A_496 = arith.constant 197 : i32
    %get3A_497 = arith.index_cast %get3A_496 : i32 to index
    %get3A_498 = arith.constant 48 : index
    %get3A_499 = tpu.vector_load %arg9[%get3A_497, %get3A_498] {strides = array<i32>} : memref<200x64xf32, #tpu.memory_space<vmem>>, vector<16xf32>,
    %parallel_loop3A_500 = arith.constant 0 : i32
    %parallel_loop3A_501 = arith.constant 128 : i32
    %parallel_loop3A_502 = arith.constant 1 : i32
    %parallel_loop3A_503:4 = scf.for %parallel_loop3A_768 = %parallel_loop3A_500 to %parallel_loop3A_501 step %parallel_loop3A_502 iter_args(%parallel_loop3A_769 = %get3A_487, %parallel_loop3A_770 = %get3A_491, %parallel_loop3A_771 = %get3A_495, %parallel_loop3A_772 = %get3A_499) -> (vector<16xf32>, vector<16xf32>, vector<16xf32>, vector<16xf32>)  : i32 {
      %parallel_loop3A_773 = vector.broadcast %parallel_loop3A_768 : i32 to vector<16xi32>
      %parallel_loop3A_774 = arith.constant 1 : i32
      %parallel_loop3A_775 = arith.index_cast %parallel_loop3A_774 : i32 to index
      %parallel_loop3A_776 = arith.index_cast %parallel_loop3A_768 : i32 to index
      %parallel_loop3A_777 = arith.constant 0 : index
      %parallel_loop3A_778 = tpu.vector_load %arg7[%parallel_loop3A_775, %parallel_loop3A_776, %parallel_loop3A_777] {strides = array<i32>} : memref<4x128x64xf32, #tpu.memory_space<vmem>>, vector<16xf32>,
      %parallel_loop3A_779 = arith.addf %parallel_loop3A_778, %parallel_loop3A_769 : vector<16xf32>
      %parallel_loop3A_780 = arith.constant 1 : i32
      %parallel_loop3A_781 = arith.constant 0 : i32
      %parallel_loop3A_782 = arith.constant 0 : i32
      %parallel_loop3A_783 = arith.constant 0 : i32
      %parallel_loop3A_784 = tpu.memref_slice %arg8[%parallel_loop3A_780, %parallel_loop3A_781, %parallel_loop3A_782, %parallel_loop3A_783] : memref<4x8x8x129xf32, #tpu.memory_space<vmem>> -> memref<1x8x8x129xf32, #tpu.memory_space<vmem>>
      %parallel_loop3A_785 = tpu.memref_squeeze %parallel_loop3A_784 : memref<1x8x8x129xf32, #tpu.memory_space<vmem>> -> memref<8x8x129xf32, #tpu.memory_space<vmem>>
      tpu.vector_store_idx %parallel_loop3A_785[%shift_right_arithmetic3A_5, %and3A_28, %parallel_loop3A_773], %parallel_loop3A_779 : memref<8x8x129xf32, #tpu.memory_space<vmem>>[vector<16xi32>, vector<16xi32>, vector<16xi32>], vector<16xf32>,
      %parallel_loop3A_786 = arith.constant 1 : i32
      %parallel_loop3A_787 = arith.index_cast %parallel_loop3A_786 : i32 to index
      %parallel_loop3A_788 = arith.index_cast %parallel_loop3A_768 : i32 to index
      %parallel_loop3A_789 = arith.constant 16 : index
      %parallel_loop3A_790 = tpu.vector_load %arg7[%parallel_loop3A_787, %parallel_loop3A_788, %parallel_loop3A_789] {strides = array<i32>} : memref<4x128x64xf32, #tpu.memory_space<vmem>>, vector<16xf32>,
      %parallel_loop3A_791 = arith.addf %parallel_loop3A_790, %parallel_loop3A_770 : vector<16xf32>
      %parallel_loop3A_792 = arith.constant 1 : i32
      %parallel_loop3A_793 = arith.constant 0 : i32
      %parallel_loop3A_794 = arith.constant 0 : i32
      %parallel_loop3A_795 = arith.constant 0 : i32
      %parallel_loop3A_796 = tpu.memref_slice %arg8[%parallel_loop3A_792, %parallel_loop3A_793, %parallel_loop3A_794, %parallel_loop3A_795] : memref<4x8x8x129xf32, #tpu.memory_space<vmem>> -> memref<1x8x8x129xf32, #tpu.memory_space<vmem>>
      %parallel_loop3A_797 = tpu.memref_squeeze %parallel_loop3A_796 : memref<1x8x8x129xf32, #tpu.memory_space<vmem>> -> memref<8x8x129xf32, #tpu.memory_space<vmem>>
      tpu.vector_store_idx %parallel_loop3A_797[%shift_right_arithmetic3A_11, %and3A_34, %parallel_loop3A_773], %parallel_loop3A_791 : memref<8x8x129xf32, #tpu.memory_space<vmem>>[vector<16xi32>, vector<16xi32>, vector<16xi32>], vector<16xf32>,
      %parallel_loop3A_798 = arith.constant 1 : i32
      %parallel_loop3A_799 = arith.index_cast %parallel_loop3A_798 : i32 to index
      %parallel_loop3A_800 = arith.index_cast %parallel_loop3A_768 : i32 to index
      %parallel_loop3A_801 = arith.constant 32 : index
      %parallel_loop3A_802 = tpu.vector_load %arg7[%parallel_loop3A_799, %parallel_loop3A_800, %parallel_loop3A_801] {strides = array<i32>} : memref<4x128x64xf32, #tpu.memory_space<vmem>>, vector<16xf32>,
      %parallel_loop3A_803 = arith.addf %parallel_loop3A_802, %parallel_loop3A_771 : vector<16xf32>
      %parallel_loop3A_804 = arith.constant 1 : i32
      %parallel_loop3A_805 = arith.constant 0 : i32
      %parallel_loop3A_806 = arith.constant 0 : i32
      %parallel_loop3A_807 = arith.constant 0 : i32
      %parallel_loop3A_808 = tpu.memref_slice %arg8[%parallel_loop3A_804, %parallel_loop3A_805, %parallel_loop3A_806, %parallel_loop3A_807] : memref<4x8x8x129xf32, #tpu.memory_space<vmem>> -> memref<1x8x8x129xf32, #tpu.memory_space<vmem>>
      %parallel_loop3A_809 = tpu.memref_squeeze %parallel_loop3A_808 : memref<1x8x8x129xf32, #tpu.memory_space<vmem>> -> memref<8x8x129xf32, #tpu.memory_space<vmem>>
      tpu.vector_store_idx %parallel_loop3A_809[%shift_right_arithmetic3A_17, %and3A_40, %parallel_loop3A_773], %parallel_loop3A_803 : memref<8x8x129xf32, #tpu.memory_space<vmem>>[vector<16xi32>, vector<16xi32>, vector<16xi32>], vector<16xf32>,
      %parallel_loop3A_810 = arith.constant 1 : i32
      %parallel_loop3A_811 = arith.index_cast %parallel_loop3A_810 : i32 to index
      %parallel_loop3A_812 = arith.index_cast %parallel_loop3A_768 : i32 to index
      %parallel_loop3A_813 = arith.constant 48 : index
      %parallel_loop3A_814 = tpu.vector_load %arg7[%parallel_loop3A_811, %parallel_loop3A_812, %parallel_loop3A_813] {strides = array<i32>} : memref<4x128x64xf32, #tpu.memory_space<vmem>>, vector<16xf32>,
      %parallel_loop3A_815 = arith.addf %parallel_loop3A_814, %parallel_loop3A_772 : vector<16xf32>
      %parallel_loop3A_816 = arith.constant 1 : i32
      %parallel_loop3A_817 = arith.constant 0 : i32
      %parallel_loop3A_818 = arith.constant 0 : i32
      %parallel_loop3A_819 = arith.constant 0 : i32
      %parallel_loop3A_820 = tpu.memref_slice %arg8[%parallel_loop3A_816, %parallel_loop3A_817, %parallel_loop3A_818, %parallel_loop3A_819] : memref<4x8x8x129xf32, #tpu.memory_space<vmem>> -> memref<1x8x8x129xf32, #tpu.memory_space<vmem>>
      %parallel_loop3A_821 = tpu.memref_squeeze %parallel_loop3A_820 : memref<1x8x8x129xf32, #tpu.memory_space<vmem>> -> memref<8x8x129xf32, #tpu.memory_space<vmem>>
      tpu.vector_store_idx %parallel_loop3A_821[%shift_right_arithmetic3A_23, %and3A_46, %parallel_loop3A_773], %parallel_loop3A_815 : memref<8x8x129xf32, #tpu.memory_space<vmem>>[vector<16xi32>, vector<16xi32>, vector<16xi32>], vector<16xf32>,
      scf.yield %parallel_loop3A_769, %parallel_loop3A_770, %parallel_loop3A_771, %parallel_loop3A_772 : vector<16xf32>, vector<16xf32>, vector<16xf32>, vector<16xf32>
    } {sc.loop_unroll_factor = 2 : i64, sc.parallel_access}
    %dma_start3A_504 = arith.constant 1 : i32
    %dma_start3A_505 = arith.constant 197 : i32
    %dma_start3A_506 = arith.constant 0 : i32
    %dma_start3A_507 = arith.constant 0 : i32
    %dma_start3A_508 = arith.constant 0 : i32
    %dma_start3A_509 = tpu.memref_slice %arg8[%dma_start3A_504, %dma_start3A_506, %dma_start3A_507, %dma_start3A_508] : memref<4x8x8x129xf32, #tpu.memory_space<vmem>> -> memref<1x8x8x128xf32, #tpu.memory_space<vmem>>
    %dma_start3A_510 = tpu.memref_squeeze %dma_start3A_509 : memref<1x8x8x128xf32, #tpu.memory_space<vmem>> -> memref<8x8x128xf32, #tpu.memory_space<vmem>>
    %dma_start3A_511 = arith.constant 0 : i32
    %dma_start3A_512 = arith.constant 0 : i32
    %dma_start3A_513 = arith.constant 0 : i32
    %dma_start3A_514 = tpu.memref_slice %arg5[%dma_start3A_505, %dma_start3A_511, %add3A, %dma_start3A_512, %dma_start3A_513] : memref<200x8x32x8x128xf32, #tpu.memory_space<hbm>> -> memref<1x8x1x8x128xf32, #tpu.memory_space<hbm>>
    %dma_start3A_515 = tpu.memref_squeeze %dma_start3A_514 : memref<1x8x1x8x128xf32, #tpu.memory_space<hbm>> -> memref<8x8x128xf32, #tpu.memory_space<hbm>>
    %dma_start3A_516 = arith.constant 0 : i32
    %dma_start3A_517 = arith.constant 0 : i32
    %dma_start3A_518 = arith.constant 0 : i32
    %dma_start3A_519 = tpu.memref_slice %arg5[%dma_start3A_505, %dma_start3A_516, %add3A, %dma_start3A_517, %dma_start3A_518] : memref<200x8x32x8x128xf32, #tpu.memory_space<hbm>> -> memref<1x8x1x8x128xf32, #tpu.memory_space<hbm>>
    %dma_start3A_520 = tpu.memref_squeeze %dma_start3A_519 : memref<1x8x1x8x128xf32, #tpu.memory_space<hbm>> -> memref<8x8x128xf32, #tpu.memory_space<hbm>>
    %dma_start3A_521 = arith.constant 0 : i32
    %dma_start3A_522 = arith.constant 0 : i32
    %dma_start3A_523 = arith.constant 0 : i32
    %dma_start3A_524 = tpu.memref_slice %arg8[%dma_start3A_504, %dma_start3A_521, %dma_start3A_522, %dma_start3A_523] : memref<4x8x8x129xf32, #tpu.memory_space<vmem>> -> memref<1x8x8x128xf32, #tpu.memory_space<vmem>>
    %dma_start3A_525 = tpu.memref_squeeze %dma_start3A_524 : memref<1x8x8x128xf32, #tpu.memory_space<vmem>> -> memref<8x8x128xf32, #tpu.memory_space<vmem>>
    tpu.enqueue_dma source(%dma_start3A_525 : memref<8x8x128xf32, #tpu.memory_space<vmem>>) target(%dma_start3A_520 : memref<8x8x128xf32, #tpu.memory_space<hbm>>) target_semaphore(%arg15 : memref<!tpu.dma_semaphore, #tpu.memory_space<semaphore_mem>>)
    %dma_wait3A_526 = arith.constant 24 : i32
    %dma_wait3A_527 = arith.constant 6 : i32
    %dma_wait3A_528 = arith.constant 2 : i32
    %dma_wait3A_529 = arith.constant 0 : i32
    %dma_wait3A_530 = arith.constant 0 : i32
    %dma_wait3A_531 = tpu.memref_slice %arg7[%dma_wait3A_528, %dma_wait3A_529, %dma_wait3A_530] : memref<4x128x64xf32, #tpu.memory_space<vmem>> -> memref<1x128x64xf32, #tpu.memory_space<vmem>>
    %dma_wait3A_532 = tpu.memref_squeeze %dma_wait3A_531 : memref<1x128x64xf32, #tpu.memory_space<vmem>> -> memref<128x64xf32, #tpu.memory_space<vmem>>
    %dma_wait3A_533 = arith.constant 0 : i32
    %dma_wait3A_534 = tpu.memref_slice %arg6[%dma_wait3A_526, %dma_wait3A_527, %dma_wait3A_533] : memref<25x8x128xi32, #tpu.memory_space<vmem>> -> memref<1x1x128xi32, #tpu.memory_space<vmem>>
    %dma_wait3A_535 = tpu.memref_squeeze %dma_wait3A_534 : memref<1x1x128xi32, #tpu.memory_space<vmem>> -> memref<128xi32, #tpu.memory_space<vmem>>
    %dma_wait3A_536 = arith.constant 0 : i32
    %dma_wait3A_537 = arith.constant 0 : i32
    %dma_wait3A_538 = tpu.memref_slice %arg3[%dma_wait3A_536, %dma_wait3A_537] : memref<100000x64xf32, #tpu.memory_space<hbm>> -> memref<100000x64xf32, #tpu.memory_space<hbm>>
    tpu.wait_indirect_dma semaphore(%arg12 : memref<!tpu.dma_semaphore, #tpu.memory_space<semaphore_mem>>) src(%dma_wait3A_538 : memref<100000x64xf32, #tpu.memory_space<hbm>>) dst(%dma_wait3A_532 : memref<128x64xf32, #tpu.memory_space<vmem>>)
    %dma_wait3A_539 = arith.constant 2 : i32
    %dma_wait3A_540 = arith.constant 194 : i32
    %dma_wait3A_541 = arith.constant 0 : i32
    %dma_wait3A_542 = arith.constant 0 : i32
    %dma_wait3A_543 = arith.constant 0 : i32
    %dma_wait3A_544 = tpu.memref_slice %arg8[%dma_wait3A_539, %dma_wait3A_541, %dma_wait3A_542, %dma_wait3A_543] : memref<4x8x8x129xf32, #tpu.memory_space<vmem>> -> memref<1x8x8x128xf32, #tpu.memory_space<vmem>>
    %dma_wait3A_545 = tpu.memref_squeeze %dma_wait3A_544 : memref<1x8x8x128xf32, #tpu.memory_space<vmem>> -> memref<8x8x128xf32, #tpu.memory_space<vmem>>
    %dma_wait3A_546 = arith.constant 0 : i32
    %dma_wait3A_547 = arith.constant 0 : i32
    %dma_wait3A_548 = arith.constant 0 : i32
    %dma_wait3A_549 = tpu.memref_slice %arg5[%dma_wait3A_540, %dma_wait3A_546, %add3A, %dma_wait3A_547, %dma_wait3A_548] : memref<200x8x32x8x128xf32, #tpu.memory_space<hbm>> -> memref<1x8x1x8x128xf32, #tpu.memory_space<hbm>>
    %dma_wait3A_550 = tpu.memref_squeeze %dma_wait3A_549 : memref<1x8x1x8x128xf32, #tpu.memory_space<hbm>> -> memref<8x8x128xf32, #tpu.memory_space<hbm>>
    %dma_wait3A_551 = arith.constant 0 : i32
    %dma_wait3A_552 = arith.constant 0 : i32
    %dma_wait3A_553 = arith.constant 0 : i32
    %dma_wait3A_554 = tpu.memref_slice %arg5[%dma_wait3A_540, %dma_wait3A_551, %add3A, %dma_wait3A_552, %dma_wait3A_553] : memref<200x8x32x8x128xf32, #tpu.memory_space<hbm>> -> memref<1x8x1x8x128xf32, #tpu.memory_space<hbm>>
    %dma_wait3A_555 = tpu.memref_squeeze %dma_wait3A_554 : memref<1x8x1x8x128xf32, #tpu.memory_space<hbm>> -> memref<8x8x128xf32, #tpu.memory_space<hbm>>
    %dma_wait3A_556 = arith.constant 0 : i32
    %dma_wait3A_557 = arith.constant 0 : i32
    %dma_wait3A_558 = arith.constant 0 : i32
    %dma_wait3A_559 = tpu.memref_slice %arg8[%dma_wait3A_539, %dma_wait3A_556, %dma_wait3A_557, %dma_wait3A_558] : memref<4x8x8x129xf32, #tpu.memory_space<vmem>> -> memref<1x8x8x128xf32, #tpu.memory_space<vmem>>
    %dma_wait3A_560 = tpu.memref_squeeze %dma_wait3A_559 : memref<1x8x8x128xf32, #tpu.memory_space<vmem>> -> memref<8x8x128xf32, #tpu.memory_space<vmem>>
    tpu.wait_dma2 semaphore(%arg16 : memref<!tpu.dma_semaphore, #tpu.memory_space<semaphore_mem>>) src(%dma_wait3A_560 : memref<8x8x128xf32, #tpu.memory_space<vmem>>) dst(%dma_wait3A_555 : memref<8x8x128xf32, #tpu.memory_space<hbm>>)
    %get3A_561 = arith.constant 198 : i32
    %get3A_562 = arith.index_cast %get3A_561 : i32 to index
    %get3A_563 = arith.constant 0 : index
    %get3A_564 = tpu.vector_load %arg9[%get3A_562, %get3A_563] {strides = array<i32>} : memref<200x64xf32, #tpu.memory_space<vmem>>, vector<16xf32>,
    %get3A_565 = arith.constant 198 : i32
    %get3A_566 = arith.index_cast %get3A_565 : i32 to index
    %get3A_567 = arith.constant 16 : index
    %get3A_568 = tpu.vector_load %arg9[%get3A_566, %get3A_567] {strides = array<i32>} : memref<200x64xf32, #tpu.memory_space<vmem>>, vector<16xf32>,
    %get3A_569 = arith.constant 198 : i32
    %get3A_570 = arith.index_cast %get3A_569 : i32 to index
    %get3A_571 = arith.constant 32 : index
    %get3A_572 = tpu.vector_load %arg9[%get3A_570, %get3A_571] {strides = array<i32>} : memref<200x64xf32, #tpu.memory_space<vmem>>, vector<16xf32>,
    %get3A_573 = arith.constant 198 : i32
    %get3A_574 = arith.index_cast %get3A_573 : i32 to index
    %get3A_575 = arith.constant 48 : index
    %get3A_576 = tpu.vector_load %arg9[%get3A_574, %get3A_575] {strides = array<i32>} : memref<200x64xf32, #tpu.memory_space<vmem>>, vector<16xf32>,
    %parallel_loop3A_577 = arith.constant 0 : i32
    %parallel_loop3A_578 = arith.constant 128 : i32
    %parallel_loop3A_579 = arith.constant 1 : i32
    %parallel_loop3A_580:4 = scf.for %parallel_loop3A_768 = %parallel_loop3A_577 to %parallel_loop3A_578 step %parallel_loop3A_579 iter_args(%parallel_loop3A_769 = %get3A_564, %parallel_loop3A_770 = %get3A_568, %parallel_loop3A_771 = %get3A_572, %parallel_loop3A_772 = %get3A_576) -> (vector<16xf32>, vector<16xf32>, vector<16xf32>, vector<16xf32>)  : i32 {
      %parallel_loop3A_773 = vector.broadcast %parallel_loop3A_768 : i32 to vector<16xi32>
      %parallel_loop3A_774 = arith.constant 2 : i32
      %parallel_loop3A_775 = arith.index_cast %parallel_loop3A_774 : i32 to index
      %parallel_loop3A_776 = arith.index_cast %parallel_loop3A_768 : i32 to index
      %parallel_loop3A_777 = arith.constant 0 : index
      %parallel_loop3A_778 = tpu.vector_load %arg7[%parallel_loop3A_775, %parallel_loop3A_776, %parallel_loop3A_777] {strides = array<i32>} : memref<4x128x64xf32, #tpu.memory_space<vmem>>, vector<16xf32>,
      %parallel_loop3A_779 = arith.addf %parallel_loop3A_778, %parallel_loop3A_769 : vector<16xf32>
      %parallel_loop3A_780 = arith.constant 2 : i32
      %parallel_loop3A_781 = arith.constant 0 : i32
      %parallel_loop3A_782 = arith.constant 0 : i32
      %parallel_loop3A_783 = arith.constant 0 : i32
      %parallel_loop3A_784 = tpu.memref_slice %arg8[%parallel_loop3A_780, %parallel_loop3A_781, %parallel_loop3A_782, %parallel_loop3A_783] : memref<4x8x8x129xf32, #tpu.memory_space<vmem>> -> memref<1x8x8x129xf32, #tpu.memory_space<vmem>>
      %parallel_loop3A_785 = tpu.memref_squeeze %parallel_loop3A_784 : memref<1x8x8x129xf32, #tpu.memory_space<vmem>> -> memref<8x8x129xf32, #tpu.memory_space<vmem>>
      tpu.vector_store_idx %parallel_loop3A_785[%shift_right_arithmetic3A_5, %and3A_28, %parallel_loop3A_773], %parallel_loop3A_779 : memref<8x8x129xf32, #tpu.memory_space<vmem>>[vector<16xi32>, vector<16xi32>, vector<16xi32>], vector<16xf32>,
      %parallel_loop3A_786 = arith.constant 2 : i32
      %parallel_loop3A_787 = arith.index_cast %parallel_loop3A_786 : i32 to index
      %parallel_loop3A_788 = arith.index_cast %parallel_loop3A_768 : i32 to index
      %parallel_loop3A_789 = arith.constant 16 : index
      %parallel_loop3A_790 = tpu.vector_load %arg7[%parallel_loop3A_787, %parallel_loop3A_788, %parallel_loop3A_789] {strides = array<i32>} : memref<4x128x64xf32, #tpu.memory_space<vmem>>, vector<16xf32>,
      %parallel_loop3A_791 = arith.addf %parallel_loop3A_790, %parallel_loop3A_770 : vector<16xf32>
      %parallel_loop3A_792 = arith.constant 2 : i32
      %parallel_loop3A_793 = arith.constant 0 : i32
      %parallel_loop3A_794 = arith.constant 0 : i32
      %parallel_loop3A_795 = arith.constant 0 : i32
      %parallel_loop3A_796 = tpu.memref_slice %arg8[%parallel_loop3A_792, %parallel_loop3A_793, %parallel_loop3A_794, %parallel_loop3A_795] : memref<4x8x8x129xf32, #tpu.memory_space<vmem>> -> memref<1x8x8x129xf32, #tpu.memory_space<vmem>>
      %parallel_loop3A_797 = tpu.memref_squeeze %parallel_loop3A_796 : memref<1x8x8x129xf32, #tpu.memory_space<vmem>> -> memref<8x8x129xf32, #tpu.memory_space<vmem>>
      tpu.vector_store_idx %parallel_loop3A_797[%shift_right_arithmetic3A_11, %and3A_34, %parallel_loop3A_773], %parallel_loop3A_791 : memref<8x8x129xf32, #tpu.memory_space<vmem>>[vector<16xi32>, vector<16xi32>, vector<16xi32>], vector<16xf32>,
      %parallel_loop3A_798 = arith.constant 2 : i32
      %parallel_loop3A_799 = arith.index_cast %parallel_loop3A_798 : i32 to index
      %parallel_loop3A_800 = arith.index_cast %parallel_loop3A_768 : i32 to index
      %parallel_loop3A_801 = arith.constant 32 : index
      %parallel_loop3A_802 = tpu.vector_load %arg7[%parallel_loop3A_799, %parallel_loop3A_800, %parallel_loop3A_801] {strides = array<i32>} : memref<4x128x64xf32, #tpu.memory_space<vmem>>, vector<16xf32>,
      %parallel_loop3A_803 = arith.addf %parallel_loop3A_802, %parallel_loop3A_771 : vector<16xf32>
      %parallel_loop3A_804 = arith.constant 2 : i32
      %parallel_loop3A_805 = arith.constant 0 : i32
      %parallel_loop3A_806 = arith.constant 0 : i32
      %parallel_loop3A_807 = arith.constant 0 : i32
      %parallel_loop3A_808 = tpu.memref_slice %arg8[%parallel_loop3A_804, %parallel_loop3A_805, %parallel_loop3A_806, %parallel_loop3A_807] : memref<4x8x8x129xf32, #tpu.memory_space<vmem>> -> memref<1x8x8x129xf32, #tpu.memory_space<vmem>>
      %parallel_loop3A_809 = tpu.memref_squeeze %parallel_loop3A_808 : memref<1x8x8x129xf32, #tpu.memory_space<vmem>> -> memref<8x8x129xf32, #tpu.memory_space<vmem>>
      tpu.vector_store_idx %parallel_loop3A_809[%shift_right_arithmetic3A_17, %and3A_40, %parallel_loop3A_773], %parallel_loop3A_803 : memref<8x8x129xf32, #tpu.memory_space<vmem>>[vector<16xi32>, vector<16xi32>, vector<16xi32>], vector<16xf32>,
      %parallel_loop3A_810 = arith.constant 2 : i32
      %parallel_loop3A_811 = arith.index_cast %parallel_loop3A_810 : i32 to index
      %parallel_loop3A_812 = arith.index_cast %parallel_loop3A_768 : i32 to index
      %parallel_loop3A_813 = arith.constant 48 : index
      %parallel_loop3A_814 = tpu.vector_load %arg7[%parallel_loop3A_811, %parallel_loop3A_812, %parallel_loop3A_813] {strides = array<i32>} : memref<4x128x64xf32, #tpu.memory_space<vmem>>, vector<16xf32>,
      %parallel_loop3A_815 = arith.addf %parallel_loop3A_814, %parallel_loop3A_772 : vector<16xf32>
      %parallel_loop3A_816 = arith.constant 2 : i32
      %parallel_loop3A_817 = arith.constant 0 : i32
      %parallel_loop3A_818 = arith.constant 0 : i32
      %parallel_loop3A_819 = arith.constant 0 : i32
      %parallel_loop3A_820 = tpu.memref_slice %arg8[%parallel_loop3A_816, %parallel_loop3A_817, %parallel_loop3A_818, %parallel_loop3A_819] : memref<4x8x8x129xf32, #tpu.memory_space<vmem>> -> memref<1x8x8x129xf32, #tpu.memory_space<vmem>>
      %parallel_loop3A_821 = tpu.memref_squeeze %parallel_loop3A_820 : memref<1x8x8x129xf32, #tpu.memory_space<vmem>> -> memref<8x8x129xf32, #tpu.memory_space<vmem>>
      tpu.vector_store_idx %parallel_loop3A_821[%shift_right_arithmetic3A_23, %and3A_46, %parallel_loop3A_773], %parallel_loop3A_815 : memref<8x8x129xf32, #tpu.memory_space<vmem>>[vector<16xi32>, vector<16xi32>, vector<16xi32>], vector<16xf32>,
      scf.yield %parallel_loop3A_769, %parallel_loop3A_770, %parallel_loop3A_771, %parallel_loop3A_772 : vector<16xf32>, vector<16xf32>, vector<16xf32>, vector<16xf32>
    } {sc.loop_unroll_factor = 2 : i64, sc.parallel_access}
    %dma_start3A_581 = arith.constant 2 : i32
    %dma_start3A_582 = arith.constant 198 : i32
    %dma_start3A_583 = arith.constant 0 : i32
    %dma_start3A_584 = arith.constant 0 : i32
    %dma_start3A_585 = arith.constant 0 : i32
    %dma_start3A_586 = tpu.memref_slice %arg8[%dma_start3A_581, %dma_start3A_583, %dma_start3A_584, %dma_start3A_585] : memref<4x8x8x129xf32, #tpu.memory_space<vmem>> -> memref<1x8x8x128xf32, #tpu.memory_space<vmem>>
    %dma_start3A_587 = tpu.memref_squeeze %dma_start3A_586 : memref<1x8x8x128xf32, #tpu.memory_space<vmem>> -> memref<8x8x128xf32, #tpu.memory_space<vmem>>
    %dma_start3A_588 = arith.constant 0 : i32
    %dma_start3A_589 = arith.constant 0 : i32
    %dma_start3A_590 = arith.constant 0 : i32
    %dma_start3A_591 = tpu.memref_slice %arg5[%dma_start3A_582, %dma_start3A_588, %add3A, %dma_start3A_589, %dma_start3A_590] : memref<200x8x32x8x128xf32, #tpu.memory_space<hbm>> -> memref<1x8x1x8x128xf32, #tpu.memory_space<hbm>>
    %dma_start3A_592 = tpu.memref_squeeze %dma_start3A_591 : memref<1x8x1x8x128xf32, #tpu.memory_space<hbm>> -> memref<8x8x128xf32, #tpu.memory_space<hbm>>
    %dma_start3A_593 = arith.constant 0 : i32
    %dma_start3A_594 = arith.constant 0 : i32
    %dma_start3A_595 = arith.constant 0 : i32
    %dma_start3A_596 = tpu.memref_slice %arg5[%dma_start3A_582, %dma_start3A_593, %add3A, %dma_start3A_594, %dma_start3A_595] : memref<200x8x32x8x128xf32, #tpu.memory_space<hbm>> -> memref<1x8x1x8x128xf32, #tpu.memory_space<hbm>>
    %dma_start3A_597 = tpu.memref_squeeze %dma_start3A_596 : memref<1x8x1x8x128xf32, #tpu.memory_space<hbm>> -> memref<8x8x128xf32, #tpu.memory_space<hbm>>
    %dma_start3A_598 = arith.constant 0 : i32
    %dma_start3A_599 = arith.constant 0 : i32
    %dma_start3A_600 = arith.constant 0 : i32
    %dma_start3A_601 = tpu.memref_slice %arg8[%dma_start3A_581, %dma_start3A_598, %dma_start3A_599, %dma_start3A_600] : memref<4x8x8x129xf32, #tpu.memory_space<vmem>> -> memref<1x8x8x128xf32, #tpu.memory_space<vmem>>
    %dma_start3A_602 = tpu.memref_squeeze %dma_start3A_601 : memref<1x8x8x128xf32, #tpu.memory_space<vmem>> -> memref<8x8x128xf32, #tpu.memory_space<vmem>>
    tpu.enqueue_dma source(%dma_start3A_602 : memref<8x8x128xf32, #tpu.memory_space<vmem>>) target(%dma_start3A_597 : memref<8x8x128xf32, #tpu.memory_space<hbm>>) target_semaphore(%arg16 : memref<!tpu.dma_semaphore, #tpu.memory_space<semaphore_mem>>)
    %dma_wait3A_603 = arith.constant 24 : i32
    %dma_wait3A_604 = arith.constant 7 : i32
    %dma_wait3A_605 = arith.constant 3 : i32
    %dma_wait3A_606 = arith.constant 0 : i32
    %dma_wait3A_607 = arith.constant 0 : i32
    %dma_wait3A_608 = tpu.memref_slice %arg7[%dma_wait3A_605, %dma_wait3A_606, %dma_wait3A_607] : memref<4x128x64xf32, #tpu.memory_space<vmem>> -> memref<1x128x64xf32, #tpu.memory_space<vmem>>
    %dma_wait3A_609 = tpu.memref_squeeze %dma_wait3A_608 : memref<1x128x64xf32, #tpu.memory_space<vmem>> -> memref<128x64xf32, #tpu.memory_space<vmem>>
    %dma_wait3A_610 = arith.constant 0 : i32
    %dma_wait3A_611 = tpu.memref_slice %arg6[%dma_wait3A_603, %dma_wait3A_604, %dma_wait3A_610] : memref<25x8x128xi32, #tpu.memory_space<vmem>> -> memref<1x1x128xi32, #tpu.memory_space<vmem>>
    %dma_wait3A_612 = tpu.memref_squeeze %dma_wait3A_611 : memref<1x1x128xi32, #tpu.memory_space<vmem>> -> memref<128xi32, #tpu.memory_space<vmem>>
    %dma_wait3A_613 = arith.constant 0 : i32
    %dma_wait3A_614 = arith.constant 0 : i32
    %dma_wait3A_615 = tpu.memref_slice %arg3[%dma_wait3A_613, %dma_wait3A_614] : memref<100000x64xf32, #tpu.memory_space<hbm>> -> memref<100000x64xf32, #tpu.memory_space<hbm>>
    tpu.wait_indirect_dma semaphore(%arg13 : memref<!tpu.dma_semaphore, #tpu.memory_space<semaphore_mem>>) src(%dma_wait3A_615 : memref<100000x64xf32, #tpu.memory_space<hbm>>) dst(%dma_wait3A_609 : memref<128x64xf32, #tpu.memory_space<vmem>>)
    %dma_wait3A_616 = arith.constant 3 : i32
    %dma_wait3A_617 = arith.constant 195 : i32
    %dma_wait3A_618 = arith.constant 0 : i32
    %dma_wait3A_619 = arith.constant 0 : i32
    %dma_wait3A_620 = arith.constant 0 : i32
    %dma_wait3A_621 = tpu.memref_slice %arg8[%dma_wait3A_616, %dma_wait3A_618, %dma_wait3A_619, %dma_wait3A_620] : memref<4x8x8x129xf32, #tpu.memory_space<vmem>> -> memref<1x8x8x128xf32, #tpu.memory_space<vmem>>
    %dma_wait3A_622 = tpu.memref_squeeze %dma_wait3A_621 : memref<1x8x8x128xf32, #tpu.memory_space<vmem>> -> memref<8x8x128xf32, #tpu.memory_space<vmem>>
    %dma_wait3A_623 = arith.constant 0 : i32
    %dma_wait3A_624 = arith.constant 0 : i32
    %dma_wait3A_625 = arith.constant 0 : i32
    %dma_wait3A_626 = tpu.memref_slice %arg5[%dma_wait3A_617, %dma_wait3A_623, %add3A, %dma_wait3A_624, %dma_wait3A_625] : memref<200x8x32x8x128xf32, #tpu.memory_space<hbm>> -> memref<1x8x1x8x128xf32, #tpu.memory_space<hbm>>
    %dma_wait3A_627 = tpu.memref_squeeze %dma_wait3A_626 : memref<1x8x1x8x128xf32, #tpu.memory_space<hbm>> -> memref<8x8x128xf32, #tpu.memory_space<hbm>>
    %dma_wait3A_628 = arith.constant 0 : i32
    %dma_wait3A_629 = arith.constant 0 : i32
    %dma_wait3A_630 = arith.constant 0 : i32
    %dma_wait3A_631 = tpu.memref_slice %arg5[%dma_wait3A_617, %dma_wait3A_628, %add3A, %dma_wait3A_629, %dma_wait3A_630] : memref<200x8x32x8x128xf32, #tpu.memory_space<hbm>> -> memref<1x8x1x8x128xf32, #tpu.memory_space<hbm>>
    %dma_wait3A_632 = tpu.memref_squeeze %dma_wait3A_631 : memref<1x8x1x8x128xf32, #tpu.memory_space<hbm>> -> memref<8x8x128xf32, #tpu.memory_space<hbm>>
    %dma_wait3A_633 = arith.constant 0 : i32
    %dma_wait3A_634 = arith.constant 0 : i32
    %dma_wait3A_635 = arith.constant 0 : i32
    %dma_wait3A_636 = tpu.memref_slice %arg8[%dma_wait3A_616, %dma_wait3A_633, %dma_wait3A_634, %dma_wait3A_635] : memref<4x8x8x129xf32, #tpu.memory_space<vmem>> -> memref<1x8x8x128xf32, #tpu.memory_space<vmem>>
    %dma_wait3A_637 = tpu.memref_squeeze %dma_wait3A_636 : memref<1x8x8x128xf32, #tpu.memory_space<vmem>> -> memref<8x8x128xf32, #tpu.memory_space<vmem>>
    tpu.wait_dma2 semaphore(%arg17 : memref<!tpu.dma_semaphore, #tpu.memory_space<semaphore_mem>>) src(%dma_wait3A_637 : memref<8x8x128xf32, #tpu.memory_space<vmem>>) dst(%dma_wait3A_632 : memref<8x8x128xf32, #tpu.memory_space<hbm>>)
    %get3A_638 = arith.constant 199 : i32
    %get3A_639 = arith.index_cast %get3A_638 : i32 to index
    %get3A_640 = arith.constant 0 : index
    %get3A_641 = tpu.vector_load %arg9[%get3A_639, %get3A_640] {strides = array<i32>} : memref<200x64xf32, #tpu.memory_space<vmem>>, vector<16xf32>,
    %get3A_642 = arith.constant 199 : i32
    %get3A_643 = arith.index_cast %get3A_642 : i32 to index
    %get3A_644 = arith.constant 16 : index
    %get3A_645 = tpu.vector_load %arg9[%get3A_643, %get3A_644] {strides = array<i32>} : memref<200x64xf32, #tpu.memory_space<vmem>>, vector<16xf32>,
    %get3A_646 = arith.constant 199 : i32
    %get3A_647 = arith.index_cast %get3A_646 : i32 to index
    %get3A_648 = arith.constant 32 : index
    %get3A_649 = tpu.vector_load %arg9[%get3A_647, %get3A_648] {strides = array<i32>} : memref<200x64xf32, #tpu.memory_space<vmem>>, vector<16xf32>,
    %get3A_650 = arith.constant 199 : i32
    %get3A_651 = arith.index_cast %get3A_650 : i32 to index
    %get3A_652 = arith.constant 48 : index
    %get3A_653 = tpu.vector_load %arg9[%get3A_651, %get3A_652] {strides = array<i32>} : memref<200x64xf32, #tpu.memory_space<vmem>>, vector<16xf32>,
    %parallel_loop3A_654 = arith.constant 0 : i32
    %parallel_loop3A_655 = arith.constant 128 : i32
    %parallel_loop3A_656 = arith.constant 1 : i32
    %parallel_loop3A_657:4 = scf.for %parallel_loop3A_768 = %parallel_loop3A_654 to %parallel_loop3A_655 step %parallel_loop3A_656 iter_args(%parallel_loop3A_769 = %get3A_641, %parallel_loop3A_770 = %get3A_645, %parallel_loop3A_771 = %get3A_649, %parallel_loop3A_772 = %get3A_653) -> (vector<16xf32>, vector<16xf32>, vector<16xf32>, vector<16xf32>)  : i32 {
      %parallel_loop3A_773 = vector.broadcast %parallel_loop3A_768 : i32 to vector<16xi32>
      %parallel_loop3A_774 = arith.constant 3 : i32
      %parallel_loop3A_775 = arith.index_cast %parallel_loop3A_774 : i32 to index
      %parallel_loop3A_776 = arith.index_cast %parallel_loop3A_768 : i32 to index
      %parallel_loop3A_777 = arith.constant 0 : index
      %parallel_loop3A_778 = tpu.vector_load %arg7[%parallel_loop3A_775, %parallel_loop3A_776, %parallel_loop3A_777] {strides = array<i32>} : memref<4x128x64xf32, #tpu.memory_space<vmem>>, vector<16xf32>,
      %parallel_loop3A_779 = arith.addf %parallel_loop3A_778, %parallel_loop3A_769 : vector<16xf32>
      %parallel_loop3A_780 = arith.constant 3 : i32
      %parallel_loop3A_781 = arith.constant 0 : i32
      %parallel_loop3A_782 = arith.constant 0 : i32
      %parallel_loop3A_783 = arith.constant 0 : i32
      %parallel_loop3A_784 = tpu.memref_slice %arg8[%parallel_loop3A_780, %parallel_loop3A_781, %parallel_loop3A_782, %parallel_loop3A_783] : memref<4x8x8x129xf32, #tpu.memory_space<vmem>> -> memref<1x8x8x129xf32, #tpu.memory_space<vmem>>
      %parallel_loop3A_785 = tpu.memref_squeeze %parallel_loop3A_784 : memref<1x8x8x129xf32, #tpu.memory_space<vmem>> -> memref<8x8x129xf32, #tpu.memory_space<vmem>>
      tpu.vector_store_idx %parallel_loop3A_785[%shift_right_arithmetic3A_5, %and3A_28, %parallel_loop3A_773], %parallel_loop3A_779 : memref<8x8x129xf32, #tpu.memory_space<vmem>>[vector<16xi32>, vector<16xi32>, vector<16xi32>], vector<16xf32>,
      %parallel_loop3A_786 = arith.constant 3 : i32
      %parallel_loop3A_787 = arith.index_cast %parallel_loop3A_786 : i32 to index
      %parallel_loop3A_788 = arith.index_cast %parallel_loop3A_768 : i32 to index
      %parallel_loop3A_789 = arith.constant 16 : index
      %parallel_loop3A_790 = tpu.vector_load %arg7[%parallel_loop3A_787, %parallel_loop3A_788, %parallel_loop3A_789] {strides = array<i32>} : memref<4x128x64xf32, #tpu.memory_space<vmem>>, vector<16xf32>,
      %parallel_loop3A_791 = arith.addf %parallel_loop3A_790, %parallel_loop3A_770 : vector<16xf32>
      %parallel_loop3A_792 = arith.constant 3 : i32
      %parallel_loop3A_793 = arith.constant 0 : i32
      %parallel_loop3A_794 = arith.constant 0 : i32
      %parallel_loop3A_795 = arith.constant 0 : i32
      %parallel_loop3A_796 = tpu.memref_slice %arg8[%parallel_loop3A_792, %parallel_loop3A_793, %parallel_loop3A_794, %parallel_loop3A_795] : memref<4x8x8x129xf32, #tpu.memory_space<vmem>> -> memref<1x8x8x129xf32, #tpu.memory_space<vmem>>
      %parallel_loop3A_797 = tpu.memref_squeeze %parallel_loop3A_796 : memref<1x8x8x129xf32, #tpu.memory_space<vmem>> -> memref<8x8x129xf32, #tpu.memory_space<vmem>>
      tpu.vector_store_idx %parallel_loop3A_797[%shift_right_arithmetic3A_11, %and3A_34, %parallel_loop3A_773], %parallel_loop3A_791 : memref<8x8x129xf32, #tpu.memory_space<vmem>>[vector<16xi32>, vector<16xi32>, vector<16xi32>], vector<16xf32>,
      %parallel_loop3A_798 = arith.constant 3 : i32
      %parallel_loop3A_799 = arith.index_cast %parallel_loop3A_798 : i32 to index
      %parallel_loop3A_800 = arith.index_cast %parallel_loop3A_768 : i32 to index
      %parallel_loop3A_801 = arith.constant 32 : index
      %parallel_loop3A_802 = tpu.vector_load %arg7[%parallel_loop3A_799, %parallel_loop3A_800, %parallel_loop3A_801] {strides = array<i32>} : memref<4x128x64xf32, #tpu.memory_space<vmem>>, vector<16xf32>,
      %parallel_loop3A_803 = arith.addf %parallel_loop3A_802, %parallel_loop3A_771 : vector<16xf32>
      %parallel_loop3A_804 = arith.constant 3 : i32
      %parallel_loop3A_805 = arith.constant 0 : i32
      %parallel_loop3A_806 = arith.constant 0 : i32
      %parallel_loop3A_807 = arith.constant 0 : i32
      %parallel_loop3A_808 = tpu.memref_slice %arg8[%parallel_loop3A_804, %parallel_loop3A_805, %parallel_loop3A_806, %parallel_loop3A_807] : memref<4x8x8x129xf32, #tpu.memory_space<vmem>> -> memref<1x8x8x129xf32, #tpu.memory_space<vmem>>
      %parallel_loop3A_809 = tpu.memref_squeeze %parallel_loop3A_808 : memref<1x8x8x129xf32, #tpu.memory_space<vmem>> -> memref<8x8x129xf32, #tpu.memory_space<vmem>>
      tpu.vector_store_idx %parallel_loop3A_809[%shift_right_arithmetic3A_17, %and3A_40, %parallel_loop3A_773], %parallel_loop3A_803 : memref<8x8x129xf32, #tpu.memory_space<vmem>>[vector<16xi32>, vector<16xi32>, vector<16xi32>], vector<16xf32>,
      %parallel_loop3A_810 = arith.constant 3 : i32
      %parallel_loop3A_811 = arith.index_cast %parallel_loop3A_810 : i32 to index
      %parallel_loop3A_812 = arith.index_cast %parallel_loop3A_768 : i32 to index
      %parallel_loop3A_813 = arith.constant 48 : index
      %parallel_loop3A_814 = tpu.vector_load %arg7[%parallel_loop3A_811, %parallel_loop3A_812, %parallel_loop3A_813] {strides = array<i32>} : memref<4x128x64xf32, #tpu.memory_space<vmem>>, vector<16xf32>,
      %parallel_loop3A_815 = arith.addf %parallel_loop3A_814, %parallel_loop3A_772 : vector<16xf32>
      %parallel_loop3A_816 = arith.constant 3 : i32
      %parallel_loop3A_817 = arith.constant 0 : i32
      %parallel_loop3A_818 = arith.constant 0 : i32
      %parallel_loop3A_819 = arith.constant 0 : i32
      %parallel_loop3A_820 = tpu.memref_slice %arg8[%parallel_loop3A_816, %parallel_loop3A_817, %parallel_loop3A_818, %parallel_loop3A_819] : memref<4x8x8x129xf32, #tpu.memory_space<vmem>> -> memref<1x8x8x129xf32, #tpu.memory_space<vmem>>
      %parallel_loop3A_821 = tpu.memref_squeeze %parallel_loop3A_820 : memref<1x8x8x129xf32, #tpu.memory_space<vmem>> -> memref<8x8x129xf32, #tpu.memory_space<vmem>>
      tpu.vector_store_idx %parallel_loop3A_821[%shift_right_arithmetic3A_23, %and3A_46, %parallel_loop3A_773], %parallel_loop3A_815 : memref<8x8x129xf32, #tpu.memory_space<vmem>>[vector<16xi32>, vector<16xi32>, vector<16xi32>], vector<16xf32>,
      scf.yield %parallel_loop3A_769, %parallel_loop3A_770, %parallel_loop3A_771, %parallel_loop3A_772 : vector<16xf32>, vector<16xf32>, vector<16xf32>, vector<16xf32>
    } {sc.loop_unroll_factor = 2 : i64, sc.parallel_access}
    %dma_start3A_658 = arith.constant 3 : i32
    %dma_start3A_659 = arith.constant 199 : i32
    %dma_start3A_660 = arith.constant 0 : i32
    %dma_start3A_661 = arith.constant 0 : i32
    %dma_start3A_662 = arith.constant 0 : i32
    %dma_start3A_663 = tpu.memref_slice %arg8[%dma_start3A_658, %dma_start3A_660, %dma_start3A_661, %dma_start3A_662] : memref<4x8x8x129xf32, #tpu.memory_space<vmem>> -> memref<1x8x8x128xf32, #tpu.memory_space<vmem>>
    %dma_start3A_664 = tpu.memref_squeeze %dma_start3A_663 : memref<1x8x8x128xf32, #tpu.memory_space<vmem>> -> memref<8x8x128xf32, #tpu.memory_space<vmem>>
    %dma_start3A_665 = arith.constant 0 : i32
    %dma_start3A_666 = arith.constant 0 : i32
    %dma_start3A_667 = arith.constant 0 : i32
    %dma_start3A_668 = tpu.memref_slice %arg5[%dma_start3A_659, %dma_start3A_665, %add3A, %dma_start3A_666, %dma_start3A_667] : memref<200x8x32x8x128xf32, #tpu.memory_space<hbm>> -> memref<1x8x1x8x128xf32, #tpu.memory_space<hbm>>
    %dma_start3A_669 = tpu.memref_squeeze %dma_start3A_668 : memref<1x8x1x8x128xf32, #tpu.memory_space<hbm>> -> memref<8x8x128xf32, #tpu.memory_space<hbm>>
    %dma_start3A_670 = arith.constant 0 : i32
    %dma_start3A_671 = arith.constant 0 : i32
    %dma_start3A_672 = arith.constant 0 : i32
    %dma_start3A_673 = tpu.memref_slice %arg5[%dma_start3A_659, %dma_start3A_670, %add3A, %dma_start3A_671, %dma_start3A_672] : memref<200x8x32x8x128xf32, #tpu.memory_space<hbm>> -> memref<1x8x1x8x128xf32, #tpu.memory_space<hbm>>
    %dma_start3A_674 = tpu.memref_squeeze %dma_start3A_673 : memref<1x8x1x8x128xf32, #tpu.memory_space<hbm>> -> memref<8x8x128xf32, #tpu.memory_space<hbm>>
    %dma_start3A_675 = arith.constant 0 : i32
    %dma_start3A_676 = arith.constant 0 : i32
    %dma_start3A_677 = arith.constant 0 : i32
    %dma_start3A_678 = tpu.memref_slice %arg8[%dma_start3A_658, %dma_start3A_675, %dma_start3A_676, %dma_start3A_677] : memref<4x8x8x129xf32, #tpu.memory_space<vmem>> -> memref<1x8x8x128xf32, #tpu.memory_space<vmem>>
    %dma_start3A_679 = tpu.memref_squeeze %dma_start3A_678 : memref<1x8x8x128xf32, #tpu.memory_space<vmem>> -> memref<8x8x128xf32, #tpu.memory_space<vmem>>
    tpu.enqueue_dma source(%dma_start3A_679 : memref<8x8x128xf32, #tpu.memory_space<vmem>>) target(%dma_start3A_674 : memref<8x8x128xf32, #tpu.memory_space<hbm>>) target_semaphore(%arg17 : memref<!tpu.dma_semaphore, #tpu.memory_space<semaphore_mem>>)
    %dma_wait3A_680 = arith.constant 0 : i32
    %dma_wait3A_681 = arith.constant 196 : i32
    %dma_wait3A_682 = arith.constant 0 : i32
    %dma_wait3A_683 = arith.constant 0 : i32
    %dma_wait3A_684 = arith.constant 0 : i32
    %dma_wait3A_685 = tpu.memref_slice %arg8[%dma_wait3A_680, %dma_wait3A_682, %dma_wait3A_683, %dma_wait3A_684] : memref<4x8x8x129xf32, #tpu.memory_space<vmem>> -> memref<1x8x8x128xf32, #tpu.memory_space<vmem>>
    %dma_wait3A_686 = tpu.memref_squeeze %dma_wait3A_685 : memref<1x8x8x128xf32, #tpu.memory_space<vmem>> -> memref<8x8x128xf32, #tpu.memory_space<vmem>>
    %dma_wait3A_687 = arith.constant 0 : i32
    %dma_wait3A_688 = arith.constant 0 : i32
    %dma_wait3A_689 = arith.constant 0 : i32
    %dma_wait3A_690 = tpu.memref_slice %arg5[%dma_wait3A_681, %dma_wait3A_687, %add3A, %dma_wait3A_688, %dma_wait3A_689] : memref<200x8x32x8x128xf32, #tpu.memory_space<hbm>> -> memref<1x8x1x8x128xf32, #tpu.memory_space<hbm>>
    %dma_wait3A_691 = tpu.memref_squeeze %dma_wait3A_690 : memref<1x8x1x8x128xf32, #tpu.memory_space<hbm>> -> memref<8x8x128xf32, #tpu.memory_space<hbm>>
    %dma_wait3A_692 = arith.constant 0 : i32
    %dma_wait3A_693 = arith.constant 0 : i32
    %dma_wait3A_694 = arith.constant 0 : i32
    %dma_wait3A_695 = tpu.memref_slice %arg5[%dma_wait3A_681, %dma_wait3A_692, %add3A, %dma_wait3A_693, %dma_wait3A_694] : memref<200x8x32x8x128xf32, #tpu.memory_space<hbm>> -> memref<1x8x1x8x128xf32, #tpu.memory_space<hbm>>
    %dma_wait3A_696 = tpu.memref_squeeze %dma_wait3A_695 : memref<1x8x1x8x128xf32, #tpu.memory_space<hbm>> -> memref<8x8x128xf32, #tpu.memory_space<hbm>>
    %dma_wait3A_697 = arith.constant 0 : i32
    %dma_wait3A_698 = arith.constant 0 : i32
    %dma_wait3A_699 = arith.constant 0 : i32
    %dma_wait3A_700 = tpu.memref_slice %arg8[%dma_wait3A_680, %dma_wait3A_697, %dma_wait3A_698, %dma_wait3A_699] : memref<4x8x8x129xf32, #tpu.memory_space<vmem>> -> memref<1x8x8x128xf32, #tpu.memory_space<vmem>>
    %dma_wait3A_701 = tpu.memref_squeeze %dma_wait3A_700 : memref<1x8x8x128xf32, #tpu.memory_space<vmem>> -> memref<8x8x128xf32, #tpu.memory_space<vmem>>
    tpu.wait_dma2 semaphore(%arg14 : memref<!tpu.dma_semaphore, #tpu.memory_space<semaphore_mem>>) src(%dma_wait3A_701 : memref<8x8x128xf32, #tpu.memory_space<vmem>>) dst(%dma_wait3A_696 : memref<8x8x128xf32, #tpu.memory_space<hbm>>)
    %dma_wait3A_702 = arith.constant 1 : i32
    %dma_wait3A_703 = arith.constant 197 : i32
    %dma_wait3A_704 = arith.constant 0 : i32
    %dma_wait3A_705 = arith.constant 0 : i32
    %dma_wait3A_706 = arith.constant 0 : i32
    %dma_wait3A_707 = tpu.memref_slice %arg8[%dma_wait3A_702, %dma_wait3A_704, %dma_wait3A_705, %dma_wait3A_706] : memref<4x8x8x129xf32, #tpu.memory_space<vmem>> -> memref<1x8x8x128xf32, #tpu.memory_space<vmem>>
    %dma_wait3A_708 = tpu.memref_squeeze %dma_wait3A_707 : memref<1x8x8x128xf32, #tpu.memory_space<vmem>> -> memref<8x8x128xf32, #tpu.memory_space<vmem>>
    %dma_wait3A_709 = arith.constant 0 : i32
    %dma_wait3A_710 = arith.constant 0 : i32
    %dma_wait3A_711 = arith.constant 0 : i32
    %dma_wait3A_712 = tpu.memref_slice %arg5[%dma_wait3A_703, %dma_wait3A_709, %add3A, %dma_wait3A_710, %dma_wait3A_711] : memref<200x8x32x8x128xf32, #tpu.memory_space<hbm>> -> memref<1x8x1x8x128xf32, #tpu.memory_space<hbm>>
    %dma_wait3A_713 = tpu.memref_squeeze %dma_wait3A_712 : memref<1x8x1x8x128xf32, #tpu.memory_space<hbm>> -> memref<8x8x128xf32, #tpu.memory_space<hbm>>
    %dma_wait3A_714 = arith.constant 0 : i32
    %dma_wait3A_715 = arith.constant 0 : i32
    %dma_wait3A_716 = arith.constant 0 : i32
    %dma_wait3A_717 = tpu.memref_slice %arg5[%dma_wait3A_703, %dma_wait3A_714, %add3A, %dma_wait3A_715, %dma_wait3A_716] : memref<200x8x32x8x128xf32, #tpu.memory_space<hbm>> -> memref<1x8x1x8x128xf32, #tpu.memory_space<hbm>>
    %dma_wait3A_718 = tpu.memref_squeeze %dma_wait3A_717 : memref<1x8x1x8x128xf32, #tpu.memory_space<hbm>> -> memref<8x8x128xf32, #tpu.memory_space<hbm>>
    %dma_wait3A_719 = arith.constant 0 : i32
    %dma_wait3A_720 = arith.constant 0 : i32
    %dma_wait3A_721 = arith.constant 0 : i32
    %dma_wait3A_722 = tpu.memref_slice %arg8[%dma_wait3A_702, %dma_wait3A_719, %dma_wait3A_720, %dma_wait3A_721] : memref<4x8x8x129xf32, #tpu.memory_space<vmem>> -> memref<1x8x8x128xf32, #tpu.memory_space<vmem>>
    %dma_wait3A_723 = tpu.memref_squeeze %dma_wait3A_722 : memref<1x8x8x128xf32, #tpu.memory_space<vmem>> -> memref<8x8x128xf32, #tpu.memory_space<vmem>>
    tpu.wait_dma2 semaphore(%arg15 : memref<!tpu.dma_semaphore, #tpu.memory_space<semaphore_mem>>) src(%dma_wait3A_723 : memref<8x8x128xf32, #tpu.memory_space<vmem>>) dst(%dma_wait3A_718 : memref<8x8x128xf32, #tpu.memory_space<hbm>>)
    %dma_wait3A_724 = arith.constant 2 : i32
    %dma_wait3A_725 = arith.constant 198 : i32
    %dma_wait3A_726 = arith.constant 0 : i32
    %dma_wait3A_727 = arith.constant 0 : i32
    %dma_wait3A_728 = arith.constant 0 : i32
    %dma_wait3A_729 = tpu.memref_slice %arg8[%dma_wait3A_724, %dma_wait3A_726, %dma_wait3A_727, %dma_wait3A_728] : memref<4x8x8x129xf32, #tpu.memory_space<vmem>> -> memref<1x8x8x128xf32, #tpu.memory_space<vmem>>
    %dma_wait3A_730 = tpu.memref_squeeze %dma_wait3A_729 : memref<1x8x8x128xf32, #tpu.memory_space<vmem>> -> memref<8x8x128xf32, #tpu.memory_space<vmem>>
    %dma_wait3A_731 = arith.constant 0 : i32
    %dma_wait3A_732 = arith.constant 0 : i32
    %dma_wait3A_733 = arith.constant 0 : i32
    %dma_wait3A_734 = tpu.memref_slice %arg5[%dma_wait3A_725, %dma_wait3A_731, %add3A, %dma_wait3A_732, %dma_wait3A_733] : memref<200x8x32x8x128xf32, #tpu.memory_space<hbm>> -> memref<1x8x1x8x128xf32, #tpu.memory_space<hbm>>
    %dma_wait3A_735 = tpu.memref_squeeze %dma_wait3A_734 : memref<1x8x1x8x128xf32, #tpu.memory_space<hbm>> -> memref<8x8x128xf32, #tpu.memory_space<hbm>>
    %dma_wait3A_736 = arith.constant 0 : i32
    %dma_wait3A_737 = arith.constant 0 : i32
    %dma_wait3A_738 = arith.constant 0 : i32
    %dma_wait3A_739 = tpu.memref_slice %arg5[%dma_wait3A_725, %dma_wait3A_736, %add3A, %dma_wait3A_737, %dma_wait3A_738] : memref<200x8x32x8x128xf32, #tpu.memory_space<hbm>> -> memref<1x8x1x8x128xf32, #tpu.memory_space<hbm>>
    %dma_wait3A_740 = tpu.memref_squeeze %dma_wait3A_739 : memref<1x8x1x8x128xf32, #tpu.memory_space<hbm>> -> memref<8x8x128xf32, #tpu.memory_space<hbm>>
    %dma_wait3A_741 = arith.constant 0 : i32
    %dma_wait3A_742 = arith.constant 0 : i32
    %dma_wait3A_743 = arith.constant 0 : i32
    %dma_wait3A_744 = tpu.memref_slice %arg8[%dma_wait3A_724, %dma_wait3A_741, %dma_wait3A_742, %dma_wait3A_743] : memref<4x8x8x129xf32, #tpu.memory_space<vmem>> -> memref<1x8x8x128xf32, #tpu.memory_space<vmem>>
    %dma_wait3A_745 = tpu.memref_squeeze %dma_wait3A_744 : memref<1x8x8x128xf32, #tpu.memory_space<vmem>> -> memref<8x8x128xf32, #tpu.memory_space<vmem>>
    tpu.wait_dma2 semaphore(%arg16 : memref<!tpu.dma_semaphore, #tpu.memory_space<semaphore_mem>>) src(%dma_wait3A_745 : memref<8x8x128xf32, #tpu.memory_space<vmem>>) dst(%dma_wait3A_740 : memref<8x8x128xf32, #tpu.memory_space<hbm>>)
    %dma_wait3A_746 = arith.constant 3 : i32
    %dma_wait3A_747 = arith.constant 199 : i32
    %dma_wait3A_748 = arith.constant 0 : i32
    %dma_wait3A_749 = arith.constant 0 : i32
    %dma_wait3A_750 = arith.constant 0 : i32
    %dma_wait3A_751 = tpu.memref_slice %arg8[%dma_wait3A_746, %dma_wait3A_748, %dma_wait3A_749, %dma_wait3A_750] : memref<4x8x8x129xf32, #tpu.memory_space<vmem>> -> memref<1x8x8x128xf32, #tpu.memory_space<vmem>>
    %dma_wait3A_752 = tpu.memref_squeeze %dma_wait3A_751 : memref<1x8x8x128xf32, #tpu.memory_space<vmem>> -> memref<8x8x128xf32, #tpu.memory_space<vmem>>
    %dma_wait3A_753 = arith.constant 0 : i32
    %dma_wait3A_754 = arith.constant 0 : i32
    %dma_wait3A_755 = arith.constant 0 : i32
    %dma_wait3A_756 = tpu.memref_slice %arg5[%dma_wait3A_747, %dma_wait3A_753, %add3A, %dma_wait3A_754, %dma_wait3A_755] : memref<200x8x32x8x128xf32, #tpu.memory_space<hbm>> -> memref<1x8x1x8x128xf32, #tpu.memory_space<hbm>>
    %dma_wait3A_757 = tpu.memref_squeeze %dma_wait3A_756 : memref<1x8x1x8x128xf32, #tpu.memory_space<hbm>> -> memref<8x8x128xf32, #tpu.memory_space<hbm>>
    %dma_wait3A_758 = arith.constant 0 : i32
    %dma_wait3A_759 = arith.constant 0 : i32
    %dma_wait3A_760 = arith.constant 0 : i32
    %dma_wait3A_761 = tpu.memref_slice %arg5[%dma_wait3A_747, %dma_wait3A_758, %add3A, %dma_wait3A_759, %dma_wait3A_760] : memref<200x8x32x8x128xf32, #tpu.memory_space<hbm>> -> memref<1x8x1x8x128xf32, #tpu.memory_space<hbm>>
    %dma_wait3A_762 = tpu.memref_squeeze %dma_wait3A_761 : memref<1x8x1x8x128xf32, #tpu.memory_space<hbm>> -> memref<8x8x128xf32, #tpu.memory_space<hbm>>
    %dma_wait3A_763 = arith.constant 0 : i32
    %dma_wait3A_764 = arith.constant 0 : i32
    %dma_wait3A_765 = arith.constant 0 : i32
    %dma_wait3A_766 = tpu.memref_slice %arg8[%dma_wait3A_746, %dma_wait3A_763, %dma_wait3A_764, %dma_wait3A_765] : memref<4x8x8x129xf32, #tpu.memory_space<vmem>> -> memref<1x8x8x128xf32, #tpu.memory_space<vmem>>
    %dma_wait3A_767 = tpu.memref_squeeze %dma_wait3A_766 : memref<1x8x8x128xf32, #tpu.memory_space<vmem>> -> memref<8x8x128xf32, #tpu.memory_space<vmem>>
    tpu.wait_dma2 semaphore(%arg17 : memref<!tpu.dma_semaphore, #tpu.memory_space<semaphore_mem>>) src(%dma_wait3A_767 : memref<8x8x128xf32, #tpu.memory_space<vmem>>) dst(%dma_wait3A_762 : memref<8x8x128xf32, #tpu.memory_space<hbm>>)
    return
  }
}

</mosaic_0001>

<sc_bundles>
// kernel: kernel.3.cloned.1.call-start
scs
__scs_entry_jumppad:
0x0: {  	(pc) =	sbr.rel $0x88, $3  }
0x1: {  	(tag) =	ssettag $0x0;
	lr =	simm.s32 $0x1  }
0x2: {  	[smem:$0x3F9E] =	sst lr;
	_ =	strace $0xD0000000  }
0x3: {  	_ = 	snop  }
0x4: {  	_ = 	snop  }
0x5: {  	_ = 	snop  }
0x6: {  	_ = 	snop  }
0x7: {  	_ = 	snop  }
__scs_overlays_trampoline_lowered:
0x8: {  	[smem:$0x3FAD] =	sst s0  }
0x9: {  	[smem:$0x3FAE] =	sst s1  }
0xa: {  	[smem:$0x3FAF] =	sst s2  }
0xb: {  	[smem:$0x3FB0] =	sst s3  }
0xc: {  	[smem:$0x3FB1] =	sst s4  }
0xd: {  	[smem:$0x3FB2] =	sst s5  }
0xe: {  	[smem:$0x3FB3] =	sst s6  }
0xf: {  	[smem:$0x3FB4] =	sst s7  }
0x10: {  	[smem:$0x3FB5] =	sst s8  }
0x11: {  	[smem:$0x3FB6] =	sst s9;
	s0 =	simm.s32 @!p0 $0x0  }
0x12: {  	s1 =	sld [smem:$0x3F9C];
	s0 =	simm.s32 @p0 $0x1  }
0x13: {  	[smem:$0x3FB7] =	sst s0;
	s0 =	simm.s32 @!p1 $0x0  }
0x14: {  	s2 =	sld [smem:$0x3F9B];
	s0 =	simm.s32 @p1 $0x1  }
0x15: {  	[smem:$0x3FB8] =	sst s0;
	s0 =	simm.s32 @!p2 $0x0  }
0x16: {  	s3 =	sld [smem:$0x3FDB];
	s0 =	simm.s32 @p2 $0x1  }
0x17: {  	s4 =	simm.s32 $0x1BF5;
	[smem:$0x3FBA] =	sst s0  }
0x18: {  	s0 =	sld [smem:$0x3F9D];
	_ =	swait.ge [sflag:s4], $0x0  }
0x19: {  	s7 =	sld [smem:$0x3F9E]  }
0x1a: {  	s8 =	sadd.s32 $0xFFFFE003, lr  }
0x1b: {  	s9 =	sadd.s32 $0xFFFFFEF7, lr;
	s5 =	simm.s32 $0xFFFFFFFF;
	p2 =	slt.u32 s8, $0xFFFFF086  }
0x1c: {  	p1 =	slt.u32 s9, $0xF7A;
	s5 =	simm.s32 @!p2 $0x0  }
0x1d: {  	s5 =	simm.s32 @p1 $0x1;
	p0 =	seq.s32 s7, s2  }
0x1e: {  	s7 =	smul.u32 @!p0 $0xF7A, s2;
	p2 =	seq.s32 @!p0 s5, $0x0  }
0x1f: {  	s9 =	smul.u32 $0xF7A, s1;
	s8 =	simm.s32 @!p0 $0x1BF5;
	p2 =	por !p2, p0  }
0x20: {  	[sflag:s8] =	ssyncset.s32 @!p0 $0xFFFFF086;
	s6 =	sadd.s32 @!p0 s3, s7;
	s7 =	simm.s32 @!p0 $0x108  }
0x21: {  	s3 =	sadd.s32 s3, s9;
	s6 =	sadd.s32 @!p0 $0x88, s6;
	s7 =	simm.s32 @p2 $0x1082  }
0x22: {  	[simem:s7], [sflag:s8] =	dma.local @!p0 [hbm:s6], $0xF7A  }
0x23: {  	s9 =	sor.u32 $0xD0000000, s2;
	s6 =	simm.s32 $0x108;
	_ =	swait.ge @!p0 [sflag:s8], $0x0  }
0x24: {  	s3 =	sadd.s32 $0x88, s3;
	s6 =	simm.s32 @!p1 $0x1082;
	[sflag:s4] =	ssyncset.s32 $0xFFFFF086  }
0x25: {  	[simem:s6], [sflag:s4] =	dma.local [hbm:s3], $0xF7A  }
0x26: {  	[smem:$0x3F9E] =	sst s1;
	(tag) =	ssettag s2;
	_ =	strace s9  }
0x27: {  	s1 =	sld [smem:$0x3FAE]  }
0x28: {  	s2 =	sld [smem:$0x3FAF]  }
0x29: {  	s4 =	sld [smem:$0x3FB1]  }
0x2a: {  	p0 =	seq.s32 s5, $0x0;
	s5 =	sld [smem:$0x3FB2]  }
0x2b: {  	s6 =	sld [smem:$0x3FB3]  }
0x2c: {  	s7 =	sld [smem:$0x3FB4]  }
0x2d: {  	s3 =	simm.s32 $0x108;
	s8 =	sld [smem:$0x3FB5]  }
0x2e: {  	s3 =	simm.s32 @!p0 $0x1082;
	s9 =	sld [smem:$0x3FB6]  }
0x2f: {  	lr =	sadd.s32 s0, s3;
	s0 =	sld [smem:$0x3FAD]  }
0x30: {  	s3 =	sld [smem:$0x3FB0]  }
0x31: {  	[smem:$0x3FB9] =	sst s10  }
0x32: {  	s10 =	sld [smem:$0x3FB7];
	_ =	sdelay $0x3  }
0x33: {  	p0 =	seq.s32 s10, $0x1;
	s10 =	sld [smem:$0x3FB9];
	_ =	sdelay $0x3  }
0x34: {  	[smem:$0x3FB9] =	sst s10  }
0x35: {  	s10 =	sld [smem:$0x3FB8];
	_ =	sdelay $0x3  }
0x36: {  	p1 =	seq.s32 s10, $0x1;
	s10 =	sld [smem:$0x3FB9];
	_ =	sdelay $0x3  }
0x37: {  	[smem:$0x3FB9] =	sst s10  }
0x38: {  	s10 =	sld [smem:$0x3FBA]  }
0x39: {  	_ = 	snop;
	(pc) =	sbr.ind lr, $3  }
0x3a: {  	_ = 	snop  }
0x3b: {  	_ = 	snop  }
0x3c: {  	p2 =	seq.s32 s10, $0x1;
	s10 =	sld [smem:$0x3FB9]  }
0x3d: {  	_ =	shalt  }
0x3e: {  	_ =	shalt  }
0x3f: {  	_ =	shalt  }
0x40: {  	_ =	shalt  }
0x41: {  	_ =	shalt  }
0x42: {  	_ =	shalt  }
0x43: {  	_ =	shalt  }
0x44: {  	_ =	shalt  }
0x45: {  	_ =	shalt  }
0x46: {  	_ =	shalt  }
0x47: {  	_ =	shalt  }
0x48: {  	_ =	shalt  }
0x49: {  	_ =	shalt  }
0x4a: {  	_ =	shalt  }
0x4b: {  	_ =	shalt  }
0x4c: {  	_ =	shalt  }
0x4d: {  	_ =	shalt  }
0x4e: {  	_ =	shalt  }
0x4f: {  	_ =	shalt  }
0x50: {  	_ =	shalt  }
0x51: {  	_ =	shalt  }
0x52: {  	_ =	shalt  }
0x53: {  	_ =	shalt  }
0x54: {  	_ =	shalt  }
0x55: {  	_ =	shalt  }
0x56: {  	_ =	shalt  }
0x57: {  	_ =	shalt  }
0x58: {  	_ =	shalt  }
0x59: {  	_ =	shalt  }
0x5a: {  	_ =	shalt  }
0x5b: {  	_ =	shalt  }
0x5c: {  	_ =	shalt  }
0x5d: {  	_ =	shalt  }
0x5e: {  	_ =	shalt  }
0x5f: {  	_ =	shalt  }
0x60: {  	_ =	shalt  }
0x61: {  	_ =	shalt  }
0x62: {  	_ =	shalt  }
0x63: {  	_ =	shalt  }
0x64: {  	_ =	shalt  }
0x65: {  	_ =	shalt  }
0x66: {  	_ =	shalt  }
0x67: {  	_ =	shalt  }
0x68: {  	_ =	shalt  }
0x69: {  	_ =	shalt  }
0x6a: {  	_ =	shalt  }
0x6b: {  	_ =	shalt  }
0x6c: {  	_ =	shalt  }
0x6d: {  	_ =	shalt  }
0x6e: {  	_ =	shalt  }
0x6f: {  	_ =	shalt  }
0x70: {  	_ =	shalt  }
0x71: {  	_ =	shalt  }
0x72: {  	_ =	shalt  }
0x73: {  	_ =	shalt  }
0x74: {  	_ =	shalt  }
0x75: {  	_ =	shalt  }
0x76: {  	_ =	shalt  }
0x77: {  	_ =	shalt  }
0x78: {  	_ =	shalt  }
0x79: {  	_ =	shalt  }
0x7a: {  	_ =	shalt  }
0x7b: {  	_ =	shalt  }
0x7c: {  	_ =	shalt  }
0x7d: {  	_ =	shalt  }
0x7e: {  	_ =	shalt  }
0x7f: {  	_ =	shalt  }
0x80: {  	_ =	shalt  }
0x81: {  	_ =	shalt  }
0x82: {  	_ =	shalt  }
0x83: {  	_ =	shalt  }
0x84: {  	_ =	shalt  }
0x85: {  	_ =	shalt  }
0x86: {  	_ =	shalt  }
0x87: {  	_ =	shalt  }
.Lfunc_end0:
.L_simem_size_0:
called_computation_lowered:
.L_overlay_start_0:
0x88: {  	s2 =	sld [smem:$0x3FD9]  }
0x89: {  	s3 =	sld [smem:$0x3FFE];
	_ =	sdelay $0x1  }
0x8a: {  	s1 =	srdreg.scid  }
0x8b: {  	s0 =	sand.u32 $0x1, s1  }
0x8c: {  	s17 =	sshll.u32 s0, $0xA;
	s2 =	sadd.s32 s3, s2  }
0x8d: {  	s2 =	sadd.s32 s2, s17  }
0x8e: {  	[smem:$0x3FC5] =	sst s2  }
0x8f: {  	_ = 	snop  }
0x90: {  	s2 =	sld [smem:$0x3FC9]  }
0x91: {  	s18 =	sld [smem:$0x3FD0];
	(tm) =	ssettm $0x1  }
0x92: {  	s4 =	sld [smem:$0x3FFB];
	_ =	sdelay $0x3  }
0x93: {  	_ =	strace s4  }
0x94: {  	s4 =	sld [smem:$0x3FFC];
	_ =	sdelay $0x3  }
0x95: {  	_ =	strace s4  }
0x96: {  	s4 =	sld [smem:$0x3FFD];
	_ =	sdelay $0x3  }
0x97: {  	_ =	strace s4  }
0x98: {  	_ =	strace $0x8FFFFFFF  }
0x99: {  	s19 =	sld [smem:$0x3FDB];
	_ =	sdelay $0x1  }
0x9a: {  	s5 =	simm.s32 $_scs_section_size  }
0x9b: {  	s6 =	simm.s32 $_size__tile_overlayer_lowered;
	s7 =	simm.s32 $_tile_overlayer_lowered  }
0x9c: {  	s22 =	simm.s32 $0x1BFF;
	s21 =	sshll.u32 s7, $0x1;
	s4 =	sadd.s32 s5, s19  }
0x9d: {  	s8 =	simm.s32 $0x0;
	s20 =	sshll.u32 s6, $0x1;
	s6 =	sadd.s32 s21, s4  }
0x9e: {  	[timem:s8], [sflag:s22] =	dma.local [hbm:s6], s20  }
0x9f: {  	_ =	swait.ge [sflag:s22], s20  }
0xa0: {  	s5 =	ssub.s32 $0x0, s20;
	[sflag:s22] =	ssyncset.done $0x0  }
0xa1: {  	[sflag:s22] =	ssyncadd.s32 s5;
	_ =	sdelay $0x1  }
0xa2: {  	s23 =	simm.s32 $0x1B8B  }
0xa3: {  	_ =	swait.ge [sflag:s23], $0x1  }
0xa4: {  	[sflag:s23] =	ssyncset.done $0x0  }
0xa5: {  	s25 =	simm.s32 $0x1B8E;
	s24 =	sld [smem:$0x3FFE];
	[sflag:s23] =	ssyncadd.s32 $0xFFFFFFFF  }
0xa6: {  	s26 =	simm.s32 $execute0_lowered;
	[smem:$0x3FD2] =	sst s25  }
0xa7: {  	s6 =	sshll.u32 s26, $0x1;
	_ =	strace $0x80000046;
	[dreg:$0x1] =	wrdreg $0xFFFFFFFF  }
0xa8: {  	s28 =	simm.s32 $_size_execute0_lowered;
	s4 =	sadd.s32 s4, s6;
	[dreg:$0x0] =	wrdreg $0x0  }
0xa9: {  	s6 =	sshll.u32 s28, $0x1;
	[dreg:$0x2] =	wrdreg s4  }
0xaa: {  	[dreg:$0x3] =	wrdreg s6  }
0xab: {  	[dreg:$0x4] =	wrdreg $0xC0  }
0xac: {  	_ =	task [dreg:s8], $0x5FFFF  }
0xad: {  	[dreg:$0x1] =	wrdreg $0xFFFFFFFF  }
0xae: {  	[dreg:$0x0] =	wrdreg $0x60  }
0xaf: {  	[dreg:$0x2] =	wrdreg s2  }
0xb0: {  	[dreg:$0x3] =	wrdreg s24  }
0xb1: {  	[dreg:$0x4] =	wrdreg s18  }
0xb2: {  	[dreg:$0x5] =	wrdreg $0x9  }
0xb3: {  	_ =	task.clear_ibuf [dreg:s8], $0x6FFFF;
	_ =	strace $0x90000046  }
0xb4: {  	s29 =	simm.s32 $0x9;
	_ =	strace $0x80000048  }
0xb5: {  	_ =	swait.ge [sflag:s29], $0x1  }
0xb6: {  	[sflag:s29] =	ssyncadd.s32 $0xFFFFFFFF  }
0xb7: {  	_ =	strace $0x90000048  }
0xb8: {  	_ =	sfence  }
0xb9: {  	s30 =	sld [smem:$0x0];
	_ =	sdelay $0x2  }
0xba: {  	s31 =	sshll.u32 s1, $0xD;
	s1 =	sshrl.u32 s1, $0x2  }
0xbb: {  	s3 =	sand.u32 $0x4000, s31;
	s1 =	sadd.s32 s1, s30  }
0xbc: {  	s0 =	sor.u32 s3, s0;
	s1 =	sshll.u32 s1, $0x11  }
0xbd: {  	s0 =	sor.u32 s1, s0  }
0xbe: {  	s0 =	sadd.s32 $0x8F2B, s0  }
0xbf: {  	[sflag:s0] =	ssyncadd.remote.s32 $0x1  }
0xc0: {  	_ =	sfence.sel $0xFFFF  }
0xc1: {  	[dreg:$0x0] =	wrdreg $0xFFFFFFFF;
	(pc) =	sbr.abs _section_cstart, $3  }
0xc2: {  	[dreg:$0x1] =	wrdreg $0xFFFFFFFF  }
0xc3: {  	_ =	task.clear_ibuf [dreg:s8], $0x2FFFF;
	_ =	strace $0x9FFFFFFF  }
0xc4: {  	(tm) =	ssettm $0x7FFFFFFF  }
0xc5: {  	_ =	shalt  }
tec
execute0_lowered:
.L_overlay_start_1:
0x0: {  	(tag) =	ssettag $0x1  }
0x1: {  	s0 =	rddreg [dreg:$0x0]  }
0x2: {  	s2 =	rddreg [dreg:$0x1]  }
0x3: {  	s1 =	rddreg [dreg:$0x2];
	s3 =	simm.s32 $0x0  }
0x4: {  	s4 =	srdreg.scid;
	s6 =	stileid.u32;
	s28 =	simm.s32 $0xC400  }
0x5: {  	s29 =	simm.s32 $0x1;
	s30 =	simm.s32 $0xE400;
	s5 =	sand.u32 $0x1, s4  }
0x6: {  	[smem:$0x7FF] =	sst s3;
	s6 =	sshll.u32 s6, $0xB;
	s7 =	sshll.u32 s5, $0xA  }
0x7: {  	s4 =	sadd.s32 $0xC00, s2;
	s8 =	ssub.s32 $0x2, s5;
	s5 =	sor.u32 s7, s6  }
0x8: {  	s2 =	sadd.s32 $0x400, s2;
	_ =	strace $0x80000047;
	s6 =	sshrl.u32 s5, $0x3  }
0x9: {  	[dreg:$0x4] =	wrdreg s2;
	s19 =	sshrl.u32 s8, $0x1;
	s0 =	sadd.s32 s0, s6  }
0xa: {  	s2 =	ssub.s32 s8, s19;
	s20 =	sadd.s32 s1, s6;
	[dreg:$0x5] =	wrdreg s0  }
0xb: {  	s18 =	simm.s32 $0x3;
	s26 =	smax.u32 s2, $0x1;
	[dreg:$0x6] =	wrdreg s20  }
0xc: {  	s31 =	simm.s32 $0x14A00;
	s6 =	sadd.s32 $0x8000, s20;
	[dreg:$0xe] =	wrdreg s26  }
0xd: {  	s17 =	simm.s32 $0x5;
	s21 =	sadd.s32 $0x10000, s20;
	[dreg:$0x7] =	wrdreg s6  }
0xe: {  	s9 =	simm.s32 $0x0;
	s22 =	sadd.s32 $0x18000, s20;
	[dreg:$0x8] =	wrdreg s21  }
0xf: {  	s7 =	simm.s32 $0x8;
	s23 =	sadd.s32 $0x620000, s20;
	[dreg:$0x9] =	wrdreg s22  }
0x10: {  	s2 =	simm.s32 $0x10600;
	s24 =	sadd.s32 $0x628000, s20;
	[dreg:$0xa] =	wrdreg s23  }
0x11: {  	v0 =	vlaneseq.u32;
	s25 =	sadd.s32 $0x630000, s20;
	s0 =	sadd.s32 $0x638000, s20;
	[dreg:$0xb] =	wrdreg s24  }
0x12: {  	v0 =	vmul.u32 $0x88, v0;
	s20 =	simm.s32 $0x12800;
	s26 =	simm.s32 $0x4;
	[dreg:$0xc] =	wrdreg s25  }
0x13: {  	[dreg:$0xd] =	wrdreg s0;
	s21 =	simm.s32 $0x80;
	s25 =	simm.s32 $0xA400  }
0x14: {  	v1 =	vadd.s32 $0x880, v0;
	v2 =	vadd.s32 $0x1100, v0;
	v3 =	vadd.s32 $0x1980, v0;
	s0 =	simm.s32 $0x2;
	s24 =	simm.s32 $0x6;
	s6 =	simm.s32 $0x7  }
.LBB2_1:
0x15: {  	[dreg:$0xf] =	wrdreg s9  }
0x16: {  	s8 =	rddreg [dreg:$0x5]  }
0x17: {  	s14 =	simm.s32 $0x400;
	s10 =	simm.s32 $0x8000;
	s15 =	simm.s32 $0x9  }
0x18: {  	[tilespmem:s3], [sflag:$0x9] =	stream.strided.gather [hbm4b:s8+s14], $0x6400, s10, s14, $0x38;
	[tilespmem:$0x19E00] =	vst v63  }
0x19: {  	_ =	swait.ge [sflag:s15], $0x6400  }
0x1a: {  	[sflag:s15] =	ssyncset.done $0x0  }
0x1b: {  	s19 =	simm.s32 $0x16C00;
	s16 =	rddreg [dreg:$0x4];
	[sflag:s15] =	ssyncadd.s32 $0xFFFF9C00  }
0x1c: {  	[tilespmem:s19], [sflag:$0x9] =	stream.linear.gather [hbm4b:s16+s3], $0x3200, $0x38;
	[tilespmem:$0x19E00] =	vst v63  }
0x1d: {  	_ =	swait.ge [sflag:s15], $0x3200  }
0x1e: {  	[sflag:s15] =	ssyncset.done $0x0  }
0x1f: {  	s22 =	simm.s32 $0x6400;
	[sflag:s15] =	ssyncadd.s32 $0xFFFFCE00  }
0x20: {  	[tilespmem:s22], [sflag:$0x1] =	stream.indirect.gather [hbm4b:s4+s21], $0x40, s3, s21, $0xb8;
	[tilespmem:$0x19E00] =	vst v63  }
0x21: {  	s23 =	simm.s32 $0x8400  }
0x22: {  	[tilespmem:s23], [sflag:$0x2] =	stream.indirect.gather [hbm4b:s4+s21], $0x40, s21, s21, $0xb8;
	[tilespmem:$0x19E00] =	vst v63  }
0x23: {  	s9 =	simm.s32 $0x100  }
0x24: {  	[tilespmem:s25], [sflag:$0x3] =	stream.indirect.gather [hbm4b:s4+s21], $0x40, s9, s21, $0xb8;
	[tilespmem:$0x19E00] =	vst v63  }
0x25: {  	s10 =	simm.s32 $0x180  }
0x26: {  	[tilespmem:s28], [sflag:$0x4] =	stream.indirect.gather [hbm4b:s4+s21], $0x40, s10, s21, $0xb8;
	[tilespmem:$0x19E00] =	vst v63  }
0x27: {  	_ =	swait.ge [sflag:s29], $0x2000  }
0x28: {  	[sflag:s29] =	ssyncset.done $0x0  }
0x29: {  	[sflag:s29] =	ssyncadd.s32 $0xFFFFE000  }
0x2a: {  	s12 =	simm.s32 $0x6440;
	s11 =	simm.s32 $0x1;
	v9 =	vld [tilespmem:$0x16C00]  }
0x2b: {  	v4 =	vmov s11;
	v6 =	vld [tilespmem:s12+$0x0]  }
0x2c: {  	v14 =	vand.u32 $0x7F, v4  }
0x2d: {  	v8 =	vadd.s32 v0, v14  }
0x2e: {  	v7 =	vld [tilespmem:$0x16C10]  }
0x2f: {  	v4 =	vmov s3;
	v10 =	vld [tilespmem:s12+$0xFFFFFFC0]  }
0x30: {  	v18 =	vand.u32 $0x7E, v4;
	v5 =	vld [tilespmem:$0x16C20];
	v6 =	vadd.f32 v6, v9  }
0x31: {  	s13 =	simm.s32 $0x3;
	v11 =	vadd.s32 v0, v18;
	s9 =	simm.s32 $0x64C0;
	v4 =	vld [tilespmem:$0x16C30]  }
0x32: {  	v12 =	vld [tilespmem:s9+$0x0];
	[tilespmem:v8+s30+$0x0] =	vst.idx.msk $0xffff, v6;
	v6 =	vmov s13  }
0x33: {  	v6 =	vand.u32 $0x7F, v6;
	v13 =	vld [tilespmem:s12+$0x10]  }
0x34: {  	v8 =	vadd.f32 v10, v9;
	v10 =	vadd.s32 v0, v6  }
0x35: {  	s14 =	simm.s32 $0x2;
	v15 =	vadd.s32 v1, v14  }
0x36: {  	[tilespmem:v11+s30+$0x0] =	vst.idx.msk $0xffff, v8;
	v8 =	vmov s14;
	v11 =	vld [tilespmem:s9+$0xFFFFFFC0]  }
0x37: {  	v12 =	vadd.f32 v12, v9;
	v8 =	vand.u32 $0x7E, v8;
	v16 =	vld [tilespmem:s12+$0xFFFFFFD0]  }
0x38: {  	s15 =	simm.s32 $0x5;
	s10 =	simm.s32 $0x6540;
	v17 =	vadd.s32 v0, v8;
	v13 =	vadd.f32 v13, v7  }
0x39: {  	v19 =	vld [tilespmem:s10+$0x0];
	[tilespmem:v10+s30+$0x0] =	vst.idx.msk $0xffff, v12;
	v12 =	vadd.s32 v1, v18;
	v10 =	vmov s15  }
0x3a: {  	[tilespmem:v15+s30+$0x0] =	vst.idx.msk $0xffff, v13;
	v10 =	vand.u32 $0x7F, v10;
	v13 =	vld [tilespmem:s9+$0x10]  }
0x3b: {  	v11 =	vadd.f32 v11, v9;
	v15 =	vadd.s32 v0, v10;
	v20 =	vld [tilespmem:s12+$0x20]  }
0x3c: {  	s16 =	simm.s32 $0x4;
	v21 =	vadd.s32 v1, v6;
	v16 =	vadd.f32 v16, v7  }
0x3d: {  	v22 =	vadd.s32 v2, v14;
	[tilespmem:v17+s30+$0x0] =	vst.idx.msk $0xffff, v11;
	v11 =	vmov s16;
	v17 =	vld [tilespmem:s10+$0xFFFFFFC0]  }
0x3e: {  	v11 =	vand.u32 $0x7E, v11;
	[tilespmem:v12+s30+$0x0] =	vst.idx.msk $0xffff, v16;
	v12 =	vadd.f32 v19, v9;
	v16 =	vld [tilespmem:s9+$0xFFFFFFD0]  }
0x3f: {  	s11 =	simm.s32 $0x65C0;
	s19 =	simm.s32 $0x7;
	v19 =	vadd.s32 v0, v11;
	v13 =	vadd.f32 v13, v7;
	v23 =	vld [tilespmem:s12+$0xFFFFFFE0]  }
0x40: {  	v24 =	vld [tilespmem:s11+$0x0];
	[tilespmem:v15+s30+$0x0] =	vst.idx.msk $0xffff, v12;
	v15 =	vadd.s32 v1, v8;
	v20 =	vadd.f32 v20, v5;
	v12 =	vmov s19  }
0x41: {  	[tilespmem:v21+s30+$0x0] =	vst.idx.msk $0xffff, v13;
	v21 =	vadd.s32 v2, v18;
	v12 =	vand.u32 $0x7F, v12;
	v25 =	vld [tilespmem:s10+$0x10]  }
0x42: {  	v13 =	vadd.f32 v17, v9;
	[tilespmem:v22+s30+$0x0] =	vst.idx.msk $0xffff, v20;
	v17 =	vadd.s32 v0, v12;
	v20 =	vld [tilespmem:s9+$0x20]  }
0x43: {  	s22 =	simm.s32 $0x6;
	v26 =	vadd.s32 v1, v10;
	v16 =	vadd.f32 v16, v7;
	v27 =	vld [tilespmem:s12+$0x30]  }
0x44: {  	v28 =	vadd.s32 v2, v6;
	[tilespmem:v19+s30+$0x0] =	vst.idx.msk $0xffff, v13;
	v13 =	vmov s22;
	v19 =	vadd.f32 v23, v5;
	v23 =	vld [tilespmem:s11+$0xFFFFFFC0]  }
0x45: {  	v30 =	vadd.s32 v3, v14;
	v13 =	vand.u32 $0x7E, v13;
	v29 =	vld [tilespmem:s10+$0xFFFFFFD0];
	[tilespmem:v15+s30+$0x0] =	vst.idx.msk $0xffff, v16;
	v16 =	vadd.f32 v24, v9  }
0x46: {  	[tilespmem:v21+s30+$0x0] =	vst.idx.msk $0xffff, v19;
	v21 =	vadd.s32 v0, v13;
	v14 =	vadd.f32 v25, v7;
	v15 =	vld [tilespmem:s9+$0xFFFFFFE0]  }
0x47: {  	s23 =	simm.s32 $0x9;
	s13 =	simm.s32 $0x6640;
	v19 =	vadd.s32 v1, v11;
	[tilespmem:v17+s30+$0x0] =	vst.idx.msk $0xffff, v16;
	v20 =	vadd.f32 v20, v5;
	v16 =	vld [tilespmem:s12+$0xFFFFFFF0]  }
0x48: {  	v22 =	vld [tilespmem:s13+$0x0];
	v24 =	vmov s23;
	v17 =	vadd.s32 v2, v8;
	[tilespmem:v26+s30+$0x0] =	vst.idx.msk $0xffff, v14;
	v27 =	vadd.f32 v27, v4  }
0x49: {  	v18 =	vadd.s32 v3, v18;
	v14 =	vand.u32 $0x7F, v24;
	v26 =	vadd.f32 v23, v9;
	v23 =	vld [tilespmem:s11+$0x10];
	[tilespmem:v28+s30+$0x0] =	vst.idx.msk $0xffff, v20  }
0x4a: {  	s8 =	simm.s32 $0x8;
	s14 =	simm.s32 $0xA;
	s12 =	simm.s32 $0x6640;
	v24 =	vadd.s32 v0, v14;
	v25 =	vadd.f32 v29, v7;
	v20 =	vld [tilespmem:s10+$0x20];
	[tilespmem:v30+s30+$0x0] =	vst.idx.msk $0xffff, v27  }
.LBB2_2:
0x4b: {  	p0 =	slt.u32 s14, $0x7E;
	[tilespmem:v21+s30+$0x0] =	vst.idx.msk $0xffff, v26;
	v26 =	vadd.s32 v1, v12;
	v15 =	vadd.f32 v15, v5;
	v27 =	vld [tilespmem:s9+$0x30];
	v28 =	vmov v11  }
0x4c: {  	v21 =	vmov s8;
	v11 =	vmovc v13;
	s8 =	smov.u32 s14;
	v29 =	vld [tilespmem:s13+$0xFFFFFFC0];
	[tilespmem:v19+s30+$0x0] =	vst.idx.msk $0xffff, v25;
	v25 =	vadd.s32 v2, v10;
	v16 =	vadd.f32 v16, v4  }
0x4d: {  	v31 =	vadd.s32 v3, v6;
	v13 =	vand.u32 $0x7E, v21;
	v19 =	vadd.f32 v22, v9;
	v30 =	vld [tilespmem:s11+$0xFFFFFFD0];
	[tilespmem:v17+s30+$0x0] =	vst.idx.msk $0xffff, v15  }
.Ltmp0:
0x4e: {  	v6 =	vmov v10;
	v21 =	vadd.s32 v0, v13;
	v17 =	vadd.f32 v23, v7;
	v15 =	vld [tilespmem:s10+$0xFFFFFFE0];
	[tilespmem:v18+s30+$0x0] =	vst.idx.msk $0xffff, v16;
	(pc) =	sbr.rel @p0 .LBB2_2-.Ltmp0, $4  }
0x4f: {  	s15 =	sadd.s32 $0x1, s14;
	s13 =	sadd.s32 $0x80, s13;
	v10 =	vmov v12;
	[tilespmem:v24+s30+$0x0] =	vst.idx.msk $0xffff, v19;
	v19 =	vadd.s32 v1, v11;
	v18 =	vadd.f32 v20, v5;
	v16 =	vld [tilespmem:s9+$0xFFFFFFF0];
	s9 =	smov.u32 s10  }
0x50: {  	v12 =	vmovc v14;
	v20 =	vmov s15;
	s10 =	smov.u32 s11;
	s11 =	smov.u32 s12;
	s12 =	smov.u32 s13;
	v22 =	vld [tilespmem:s13+$0x0];
	[tilespmem:v26+s30+$0x0] =	vst.idx.msk $0xffff, v17;
	v17 =	vadd.s32 v2, v28;
	v27 =	vadd.f32 v27, v4  }
0x51: {  	v14 =	vand.u32 $0x7F, v20;
	v26 =	vadd.f32 v29, v9;
	v23 =	vld [tilespmem:s11+$0x10];
	[tilespmem:v25+s30+$0x0] =	vst.idx.msk $0xffff, v18;
	v18 =	vadd.s32 v3, v8  }
0x52: {  	s14 =	sadd.s32 $0x2, s14;
	v24 =	vadd.s32 v0, v14;
	v8 =	vmov v28;
	v25 =	vadd.f32 v30, v7;
	v20 =	vld [tilespmem:s10+$0x20];
	[tilespmem:v31+s30+$0x0] =	vst.idx.msk $0xffff, v27  }
0x53: {  	v27 =	vmov s8;
	v28 =	vld [tilespmem:s13+$0xFFFFFFC0]  }
0x54: {  	v27 =	vand.u32 $0x7E, v27  }
0x55: {  	v29 =	vadd.s32 v0, v27;
	_ =	sdelay $0x1  }
0x56: {  	v22 =	vadd.f32 v22, v9  }
0x57: {  	[tilespmem:v21+s30+$0x0] =	vst.idx.msk $0xffff, v26;
	v57 =	vadd.f32 v28, v9  }
0x58: {  	v21 =	vld [tilespmem:s11+$0xFFFFFFD0];
	[tilespmem:v24+s30+$0x0] =	vst.idx.msk $0xffff, v22  }
0x59: {  	v58 =	vadd.s32 v1, v12;
	v24 =	vld [tilespmem:s12+$0x10];
	[tilespmem:v29+s30+$0x0] =	vst.idx.msk $0xffff, v57  }
0x5a: {  	v59 =	vadd.s32 v1, v13;
	v60 =	vld [tilespmem:s12+$0xFFFFFFD0]  }
0x5b: {  	v61 =	vadd.s32 v1, v14  }
0x5c: {  	v62 =	vadd.s32 v1, v27;
	v23 =	vadd.f32 v23, v7  }
0x5d: {  	[tilespmem:v19+s30+$0x0] =	vst.idx.msk $0xffff, v25;
	v63 =	vadd.f32 v21, v7  }
0x5e: {  	v30 =	vld [tilespmem:s10+$0xFFFFFFE0];
	[tilespmem:v58+s30+$0x0] =	vst.idx.msk $0xffff, v23;
	v31 =	vadd.f32 v24, v7  }
0x5f: {  	v32 =	vadd.s32 v2, v10;
	v33 =	vld [tilespmem:s11+$0x20];
	[tilespmem:v59+s30+$0x0] =	vst.idx.msk $0xffff, v63;
	v34 =	vadd.f32 v60, v7  }
0x60: {  	v35 =	vadd.f32 v15, v5;
	v36 =	vadd.s32 v2, v11;
	v19 =	vld [tilespmem:s11+$0xFFFFFFE0];
	[tilespmem:v61+s30+$0x0] =	vst.idx.msk $0xffff, v31  }
0x61: {  	v37 =	vadd.s32 v2, v12;
	v16 =	vadd.f32 v16, v4;
	v38 =	vld [tilespmem:s12+$0x20];
	[tilespmem:v62+s30+$0x0] =	vst.idx.msk $0xffff, v34  }
0x62: {  	v40 =	vadd.s32 v2, v13;
	[tilespmem:v17+s30+$0x0] =	vst.idx.msk $0xffff, v35;
	v39 =	vadd.f32 v20, v5;
	v41 =	vld [tilespmem:s12+$0xFFFFFFE0]  }
0x63: {  	v42 =	vld [tilespmem:s9+$0x30];
	v44 =	vadd.s32 v2, v14;
	[tilespmem:v18+s30+$0x0] =	vst.idx.msk $0xffff, v16;
	v43 =	vadd.f32 v30, v5  }
0x64: {  	v47 =	vadd.s32 v2, v27;
	v45 =	vld [tilespmem:s9+$0xFFFFFFF0];
	[tilespmem:v32+s30+$0x0] =	vst.idx.msk $0xffff, v39;
	v46 =	vadd.f32 v33, v5  }
0x65: {  	v6 =	vadd.s32 v3, v6;
	v48 =	vld [tilespmem:s10+$0x30];
	[tilespmem:v36+s30+$0x0] =	vst.idx.msk $0xffff, v43;
	v49 =	vadd.f32 v19, v5  }
0x66: {  	v8 =	vadd.s32 v3, v8;
	v16 =	vld [tilespmem:s10+$0xFFFFFFF0];
	[tilespmem:v37+s30+$0x0] =	vst.idx.msk $0xffff, v46;
	v50 =	vadd.f32 v38, v5  }
0x67: {  	v51 =	vadd.s32 v3, v10;
	v52 =	vld [tilespmem:s11+$0x30];
	[tilespmem:v40+s30+$0x0] =	vst.idx.msk $0xffff, v49;
	v5 =	vadd.f32 v41, v5  }
0x68: {  	v54 =	vadd.s32 v3, v11;
	v53 =	vadd.f32 v42, v4;
	v15 =	vld [tilespmem:s11+$0xFFFFFFF0];
	[tilespmem:v44+s30+$0x0] =	vst.idx.msk $0xffff, v50  }
0x69: {  	v56 =	vadd.s32 v3, v12;
	v55 =	vadd.f32 v45, v4;
	v57 =	vld [tilespmem:s12+$0x30];
	[tilespmem:v47+s30+$0x0] =	vst.idx.msk $0xffff, v5  }
0x6a: {  	v58 =	vadd.s32 v3, v13;
	[tilespmem:v6+s30+$0x0] =	vst.idx.msk $0xffff, v53;
	v5 =	vadd.f32 v48, v4;
	v59 =	vld [tilespmem:s12+$0xFFFFFFF0]  }
0x6b: {  	[tilespmem:v8+s30+$0x0] =	vst.idx.msk $0xffff, v55;
	v61 =	vadd.s32 v3, v14;
	v60 =	vadd.f32 v16, v4  }
0x6c: {  	v62 =	vadd.s32 v3, v27;
	[tilespmem:v51+s30+$0x0] =	vst.idx.msk $0xffff, v5;
	v5 =	vadd.f32 v52, v4  }
0x6d: {  	[tilespmem:v54+s30+$0x0] =	vst.idx.msk $0xffff, v60;
	v63 =	vadd.f32 v15, v4  }
0x6e: {  	[tilespmem:v56+s30+$0x0] =	vst.idx.msk $0xffff, v5;
	v5 =	vadd.f32 v57, v4  }
0x6f: {  	[tilespmem:v58+s30+$0x0] =	vst.idx.msk $0xffff, v63;
	v4 =	vadd.f32 v59, v4  }
0x70: {  	[tilespmem:v61+s30+$0x0] =	vst.idx.msk $0xffff, v5  }
0x71: {  	[tilespmem:v62+s30+$0x0] =	vst.idx.msk $0xffff, v4  }
0x72: {  	s19 =	simm.s32 $0xE400;
	s10 =	rddreg [dreg:$0x6]  }
0x73: {  	[hbm4b:s10+s3] =	stream.linear.scatter [tilespmem:s19], [sflag:$0x5], $0x80, $0x38;
	[tilespmem:$0x19E00] =	vst v63  }
0x74: {  	s22 =	simm.s32 $0xE488;
	s23 =	sadd.s32 $0x10, s10  }
0x75: {  	[hbm4b:s23+s3] =	stream.linear.scatter [tilespmem:s22], [sflag:$0x5], $0x80, $0x38;
	[tilespmem:$0x19E00] =	vst v63  }
0x76: {  	s14 =	simm.s32 $0xE620;
	s9 =	simm.s32 $0xE510;
	s11 =	sadd.s32 $0x20, s10  }
0x77: {  	[hbm4b:s11+s3] =	stream.linear.scatter [tilespmem:s9], [sflag:$0x5], $0x80, $0x38;
	[tilespmem:$0x19E00] =	vst v63  }
0x78: {  	s16 =	simm.s32 $0xE6A8;
	s12 =	simm.s32 $0xE598;
	s13 =	sadd.s32 $0x30, s10  }
0x79: {  	[hbm4b:s13+s3] =	stream.linear.scatter [tilespmem:s12], [sflag:$0x5], $0x80, $0x38;
	[tilespmem:$0x19E00] =	vst v63  }
0x7a: {  	s8 =	simm.s32 $0x2200;
	s15 =	sadd.s32 $0x40, s10;
	s19 =	sadd.s32 $0x50, s10  }
0x7b: {  	[hbm4b:s15+s3] =	stream.linear.scatter [tilespmem:s14], [sflag:$0x5], $0x80, $0x38;
	[tilespmem:$0x19E00] =	vst v63  }
0x7c: {  	s22 =	simm.s32 $0xE730;
	s23 =	sadd.s32 $0x60, s10;
	s9 =	simm.s32 $0x440  }
0x7d: {  	[hbm4b:s19+s3] =	stream.linear.scatter [tilespmem:s16], [sflag:$0x5], $0x80, $0x38;
	[tilespmem:$0x19E00] =	vst v63  }
0x7e: {  	s11 =	simm.s32 $0xE7B8;
	s12 =	sadd.s32 $0x70, s10;
	s10 =	sadd.s32 $0x1000, s10  }
0x7f: {  	[hbm4b:s23+s3] =	stream.linear.scatter [tilespmem:s22], [sflag:$0x5], $0x80, $0x38;
	[tilespmem:$0x19E00] =	vst v63  }
.LBB2_4:
0x80: {  	[hbm4b:s12+s3] =	stream.linear.scatter [tilespmem:s11], [sflag:$0x5], $0x80, $0x38;
	[tilespmem:$0x19E00] =	vst v63  }
0x81: {  	s11 =	smov.u32 s9;
	s9 =	smov.u32 s8  }
0x82: {  	s13 =	sadd.s32 $0x1100, s8;
	s9 =	sshra.s32 s9, $0x2;
	s12 =	sadd.s32 $0xE400, s11  }
0x83: {  	[hbm4b:s10+s3] =	stream.linear.scatter [tilespmem:s12], [sflag:$0x5], $0x80, $0x38;
	[tilespmem:$0x19E00] =	vst v63  }
0x84: {  	p0 =	sne.s32 s8, $0x7700;
	s8 =	sadd.s32 $0xE488, s11;
	s12 =	sadd.s32 $0x10, s10  }
0x85: {  	[hbm4b:s12+s3] =	stream.linear.scatter [tilespmem:s8], [sflag:$0x5], $0x80, $0x38;
	[tilespmem:$0x19E00] =	vst v63  }
0x86: {  	s8 =	sadd.s32 $0xE510, s11;
	s12 =	sadd.s32 $0x20, s10  }
0x87: {  	[hbm4b:s12+s3] =	stream.linear.scatter [tilespmem:s8], [sflag:$0x5], $0x80, $0x38;
	[tilespmem:$0x19E00] =	vst v63  }
0x88: {  	s8 =	sadd.s32 $0xE598, s11;
	s12 =	sadd.s32 $0x30, s10  }
0x89: {  	[hbm4b:s12+s3] =	stream.linear.scatter [tilespmem:s8], [sflag:$0x5], $0x80, $0x38;
	[tilespmem:$0x19E00] =	vst v63  }
0x8a: {  	s8 =	sadd.s32 $0xE620, s11;
	s12 =	sadd.s32 $0x40, s10  }
0x8b: {  	[hbm4b:s12+s3] =	stream.linear.scatter [tilespmem:s8], [sflag:$0x5], $0x80, $0x38;
	[tilespmem:$0x19E00] =	vst v63  }
.Ltmp1:
0x8c: {  	s8 =	sadd.s32 $0xE6A8, s11;
	s12 =	sadd.s32 $0x50, s10;
	(pc) =	sbr.rel @p0 .LBB2_4-.Ltmp1, $4  }
0x8d: {  	[hbm4b:s12+s3] =	stream.linear.scatter [tilespmem:s8], [sflag:$0x5], $0x80, $0x38;
	[tilespmem:$0x19E00] =	vst v63  }
0x8e: {  	s8 =	sadd.s32 $0xE730, s11;
	s12 =	sadd.s32 $0x60, s10;
	s11 =	sadd.s32 $0xE7B8, s11  }
0x8f: {  	[hbm4b:s12+s3] =	stream.linear.scatter [tilespmem:s8], [sflag:$0x5], $0x80, $0x38;
	[tilespmem:$0x19E00] =	vst v63  }
0x90: {  	s12 =	sadd.s32 $0x70, s10;
	s10 =	sadd.s32 $0x1000, s10;
	s8 =	smov.u32 s13  }
0x91: {  	[hbm4b:s12+s3] =	stream.linear.scatter [tilespmem:s11], [sflag:$0x5], $0x80, $0x38;
	[tilespmem:$0x19E00] =	vst v63  }
0x92: {  	s8 =	sadd.s32 $0xE400, s9  }
0x93: {  	[hbm4b:s10+s3] =	stream.linear.scatter [tilespmem:s8], [sflag:$0x5], $0x80, $0x38;
	[tilespmem:$0x19E00] =	vst v63  }
0x94: {  	s12 =	sadd.s32 $0xE488, s9;
	s13 =	sadd.s32 $0x10, s10  }
0x95: {  	[hbm4b:s13+s3] =	stream.linear.scatter [tilespmem:s12], [sflag:$0x5], $0x80, $0x38;
	[tilespmem:$0x19E00] =	vst v63  }
0x96: {  	s14 =	sadd.s32 $0xE510, s9;
	s15 =	sadd.s32 $0x20, s10  }
0x97: {  	[hbm4b:s15+s3] =	stream.linear.scatter [tilespmem:s14], [sflag:$0x5], $0x80, $0x38;
	[tilespmem:$0x19E00] =	vst v63  }
0x98: {  	s16 =	sadd.s32 $0xE598, s9;
	s19 =	sadd.s32 $0x30, s10  }
0x99: {  	[hbm4b:s19+s3] =	stream.linear.scatter [tilespmem:s16], [sflag:$0x5], $0x80, $0x38;
	[tilespmem:$0x19E00] =	vst v63  }
0x9a: {  	s22 =	sadd.s32 $0xE620, s9;
	s23 =	sadd.s32 $0x40, s10  }
0x9b: {  	[hbm4b:s23+s3] =	stream.linear.scatter [tilespmem:s22], [sflag:$0x5], $0x80, $0x38;
	[tilespmem:$0x19E00] =	vst v63  }
0x9c: {  	s12 =	sadd.s32 $0xE6A8, s9;
	s13 =	sadd.s32 $0x50, s10  }
0x9d: {  	[hbm4b:s13+s3] =	stream.linear.scatter [tilespmem:s12], [sflag:$0x5], $0x80, $0x38;
	[tilespmem:$0x19E00] =	vst v63  }
0x9e: {  	s14 =	sadd.s32 $0xE730, s9;
	s15 =	sadd.s32 $0x60, s10  }
0x9f: {  	[hbm4b:s15+s3] =	stream.linear.scatter [tilespmem:s14], [sflag:$0x5], $0x80, $0x38;
	[tilespmem:$0x19E00] =	vst v63  }
0xa0: {  	s16 =	sadd.s32 $0xE7B8, s9;
	s19 =	sadd.s32 $0x70, s10  }
0xa1: {  	[hbm4b:s19+s3] =	stream.linear.scatter [tilespmem:s16], [sflag:$0x5], $0x80, $0x38;
	[tilespmem:$0x19E00] =	vst v63  }
0xa2: {  	s22 =	simm.s32 $0x6400;
	s23 =	simm.s32 $0x200  }
0xa3: {  	[tilespmem:s22], [sflag:$0x1] =	stream.indirect.gather [hbm4b:s4+s21], $0x40, s23, s21, $0xb8;
	[tilespmem:$0x19E00] =	vst v63  }
0xa4: {  	_ =	swait.ge [sflag:s0], $0x2000  }
0xa5: {  	[sflag:s0] =	ssyncset.done $0x0  }
0xa6: {  	[sflag:s0] =	ssyncadd.s32 $0xFFFFE000  }
0xa7: {  	s10 =	simm.s32 $0x1;
	s12 =	simm.s32 $0x8470;
	v9 =	vld [tilespmem:$0x16C40]  }
0xa8: {  	v4 =	vmov s10;
	v6 =	vld [tilespmem:s12+$0xFFFFFFD0]  }
0xa9: {  	v14 =	vand.u32 $0x7F, v4  }
0xaa: {  	v8 =	vadd.s32 v0, v14  }
0xab: {  	s11 =	simm.s32 $0x0;
	v7 =	vld [tilespmem:$0x16C50]  }
0xac: {  	v4 =	vmov s11;
	v10 =	vld [tilespmem:s12+$0xFFFFFF90]  }
0xad: {  	v18 =	vand.u32 $0x7E, v4;
	v5 =	vld [tilespmem:$0x16C60];
	v6 =	vadd.f32 v6, v9  }
0xae: {  	s9 =	simm.s32 $0x84F0;
	v11 =	vadd.s32 v0, v18;
	s13 =	simm.s32 $0x3;
	v4 =	vld [tilespmem:$0x16C70]  }
0xaf: {  	v12 =	vld [tilespmem:s9+$0xFFFFFFD0];
	[tilespmem:v8+s2+$0x0] =	vst.idx.msk $0xffff, v6;
	v6 =	vmov s13  }
0xb0: {  	v6 =	vand.u32 $0x7F, v6;
	v13 =	vld [tilespmem:s12+$0xFFFFFFE0]  }
0xb1: {  	v8 =	vadd.f32 v10, v9;
	v10 =	vadd.s32 v0, v6  }
0xb2: {  	v15 =	vadd.s32 v1, v14;
	s14 =	simm.s32 $0x2  }
0xb3: {  	[tilespmem:v11+s2+$0x0] =	vst.idx.msk $0xffff, v8;
	v8 =	vmov s14;
	v11 =	vld [tilespmem:s9+$0xFFFFFF90]  }
0xb4: {  	v12 =	vadd.f32 v12, v9;
	v8 =	vand.u32 $0x7E, v8;
	v16 =	vld [tilespmem:s12+$0xFFFFFFA0]  }
0xb5: {  	s10 =	simm.s32 $0x8570;
	s15 =	simm.s32 $0x5;
	v17 =	vadd.s32 v0, v8;
	v13 =	vadd.f32 v13, v7  }
0xb6: {  	v19 =	vld [tilespmem:s10+$0xFFFFFFD0];
	[tilespmem:v10+s2+$0x0] =	vst.idx.msk $0xffff, v12;
	v12 =	vadd.s32 v1, v18;
	v10 =	vmov s15  }
0xb7: {  	[tilespmem:v15+s2+$0x0] =	vst.idx.msk $0xffff, v13;
	v10 =	vand.u32 $0x7F, v10;
	v13 =	vld [tilespmem:s9+$0xFFFFFFE0]  }
0xb8: {  	v11 =	vadd.f32 v11, v9;
	v15 =	vadd.s32 v0, v10;
	v20 =	vld [tilespmem:s12+$0xFFFFFFF0]  }
0xb9: {  	s16 =	simm.s32 $0x4;
	v21 =	vadd.s32 v1, v6;
	v16 =	vadd.f32 v16, v7  }
0xba: {  	v22 =	vadd.s32 v2, v14;
	[tilespmem:v17+s2+$0x0] =	vst.idx.msk $0xffff, v11;
	v11 =	vmov s16;
	v17 =	vld [tilespmem:s10+$0xFFFFFF90]  }
0xbb: {  	v11 =	vand.u32 $0x7E, v11;
	[tilespmem:v12+s2+$0x0] =	vst.idx.msk $0xffff, v16;
	v12 =	vadd.f32 v19, v9;
	v16 =	vld [tilespmem:s9+$0xFFFFFFA0]  }
0xbc: {  	s11 =	simm.s32 $0x85F0;
	s19 =	simm.s32 $0x7;
	v19 =	vadd.s32 v0, v11;
	v13 =	vadd.f32 v13, v7;
	v23 =	vld [tilespmem:s12+$0xFFFFFFB0]  }
0xbd: {  	v24 =	vld [tilespmem:s11+$0xFFFFFFD0];
	[tilespmem:v15+s2+$0x0] =	vst.idx.msk $0xffff, v12;
	v15 =	vadd.s32 v1, v8;
	v20 =	vadd.f32 v20, v5;
	v12 =	vmov s19  }
0xbe: {  	[tilespmem:v21+s2+$0x0] =	vst.idx.msk $0xffff, v13;
	v21 =	vadd.s32 v2, v18;
	v12 =	vand.u32 $0x7F, v12;
	v25 =	vld [tilespmem:s10+$0xFFFFFFE0]  }
0xbf: {  	v13 =	vadd.f32 v17, v9;
	[tilespmem:v22+s2+$0x0] =	vst.idx.msk $0xffff, v20;
	v17 =	vadd.s32 v0, v12;
	v20 =	vld [tilespmem:s9+$0xFFFFFFF0]  }
0xc0: {  	s22 =	simm.s32 $0x6;
	v26 =	vadd.s32 v1, v10;
	v16 =	vadd.f32 v16, v7;
	v27 =	vld [tilespmem:s12+$0x0]  }
0xc1: {  	v28 =	vadd.s32 v2, v6;
	[tilespmem:v19+s2+$0x0] =	vst.idx.msk $0xffff, v13;
	v13 =	vmov s22;
	v19 =	vadd.f32 v23, v5;
	v23 =	vld [tilespmem:s11+$0xFFFFFF90]  }
0xc2: {  	v30 =	vadd.s32 v3, v14;
	v13 =	vand.u32 $0x7E, v13;
	v29 =	vld [tilespmem:s10+$0xFFFFFFA0];
	[tilespmem:v15+s2+$0x0] =	vst.idx.msk $0xffff, v16;
	v16 =	vadd.f32 v24, v9  }
0xc3: {  	[tilespmem:v21+s2+$0x0] =	vst.idx.msk $0xffff, v19;
	v21 =	vadd.s32 v0, v13;
	v14 =	vadd.f32 v25, v7;
	v15 =	vld [tilespmem:s9+$0xFFFFFFB0]  }
0xc4: {  	s23 =	simm.s32 $0x9;
	s13 =	simm.s32 $0x8670;
	v19 =	vadd.s32 v1, v11;
	[tilespmem:v17+s2+$0x0] =	vst.idx.msk $0xffff, v16;
	v20 =	vadd.f32 v20, v5;
	v16 =	vld [tilespmem:s12+$0xFFFFFFC0]  }
0xc5: {  	v22 =	vld [tilespmem:s13+$0xFFFFFFD0];
	v24 =	vmov s23;
	v17 =	vadd.s32 v2, v8;
	[tilespmem:v26+s2+$0x0] =	vst.idx.msk $0xffff, v14;
	v27 =	vadd.f32 v27, v4  }
0xc6: {  	v18 =	vadd.s32 v3, v18;
	v14 =	vand.u32 $0x7F, v24;
	v26 =	vadd.f32 v23, v9;
	v23 =	vld [tilespmem:s11+$0xFFFFFFE0];
	[tilespmem:v28+s2+$0x0] =	vst.idx.msk $0xffff, v20  }
0xc7: {  	s8 =	simm.s32 $0x8;
	s14 =	simm.s32 $0xA;
	s12 =	simm.s32 $0x8670;
	v24 =	vadd.s32 v0, v14;
	v25 =	vadd.f32 v29, v7;
	v20 =	vld [tilespmem:s10+$0xFFFFFFF0];
	[tilespmem:v30+s2+$0x0] =	vst.idx.msk $0xffff, v27  }
.LBB2_6:
0xc8: {  	p0 =	slt.u32 s14, $0x7E;
	[tilespmem:v21+s2+$0x0] =	vst.idx.msk $0xffff, v26;
	v26 =	vadd.s32 v1, v12;
	v15 =	vadd.f32 v15, v5;
	v27 =	vld [tilespmem:s9+$0x0];
	v28 =	vmov v11  }
0xc9: {  	v21 =	vmov s8;
	v11 =	vmovc v13;
	s8 =	smov.u32 s14;
	v29 =	vld [tilespmem:s13+$0xFFFFFF90];
	[tilespmem:v19+s2+$0x0] =	vst.idx.msk $0xffff, v25;
	v25 =	vadd.s32 v2, v10;
	v16 =	vadd.f32 v16, v4  }
0xca: {  	v31 =	vadd.s32 v3, v6;
	v13 =	vand.u32 $0x7E, v21;
	v19 =	vadd.f32 v22, v9;
	v30 =	vld [tilespmem:s11+$0xFFFFFFA0];
	[tilespmem:v17+s2+$0x0] =	vst.idx.msk $0xffff, v15  }
.Ltmp2:
0xcb: {  	v6 =	vmov v10;
	v21 =	vadd.s32 v0, v13;
	v17 =	vadd.f32 v23, v7;
	v15 =	vld [tilespmem:s10+$0xFFFFFFB0];
	[tilespmem:v18+s2+$0x0] =	vst.idx.msk $0xffff, v16;
	(pc) =	sbr.rel @p0 .LBB2_6-.Ltmp2, $4  }
0xcc: {  	s15 =	sadd.s32 $0x1, s14;
	s13 =	sadd.s32 $0x80, s13;
	v10 =	vmov v12;
	[tilespmem:v24+s2+$0x0] =	vst.idx.msk $0xffff, v19;
	v19 =	vadd.s32 v1, v11;
	v18 =	vadd.f32 v20, v5;
	v16 =	vld [tilespmem:s9+$0xFFFFFFC0];
	s9 =	smov.u32 s10  }
0xcd: {  	v12 =	vmovc v14;
	v20 =	vmov s15;
	s10 =	smov.u32 s11;
	s11 =	smov.u32 s12;
	s12 =	smov.u32 s13;
	v22 =	vld [tilespmem:s13+$0xFFFFFFD0];
	[tilespmem:v26+s2+$0x0] =	vst.idx.msk $0xffff, v17;
	v17 =	vadd.s32 v2, v28;
	v27 =	vadd.f32 v27, v4  }
0xce: {  	v14 =	vand.u32 $0x7F, v20;
	v26 =	vadd.f32 v29, v9;
	v23 =	vld [tilespmem:s11+$0xFFFFFFE0];
	[tilespmem:v25+s2+$0x0] =	vst.idx.msk $0xffff, v18;
	v18 =	vadd.s32 v3, v8  }
0xcf: {  	s14 =	sadd.s32 $0x2, s14;
	v24 =	vadd.s32 v0, v14;
	v8 =	vmov v28;
	v25 =	vadd.f32 v30, v7;
	v20 =	vld [tilespmem:s10+$0xFFFFFFF0];
	[tilespmem:v31+s2+$0x0] =	vst.idx.msk $0xffff, v27  }
0xd0: {  	v27 =	vmov s8;
	v28 =	vld [tilespmem:s13+$0xFFFFFF90]  }
0xd1: {  	v27 =	vand.u32 $0x7E, v27  }
0xd2: {  	v29 =	vadd.s32 v0, v27;
	_ =	sdelay $0x1  }
0xd3: {  	v22 =	vadd.f32 v22, v9  }
0xd4: {  	[tilespmem:v21+s2+$0x0] =	vst.idx.msk $0xffff, v26;
	v57 =	vadd.f32 v28, v9  }
0xd5: {  	v21 =	vld [tilespmem:s11+$0xFFFFFFA0];
	[tilespmem:v24+s2+$0x0] =	vst.idx.msk $0xffff, v22  }
0xd6: {  	v58 =	vadd.s32 v1, v12;
	v24 =	vld [tilespmem:s12+$0xFFFFFFE0];
	[tilespmem:v29+s2+$0x0] =	vst.idx.msk $0xffff, v57  }
0xd7: {  	v59 =	vadd.s32 v1, v13;
	v60 =	vld [tilespmem:s12+$0xFFFFFFA0]  }
0xd8: {  	v61 =	vadd.s32 v1, v14  }
0xd9: {  	v62 =	vadd.s32 v1, v27;
	v23 =	vadd.f32 v23, v7  }
0xda: {  	[tilespmem:v19+s2+$0x0] =	vst.idx.msk $0xffff, v25;
	v63 =	vadd.f32 v21, v7  }
0xdb: {  	v30 =	vld [tilespmem:s10+$0xFFFFFFB0];
	[tilespmem:v58+s2+$0x0] =	vst.idx.msk $0xffff, v23;
	v31 =	vadd.f32 v24, v7  }
0xdc: {  	v32 =	vadd.s32 v2, v10;
	v33 =	vld [tilespmem:s11+$0xFFFFFFF0];
	[tilespmem:v59+s2+$0x0] =	vst.idx.msk $0xffff, v63;
	v34 =	vadd.f32 v60, v7  }
0xdd: {  	v35 =	vadd.f32 v15, v5;
	v36 =	vadd.s32 v2, v11;
	v19 =	vld [tilespmem:s11+$0xFFFFFFB0];
	[tilespmem:v61+s2+$0x0] =	vst.idx.msk $0xffff, v31  }
0xde: {  	v37 =	vadd.s32 v2, v12;
	v16 =	vadd.f32 v16, v4;
	v38 =	vld [tilespmem:s12+$0xFFFFFFF0];
	[tilespmem:v62+s2+$0x0] =	vst.idx.msk $0xffff, v34  }
0xdf: {  	v40 =	vadd.s32 v2, v13;
	[tilespmem:v17+s2+$0x0] =	vst.idx.msk $0xffff, v35;
	v39 =	vadd.f32 v20, v5;
	v41 =	vld [tilespmem:s12+$0xFFFFFFB0]  }
0xe0: {  	v42 =	vld [tilespmem:s9+$0x0];
	v44 =	vadd.s32 v2, v14;
	[tilespmem:v18+s2+$0x0] =	vst.idx.msk $0xffff, v16;
	v43 =	vadd.f32 v30, v5  }
0xe1: {  	v47 =	vadd.s32 v2, v27;
	v45 =	vld [tilespmem:s9+$0xFFFFFFC0];
	[tilespmem:v32+s2+$0x0] =	vst.idx.msk $0xffff, v39;
	v46 =	vadd.f32 v33, v5  }
0xe2: {  	v6 =	vadd.s32 v3, v6;
	v48 =	vld [tilespmem:s10+$0x0];
	[tilespmem:v36+s2+$0x0] =	vst.idx.msk $0xffff, v43;
	v49 =	vadd.f32 v19, v5  }
0xe3: {  	v8 =	vadd.s32 v3, v8;
	v16 =	vld [tilespmem:s10+$0xFFFFFFC0];
	[tilespmem:v37+s2+$0x0] =	vst.idx.msk $0xffff, v46;
	v50 =	vadd.f32 v38, v5  }
0xe4: {  	v51 =	vadd.s32 v3, v10;
	v52 =	vld [tilespmem:s11+$0x0];
	[tilespmem:v40+s2+$0x0] =	vst.idx.msk $0xffff, v49;
	v5 =	vadd.f32 v41, v5  }
0xe5: {  	v54 =	vadd.s32 v3, v11;
	v53 =	vadd.f32 v42, v4;
	v15 =	vld [tilespmem:s11+$0xFFFFFFC0];
	[tilespmem:v44+s2+$0x0] =	vst.idx.msk $0xffff, v50  }
0xe6: {  	v56 =	vadd.s32 v3, v12;
	v55 =	vadd.f32 v45, v4;
	v57 =	vld [tilespmem:s12+$0x0];
	[tilespmem:v47+s2+$0x0] =	vst.idx.msk $0xffff, v5  }
0xe7: {  	v58 =	vadd.s32 v3, v13;
	[tilespmem:v6+s2+$0x0] =	vst.idx.msk $0xffff, v53;
	v5 =	vadd.f32 v48, v4;
	v59 =	vld [tilespmem:s12+$0xFFFFFFC0]  }
0xe8: {  	[tilespmem:v8+s2+$0x0] =	vst.idx.msk $0xffff, v55;
	v61 =	vadd.s32 v3, v14;
	v60 =	vadd.f32 v16, v4  }
0xe9: {  	v62 =	vadd.s32 v3, v27;
	[tilespmem:v51+s2+$0x0] =	vst.idx.msk $0xffff, v5;
	v5 =	vadd.f32 v52, v4  }
0xea: {  	[tilespmem:v54+s2+$0x0] =	vst.idx.msk $0xffff, v60;
	v63 =	vadd.f32 v15, v4  }
0xeb: {  	[tilespmem:v56+s2+$0x0] =	vst.idx.msk $0xffff, v5;
	v5 =	vadd.f32 v57, v4  }
0xec: {  	[tilespmem:v58+s2+$0x0] =	vst.idx.msk $0xffff, v63;
	v4 =	vadd.f32 v59, v4  }
0xed: {  	[tilespmem:v61+s2+$0x0] =	vst.idx.msk $0xffff, v5  }
0xee: {  	[tilespmem:v62+s2+$0x0] =	vst.idx.msk $0xffff, v4  }
0xef: {  	s19 =	simm.s32 $0x10600;
	s10 =	rddreg [dreg:$0x7]  }
0xf0: {  	[hbm4b:s10+s3] =	stream.linear.scatter [tilespmem:s19], [sflag:$0x6], $0x80, $0x38;
	[tilespmem:$0x19E00] =	vst v63  }
0xf1: {  	s22 =	simm.s32 $0x10688;
	s23 =	sadd.s32 $0x10, s10  }
0xf2: {  	[hbm4b:s23+s3] =	stream.linear.scatter [tilespmem:s22], [sflag:$0x6], $0x80, $0x38;
	[tilespmem:$0x19E00] =	vst v63  }
0xf3: {  	s14 =	simm.s32 $0x10820;
	s9 =	simm.s32 $0x10710;
	s11 =	sadd.s32 $0x20, s10  }
0xf4: {  	[hbm4b:s11+s3] =	stream.linear.scatter [tilespmem:s9], [sflag:$0x6], $0x80, $0x38;
	[tilespmem:$0x19E00] =	vst v63  }
0xf5: {  	s16 =	simm.s32 $0x108A8;
	s12 =	simm.s32 $0x10798;
	s13 =	sadd.s32 $0x30, s10  }
0xf6: {  	[hbm4b:s13+s3] =	stream.linear.scatter [tilespmem:s12], [sflag:$0x6], $0x80, $0x38;
	[tilespmem:$0x19E00] =	vst v63  }
0xf7: {  	s8 =	simm.s32 $0x2200;
	s15 =	sadd.s32 $0x40, s10;
	s19 =	sadd.s32 $0x50, s10  }
0xf8: {  	[hbm4b:s15+s3] =	stream.linear.scatter [tilespmem:s14], [sflag:$0x6], $0x80, $0x38;
	[tilespmem:$0x19E00] =	vst v63  }
0xf9: {  	s22 =	simm.s32 $0x10930;
	s23 =	sadd.s32 $0x60, s10;
	s9 =	simm.s32 $0x440  }
0xfa: {  	[hbm4b:s19+s3] =	stream.linear.scatter [tilespmem:s16], [sflag:$0x6], $0x80, $0x38;
	[tilespmem:$0x19E00] =	vst v63  }
0xfb: {  	s11 =	simm.s32 $0x109B8;
	s12 =	sadd.s32 $0x70, s10;
	s10 =	sadd.s32 $0x1000, s10  }
0xfc: {  	[hbm4b:s23+s3] =	stream.linear.scatter [tilespmem:s22], [sflag:$0x6], $0x80, $0x38;
	[tilespmem:$0x19E00] =	vst v63  }
.LBB2_8:
0xfd: {  	[hbm4b:s12+s3] =	stream.linear.scatter [tilespmem:s11], [sflag:$0x6], $0x80, $0x38;
	[tilespmem:$0x19E00] =	vst v63  }
0xfe: {  	s11 =	smov.u32 s9;
	s9 =	smov.u32 s8  }
0xff: {  	s13 =	sadd.s32 $0x1100, s8;
	s9 =	sshra.s32 s9, $0x2;
	s12 =	sadd.s32 $0x10600, s11  }
0x100: {  	[hbm4b:s10+s3] =	stream.linear.scatter [tilespmem:s12], [sflag:$0x6], $0x80, $0x38;
	[tilespmem:$0x19E00] =	vst v63  }
0x101: {  	p0 =	sne.s32 s8, $0x7700;
	s8 =	sadd.s32 $0x10688, s11;
	s12 =	sadd.s32 $0x10, s10  }
0x102: {  	[hbm4b:s12+s3] =	stream.linear.scatter [tilespmem:s8], [sflag:$0x6], $0x80, $0x38;
	[tilespmem:$0x19E00] =	vst v63  }
0x103: {  	s8 =	sadd.s32 $0x10710, s11;
	s12 =	sadd.s32 $0x20, s10  }
0x104: {  	[hbm4b:s12+s3] =	stream.linear.scatter [tilespmem:s8], [sflag:$0x6], $0x80, $0x38;
	[tilespmem:$0x19E00] =	vst v63  }
0x105: {  	s8 =	sadd.s32 $0x10798, s11;
	s12 =	sadd.s32 $0x30, s10  }
0x106: {  	[hbm4b:s12+s3] =	stream.linear.scatter [tilespmem:s8], [sflag:$0x6], $0x80, $0x38;
	[tilespmem:$0x19E00] =	vst v63  }
0x107: {  	s8 =	sadd.s32 $0x10820, s11;
	s12 =	sadd.s32 $0x40, s10  }
0x108: {  	[hbm4b:s12+s3] =	stream.linear.scatter [tilespmem:s8], [sflag:$0x6], $0x80, $0x38;
	[tilespmem:$0x19E00] =	vst v63  }
.Ltmp3:
0x109: {  	s8 =	sadd.s32 $0x108A8, s11;
	s12 =	sadd.s32 $0x50, s10;
	(pc) =	sbr.rel @p0 .LBB2_8-.Ltmp3, $4  }
0x10a: {  	[hbm4b:s12+s3] =	stream.linear.scatter [tilespmem:s8], [sflag:$0x6], $0x80, $0x38;
	[tilespmem:$0x19E00] =	vst v63  }
0x10b: {  	s8 =	sadd.s32 $0x10930, s11;
	s12 =	sadd.s32 $0x60, s10;
	s11 =	sadd.s32 $0x109B8, s11  }
0x10c: {  	[hbm4b:s12+s3] =	stream.linear.scatter [tilespmem:s8], [sflag:$0x6], $0x80, $0x38;
	[tilespmem:$0x19E00] =	vst v63  }
0x10d: {  	s12 =	sadd.s32 $0x70, s10;
	s10 =	sadd.s32 $0x1000, s10;
	s8 =	smov.u32 s13  }
0x10e: {  	[hbm4b:s12+s3] =	stream.linear.scatter [tilespmem:s11], [sflag:$0x6], $0x80, $0x38;
	[tilespmem:$0x19E00] =	vst v63  }
0x10f: {  	s8 =	sadd.s32 $0x10600, s9  }
0x110: {  	[hbm4b:s10+s3] =	stream.linear.scatter [tilespmem:s8], [sflag:$0x6], $0x80, $0x38;
	[tilespmem:$0x19E00] =	vst v63  }
0x111: {  	s12 =	sadd.s32 $0x10688, s9;
	s13 =	sadd.s32 $0x10, s10  }
0x112: {  	[hbm4b:s13+s3] =	stream.linear.scatter [tilespmem:s12], [sflag:$0x6], $0x80, $0x38;
	[tilespmem:$0x19E00] =	vst v63  }
0x113: {  	s14 =	sadd.s32 $0x10710, s9;
	s15 =	sadd.s32 $0x20, s10  }
0x114: {  	[hbm4b:s15+s3] =	stream.linear.scatter [tilespmem:s14], [sflag:$0x6], $0x80, $0x38;
	[tilespmem:$0x19E00] =	vst v63  }
0x115: {  	s16 =	sadd.s32 $0x10798, s9;
	s19 =	sadd.s32 $0x30, s10  }
0x116: {  	[hbm4b:s19+s3] =	stream.linear.scatter [tilespmem:s16], [sflag:$0x6], $0x80, $0x38;
	[tilespmem:$0x19E00] =	vst v63  }
0x117: {  	s22 =	sadd.s32 $0x10820, s9;
	s23 =	sadd.s32 $0x40, s10  }
0x118: {  	[hbm4b:s23+s3] =	stream.linear.scatter [tilespmem:s22], [sflag:$0x6], $0x80, $0x38;
	[tilespmem:$0x19E00] =	vst v63  }
0x119: {  	s12 =	sadd.s32 $0x108A8, s9;
	s13 =	sadd.s32 $0x50, s10  }
0x11a: {  	[hbm4b:s13+s3] =	stream.linear.scatter [tilespmem:s12], [sflag:$0x6], $0x80, $0x38;
	[tilespmem:$0x19E00] =	vst v63  }
0x11b: {  	s14 =	sadd.s32 $0x10930, s9;
	s15 =	sadd.s32 $0x60, s10  }
0x11c: {  	[hbm4b:s15+s3] =	stream.linear.scatter [tilespmem:s14], [sflag:$0x6], $0x80, $0x38;
	[tilespmem:$0x19E00] =	vst v63  }
0x11d: {  	s16 =	sadd.s32 $0x109B8, s9;
	s19 =	sadd.s32 $0x70, s10  }
0x11e: {  	[hbm4b:s19+s3] =	stream.linear.scatter [tilespmem:s16], [sflag:$0x6], $0x80, $0x38;
	[tilespmem:$0x19E00] =	vst v63  }
0x11f: {  	s22 =	simm.s32 $0x8400;
	s23 =	simm.s32 $0x280  }
0x120: {  	[tilespmem:s22], [sflag:$0x2] =	stream.indirect.gather [hbm4b:s4+s21], $0x40, s23, s21, $0xb8;
	[tilespmem:$0x19E00] =	vst v63  }
0x121: {  	_ =	swait.ge [sflag:s18], $0x2000  }
0x122: {  	[sflag:s18] =	ssyncset.done $0x0  }
0x123: {  	[sflag:s18] =	ssyncadd.s32 $0xFFFFE000  }
0x124: {  	s10 =	simm.s32 $0x1;
	s12 =	simm.s32 $0xA470;
	v9 =	vld [tilespmem:$0x16C80]  }
0x125: {  	v4 =	vmov s10;
	v6 =	vld [tilespmem:s12+$0xFFFFFFD0]  }
0x126: {  	v14 =	vand.u32 $0x7F, v4  }
0x127: {  	v8 =	vadd.s32 v0, v14  }
0x128: {  	s11 =	simm.s32 $0x0;
	v7 =	vld [tilespmem:$0x16C90]  }
0x129: {  	v4 =	vmov s11;
	v10 =	vld [tilespmem:s12+$0xFFFFFF90]  }
0x12a: {  	v18 =	vand.u32 $0x7E, v4;
	v5 =	vld [tilespmem:$0x16CA0];
	v6 =	vadd.f32 v6, v9  }
0x12b: {  	s9 =	simm.s32 $0xA4F0;
	v11 =	vadd.s32 v0, v18;
	s13 =	simm.s32 $0x3;
	v4 =	vld [tilespmem:$0x16CB0]  }
0x12c: {  	v12 =	vld [tilespmem:s9+$0xFFFFFFD0];
	[tilespmem:v8+s20+$0x0] =	vst.idx.msk $0xffff, v6;
	v6 =	vmov s13  }
0x12d: {  	v6 =	vand.u32 $0x7F, v6;
	v13 =	vld [tilespmem:s12+$0xFFFFFFE0]  }
0x12e: {  	v8 =	vadd.f32 v10, v9;
	v10 =	vadd.s32 v0, v6  }
0x12f: {  	v15 =	vadd.s32 v1, v14;
	s14 =	simm.s32 $0x2  }
0x130: {  	[tilespmem:v11+s20+$0x0] =	vst.idx.msk $0xffff, v8;
	v8 =	vmov s14;
	v11 =	vld [tilespmem:s9+$0xFFFFFF90]  }
0x131: {  	v12 =	vadd.f32 v12, v9;
	v8 =	vand.u32 $0x7E, v8;
	v16 =	vld [tilespmem:s12+$0xFFFFFFA0]  }
0x132: {  	s10 =	simm.s32 $0xA570;
	s15 =	simm.s32 $0x5;
	v17 =	vadd.s32 v0, v8;
	v13 =	vadd.f32 v13, v7  }
0x133: {  	v19 =	vld [tilespmem:s10+$0xFFFFFFD0];
	[tilespmem:v10+s20+$0x0] =	vst.idx.msk $0xffff, v12;
	v12 =	vadd.s32 v1, v18;
	v10 =	vmov s15  }
0x134: {  	[tilespmem:v15+s20+$0x0] =	vst.idx.msk $0xffff, v13;
	v10 =	vand.u32 $0x7F, v10;
	v13 =	vld [tilespmem:s9+$0xFFFFFFE0]  }
0x135: {  	v11 =	vadd.f32 v11, v9;
	v15 =	vadd.s32 v0, v10;
	v20 =	vld [tilespmem:s12+$0xFFFFFFF0]  }
0x136: {  	s16 =	simm.s32 $0x4;
	v21 =	vadd.s32 v1, v6;
	v16 =	vadd.f32 v16, v7  }
0x137: {  	v22 =	vadd.s32 v2, v14;
	[tilespmem:v17+s20+$0x0] =	vst.idx.msk $0xffff, v11;
	v11 =	vmov s16;
	v17 =	vld [tilespmem:s10+$0xFFFFFF90]  }
0x138: {  	v11 =	vand.u32 $0x7E, v11;
	[tilespmem:v12+s20+$0x0] =	vst.idx.msk $0xffff, v16;
	v12 =	vadd.f32 v19, v9;
	v16 =	vld [tilespmem:s9+$0xFFFFFFA0]  }
0x139: {  	s11 =	simm.s32 $0xA5F0;
	s19 =	simm.s32 $0x7;
	v19 =	vadd.s32 v0, v11;
	v13 =	vadd.f32 v13, v7;
	v23 =	vld [tilespmem:s12+$0xFFFFFFB0]  }
0x13a: {  	v24 =	vld [tilespmem:s11+$0xFFFFFFD0];
	[tilespmem:v15+s20+$0x0] =	vst.idx.msk $0xffff, v12;
	v15 =	vadd.s32 v1, v8;
	v20 =	vadd.f32 v20, v5;
	v12 =	vmov s19  }
0x13b: {  	[tilespmem:v21+s20+$0x0] =	vst.idx.msk $0xffff, v13;
	v21 =	vadd.s32 v2, v18;
	v12 =	vand.u32 $0x7F, v12;
	v25 =	vld [tilespmem:s10+$0xFFFFFFE0]  }
0x13c: {  	v13 =	vadd.f32 v17, v9;
	[tilespmem:v22+s20+$0x0] =	vst.idx.msk $0xffff, v20;
	v17 =	vadd.s32 v0, v12;
	v20 =	vld [tilespmem:s9+$0xFFFFFFF0]  }
0x13d: {  	s22 =	simm.s32 $0x6;
	v26 =	vadd.s32 v1, v10;
	v16 =	vadd.f32 v16, v7;
	v27 =	vld [tilespmem:s12+$0x0]  }
0x13e: {  	v28 =	vadd.s32 v2, v6;
	[tilespmem:v19+s20+$0x0] =	vst.idx.msk $0xffff, v13;
	v13 =	vmov s22;
	v19 =	vadd.f32 v23, v5;
	v23 =	vld [tilespmem:s11+$0xFFFFFF90]  }
0x13f: {  	v30 =	vadd.s32 v3, v14;
	v13 =	vand.u32 $0x7E, v13;
	v29 =	vld [tilespmem:s10+$0xFFFFFFA0];
	[tilespmem:v15+s20+$0x0] =	vst.idx.msk $0xffff, v16;
	v16 =	vadd.f32 v24, v9  }
0x140: {  	[tilespmem:v21+s20+$0x0] =	vst.idx.msk $0xffff, v19;
	v21 =	vadd.s32 v0, v13;
	v14 =	vadd.f32 v25, v7;
	v15 =	vld [tilespmem:s9+$0xFFFFFFB0]  }
0x141: {  	s23 =	simm.s32 $0x9;
	s13 =	simm.s32 $0xA670;
	v19 =	vadd.s32 v1, v11;
	[tilespmem:v17+s20+$0x0] =	vst.idx.msk $0xffff, v16;
	v20 =	vadd.f32 v20, v5;
	v16 =	vld [tilespmem:s12+$0xFFFFFFC0]  }
0x142: {  	v22 =	vld [tilespmem:s13+$0xFFFFFFD0];
	v24 =	vmov s23;
	v17 =	vadd.s32 v2, v8;
	[tilespmem:v26+s20+$0x0] =	vst.idx.msk $0xffff, v14;
	v27 =	vadd.f32 v27, v4  }
0x143: {  	v18 =	vadd.s32 v3, v18;
	v14 =	vand.u32 $0x7F, v24;
	v26 =	vadd.f32 v23, v9;
	v23 =	vld [tilespmem:s11+$0xFFFFFFE0];
	[tilespmem:v28+s20+$0x0] =	vst.idx.msk $0xffff, v20  }
0x144: {  	s8 =	simm.s32 $0x8;
	s14 =	simm.s32 $0xA;
	s12 =	simm.s32 $0xA670;
	v24 =	vadd.s32 v0, v14;
	v25 =	vadd.f32 v29, v7;
	v20 =	vld [tilespmem:s10+$0xFFFFFFF0];
	[tilespmem:v30+s20+$0x0] =	vst.idx.msk $0xffff, v27  }
.LBB2_10:
0x145: {  	p0 =	slt.u32 s14, $0x7E;
	[tilespmem:v21+s20+$0x0] =	vst.idx.msk $0xffff, v26;
	v26 =	vadd.s32 v1, v12;
	v15 =	vadd.f32 v15, v5;
	v27 =	vld [tilespmem:s9+$0x0];
	v28 =	vmov v11  }
0x146: {  	v21 =	vmov s8;
	v11 =	vmovc v13;
	s8 =	smov.u32 s14;
	v29 =	vld [tilespmem:s13+$0xFFFFFF90];
	[tilespmem:v19+s20+$0x0] =	vst.idx.msk $0xffff, v25;
	v25 =	vadd.s32 v2, v10;
	v16 =	vadd.f32 v16, v4  }
0x147: {  	v31 =	vadd.s32 v3, v6;
	v13 =	vand.u32 $0x7E, v21;
	v19 =	vadd.f32 v22, v9;
	v30 =	vld [tilespmem:s11+$0xFFFFFFA0];
	[tilespmem:v17+s20+$0x0] =	vst.idx.msk $0xffff, v15  }
.Ltmp4:
0x148: {  	v6 =	vmov v10;
	v21 =	vadd.s32 v0, v13;
	v17 =	vadd.f32 v23, v7;
	v15 =	vld [tilespmem:s10+$0xFFFFFFB0];
	[tilespmem:v18+s20+$0x0] =	vst.idx.msk $0xffff, v16;
	(pc) =	sbr.rel @p0 .LBB2_10-.Ltmp4, $4  }
0x149: {  	s15 =	sadd.s32 $0x1, s14;
	s13 =	sadd.s32 $0x80, s13;
	v10 =	vmov v12;
	[tilespmem:v24+s20+$0x0] =	vst.idx.msk $0xffff, v19;
	v19 =	vadd.s32 v1, v11;
	v18 =	vadd.f32 v20, v5;
	v16 =	vld [tilespmem:s9+$0xFFFFFFC0];
	s9 =	smov.u32 s10  }
0x14a: {  	v12 =	vmovc v14;
	v20 =	vmov s15;
	s10 =	smov.u32 s11;
	s11 =	smov.u32 s12;
	s12 =	smov.u32 s13;
	v22 =	vld [tilespmem:s13+$0xFFFFFFD0];
	[tilespmem:v26+s20+$0x0] =	vst.idx.msk $0xffff, v17;
	v17 =	vadd.s32 v2, v28;
	v27 =	vadd.f32 v27, v4  }
0x14b: {  	v14 =	vand.u32 $0x7F, v20;
	v26 =	vadd.f32 v29, v9;
	v23 =	vld [tilespmem:s11+$0xFFFFFFE0];
	[tilespmem:v25+s20+$0x0] =	vst.idx.msk $0xffff, v18;
	v18 =	vadd.s32 v3, v8  }
0x14c: {  	s14 =	sadd.s32 $0x2, s14;
	v24 =	vadd.s32 v0, v14;
	v8 =	vmov v28;
	v25 =	vadd.f32 v30, v7;
	v20 =	vld [tilespmem:s10+$0xFFFFFFF0];
	[tilespmem:v31+s20+$0x0] =	vst.idx.msk $0xffff, v27  }
0x14d: {  	v27 =	vmov s8;
	v28 =	vld [tilespmem:s13+$0xFFFFFF90]  }
0x14e: {  	v27 =	vand.u32 $0x7E, v27  }
0x14f: {  	v29 =	vadd.s32 v0, v27;
	_ =	sdelay $0x1  }
0x150: {  	v22 =	vadd.f32 v22, v9  }
0x151: {  	[tilespmem:v21+s20+$0x0] =	vst.idx.msk $0xffff, v26;
	v57 =	vadd.f32 v28, v9  }
0x152: {  	v21 =	vld [tilespmem:s11+$0xFFFFFFA0];
	[tilespmem:v24+s20+$0x0] =	vst.idx.msk $0xffff, v22  }
0x153: {  	v58 =	vadd.s32 v1, v12;
	v24 =	vld [tilespmem:s12+$0xFFFFFFE0];
	[tilespmem:v29+s20+$0x0] =	vst.idx.msk $0xffff, v57  }
0x154: {  	v59 =	vadd.s32 v1, v13;
	v60 =	vld [tilespmem:s12+$0xFFFFFFA0]  }
0x155: {  	v61 =	vadd.s32 v1, v14  }
0x156: {  	v62 =	vadd.s32 v1, v27;
	v23 =	vadd.f32 v23, v7  }
0x157: {  	[tilespmem:v19+s20+$0x0] =	vst.idx.msk $0xffff, v25;
	v63 =	vadd.f32 v21, v7  }
0x158: {  	v30 =	vld [tilespmem:s10+$0xFFFFFFB0];
	[tilespmem:v58+s20+$0x0] =	vst.idx.msk $0xffff, v23;
	v31 =	vadd.f32 v24, v7  }
0x159: {  	v32 =	vadd.s32 v2, v10;
	v33 =	vld [tilespmem:s11+$0xFFFFFFF0];
	[tilespmem:v59+s20+$0x0] =	vst.idx.msk $0xffff, v63;
	v34 =	vadd.f32 v60, v7  }
0x15a: {  	v35 =	vadd.f32 v15, v5;
	v36 =	vadd.s32 v2, v11;
	v19 =	vld [tilespmem:s11+$0xFFFFFFB0];
	[tilespmem:v61+s20+$0x0] =	vst.idx.msk $0xffff, v31  }
0x15b: {  	v37 =	vadd.s32 v2, v12;
	v16 =	vadd.f32 v16, v4;
	v38 =	vld [tilespmem:s12+$0xFFFFFFF0];
	[tilespmem:v62+s20+$0x0] =	vst.idx.msk $0xffff, v34  }
0x15c: {  	v40 =	vadd.s32 v2, v13;
	[tilespmem:v17+s20+$0x0] =	vst.idx.msk $0xffff, v35;
	v39 =	vadd.f32 v20, v5;
	v41 =	vld [tilespmem:s12+$0xFFFFFFB0]  }
0x15d: {  	v42 =	vld [tilespmem:s9+$0x0];
	v44 =	vadd.s32 v2, v14;
	[tilespmem:v18+s20+$0x0] =	vst.idx.msk $0xffff, v16;
	v43 =	vadd.f32 v30, v5  }
0x15e: {  	v47 =	vadd.s32 v2, v27;
	v45 =	vld [tilespmem:s9+$0xFFFFFFC0];
	[tilespmem:v32+s20+$0x0] =	vst.idx.msk $0xffff, v39;
	v46 =	vadd.f32 v33, v5  }
0x15f: {  	v6 =	vadd.s32 v3, v6;
	v48 =	vld [tilespmem:s10+$0x0];
	[tilespmem:v36+s20+$0x0] =	vst.idx.msk $0xffff, v43;
	v49 =	vadd.f32 v19, v5  }
0x160: {  	v8 =	vadd.s32 v3, v8;
	v16 =	vld [tilespmem:s10+$0xFFFFFFC0];
	[tilespmem:v37+s20+$0x0] =	vst.idx.msk $0xffff, v46;
	v50 =	vadd.f32 v38, v5  }
0x161: {  	v51 =	vadd.s32 v3, v10;
	v52 =	vld [tilespmem:s11+$0x0];
	[tilespmem:v40+s20+$0x0] =	vst.idx.msk $0xffff, v49;
	v5 =	vadd.f32 v41, v5  }
0x162: {  	v54 =	vadd.s32 v3, v11;
	v53 =	vadd.f32 v42, v4;
	v15 =	vld [tilespmem:s11+$0xFFFFFFC0];
	[tilespmem:v44+s20+$0x0] =	vst.idx.msk $0xffff, v50  }
0x163: {  	v56 =	vadd.s32 v3, v12;
	v55 =	vadd.f32 v45, v4;
	v57 =	vld [tilespmem:s12+$0x0];
	[tilespmem:v47+s20+$0x0] =	vst.idx.msk $0xffff, v5  }
0x164: {  	v58 =	vadd.s32 v3, v13;
	[tilespmem:v6+s20+$0x0] =	vst.idx.msk $0xffff, v53;
	v5 =	vadd.f32 v48, v4;
	v59 =	vld [tilespmem:s12+$0xFFFFFFC0]  }
0x165: {  	[tilespmem:v8+s20+$0x0] =	vst.idx.msk $0xffff, v55;
	v61 =	vadd.s32 v3, v14;
	v60 =	vadd.f32 v16, v4  }
0x166: {  	v62 =	vadd.s32 v3, v27;
	[tilespmem:v51+s20+$0x0] =	vst.idx.msk $0xffff, v5;
	v5 =	vadd.f32 v52, v4  }
0x167: {  	[tilespmem:v54+s20+$0x0] =	vst.idx.msk $0xffff, v60;
	v63 =	vadd.f32 v15, v4  }
0x168: {  	[tilespmem:v56+s20+$0x0] =	vst.idx.msk $0xffff, v5;
	v5 =	vadd.f32 v57, v4  }
0x169: {  	[tilespmem:v58+s20+$0x0] =	vst.idx.msk $0xffff, v63;
	v4 =	vadd.f32 v59, v4  }
0x16a: {  	[tilespmem:v61+s20+$0x0] =	vst.idx.msk $0xffff, v5  }
0x16b: {  	[tilespmem:v62+s20+$0x0] =	vst.idx.msk $0xffff, v4  }
0x16c: {  	s19 =	simm.s32 $0x12800;
	s10 =	rddreg [dreg:$0x8]  }
0x16d: {  	[hbm4b:s10+s3] =	stream.linear.scatter [tilespmem:s19], [sflag:$0x7], $0x80, $0x38;
	[tilespmem:$0x19E00] =	vst v63  }
0x16e: {  	s22 =	simm.s32 $0x12888;
	s23 =	sadd.s32 $0x10, s10  }
0x16f: {  	[hbm4b:s23+s3] =	stream.linear.scatter [tilespmem:s22], [sflag:$0x7], $0x80, $0x38;
	[tilespmem:$0x19E00] =	vst v63  }
0x170: {  	s14 =	simm.s32 $0x12A20;
	s9 =	simm.s32 $0x12910;
	s11 =	sadd.s32 $0x20, s10  }
0x171: {  	[hbm4b:s11+s3] =	stream.linear.scatter [tilespmem:s9], [sflag:$0x7], $0x80, $0x38;
	[tilespmem:$0x19E00] =	vst v63  }
0x172: {  	s16 =	simm.s32 $0x12AA8;
	s12 =	simm.s32 $0x12998;
	s13 =	sadd.s32 $0x30, s10  }
0x173: {  	[hbm4b:s13+s3] =	stream.linear.scatter [tilespmem:s12], [sflag:$0x7], $0x80, $0x38;
	[tilespmem:$0x19E00] =	vst v63  }
0x174: {  	s8 =	simm.s32 $0x2200;
	s15 =	sadd.s32 $0x40, s10;
	s19 =	sadd.s32 $0x50, s10  }
0x175: {  	[hbm4b:s15+s3] =	stream.linear.scatter [tilespmem:s14], [sflag:$0x7], $0x80, $0x38;
	[tilespmem:$0x19E00] =	vst v63  }
0x176: {  	s22 =	simm.s32 $0x12B30;
	s23 =	sadd.s32 $0x60, s10;
	s9 =	simm.s32 $0x440  }
0x177: {  	[hbm4b:s19+s3] =	stream.linear.scatter [tilespmem:s16], [sflag:$0x7], $0x80, $0x38;
	[tilespmem:$0x19E00] =	vst v63  }
0x178: {  	s11 =	simm.s32 $0x12BB8;
	s12 =	sadd.s32 $0x70, s10;
	s10 =	sadd.s32 $0x1000, s10  }
0x179: {  	[hbm4b:s23+s3] =	stream.linear.scatter [tilespmem:s22], [sflag:$0x7], $0x80, $0x38;
	[tilespmem:$0x19E00] =	vst v63  }
.LBB2_12:
0x17a: {  	[hbm4b:s12+s3] =	stream.linear.scatter [tilespmem:s11], [sflag:$0x7], $0x80, $0x38;
	[tilespmem:$0x19E00] =	vst v63  }
0x17b: {  	s11 =	smov.u32 s9;
	s9 =	smov.u32 s8  }
0x17c: {  	s13 =	sadd.s32 $0x1100, s8;
	s9 =	sshra.s32 s9, $0x2;
	s12 =	sadd.s32 $0x12800, s11  }
0x17d: {  	[hbm4b:s10+s3] =	stream.linear.scatter [tilespmem:s12], [sflag:$0x7], $0x80, $0x38;
	[tilespmem:$0x19E00] =	vst v63  }
0x17e: {  	p0 =	sne.s32 s8, $0x7700;
	s8 =	sadd.s32 $0x12888, s11;
	s12 =	sadd.s32 $0x10, s10  }
0x17f: {  	[hbm4b:s12+s3] =	stream.linear.scatter [tilespmem:s8], [sflag:$0x7], $0x80, $0x38;
	[tilespmem:$0x19E00] =	vst v63  }
0x180: {  	s8 =	sadd.s32 $0x12910, s11;
	s12 =	sadd.s32 $0x20, s10  }
0x181: {  	[hbm4b:s12+s3] =	stream.linear.scatter [tilespmem:s8], [sflag:$0x7], $0x80, $0x38;
	[tilespmem:$0x19E00] =	vst v63  }
0x182: {  	s8 =	sadd.s32 $0x12998, s11;
	s12 =	sadd.s32 $0x30, s10  }
0x183: {  	[hbm4b:s12+s3] =	stream.linear.scatter [tilespmem:s8], [sflag:$0x7], $0x80, $0x38;
	[tilespmem:$0x19E00] =	vst v63  }
0x184: {  	s8 =	sadd.s32 $0x12A20, s11;
	s12 =	sadd.s32 $0x40, s10  }
0x185: {  	[hbm4b:s12+s3] =	stream.linear.scatter [tilespmem:s8], [sflag:$0x7], $0x80, $0x38;
	[tilespmem:$0x19E00] =	vst v63  }
.Ltmp5:
0x186: {  	s8 =	sadd.s32 $0x12AA8, s11;
	s12 =	sadd.s32 $0x50, s10;
	(pc) =	sbr.rel @p0 .LBB2_12-.Ltmp5, $4  }
0x187: {  	[hbm4b:s12+s3] =	stream.linear.scatter [tilespmem:s8], [sflag:$0x7], $0x80, $0x38;
	[tilespmem:$0x19E00] =	vst v63  }
0x188: {  	s8 =	sadd.s32 $0x12B30, s11;
	s12 =	sadd.s32 $0x60, s10;
	s11 =	sadd.s32 $0x12BB8, s11  }
0x189: {  	[hbm4b:s12+s3] =	stream.linear.scatter [tilespmem:s8], [sflag:$0x7], $0x80, $0x38;
	[tilespmem:$0x19E00] =	vst v63  }
0x18a: {  	s12 =	sadd.s32 $0x70, s10;
	s10 =	sadd.s32 $0x1000, s10;
	s8 =	smov.u32 s13  }
0x18b: {  	[hbm4b:s12+s3] =	stream.linear.scatter [tilespmem:s11], [sflag:$0x7], $0x80, $0x38;
	[tilespmem:$0x19E00] =	vst v63  }
0x18c: {  	s8 =	sadd.s32 $0x12800, s9  }
0x18d: {  	[hbm4b:s10+s3] =	stream.linear.scatter [tilespmem:s8], [sflag:$0x7], $0x80, $0x38;
	[tilespmem:$0x19E00] =	vst v63  }
0x18e: {  	s14 =	sadd.s32 $0x12888, s9;
	s15 =	sadd.s32 $0x10, s10  }
0x18f: {  	[hbm4b:s15+s3] =	stream.linear.scatter [tilespmem:s14], [sflag:$0x7], $0x80, $0x38;
	[tilespmem:$0x19E00] =	vst v63  }
0x190: {  	s16 =	sadd.s32 $0x12910, s9;
	s19 =	sadd.s32 $0x20, s10  }
0x191: {  	[hbm4b:s19+s3] =	stream.linear.scatter [tilespmem:s16], [sflag:$0x7], $0x80, $0x38;
	[tilespmem:$0x19E00] =	vst v63  }
0x192: {  	s22 =	sadd.s32 $0x12998, s9;
	s23 =	sadd.s32 $0x30, s10  }
0x193: {  	[hbm4b:s23+s3] =	stream.linear.scatter [tilespmem:s22], [sflag:$0x7], $0x80, $0x38;
	[tilespmem:$0x19E00] =	vst v63  }
0x194: {  	s12 =	sadd.s32 $0x12A20, s9;
	s13 =	sadd.s32 $0x40, s10  }
0x195: {  	[hbm4b:s13+s3] =	stream.linear.scatter [tilespmem:s12], [sflag:$0x7], $0x80, $0x38;
	[tilespmem:$0x19E00] =	vst v63  }
0x196: {  	s14 =	sadd.s32 $0x12AA8, s9;
	s15 =	sadd.s32 $0x50, s10  }
0x197: {  	[hbm4b:s15+s3] =	stream.linear.scatter [tilespmem:s14], [sflag:$0x7], $0x80, $0x38;
	[tilespmem:$0x19E00] =	vst v63  }
0x198: {  	s16 =	sadd.s32 $0x12B30, s9;
	s19 =	sadd.s32 $0x60, s10  }
0x199: {  	[hbm4b:s19+s3] =	stream.linear.scatter [tilespmem:s16], [sflag:$0x7], $0x80, $0x38;
	[tilespmem:$0x19E00] =	vst v63  }
0x19a: {  	s22 =	sadd.s32 $0x12BB8, s9;
	s23 =	sadd.s32 $0x70, s10  }
0x19b: {  	[hbm4b:s23+s3] =	stream.linear.scatter [tilespmem:s22], [sflag:$0x7], $0x80, $0x38;
	[tilespmem:$0x19E00] =	vst v63  }
0x19c: {  	s9 =	simm.s32 $0x300  }
0x19d: {  	[tilespmem:s25], [sflag:$0x3] =	stream.indirect.gather [hbm4b:s4+s21], $0x40, s9, s21, $0xb8;
	[tilespmem:$0x19E00] =	vst v63  }
0x19e: {  	_ =	swait.ge [sflag:s26], $0x2000  }
0x19f: {  	[sflag:s26] =	ssyncset.done $0x0  }
0x1a0: {  	[sflag:s26] =	ssyncadd.s32 $0xFFFFE000  }
0x1a1: {  	s10 =	simm.s32 $0x1;
	s12 =	simm.s32 $0xC470;
	v9 =	vld [tilespmem:$0x16CC0]  }
0x1a2: {  	v4 =	vmov s10;
	v6 =	vld [tilespmem:s12+$0xFFFFFFD0]  }
0x1a3: {  	v14 =	vand.u32 $0x7F, v4  }
0x1a4: {  	v8 =	vadd.s32 v0, v14  }
0x1a5: {  	s11 =	simm.s32 $0x0;
	v7 =	vld [tilespmem:$0x16CD0]  }
0x1a6: {  	v4 =	vmov s11;
	v10 =	vld [tilespmem:s12+$0xFFFFFF90]  }
0x1a7: {  	v18 =	vand.u32 $0x7E, v4;
	v5 =	vld [tilespmem:$0x16CE0];
	v6 =	vadd.f32 v6, v9  }
0x1a8: {  	s13 =	simm.s32 $0x3;
	v11 =	vadd.s32 v0, v18;
	s9 =	simm.s32 $0xC4F0;
	v4 =	vld [tilespmem:$0x16CF0]  }
0x1a9: {  	v12 =	vld [tilespmem:s9+$0xFFFFFFD0];
	[tilespmem:v8+s31+$0x0] =	vst.idx.msk $0xffff, v6;
	v6 =	vmov s13  }
0x1aa: {  	v6 =	vand.u32 $0x7F, v6;
	v13 =	vld [tilespmem:s12+$0xFFFFFFE0]  }
0x1ab: {  	v8 =	vadd.f32 v10, v9;
	v10 =	vadd.s32 v0, v6  }
0x1ac: {  	v15 =	vadd.s32 v1, v14;
	s14 =	simm.s32 $0x2  }
0x1ad: {  	[tilespmem:v11+s31+$0x0] =	vst.idx.msk $0xffff, v8;
	v8 =	vmov s14;
	v11 =	vld [tilespmem:s9+$0xFFFFFF90]  }
0x1ae: {  	v12 =	vadd.f32 v12, v9;
	v8 =	vand.u32 $0x7E, v8;
	v16 =	vld [tilespmem:s12+$0xFFFFFFA0]  }
0x1af: {  	s10 =	simm.s32 $0xC570;
	s15 =	simm.s32 $0x5;
	v17 =	vadd.s32 v0, v8;
	v13 =	vadd.f32 v13, v7  }
0x1b0: {  	v19 =	vld [tilespmem:s10+$0xFFFFFFD0];
	[tilespmem:v10+s31+$0x0] =	vst.idx.msk $0xffff, v12;
	v12 =	vadd.s32 v1, v18;
	v10 =	vmov s15  }
0x1b1: {  	[tilespmem:v15+s31+$0x0] =	vst.idx.msk $0xffff, v13;
	v10 =	vand.u32 $0x7F, v10;
	v13 =	vld [tilespmem:s9+$0xFFFFFFE0]  }
0x1b2: {  	v11 =	vadd.f32 v11, v9;
	v15 =	vadd.s32 v0, v10;
	v20 =	vld [tilespmem:s12+$0xFFFFFFF0]  }
0x1b3: {  	s16 =	simm.s32 $0x4;
	v21 =	vadd.s32 v1, v6;
	v16 =	vadd.f32 v16, v7  }
0x1b4: {  	v22 =	vadd.s32 v2, v14;
	[tilespmem:v17+s31+$0x0] =	vst.idx.msk $0xffff, v11;
	v11 =	vmov s16;
	v17 =	vld [tilespmem:s10+$0xFFFFFF90]  }
0x1b5: {  	v11 =	vand.u32 $0x7E, v11;
	[tilespmem:v12+s31+$0x0] =	vst.idx.msk $0xffff, v16;
	v12 =	vadd.f32 v19, v9;
	v16 =	vld [tilespmem:s9+$0xFFFFFFA0]  }
0x1b6: {  	s11 =	simm.s32 $0xC5F0;
	s19 =	simm.s32 $0x7;
	v19 =	vadd.s32 v0, v11;
	v13 =	vadd.f32 v13, v7;
	v23 =	vld [tilespmem:s12+$0xFFFFFFB0]  }
0x1b7: {  	v24 =	vld [tilespmem:s11+$0xFFFFFFD0];
	[tilespmem:v15+s31+$0x0] =	vst.idx.msk $0xffff, v12;
	v15 =	vadd.s32 v1, v8;
	v20 =	vadd.f32 v20, v5;
	v12 =	vmov s19  }
0x1b8: {  	[tilespmem:v21+s31+$0x0] =	vst.idx.msk $0xffff, v13;
	v21 =	vadd.s32 v2, v18;
	v12 =	vand.u32 $0x7F, v12;
	v25 =	vld [tilespmem:s10+$0xFFFFFFE0]  }
0x1b9: {  	v13 =	vadd.f32 v17, v9;
	[tilespmem:v22+s31+$0x0] =	vst.idx.msk $0xffff, v20;
	v17 =	vadd.s32 v0, v12;
	v20 =	vld [tilespmem:s9+$0xFFFFFFF0]  }
0x1ba: {  	s22 =	simm.s32 $0x6;
	v26 =	vadd.s32 v1, v10;
	v16 =	vadd.f32 v16, v7;
	v27 =	vld [tilespmem:s12+$0x0]  }
0x1bb: {  	v28 =	vadd.s32 v2, v6;
	[tilespmem:v19+s31+$0x0] =	vst.idx.msk $0xffff, v13;
	v13 =	vmov s22;
	v19 =	vadd.f32 v23, v5;
	v23 =	vld [tilespmem:s11+$0xFFFFFF90]  }
0x1bc: {  	v30 =	vadd.s32 v3, v14;
	v13 =	vand.u32 $0x7E, v13;
	v29 =	vld [tilespmem:s10+$0xFFFFFFA0];
	[tilespmem:v15+s31+$0x0] =	vst.idx.msk $0xffff, v16;
	v16 =	vadd.f32 v24, v9  }
0x1bd: {  	[tilespmem:v21+s31+$0x0] =	vst.idx.msk $0xffff, v19;
	v21 =	vadd.s32 v0, v13;
	v14 =	vadd.f32 v25, v7;
	v15 =	vld [tilespmem:s9+$0xFFFFFFB0]  }
0x1be: {  	s23 =	simm.s32 $0x9;
	s13 =	simm.s32 $0xC670;
	v19 =	vadd.s32 v1, v11;
	[tilespmem:v17+s31+$0x0] =	vst.idx.msk $0xffff, v16;
	v20 =	vadd.f32 v20, v5;
	v16 =	vld [tilespmem:s12+$0xFFFFFFC0]  }
0x1bf: {  	v22 =	vld [tilespmem:s13+$0xFFFFFFD0];
	v24 =	vmov s23;
	v17 =	vadd.s32 v2, v8;
	[tilespmem:v26+s31+$0x0] =	vst.idx.msk $0xffff, v14;
	v27 =	vadd.f32 v27, v4  }
0x1c0: {  	v18 =	vadd.s32 v3, v18;
	v14 =	vand.u32 $0x7F, v24;
	v26 =	vadd.f32 v23, v9;
	v23 =	vld [tilespmem:s11+$0xFFFFFFE0];
	[tilespmem:v28+s31+$0x0] =	vst.idx.msk $0xffff, v20  }
0x1c1: {  	s8 =	simm.s32 $0x8;
	s14 =	simm.s32 $0xA;
	s12 =	simm.s32 $0xC670;
	v24 =	vadd.s32 v0, v14;
	v25 =	vadd.f32 v29, v7;
	v20 =	vld [tilespmem:s10+$0xFFFFFFF0];
	[tilespmem:v30+s31+$0x0] =	vst.idx.msk $0xffff, v27  }
.LBB2_14:
0x1c2: {  	p0 =	slt.u32 s14, $0x7E;
	[tilespmem:v21+s31+$0x0] =	vst.idx.msk $0xffff, v26;
	v26 =	vadd.s32 v1, v12;
	v15 =	vadd.f32 v15, v5;
	v27 =	vld [tilespmem:s9+$0x0];
	v28 =	vmov v11  }
0x1c3: {  	v21 =	vmov s8;
	v11 =	vmovc v13;
	s8 =	smov.u32 s14;
	v29 =	vld [tilespmem:s13+$0xFFFFFF90];
	[tilespmem:v19+s31+$0x0] =	vst.idx.msk $0xffff, v25;
	v25 =	vadd.s32 v2, v10;
	v16 =	vadd.f32 v16, v4  }
0x1c4: {  	v31 =	vadd.s32 v3, v6;
	v13 =	vand.u32 $0x7E, v21;
	v19 =	vadd.f32 v22, v9;
	v30 =	vld [tilespmem:s11+$0xFFFFFFA0];
	[tilespmem:v17+s31+$0x0] =	vst.idx.msk $0xffff, v15  }
.Ltmp6:
0x1c5: {  	v6 =	vmov v10;
	v21 =	vadd.s32 v0, v13;
	v17 =	vadd.f32 v23, v7;
	v15 =	vld [tilespmem:s10+$0xFFFFFFB0];
	[tilespmem:v18+s31+$0x0] =	vst.idx.msk $0xffff, v16;
	(pc) =	sbr.rel @p0 .LBB2_14-.Ltmp6, $4  }
0x1c6: {  	s15 =	sadd.s32 $0x1, s14;
	s13 =	sadd.s32 $0x80, s13;
	v10 =	vmov v12;
	[tilespmem:v24+s31+$0x0] =	vst.idx.msk $0xffff, v19;
	v19 =	vadd.s32 v1, v11;
	v18 =	vadd.f32 v20, v5;
	v16 =	vld [tilespmem:s9+$0xFFFFFFC0];
	s9 =	smov.u32 s10  }
0x1c7: {  	v12 =	vmovc v14;
	v20 =	vmov s15;
	s10 =	smov.u32 s11;
	s11 =	smov.u32 s12;
	s12 =	smov.u32 s13;
	v22 =	vld [tilespmem:s13+$0xFFFFFFD0];
	[tilespmem:v26+s31+$0x0] =	vst.idx.msk $0xffff, v17;
	v17 =	vadd.s32 v2, v28;
	v27 =	vadd.f32 v27, v4  }
0x1c8: {  	v14 =	vand.u32 $0x7F, v20;
	v26 =	vadd.f32 v29, v9;
	v23 =	vld [tilespmem:s11+$0xFFFFFFE0];
	[tilespmem:v25+s31+$0x0] =	vst.idx.msk $0xffff, v18;
	v18 =	vadd.s32 v3, v8  }
0x1c9: {  	s14 =	sadd.s32 $0x2, s14;
	v24 =	vadd.s32 v0, v14;
	v8 =	vmov v28;
	v25 =	vadd.f32 v30, v7;
	v20 =	vld [tilespmem:s10+$0xFFFFFFF0];
	[tilespmem:v31+s31+$0x0] =	vst.idx.msk $0xffff, v27  }
0x1ca: {  	v27 =	vmov s8;
	v28 =	vld [tilespmem:s13+$0xFFFFFF90]  }
0x1cb: {  	v27 =	vand.u32 $0x7E, v27  }
0x1cc: {  	v29 =	vadd.s32 v0, v27;
	_ =	sdelay $0x1  }
0x1cd: {  	v22 =	vadd.f32 v22, v9  }
0x1ce: {  	[tilespmem:v21+s31+$0x0] =	vst.idx.msk $0xffff, v26;
	v57 =	vadd.f32 v28, v9  }
0x1cf: {  	v21 =	vld [tilespmem:s11+$0xFFFFFFA0];
	[tilespmem:v24+s31+$0x0] =	vst.idx.msk $0xffff, v22  }
0x1d0: {  	v58 =	vadd.s32 v1, v12;
	v24 =	vld [tilespmem:s12+$0xFFFFFFE0];
	[tilespmem:v29+s31+$0x0] =	vst.idx.msk $0xffff, v57  }
0x1d1: {  	v59 =	vadd.s32 v1, v13;
	v60 =	vld [tilespmem:s12+$0xFFFFFFA0]  }
0x1d2: {  	v61 =	vadd.s32 v1, v14  }
0x1d3: {  	v62 =	vadd.s32 v1, v27;
	v23 =	vadd.f32 v23, v7  }
0x1d4: {  	[tilespmem:v19+s31+$0x0] =	vst.idx.msk $0xffff, v25;
	v63 =	vadd.f32 v21, v7  }
0x1d5: {  	v30 =	vld [tilespmem:s10+$0xFFFFFFB0];
	[tilespmem:v58+s31+$0x0] =	vst.idx.msk $0xffff, v23;
	v31 =	vadd.f32 v24, v7  }
0x1d6: {  	v32 =	vadd.s32 v2, v10;
	v33 =	vld [tilespmem:s11+$0xFFFFFFF0];
	[tilespmem:v59+s31+$0x0] =	vst.idx.msk $0xffff, v63;
	v34 =	vadd.f32 v60, v7  }
0x1d7: {  	v35 =	vadd.f32 v15, v5;
	v36 =	vadd.s32 v2, v11;
	v19 =	vld [tilespmem:s11+$0xFFFFFFB0];
	[tilespmem:v61+s31+$0x0] =	vst.idx.msk $0xffff, v31  }
0x1d8: {  	v37 =	vadd.s32 v2, v12;
	v16 =	vadd.f32 v16, v4;
	v38 =	vld [tilespmem:s12+$0xFFFFFFF0];
	[tilespmem:v62+s31+$0x0] =	vst.idx.msk $0xffff, v34  }
0x1d9: {  	v40 =	vadd.s32 v2, v13;
	[tilespmem:v17+s31+$0x0] =	vst.idx.msk $0xffff, v35;
	v39 =	vadd.f32 v20, v5;
	v41 =	vld [tilespmem:s12+$0xFFFFFFB0]  }
0x1da: {  	v42 =	vld [tilespmem:s9+$0x0];
	v44 =	vadd.s32 v2, v14;
	[tilespmem:v18+s31+$0x0] =	vst.idx.msk $0xffff, v16;
	v43 =	vadd.f32 v30, v5  }
0x1db: {  	v47 =	vadd.s32 v2, v27;
	v45 =	vld [tilespmem:s9+$0xFFFFFFC0];
	[tilespmem:v32+s31+$0x0] =	vst.idx.msk $0xffff, v39;
	v46 =	vadd.f32 v33, v5  }
0x1dc: {  	v6 =	vadd.s32 v3, v6;
	v48 =	vld [tilespmem:s10+$0x0];
	[tilespmem:v36+s31+$0x0] =	vst.idx.msk $0xffff, v43;
	v49 =	vadd.f32 v19, v5  }
0x1dd: {  	v8 =	vadd.s32 v3, v8;
	v16 =	vld [tilespmem:s10+$0xFFFFFFC0];
	[tilespmem:v37+s31+$0x0] =	vst.idx.msk $0xffff, v46;
	v50 =	vadd.f32 v38, v5  }
0x1de: {  	v51 =	vadd.s32 v3, v10;
	v52 =	vld [tilespmem:s11+$0x0];
	[tilespmem:v40+s31+$0x0] =	vst.idx.msk $0xffff, v49;
	v5 =	vadd.f32 v41, v5  }
0x1df: {  	v54 =	vadd.s32 v3, v11;
	v53 =	vadd.f32 v42, v4;
	v15 =	vld [tilespmem:s11+$0xFFFFFFC0];
	[tilespmem:v44+s31+$0x0] =	vst.idx.msk $0xffff, v50  }
0x1e0: {  	v56 =	vadd.s32 v3, v12;
	v55 =	vadd.f32 v45, v4;
	v57 =	vld [tilespmem:s12+$0x0];
	[tilespmem:v47+s31+$0x0] =	vst.idx.msk $0xffff, v5  }
0x1e1: {  	v58 =	vadd.s32 v3, v13;
	[tilespmem:v6+s31+$0x0] =	vst.idx.msk $0xffff, v53;
	v5 =	vadd.f32 v48, v4;
	v59 =	vld [tilespmem:s12+$0xFFFFFFC0]  }
0x1e2: {  	[tilespmem:v8+s31+$0x0] =	vst.idx.msk $0xffff, v55;
	v61 =	vadd.s32 v3, v14;
	v60 =	vadd.f32 v16, v4  }
0x1e3: {  	v62 =	vadd.s32 v3, v27;
	[tilespmem:v51+s31+$0x0] =	vst.idx.msk $0xffff, v5;
	v5 =	vadd.f32 v52, v4  }
0x1e4: {  	[tilespmem:v54+s31+$0x0] =	vst.idx.msk $0xffff, v60;
	v63 =	vadd.f32 v15, v4  }
0x1e5: {  	[tilespmem:v56+s31+$0x0] =	vst.idx.msk $0xffff, v5;
	v5 =	vadd.f32 v57, v4  }
0x1e6: {  	[tilespmem:v58+s31+$0x0] =	vst.idx.msk $0xffff, v63;
	v4 =	vadd.f32 v59, v4  }
0x1e7: {  	[tilespmem:v61+s31+$0x0] =	vst.idx.msk $0xffff, v5  }
0x1e8: {  	[tilespmem:v62+s31+$0x0] =	vst.idx.msk $0xffff, v4  }
0x1e9: {  	s19 =	simm.s32 $0x0;
	s14 =	simm.s32 $0x14A00;
	s10 =	rddreg [dreg:$0x9]  }
0x1ea: {  	[hbm4b:s10+s19] =	stream.linear.scatter [tilespmem:s14], [sflag:$0x8], $0x80, $0x38;
	[tilespmem:$0x19E00] =	vst v63  }
0x1eb: {  	s15 =	simm.s32 $0x14A88;
	s16 =	sadd.s32 $0x10, s10  }
0x1ec: {  	[hbm4b:s16+s19] =	stream.linear.scatter [tilespmem:s15], [sflag:$0x8], $0x80, $0x38;
	[tilespmem:$0x19E00] =	vst v63  }
0x1ed: {  	s22 =	simm.s32 $0x14B10;
	s13 =	simm.s32 $0x14C20;
	s23 =	sadd.s32 $0x20, s10  }
0x1ee: {  	[hbm4b:s23+s19] =	stream.linear.scatter [tilespmem:s22], [sflag:$0x8], $0x80, $0x38;
	[tilespmem:$0x19E00] =	vst v63  }
0x1ef: {  	s8 =	simm.s32 $0x2200;
	s11 =	simm.s32 $0x14B98;
	s12 =	sadd.s32 $0x30, s10  }
0x1f0: {  	[hbm4b:s12+s19] =	stream.linear.scatter [tilespmem:s11], [sflag:$0x8], $0x80, $0x38;
	[tilespmem:$0x19E00] =	vst v63  }
0x1f1: {  	s9 =	simm.s32 $0x440;
	s14 =	sadd.s32 $0x40, s10;
	s15 =	simm.s32 $0x14CA8  }
0x1f2: {  	[hbm4b:s14+s19] =	stream.linear.scatter [tilespmem:s13], [sflag:$0x8], $0x80, $0x38;
	[tilespmem:$0x19E00] =	vst v63  }
0x1f3: {  	s16 =	sadd.s32 $0x50, s10;
	s22 =	simm.s32 $0x14D30;
	s23 =	sadd.s32 $0x60, s10  }
0x1f4: {  	[hbm4b:s16+s19] =	stream.linear.scatter [tilespmem:s15], [sflag:$0x8], $0x80, $0x38;
	[tilespmem:$0x19E00] =	vst v63  }
0x1f5: {  	s11 =	simm.s32 $0x14DB8;
	s12 =	sadd.s32 $0x70, s10;
	s10 =	sadd.s32 $0x1000, s10  }
0x1f6: {  	[hbm4b:s23+s19] =	stream.linear.scatter [tilespmem:s22], [sflag:$0x8], $0x80, $0x38;
	[tilespmem:$0x19E00] =	vst v63  }
.LBB2_16:
0x1f7: {  	[hbm4b:s12+s19] =	stream.linear.scatter [tilespmem:s11], [sflag:$0x8], $0x80, $0x38;
	[tilespmem:$0x19E00] =	vst v63  }
0x1f8: {  	s11 =	smov.u32 s9;
	s9 =	smov.u32 s8  }
0x1f9: {  	s13 =	sadd.s32 $0x1100, s8;
	s9 =	sshra.s32 s9, $0x2;
	s12 =	sadd.s32 $0x14A00, s11  }
0x1fa: {  	[hbm4b:s10+s19] =	stream.linear.scatter [tilespmem:s12], [sflag:$0x8], $0x80, $0x38;
	[tilespmem:$0x19E00] =	vst v63  }
0x1fb: {  	p0 =	sne.s32 s8, $0x7700;
	s8 =	sadd.s32 $0x14A88, s11;
	s12 =	sadd.s32 $0x10, s10  }
0x1fc: {  	[hbm4b:s12+s19] =	stream.linear.scatter [tilespmem:s8], [sflag:$0x8], $0x80, $0x38;
	[tilespmem:$0x19E00] =	vst v63  }
0x1fd: {  	s8 =	sadd.s32 $0x14B10, s11;
	s12 =	sadd.s32 $0x20, s10  }
0x1fe: {  	[hbm4b:s12+s19] =	stream.linear.scatter [tilespmem:s8], [sflag:$0x8], $0x80, $0x38;
	[tilespmem:$0x19E00] =	vst v63  }
0x1ff: {  	s8 =	sadd.s32 $0x14B98, s11;
	s12 =	sadd.s32 $0x30, s10  }
0x200: {  	[hbm4b:s12+s19] =	stream.linear.scatter [tilespmem:s8], [sflag:$0x8], $0x80, $0x38;
	[tilespmem:$0x19E00] =	vst v63  }
0x201: {  	s8 =	sadd.s32 $0x14C20, s11;
	s12 =	sadd.s32 $0x40, s10  }
0x202: {  	[hbm4b:s12+s19] =	stream.linear.scatter [tilespmem:s8], [sflag:$0x8], $0x80, $0x38;
	[tilespmem:$0x19E00] =	vst v63  }
.Ltmp7:
0x203: {  	s8 =	sadd.s32 $0x14CA8, s11;
	s12 =	sadd.s32 $0x50, s10;
	(pc) =	sbr.rel @p0 .LBB2_16-.Ltmp7, $4  }
0x204: {  	[hbm4b:s12+s19] =	stream.linear.scatter [tilespmem:s8], [sflag:$0x8], $0x80, $0x38;
	[tilespmem:$0x19E00] =	vst v63  }
0x205: {  	s8 =	sadd.s32 $0x14D30, s11;
	s12 =	sadd.s32 $0x60, s10;
	s11 =	sadd.s32 $0x14DB8, s11  }
0x206: {  	[hbm4b:s12+s19] =	stream.linear.scatter [tilespmem:s8], [sflag:$0x8], $0x80, $0x38;
	[tilespmem:$0x19E00] =	vst v63  }
0x207: {  	s12 =	sadd.s32 $0x70, s10;
	s10 =	sadd.s32 $0x1000, s10;
	s8 =	smov.u32 s13  }
0x208: {  	[hbm4b:s12+s19] =	stream.linear.scatter [tilespmem:s11], [sflag:$0x8], $0x80, $0x38;
	[tilespmem:$0x19E00] =	vst v63  }
0x209: {  	s8 =	sadd.s32 $0x14A00, s9  }
0x20a: {  	[hbm4b:s10+s19] =	stream.linear.scatter [tilespmem:s8], [sflag:$0x8], $0x80, $0x38;
	[tilespmem:$0x19E00] =	vst v63  }
0x20b: {  	s13 =	sadd.s32 $0x14A88, s9;
	s14 =	sadd.s32 $0x10, s10  }
0x20c: {  	[hbm4b:s14+s19] =	stream.linear.scatter [tilespmem:s13], [sflag:$0x8], $0x80, $0x38;
	[tilespmem:$0x19E00] =	vst v63  }
0x20d: {  	s15 =	sadd.s32 $0x14B10, s9;
	s16 =	sadd.s32 $0x20, s10  }
0x20e: {  	[hbm4b:s16+s19] =	stream.linear.scatter [tilespmem:s15], [sflag:$0x8], $0x80, $0x38;
	[tilespmem:$0x19E00] =	vst v63  }
0x20f: {  	s22 =	sadd.s32 $0x14B98, s9;
	s23 =	sadd.s32 $0x30, s10  }
0x210: {  	[hbm4b:s23+s19] =	stream.linear.scatter [tilespmem:s22], [sflag:$0x8], $0x80, $0x38;
	[tilespmem:$0x19E00] =	vst v63  }
0x211: {  	s11 =	sadd.s32 $0x14C20, s9;
	s12 =	sadd.s32 $0x40, s10  }
0x212: {  	[hbm4b:s12+s19] =	stream.linear.scatter [tilespmem:s11], [sflag:$0x8], $0x80, $0x38;
	[tilespmem:$0x19E00] =	vst v63  }
0x213: {  	s13 =	sadd.s32 $0x14CA8, s9;
	s14 =	sadd.s32 $0x50, s10  }
0x214: {  	[hbm4b:s14+s19] =	stream.linear.scatter [tilespmem:s13], [sflag:$0x8], $0x80, $0x38;
	[tilespmem:$0x19E00] =	vst v63  }
0x215: {  	s15 =	sadd.s32 $0x14D30, s9;
	s16 =	sadd.s32 $0x60, s10  }
0x216: {  	[hbm4b:s16+s19] =	stream.linear.scatter [tilespmem:s15], [sflag:$0x8], $0x80, $0x38;
	[tilespmem:$0x19E00] =	vst v63  }
0x217: {  	s22 =	sadd.s32 $0x14DB8, s9;
	s23 =	sadd.s32 $0x70, s10  }
0x218: {  	[hbm4b:s23+s19] =	stream.linear.scatter [tilespmem:s22], [sflag:$0x8], $0x80, $0x38;
	[tilespmem:$0x19E00] =	vst v63  }
.LBB2_18:
0x219: {  	s9 =	sshll.u32 s19, $0x2  }
0x21a: {  	s16 =	sadd.s32 $0x7, s9  }
0x21b: {  	s8 =	sshll.u32 s16, $0x7  }
0x21c: {  	s8 =	sand.u32 $0xFF80, s8  }
0x21d: {  	[tilespmem:s28], [sflag:$0x4] =	stream.indirect.gather [hbm4b:s4+s21], $0x40, s8, s21, $0xb8;
	[tilespmem:$0x19E00] =	vst v63  }
0x21e: {  	_ =	swait.ge [sflag:s29], $0x2000  }
0x21f: {  	[sflag:s29] =	ssyncset.done $0x0  }
0x220: {  	[sflag:s29] =	ssyncadd.s32 $0xFFFFE000  }
0x221: {  	s10 =	sadd.s32 $0x4, s9;
	_ =	swait.ge [sflag:s17], $0x2000  }
0x222: {  	s12 =	sshll.u32 s10, $0x6;
	[sflag:s17] =	ssyncset.done $0x0  }
0x223: {  	s8 =	sand.u32 $0x3FFFFF00, s12;
	[sflag:s17] =	ssyncadd.s32 $0xFFFFE000  }
0x224: {  	s14 =	simm.s32 $0x6440;
	s11 =	simm.s32 $0x1;
	v9 =	vld [tilespmem:s8+$0x16C00]  }
0x225: {  	v4 =	vmov s11;
	v6 =	vld [tilespmem:s14+$0x0]  }
0x226: {  	v14 =	vand.u32 $0x7F, v4  }
0x227: {  	v8 =	vadd.s32 v0, v14  }
0x228: {  	s13 =	simm.s32 $0x0;
	v7 =	vld [tilespmem:s8+$0x16C10]  }
0x229: {  	v4 =	vmov s13;
	v10 =	vld [tilespmem:s14+$0xFFFFFFC0]  }
0x22a: {  	v18 =	vand.u32 $0x7E, v4;
	v5 =	vld [tilespmem:s8+$0x16C20];
	v6 =	vadd.f32 v6, v9  }
0x22b: {  	s15 =	simm.s32 $0x3;
	s11 =	simm.s32 $0x64C0;
	v11 =	vadd.s32 v0, v18;
	v4 =	vld [tilespmem:s8+$0x16C30]  }
0x22c: {  	v12 =	vld [tilespmem:s11+$0x0];
	[tilespmem:v8+s30+$0x0] =	vst.idx.msk $0xffff, v6;
	v6 =	vmov s15  }
0x22d: {  	v6 =	vand.u32 $0x7F, v6;
	v13 =	vld [tilespmem:s14+$0x10]  }
0x22e: {  	v8 =	vadd.f32 v10, v9;
	v10 =	vadd.s32 v0, v6  }
0x22f: {  	s22 =	simm.s32 $0x2;
	v15 =	vadd.s32 v1, v14  }
0x230: {  	[tilespmem:v11+s30+$0x0] =	vst.idx.msk $0xffff, v8;
	v8 =	vmov s22;
	v11 =	vld [tilespmem:s11+$0xFFFFFFC0]  }
0x231: {  	v12 =	vadd.f32 v12, v9;
	v8 =	vand.u32 $0x7E, v8;
	v16 =	vld [tilespmem:s14+$0xFFFFFFD0]  }
0x232: {  	s23 =	simm.s32 $0x5;
	s12 =	simm.s32 $0x6540;
	v17 =	vadd.s32 v0, v8;
	v13 =	vadd.f32 v13, v7  }
0x233: {  	v19 =	vld [tilespmem:s12+$0x0];
	[tilespmem:v10+s30+$0x0] =	vst.idx.msk $0xffff, v12;
	v12 =	vadd.s32 v1, v18;
	v10 =	vmov s23  }
0x234: {  	[tilespmem:v15+s30+$0x0] =	vst.idx.msk $0xffff, v13;
	v10 =	vand.u32 $0x7F, v10;
	v13 =	vld [tilespmem:s11+$0x10]  }
0x235: {  	v11 =	vadd.f32 v11, v9;
	v15 =	vadd.s32 v0, v10;
	v20 =	vld [tilespmem:s14+$0x20]  }
0x236: {  	s13 =	simm.s32 $0x4;
	v21 =	vadd.s32 v1, v6;
	v16 =	vadd.f32 v16, v7  }
0x237: {  	v22 =	vadd.s32 v2, v14;
	[tilespmem:v17+s30+$0x0] =	vst.idx.msk $0xffff, v11;
	v11 =	vmov s13;
	v17 =	vld [tilespmem:s12+$0xFFFFFFC0]  }
0x238: {  	v11 =	vand.u32 $0x7E, v11;
	[tilespmem:v12+s30+$0x0] =	vst.idx.msk $0xffff, v16;
	v12 =	vadd.f32 v19, v9;
	v16 =	vld [tilespmem:s11+$0xFFFFFFD0]  }
0x239: {  	s15 =	simm.s32 $0x7;
	s13 =	simm.s32 $0x65C0;
	v19 =	vadd.s32 v0, v11;
	v13 =	vadd.f32 v13, v7;
	v23 =	vld [tilespmem:s14+$0xFFFFFFE0]  }
0x23a: {  	v24 =	vld [tilespmem:s13+$0x0];
	[tilespmem:v15+s30+$0x0] =	vst.idx.msk $0xffff, v12;
	v15 =	vadd.s32 v1, v8;
	v20 =	vadd.f32 v20, v5;
	v12 =	vmov s15  }
0x23b: {  	[tilespmem:v21+s30+$0x0] =	vst.idx.msk $0xffff, v13;
	v21 =	vadd.s32 v2, v18;
	v12 =	vand.u32 $0x7F, v12;
	v25 =	vld [tilespmem:s12+$0x10]  }
0x23c: {  	v13 =	vadd.f32 v17, v9;
	[tilespmem:v22+s30+$0x0] =	vst.idx.msk $0xffff, v20;
	v17 =	vadd.s32 v0, v12;
	v20 =	vld [tilespmem:s11+$0x20]  }
0x23d: {  	s22 =	simm.s32 $0x6;
	v26 =	vadd.s32 v1, v10;
	v16 =	vadd.f32 v16, v7;
	v27 =	vld [tilespmem:s14+$0x30]  }
0x23e: {  	v28 =	vadd.s32 v2, v6;
	[tilespmem:v19+s30+$0x0] =	vst.idx.msk $0xffff, v13;
	v13 =	vmov s22;
	v19 =	vadd.f32 v23, v5;
	v23 =	vld [tilespmem:s13+$0xFFFFFFC0]  }
0x23f: {  	v30 =	vadd.s32 v3, v14;
	v13 =	vand.u32 $0x7E, v13;
	v29 =	vld [tilespmem:s12+$0xFFFFFFD0];
	[tilespmem:v15+s30+$0x0] =	vst.idx.msk $0xffff, v16;
	v16 =	vadd.f32 v24, v9  }
0x240: {  	[tilespmem:v21+s30+$0x0] =	vst.idx.msk $0xffff, v19;
	v21 =	vadd.s32 v0, v13;
	v14 =	vadd.f32 v25, v7;
	v15 =	vld [tilespmem:s11+$0xFFFFFFE0]  }
0x241: {  	s23 =	simm.s32 $0x9;
	s15 =	simm.s32 $0x6640;
	v19 =	vadd.s32 v1, v11;
	[tilespmem:v17+s30+$0x0] =	vst.idx.msk $0xffff, v16;
	v20 =	vadd.f32 v20, v5;
	v16 =	vld [tilespmem:s14+$0xFFFFFFF0]  }
0x242: {  	v22 =	vld [tilespmem:s15+$0x0];
	v24 =	vmov s23;
	v17 =	vadd.s32 v2, v8;
	[tilespmem:v26+s30+$0x0] =	vst.idx.msk $0xffff, v14;
	v27 =	vadd.f32 v27, v4  }
0x243: {  	v18 =	vadd.s32 v3, v18;
	v14 =	vand.u32 $0x7F, v24;
	v26 =	vadd.f32 v23, v9;
	v23 =	vld [tilespmem:s13+$0x10];
	[tilespmem:v28+s30+$0x0] =	vst.idx.msk $0xffff, v20  }
0x244: {  	s8 =	simm.s32 $0xA;
	s22 =	simm.s32 $0x8;
	s14 =	simm.s32 $0x6640;
	v24 =	vadd.s32 v0, v14;
	v25 =	vadd.f32 v29, v7;
	v20 =	vld [tilespmem:s12+$0x20];
	[tilespmem:v30+s30+$0x0] =	vst.idx.msk $0xffff, v27  }
.LBB2_19:
0x245: {  	p0 =	slt.u32 s8, $0x7E;
	[tilespmem:v21+s30+$0x0] =	vst.idx.msk $0xffff, v26;
	v26 =	vadd.s32 v1, v12;
	v15 =	vadd.f32 v15, v5;
	v27 =	vld [tilespmem:s11+$0x30];
	v28 =	vmov v11  }
0x246: {  	v21 =	vmov s22;
	v11 =	vmovc v13;
	s22 =	smov.u32 s8;
	v29 =	vld [tilespmem:s15+$0xFFFFFFC0];
	[tilespmem:v19+s30+$0x0] =	vst.idx.msk $0xffff, v25;
	v25 =	vadd.s32 v2, v10;
	v16 =	vadd.f32 v16, v4  }
0x247: {  	v31 =	vadd.s32 v3, v6;
	v13 =	vand.u32 $0x7E, v21;
	v19 =	vadd.f32 v22, v9;
	v30 =	vld [tilespmem:s13+$0xFFFFFFD0];
	[tilespmem:v17+s30+$0x0] =	vst.idx.msk $0xffff, v15  }
.Ltmp8:
0x248: {  	v6 =	vmov v10;
	v21 =	vadd.s32 v0, v13;
	v17 =	vadd.f32 v23, v7;
	v15 =	vld [tilespmem:s12+$0xFFFFFFE0];
	[tilespmem:v18+s30+$0x0] =	vst.idx.msk $0xffff, v16;
	(pc) =	sbr.rel @p0 .LBB2_19-.Ltmp8, $4  }
0x249: {  	s23 =	sadd.s32 $0x1, s8;
	s15 =	sadd.s32 $0x80, s15;
	v10 =	vmov v12;
	[tilespmem:v24+s30+$0x0] =	vst.idx.msk $0xffff, v19;
	v19 =	vadd.s32 v1, v11;
	v18 =	vadd.f32 v20, v5;
	v16 =	vld [tilespmem:s11+$0xFFFFFFF0];
	s11 =	smov.u32 s12  }
0x24a: {  	v12 =	vmovc v14;
	v20 =	vmov s23;
	s12 =	smov.u32 s13;
	s13 =	smov.u32 s14;
	s14 =	smov.u32 s15;
	v22 =	vld [tilespmem:s15+$0x0];
	[tilespmem:v26+s30+$0x0] =	vst.idx.msk $0xffff, v17;
	v17 =	vadd.s32 v2, v28;
	v27 =	vadd.f32 v27, v4  }
0x24b: {  	v14 =	vand.u32 $0x7F, v20;
	v26 =	vadd.f32 v29, v9;
	v23 =	vld [tilespmem:s13+$0x10];
	[tilespmem:v25+s30+$0x0] =	vst.idx.msk $0xffff, v18;
	v18 =	vadd.s32 v3, v8  }
0x24c: {  	s8 =	sadd.s32 $0x2, s8;
	v24 =	vadd.s32 v0, v14;
	v8 =	vmov v28;
	v25 =	vadd.f32 v30, v7;
	v20 =	vld [tilespmem:s12+$0x20];
	[tilespmem:v31+s30+$0x0] =	vst.idx.msk $0xffff, v27  }
0x24d: {  	v27 =	vmov s22;
	v28 =	vld [tilespmem:s15+$0xFFFFFFC0]  }
0x24e: {  	v27 =	vand.u32 $0x7E, v27  }
0x24f: {  	v29 =	vadd.s32 v0, v27;
	_ =	sdelay $0x1  }
0x250: {  	v22 =	vadd.f32 v22, v9  }
0x251: {  	[tilespmem:v21+s30+$0x0] =	vst.idx.msk $0xffff, v26;
	v57 =	vadd.f32 v28, v9  }
0x252: {  	v21 =	vld [tilespmem:s13+$0xFFFFFFD0];
	[tilespmem:v24+s30+$0x0] =	vst.idx.msk $0xffff, v22  }
0x253: {  	v58 =	vadd.s32 v1, v12;
	v24 =	vld [tilespmem:s14+$0x10];
	[tilespmem:v29+s30+$0x0] =	vst.idx.msk $0xffff, v57  }
0x254: {  	v59 =	vadd.s32 v1, v13;
	v60 =	vld [tilespmem:s14+$0xFFFFFFD0]  }
0x255: {  	v61 =	vadd.s32 v1, v14  }
0x256: {  	v62 =	vadd.s32 v1, v27;
	v23 =	vadd.f32 v23, v7  }
0x257: {  	[tilespmem:v19+s30+$0x0] =	vst.idx.msk $0xffff, v25;
	v63 =	vadd.f32 v21, v7  }
0x258: {  	v30 =	vld [tilespmem:s12+$0xFFFFFFE0];
	[tilespmem:v58+s30+$0x0] =	vst.idx.msk $0xffff, v23;
	v31 =	vadd.f32 v24, v7  }
0x259: {  	v32 =	vadd.s32 v2, v10;
	v33 =	vld [tilespmem:s13+$0x20];
	[tilespmem:v59+s30+$0x0] =	vst.idx.msk $0xffff, v63;
	v34 =	vadd.f32 v60, v7  }
0x25a: {  	v35 =	vadd.f32 v15, v5;
	v36 =	vadd.s32 v2, v11;
	v19 =	vld [tilespmem:s13+$0xFFFFFFE0];
	[tilespmem:v61+s30+$0x0] =	vst.idx.msk $0xffff, v31  }
0x25b: {  	v37 =	vadd.s32 v2, v12;
	v16 =	vadd.f32 v16, v4;
	v38 =	vld [tilespmem:s14+$0x20];
	[tilespmem:v62+s30+$0x0] =	vst.idx.msk $0xffff, v34  }
0x25c: {  	v40 =	vadd.s32 v2, v13;
	[tilespmem:v17+s30+$0x0] =	vst.idx.msk $0xffff, v35;
	v39 =	vadd.f32 v20, v5;
	v41 =	vld [tilespmem:s14+$0xFFFFFFE0]  }
0x25d: {  	v42 =	vld [tilespmem:s11+$0x30];
	v44 =	vadd.s32 v2, v14;
	[tilespmem:v18+s30+$0x0] =	vst.idx.msk $0xffff, v16;
	v43 =	vadd.f32 v30, v5  }
0x25e: {  	v47 =	vadd.s32 v2, v27;
	v45 =	vld [tilespmem:s11+$0xFFFFFFF0];
	[tilespmem:v32+s30+$0x0] =	vst.idx.msk $0xffff, v39;
	v46 =	vadd.f32 v33, v5  }
0x25f: {  	v6 =	vadd.s32 v3, v6;
	v48 =	vld [tilespmem:s12+$0x30];
	[tilespmem:v36+s30+$0x0] =	vst.idx.msk $0xffff, v43;
	v49 =	vadd.f32 v19, v5  }
0x260: {  	v8 =	vadd.s32 v3, v8;
	v16 =	vld [tilespmem:s12+$0xFFFFFFF0];
	[tilespmem:v37+s30+$0x0] =	vst.idx.msk $0xffff, v46;
	v50 =	vadd.f32 v38, v5  }
0x261: {  	v51 =	vadd.s32 v3, v10;
	v52 =	vld [tilespmem:s13+$0x30];
	[tilespmem:v40+s30+$0x0] =	vst.idx.msk $0xffff, v49;
	v5 =	vadd.f32 v41, v5  }
0x262: {  	v54 =	vadd.s32 v3, v11;
	v53 =	vadd.f32 v42, v4;
	v15 =	vld [tilespmem:s13+$0xFFFFFFF0];
	[tilespmem:v44+s30+$0x0] =	vst.idx.msk $0xffff, v50  }
0x263: {  	v56 =	vadd.s32 v3, v12;
	v55 =	vadd.f32 v45, v4;
	v57 =	vld [tilespmem:s14+$0x30];
	[tilespmem:v47+s30+$0x0] =	vst.idx.msk $0xffff, v5  }
0x264: {  	v58 =	vadd.s32 v3, v13;
	[tilespmem:v6+s30+$0x0] =	vst.idx.msk $0xffff, v53;
	v5 =	vadd.f32 v48, v4;
	v59 =	vld [tilespmem:s14+$0xFFFFFFF0]  }
0x265: {  	[tilespmem:v8+s30+$0x0] =	vst.idx.msk $0xffff, v55;
	v61 =	vadd.s32 v3, v14;
	v60 =	vadd.f32 v16, v4  }
0x266: {  	v62 =	vadd.s32 v3, v27;
	[tilespmem:v51+s30+$0x0] =	vst.idx.msk $0xffff, v5;
	v5 =	vadd.f32 v52, v4  }
0x267: {  	[tilespmem:v54+s30+$0x0] =	vst.idx.msk $0xffff, v60;
	v63 =	vadd.f32 v15, v4  }
0x268: {  	s8 =	sshll.u32 s10, $0x12;
	[tilespmem:v56+s30+$0x0] =	vst.idx.msk $0xffff, v5;
	v5 =	vadd.f32 v57, v4  }
0x269: {  	s8 =	sor.u32 s5, s8;
	[tilespmem:v58+s30+$0x0] =	vst.idx.msk $0xffff, v63;
	v4 =	vadd.f32 v59, v4  }
0x26a: {  	s8 =	sshrl.u32 s8, $0x3;
	[tilespmem:v61+s30+$0x0] =	vst.idx.msk $0xffff, v5  }
0x26b: {  	s10 =	simm.s32 $0xE400;
	s11 =	sadd.s32 s1, s8;
	[tilespmem:v62+s30+$0x0] =	vst.idx.msk $0xffff, v4  }
0x26c: {  	[hbm4b:s11+s3] =	stream.linear.scatter [tilespmem:s10], [sflag:$0x5], $0x80, $0x38;
	[tilespmem:$0x19E00] =	vst v63  }
0x26d: {  	s12 =	simm.s32 $0xE488;
	s13 =	sadd.s32 $0x10, s11  }
0x26e: {  	[hbm4b:s13+s3] =	stream.linear.scatter [tilespmem:s12], [sflag:$0x5], $0x80, $0x38;
	[tilespmem:$0x19E00] =	vst v63  }
0x26f: {  	s22 =	simm.s32 $0xE598;
	s15 =	sadd.s32 $0x20, s11;
	s14 =	simm.s32 $0xE510  }
0x270: {  	[hbm4b:s15+s3] =	stream.linear.scatter [tilespmem:s14], [sflag:$0x5], $0x80, $0x38;
	[tilespmem:$0x19E00] =	vst v63  }
0x271: {  	s8 =	simm.s32 $0x2200;
	s23 =	sadd.s32 $0x30, s11;
	s10 =	simm.s32 $0x440  }
0x272: {  	[hbm4b:s23+s3] =	stream.linear.scatter [tilespmem:s22], [sflag:$0x5], $0x80, $0x38;
	[tilespmem:$0x19E00] =	vst v63  }
0x273: {  	s12 =	simm.s32 $0xE620;
	s13 =	sadd.s32 $0x40, s11;
	s14 =	simm.s32 $0xE6A8  }
0x274: {  	[hbm4b:s13+s3] =	stream.linear.scatter [tilespmem:s12], [sflag:$0x5], $0x80, $0x38;
	[tilespmem:$0x19E00] =	vst v63  }
0x275: {  	s15 =	sadd.s32 $0x50, s11;
	s22 =	simm.s32 $0xE730;
	s23 =	sadd.s32 $0x60, s11  }
0x276: {  	[hbm4b:s15+s3] =	stream.linear.scatter [tilespmem:s14], [sflag:$0x5], $0x80, $0x38;
	[tilespmem:$0x19E00] =	vst v63  }
0x277: {  	s12 =	simm.s32 $0xE7B8;
	s13 =	sadd.s32 $0x70, s11;
	s11 =	sadd.s32 $0x1000, s11  }
0x278: {  	[hbm4b:s23+s3] =	stream.linear.scatter [tilespmem:s22], [sflag:$0x5], $0x80, $0x38;
	[tilespmem:$0x19E00] =	vst v63  }
.LBB2_21:
0x279: {  	[hbm4b:s13+s3] =	stream.linear.scatter [tilespmem:s12], [sflag:$0x5], $0x80, $0x38;
	[tilespmem:$0x19E00] =	vst v63  }
0x27a: {  	s12 =	smov.u32 s10;
	s10 =	smov.u32 s8  }
0x27b: {  	s14 =	sadd.s32 $0x1100, s8;
	s10 =	sshra.s32 s10, $0x2;
	s13 =	sadd.s32 $0xE400, s12  }
0x27c: {  	[hbm4b:s11+s3] =	stream.linear.scatter [tilespmem:s13], [sflag:$0x5], $0x80, $0x38;
	[tilespmem:$0x19E00] =	vst v63  }
0x27d: {  	p0 =	sne.s32 s8, $0x7700;
	s8 =	sadd.s32 $0xE488, s12;
	s13 =	sadd.s32 $0x10, s11  }
0x27e: {  	[hbm4b:s13+s3] =	stream.linear.scatter [tilespmem:s8], [sflag:$0x5], $0x80, $0x38;
	[tilespmem:$0x19E00] =	vst v63  }
0x27f: {  	s8 =	sadd.s32 $0xE510, s12;
	s13 =	sadd.s32 $0x20, s11  }
0x280: {  	[hbm4b:s13+s3] =	stream.linear.scatter [tilespmem:s8], [sflag:$0x5], $0x80, $0x38;
	[tilespmem:$0x19E00] =	vst v63  }
0x281: {  	s8 =	sadd.s32 $0xE598, s12;
	s13 =	sadd.s32 $0x30, s11  }
0x282: {  	[hbm4b:s13+s3] =	stream.linear.scatter [tilespmem:s8], [sflag:$0x5], $0x80, $0x38;
	[tilespmem:$0x19E00] =	vst v63  }
0x283: {  	s8 =	sadd.s32 $0xE620, s12;
	s13 =	sadd.s32 $0x40, s11  }
0x284: {  	[hbm4b:s13+s3] =	stream.linear.scatter [tilespmem:s8], [sflag:$0x5], $0x80, $0x38;
	[tilespmem:$0x19E00] =	vst v63  }
.Ltmp9:
0x285: {  	s8 =	sadd.s32 $0xE6A8, s12;
	s13 =	sadd.s32 $0x50, s11;
	(pc) =	sbr.rel @p0 .LBB2_21-.Ltmp9, $4  }
0x286: {  	[hbm4b:s13+s3] =	stream.linear.scatter [tilespmem:s8], [sflag:$0x5], $0x80, $0x38;
	[tilespmem:$0x19E00] =	vst v63  }
0x287: {  	s8 =	sadd.s32 $0xE730, s12;
	s13 =	sadd.s32 $0x60, s11;
	s12 =	sadd.s32 $0xE7B8, s12  }
0x288: {  	[hbm4b:s13+s3] =	stream.linear.scatter [tilespmem:s8], [sflag:$0x5], $0x80, $0x38;
	[tilespmem:$0x19E00] =	vst v63  }
0x289: {  	s13 =	sadd.s32 $0x70, s11;
	s11 =	sadd.s32 $0x1000, s11;
	s8 =	smov.u32 s14  }
0x28a: {  	[hbm4b:s13+s3] =	stream.linear.scatter [tilespmem:s12], [sflag:$0x5], $0x80, $0x38;
	[tilespmem:$0x19E00] =	vst v63  }
0x28b: {  	s8 =	sadd.s32 $0xE400, s10  }
0x28c: {  	[hbm4b:s11+s3] =	stream.linear.scatter [tilespmem:s8], [sflag:$0x5], $0x80, $0x38;
	[tilespmem:$0x19E00] =	vst v63  }
0x28d: {  	s12 =	sadd.s32 $0xE488, s10;
	s13 =	sadd.s32 $0x10, s11  }
0x28e: {  	[hbm4b:s13+s3] =	stream.linear.scatter [tilespmem:s12], [sflag:$0x5], $0x80, $0x38;
	[tilespmem:$0x19E00] =	vst v63  }
0x28f: {  	s14 =	sadd.s32 $0xE510, s10;
	s15 =	sadd.s32 $0x20, s11  }
0x290: {  	[hbm4b:s15+s3] =	stream.linear.scatter [tilespmem:s14], [sflag:$0x5], $0x80, $0x38;
	[tilespmem:$0x19E00] =	vst v63  }
0x291: {  	s22 =	sadd.s32 $0xE598, s10;
	s23 =	sadd.s32 $0x30, s11  }
0x292: {  	[hbm4b:s23+s3] =	stream.linear.scatter [tilespmem:s22], [sflag:$0x5], $0x80, $0x38;
	[tilespmem:$0x19E00] =	vst v63  }
0x293: {  	s12 =	sadd.s32 $0xE620, s10;
	s13 =	sadd.s32 $0x40, s11  }
0x294: {  	[hbm4b:s13+s3] =	stream.linear.scatter [tilespmem:s12], [sflag:$0x5], $0x80, $0x38;
	[tilespmem:$0x19E00] =	vst v63  }
0x295: {  	s14 =	sadd.s32 $0xE6A8, s10;
	s15 =	sadd.s32 $0x50, s11  }
0x296: {  	[hbm4b:s15+s3] =	stream.linear.scatter [tilespmem:s14], [sflag:$0x5], $0x80, $0x38;
	[tilespmem:$0x19E00] =	vst v63  }
0x297: {  	s15 =	sshll.u32 s19, $0xB  }
0x298: {  	s22 =	sadd.s32 $0xE730, s10;
	s23 =	sadd.s32 $0x60, s11;
	s8 =	sadd.s32 $0x1000, s15  }
0x299: {  	[hbm4b:s23+s3] =	stream.linear.scatter [tilespmem:s22], [sflag:$0x5], $0x80, $0x38;
	[tilespmem:$0x19E00] =	vst v63  }
0x29a: {  	s13 =	sadd.s32 $0xE7B8, s10;
	s22 =	sshll.u32 s19, $0x9;
	s8 =	sand.u32 $0x3F000, s8  }
0x29b: {  	s14 =	sadd.s32 $0x70, s11;
	s10 =	sand.u32 $0x200, s22;
	s8 =	sshrl.u32 s8, $0x2  }
0x29c: {  	[hbm4b:s14+s3] =	stream.linear.scatter [tilespmem:s13], [sflag:$0x5], $0x80, $0x38;
	[tilespmem:$0x19E00] =	vst v63  }
0x29d: {  	s23 =	simm.s32 $0x6400;
	s8 =	sor.u32 s10, s8  }
0x29e: {  	[tilespmem:s23], [sflag:$0x1] =	stream.indirect.gather [hbm4b:s4+s21], $0x40, s8, s21, $0xb8;
	[tilespmem:$0x19E00] =	vst v63  }
0x29f: {  	_ =	swait.ge [sflag:s0], $0x2000  }
0x2a0: {  	[sflag:s0] =	ssyncset.done $0x0  }
0x2a1: {  	[sflag:s0] =	ssyncadd.s32 $0xFFFFE000  }
0x2a2: {  	s10 =	sadd.s32 $0x5, s9;
	_ =	swait.ge [sflag:s24], $0x2000  }
0x2a3: {  	s11 =	sshll.u32 s10, $0x6;
	[sflag:s24] =	ssyncset.done $0x0  }
0x2a4: {  	s8 =	sand.u32 $0x3FFFFFC0, s11;
	[sflag:s24] =	ssyncadd.s32 $0xFFFFE000  }
0x2a5: {  	s12 =	simm.s32 $0x1;
	s14 =	simm.s32 $0x8470;
	v9 =	vld [tilespmem:s8+$0x16C00]  }
0x2a6: {  	v4 =	vmov s12;
	v6 =	vld [tilespmem:s14+$0xFFFFFFD0]  }
0x2a7: {  	v14 =	vand.u32 $0x7F, v4  }
0x2a8: {  	v8 =	vadd.s32 v0, v14  }
0x2a9: {  	s13 =	simm.s32 $0x0;
	v7 =	vld [tilespmem:s8+$0x16C10]  }
0x2aa: {  	v4 =	vmov s13;
	v10 =	vld [tilespmem:s14+$0xFFFFFF90]  }
0x2ab: {  	v18 =	vand.u32 $0x7E, v4;
	v5 =	vld [tilespmem:s8+$0x16C20];
	v6 =	vadd.f32 v6, v9  }
0x2ac: {  	s15 =	simm.s32 $0x3;
	s11 =	simm.s32 $0x84F0;
	v11 =	vadd.s32 v0, v18;
	v4 =	vld [tilespmem:s8+$0x16C30]  }
0x2ad: {  	v12 =	vld [tilespmem:s11+$0xFFFFFFD0];
	[tilespmem:v8+s2+$0x0] =	vst.idx.msk $0xffff, v6;
	v6 =	vmov s15  }
0x2ae: {  	v6 =	vand.u32 $0x7F, v6;
	v13 =	vld [tilespmem:s14+$0xFFFFFFE0]  }
0x2af: {  	v8 =	vadd.f32 v10, v9;
	v10 =	vadd.s32 v0, v6  }
0x2b0: {  	v15 =	vadd.s32 v1, v14;
	s22 =	simm.s32 $0x2  }
0x2b1: {  	[tilespmem:v11+s2+$0x0] =	vst.idx.msk $0xffff, v8;
	v8 =	vmov s22;
	v11 =	vld [tilespmem:s11+$0xFFFFFF90]  }
0x2b2: {  	v12 =	vadd.f32 v12, v9;
	v8 =	vand.u32 $0x7E, v8;
	v16 =	vld [tilespmem:s14+$0xFFFFFFA0]  }
0x2b3: {  	s12 =	simm.s32 $0x8570;
	s23 =	simm.s32 $0x5;
	v17 =	vadd.s32 v0, v8;
	v13 =	vadd.f32 v13, v7  }
0x2b4: {  	v19 =	vld [tilespmem:s12+$0xFFFFFFD0];
	[tilespmem:v10+s2+$0x0] =	vst.idx.msk $0xffff, v12;
	v12 =	vadd.s32 v1, v18;
	v10 =	vmov s23  }
0x2b5: {  	[tilespmem:v15+s2+$0x0] =	vst.idx.msk $0xffff, v13;
	v10 =	vand.u32 $0x7F, v10;
	v13 =	vld [tilespmem:s11+$0xFFFFFFE0]  }
0x2b6: {  	v11 =	vadd.f32 v11, v9;
	v15 =	vadd.s32 v0, v10;
	v20 =	vld [tilespmem:s14+$0xFFFFFFF0]  }
0x2b7: {  	s13 =	simm.s32 $0x4;
	v21 =	vadd.s32 v1, v6;
	v16 =	vadd.f32 v16, v7  }
0x2b8: {  	v22 =	vadd.s32 v2, v14;
	[tilespmem:v17+s2+$0x0] =	vst.idx.msk $0xffff, v11;
	v11 =	vmov s13;
	v17 =	vld [tilespmem:s12+$0xFFFFFF90]  }
0x2b9: {  	v11 =	vand.u32 $0x7E, v11;
	[tilespmem:v12+s2+$0x0] =	vst.idx.msk $0xffff, v16;
	v12 =	vadd.f32 v19, v9;
	v16 =	vld [tilespmem:s11+$0xFFFFFFA0]  }
0x2ba: {  	s15 =	simm.s32 $0x7;
	s13 =	simm.s32 $0x85F0;
	v19 =	vadd.s32 v0, v11;
	v13 =	vadd.f32 v13, v7;
	v23 =	vld [tilespmem:s14+$0xFFFFFFB0]  }
0x2bb: {  	v24 =	vld [tilespmem:s13+$0xFFFFFFD0];
	[tilespmem:v15+s2+$0x0] =	vst.idx.msk $0xffff, v12;
	v15 =	vadd.s32 v1, v8;
	v20 =	vadd.f32 v20, v5;
	v12 =	vmov s15  }
0x2bc: {  	[tilespmem:v21+s2+$0x0] =	vst.idx.msk $0xffff, v13;
	v21 =	vadd.s32 v2, v18;
	v12 =	vand.u32 $0x7F, v12;
	v25 =	vld [tilespmem:s12+$0xFFFFFFE0]  }
0x2bd: {  	v13 =	vadd.f32 v17, v9;
	[tilespmem:v22+s2+$0x0] =	vst.idx.msk $0xffff, v20;
	v17 =	vadd.s32 v0, v12;
	v20 =	vld [tilespmem:s11+$0xFFFFFFF0]  }
0x2be: {  	s22 =	simm.s32 $0x6;
	v26 =	vadd.s32 v1, v10;
	v16 =	vadd.f32 v16, v7;
	v27 =	vld [tilespmem:s14+$0x0]  }
0x2bf: {  	v28 =	vadd.s32 v2, v6;
	[tilespmem:v19+s2+$0x0] =	vst.idx.msk $0xffff, v13;
	v13 =	vmov s22;
	v19 =	vadd.f32 v23, v5;
	v23 =	vld [tilespmem:s13+$0xFFFFFF90]  }
0x2c0: {  	v30 =	vadd.s32 v3, v14;
	v13 =	vand.u32 $0x7E, v13;
	v29 =	vld [tilespmem:s12+$0xFFFFFFA0];
	[tilespmem:v15+s2+$0x0] =	vst.idx.msk $0xffff, v16;
	v16 =	vadd.f32 v24, v9  }
0x2c1: {  	[tilespmem:v21+s2+$0x0] =	vst.idx.msk $0xffff, v19;
	v21 =	vadd.s32 v0, v13;
	v14 =	vadd.f32 v25, v7;
	v15 =	vld [tilespmem:s11+$0xFFFFFFB0]  }
0x2c2: {  	s23 =	simm.s32 $0x9;
	s15 =	simm.s32 $0x8670;
	v19 =	vadd.s32 v1, v11;
	[tilespmem:v17+s2+$0x0] =	vst.idx.msk $0xffff, v16;
	v20 =	vadd.f32 v20, v5;
	v16 =	vld [tilespmem:s14+$0xFFFFFFC0]  }
0x2c3: {  	v22 =	vld [tilespmem:s15+$0xFFFFFFD0];
	v24 =	vmov s23;
	v17 =	vadd.s32 v2, v8;
	[tilespmem:v26+s2+$0x0] =	vst.idx.msk $0xffff, v14;
	v27 =	vadd.f32 v27, v4  }
0x2c4: {  	v18 =	vadd.s32 v3, v18;
	v14 =	vand.u32 $0x7F, v24;
	v26 =	vadd.f32 v23, v9;
	v23 =	vld [tilespmem:s13+$0xFFFFFFE0];
	[tilespmem:v28+s2+$0x0] =	vst.idx.msk $0xffff, v20  }
0x2c5: {  	s8 =	simm.s32 $0xA;
	s22 =	simm.s32 $0x8;
	s14 =	simm.s32 $0x8670;
	v24 =	vadd.s32 v0, v14;
	v25 =	vadd.f32 v29, v7;
	v20 =	vld [tilespmem:s12+$0xFFFFFFF0];
	[tilespmem:v30+s2+$0x0] =	vst.idx.msk $0xffff, v27  }
.LBB2_23:
0x2c6: {  	p0 =	slt.u32 s8, $0x7E;
	[tilespmem:v21+s2+$0x0] =	vst.idx.msk $0xffff, v26;
	v26 =	vadd.s32 v1, v12;
	v15 =	vadd.f32 v15, v5;
	v27 =	vld [tilespmem:s11+$0x0];
	v28 =	vmov v11  }
0x2c7: {  	v21 =	vmov s22;
	v11 =	vmovc v13;
	s22 =	smov.u32 s8;
	v29 =	vld [tilespmem:s15+$0xFFFFFF90];
	[tilespmem:v19+s2+$0x0] =	vst.idx.msk $0xffff, v25;
	v25 =	vadd.s32 v2, v10;
	v16 =	vadd.f32 v16, v4  }
0x2c8: {  	v31 =	vadd.s32 v3, v6;
	v13 =	vand.u32 $0x7E, v21;
	v19 =	vadd.f32 v22, v9;
	v30 =	vld [tilespmem:s13+$0xFFFFFFA0];
	[tilespmem:v17+s2+$0x0] =	vst.idx.msk $0xffff, v15  }
.Ltmp10:
0x2c9: {  	v6 =	vmov v10;
	v21 =	vadd.s32 v0, v13;
	v17 =	vadd.f32 v23, v7;
	v15 =	vld [tilespmem:s12+$0xFFFFFFB0];
	[tilespmem:v18+s2+$0x0] =	vst.idx.msk $0xffff, v16;
	(pc) =	sbr.rel @p0 .LBB2_23-.Ltmp10, $4  }
0x2ca: {  	s23 =	sadd.s32 $0x1, s8;
	s15 =	sadd.s32 $0x80, s15;
	v10 =	vmov v12;
	[tilespmem:v24+s2+$0x0] =	vst.idx.msk $0xffff, v19;
	v19 =	vadd.s32 v1, v11;
	v18 =	vadd.f32 v20, v5;
	v16 =	vld [tilespmem:s11+$0xFFFFFFC0];
	s11 =	smov.u32 s12  }
0x2cb: {  	v12 =	vmovc v14;
	v20 =	vmov s23;
	s12 =	smov.u32 s13;
	s13 =	smov.u32 s14;
	s14 =	smov.u32 s15;
	v22 =	vld [tilespmem:s15+$0xFFFFFFD0];
	[tilespmem:v26+s2+$0x0] =	vst.idx.msk $0xffff, v17;
	v17 =	vadd.s32 v2, v28;
	v27 =	vadd.f32 v27, v4  }
0x2cc: {  	v14 =	vand.u32 $0x7F, v20;
	v26 =	vadd.f32 v29, v9;
	v23 =	vld [tilespmem:s13+$0xFFFFFFE0];
	[tilespmem:v25+s2+$0x0] =	vst.idx.msk $0xffff, v18;
	v18 =	vadd.s32 v3, v8  }
0x2cd: {  	s8 =	sadd.s32 $0x2, s8;
	v24 =	vadd.s32 v0, v14;
	v8 =	vmov v28;
	v25 =	vadd.f32 v30, v7;
	v20 =	vld [tilespmem:s12+$0xFFFFFFF0];
	[tilespmem:v31+s2+$0x0] =	vst.idx.msk $0xffff, v27  }
0x2ce: {  	v27 =	vmov s22;
	v28 =	vld [tilespmem:s15+$0xFFFFFF90]  }
0x2cf: {  	v27 =	vand.u32 $0x7E, v27  }
0x2d0: {  	v29 =	vadd.s32 v0, v27;
	_ =	sdelay $0x1  }
0x2d1: {  	v22 =	vadd.f32 v22, v9  }
0x2d2: {  	[tilespmem:v21+s2+$0x0] =	vst.idx.msk $0xffff, v26;
	v57 =	vadd.f32 v28, v9  }
0x2d3: {  	v21 =	vld [tilespmem:s13+$0xFFFFFFA0];
	[tilespmem:v24+s2+$0x0] =	vst.idx.msk $0xffff, v22  }
0x2d4: {  	v58 =	vadd.s32 v1, v12;
	v24 =	vld [tilespmem:s14+$0xFFFFFFE0];
	[tilespmem:v29+s2+$0x0] =	vst.idx.msk $0xffff, v57  }
0x2d5: {  	v59 =	vadd.s32 v1, v13;
	v60 =	vld [tilespmem:s14+$0xFFFFFFA0]  }
0x2d6: {  	v61 =	vadd.s32 v1, v14  }
0x2d7: {  	v62 =	vadd.s32 v1, v27;
	v23 =	vadd.f32 v23, v7  }
0x2d8: {  	[tilespmem:v19+s2+$0x0] =	vst.idx.msk $0xffff, v25;
	v63 =	vadd.f32 v21, v7  }
0x2d9: {  	v30 =	vld [tilespmem:s12+$0xFFFFFFB0];
	[tilespmem:v58+s2+$0x0] =	vst.idx.msk $0xffff, v23;
	v31 =	vadd.f32 v24, v7  }
0x2da: {  	v32 =	vadd.s32 v2, v10;
	v33 =	vld [tilespmem:s13+$0xFFFFFFF0];
	[tilespmem:v59+s2+$0x0] =	vst.idx.msk $0xffff, v63;
	v34 =	vadd.f32 v60, v7  }
0x2db: {  	v35 =	vadd.f32 v15, v5;
	v36 =	vadd.s32 v2, v11;
	v19 =	vld [tilespmem:s13+$0xFFFFFFB0];
	[tilespmem:v61+s2+$0x0] =	vst.idx.msk $0xffff, v31  }
0x2dc: {  	v37 =	vadd.s32 v2, v12;
	v16 =	vadd.f32 v16, v4;
	v38 =	vld [tilespmem:s14+$0xFFFFFFF0];
	[tilespmem:v62+s2+$0x0] =	vst.idx.msk $0xffff, v34  }
0x2dd: {  	v40 =	vadd.s32 v2, v13;
	[tilespmem:v17+s2+$0x0] =	vst.idx.msk $0xffff, v35;
	v39 =	vadd.f32 v20, v5;
	v41 =	vld [tilespmem:s14+$0xFFFFFFB0]  }
0x2de: {  	v42 =	vld [tilespmem:s11+$0x0];
	v44 =	vadd.s32 v2, v14;
	[tilespmem:v18+s2+$0x0] =	vst.idx.msk $0xffff, v16;
	v43 =	vadd.f32 v30, v5  }
0x2df: {  	v47 =	vadd.s32 v2, v27;
	v45 =	vld [tilespmem:s11+$0xFFFFFFC0];
	[tilespmem:v32+s2+$0x0] =	vst.idx.msk $0xffff, v39;
	v46 =	vadd.f32 v33, v5  }
0x2e0: {  	v6 =	vadd.s32 v3, v6;
	v48 =	vld [tilespmem:s12+$0x0];
	[tilespmem:v36+s2+$0x0] =	vst.idx.msk $0xffff, v43;
	v49 =	vadd.f32 v19, v5  }
0x2e1: {  	v8 =	vadd.s32 v3, v8;
	v16 =	vld [tilespmem:s12+$0xFFFFFFC0];
	[tilespmem:v37+s2+$0x0] =	vst.idx.msk $0xffff, v46;
	v50 =	vadd.f32 v38, v5  }
0x2e2: {  	v51 =	vadd.s32 v3, v10;
	v52 =	vld [tilespmem:s13+$0x0];
	[tilespmem:v40+s2+$0x0] =	vst.idx.msk $0xffff, v49;
	v5 =	vadd.f32 v41, v5  }
0x2e3: {  	v54 =	vadd.s32 v3, v11;
	v53 =	vadd.f32 v42, v4;
	v15 =	vld [tilespmem:s13+$0xFFFFFFC0];
	[tilespmem:v44+s2+$0x0] =	vst.idx.msk $0xffff, v50  }
0x2e4: {  	v56 =	vadd.s32 v3, v12;
	v55 =	vadd.f32 v45, v4;
	v57 =	vld [tilespmem:s14+$0x0];
	[tilespmem:v47+s2+$0x0] =	vst.idx.msk $0xffff, v5  }
0x2e5: {  	v58 =	vadd.s32 v3, v13;
	[tilespmem:v6+s2+$0x0] =	vst.idx.msk $0xffff, v53;
	v5 =	vadd.f32 v48, v4;
	v59 =	vld [tilespmem:s14+$0xFFFFFFC0]  }
0x2e6: {  	[tilespmem:v8+s2+$0x0] =	vst.idx.msk $0xffff, v55;
	v61 =	vadd.s32 v3, v14;
	v60 =	vadd.f32 v16, v4  }
0x2e7: {  	v62 =	vadd.s32 v3, v27;
	[tilespmem:v51+s2+$0x0] =	vst.idx.msk $0xffff, v5;
	v5 =	vadd.f32 v52, v4  }
0x2e8: {  	[tilespmem:v54+s2+$0x0] =	vst.idx.msk $0xffff, v60;
	v63 =	vadd.f32 v15, v4  }
0x2e9: {  	s8 =	sshll.u32 s10, $0x12;
	[tilespmem:v56+s2+$0x0] =	vst.idx.msk $0xffff, v5;
	v5 =	vadd.f32 v57, v4  }
0x2ea: {  	s8 =	sor.u32 s5, s8;
	[tilespmem:v58+s2+$0x0] =	vst.idx.msk $0xffff, v63;
	v4 =	vadd.f32 v59, v4  }
0x2eb: {  	s8 =	sshrl.u32 s8, $0x3;
	[tilespmem:v61+s2+$0x0] =	vst.idx.msk $0xffff, v5  }
0x2ec: {  	s10 =	simm.s32 $0x10600;
	s11 =	sadd.s32 s1, s8;
	[tilespmem:v62+s2+$0x0] =	vst.idx.msk $0xffff, v4  }
0x2ed: {  	[hbm4b:s11+s3] =	stream.linear.scatter [tilespmem:s10], [sflag:$0x6], $0x80, $0x38;
	[tilespmem:$0x19E00] =	vst v63  }
0x2ee: {  	s12 =	simm.s32 $0x10688;
	s13 =	sadd.s32 $0x10, s11  }
0x2ef: {  	[hbm4b:s13+s3] =	stream.linear.scatter [tilespmem:s12], [sflag:$0x6], $0x80, $0x38;
	[tilespmem:$0x19E00] =	vst v63  }
0x2f0: {  	s22 =	simm.s32 $0x10798;
	s15 =	sadd.s32 $0x20, s11;
	s14 =	simm.s32 $0x10710  }
0x2f1: {  	[hbm4b:s15+s3] =	stream.linear.scatter [tilespmem:s14], [sflag:$0x6], $0x80, $0x38;
	[tilespmem:$0x19E00] =	vst v63  }
0x2f2: {  	s8 =	simm.s32 $0x2200;
	s23 =	sadd.s32 $0x30, s11;
	s10 =	simm.s32 $0x440  }
0x2f3: {  	[hbm4b:s23+s3] =	stream.linear.scatter [tilespmem:s22], [sflag:$0x6], $0x80, $0x38;
	[tilespmem:$0x19E00] =	vst v63  }
0x2f4: {  	s12 =	simm.s32 $0x10820;
	s13 =	sadd.s32 $0x40, s11;
	s14 =	simm.s32 $0x108A8  }
0x2f5: {  	[hbm4b:s13+s3] =	stream.linear.scatter [tilespmem:s12], [sflag:$0x6], $0x80, $0x38;
	[tilespmem:$0x19E00] =	vst v63  }
0x2f6: {  	s15 =	sadd.s32 $0x50, s11;
	s22 =	simm.s32 $0x10930;
	s23 =	sadd.s32 $0x60, s11  }
0x2f7: {  	[hbm4b:s15+s3] =	stream.linear.scatter [tilespmem:s14], [sflag:$0x6], $0x80, $0x38;
	[tilespmem:$0x19E00] =	vst v63  }
0x2f8: {  	s12 =	simm.s32 $0x109B8;
	s13 =	sadd.s32 $0x70, s11;
	s11 =	sadd.s32 $0x1000, s11  }
0x2f9: {  	[hbm4b:s23+s3] =	stream.linear.scatter [tilespmem:s22], [sflag:$0x6], $0x80, $0x38;
	[tilespmem:$0x19E00] =	vst v63  }
.LBB2_25:
0x2fa: {  	[hbm4b:s13+s3] =	stream.linear.scatter [tilespmem:s12], [sflag:$0x6], $0x80, $0x38;
	[tilespmem:$0x19E00] =	vst v63  }
0x2fb: {  	s12 =	smov.u32 s10;
	s10 =	smov.u32 s8  }
0x2fc: {  	s14 =	sadd.s32 $0x1100, s8;
	s10 =	sshra.s32 s10, $0x2;
	s13 =	sadd.s32 $0x10600, s12  }
0x2fd: {  	[hbm4b:s11+s3] =	stream.linear.scatter [tilespmem:s13], [sflag:$0x6], $0x80, $0x38;
	[tilespmem:$0x19E00] =	vst v63  }
0x2fe: {  	p0 =	sne.s32 s8, $0x7700;
	s8 =	sadd.s32 $0x10688, s12;
	s13 =	sadd.s32 $0x10, s11  }
0x2ff: {  	[hbm4b:s13+s3] =	stream.linear.scatter [tilespmem:s8], [sflag:$0x6], $0x80, $0x38;
	[tilespmem:$0x19E00] =	vst v63  }
0x300: {  	s8 =	sadd.s32 $0x10710, s12;
	s13 =	sadd.s32 $0x20, s11  }
0x301: {  	[hbm4b:s13+s3] =	stream.linear.scatter [tilespmem:s8], [sflag:$0x6], $0x80, $0x38;
	[tilespmem:$0x19E00] =	vst v63  }
0x302: {  	s8 =	sadd.s32 $0x10798, s12;
	s13 =	sadd.s32 $0x30, s11  }
0x303: {  	[hbm4b:s13+s3] =	stream.linear.scatter [tilespmem:s8], [sflag:$0x6], $0x80, $0x38;
	[tilespmem:$0x19E00] =	vst v63  }
0x304: {  	s8 =	sadd.s32 $0x10820, s12;
	s13 =	sadd.s32 $0x40, s11  }
0x305: {  	[hbm4b:s13+s3] =	stream.linear.scatter [tilespmem:s8], [sflag:$0x6], $0x80, $0x38;
	[tilespmem:$0x19E00] =	vst v63  }
.Ltmp11:
0x306: {  	s8 =	sadd.s32 $0x108A8, s12;
	s13 =	sadd.s32 $0x50, s11;
	(pc) =	sbr.rel @p0 .LBB2_25-.Ltmp11, $4  }
0x307: {  	[hbm4b:s13+s3] =	stream.linear.scatter [tilespmem:s8], [sflag:$0x6], $0x80, $0x38;
	[tilespmem:$0x19E00] =	vst v63  }
0x308: {  	s8 =	sadd.s32 $0x10930, s12;
	s13 =	sadd.s32 $0x60, s11;
	s12 =	sadd.s32 $0x109B8, s12  }
0x309: {  	[hbm4b:s13+s3] =	stream.linear.scatter [tilespmem:s8], [sflag:$0x6], $0x80, $0x38;
	[tilespmem:$0x19E00] =	vst v63  }
0x30a: {  	s13 =	sadd.s32 $0x70, s11;
	s11 =	sadd.s32 $0x1000, s11;
	s8 =	smov.u32 s14  }
0x30b: {  	[hbm4b:s13+s3] =	stream.linear.scatter [tilespmem:s12], [sflag:$0x6], $0x80, $0x38;
	[tilespmem:$0x19E00] =	vst v63  }
0x30c: {  	s8 =	sadd.s32 $0x10600, s10  }
0x30d: {  	[hbm4b:s11+s3] =	stream.linear.scatter [tilespmem:s8], [sflag:$0x6], $0x80, $0x38;
	[tilespmem:$0x19E00] =	vst v63  }
0x30e: {  	s14 =	sadd.s32 $0x10688, s10;
	s15 =	sadd.s32 $0x10, s11  }
0x30f: {  	[hbm4b:s15+s3] =	stream.linear.scatter [tilespmem:s14], [sflag:$0x6], $0x80, $0x38;
	[tilespmem:$0x19E00] =	vst v63  }
0x310: {  	s22 =	sadd.s32 $0x10710, s10;
	s23 =	sadd.s32 $0x20, s11  }
0x311: {  	[hbm4b:s23+s3] =	stream.linear.scatter [tilespmem:s22], [sflag:$0x6], $0x80, $0x38;
	[tilespmem:$0x19E00] =	vst v63  }
0x312: {  	s12 =	sadd.s32 $0x10798, s10;
	s13 =	sadd.s32 $0x30, s11  }
0x313: {  	[hbm4b:s13+s3] =	stream.linear.scatter [tilespmem:s12], [sflag:$0x6], $0x80, $0x38;
	[tilespmem:$0x19E00] =	vst v63  }
0x314: {  	s14 =	sadd.s32 $0x10820, s10;
	s15 =	sadd.s32 $0x40, s11  }
0x315: {  	[hbm4b:s15+s3] =	stream.linear.scatter [tilespmem:s14], [sflag:$0x6], $0x80, $0x38;
	[tilespmem:$0x19E00] =	vst v63  }
0x316: {  	s22 =	sadd.s32 $0x108A8, s10;
	s23 =	sadd.s32 $0x50, s11;
	s12 =	sadd.s32 $0x10930, s10  }
0x317: {  	[hbm4b:s23+s3] =	stream.linear.scatter [tilespmem:s22], [sflag:$0x6], $0x80, $0x38;
	[tilespmem:$0x19E00] =	vst v63  }
0x318: {  	s13 =	sadd.s32 $0x60, s11;
	s14 =	sadd.s32 $0x109B8, s10;
	s10 =	sshll.u32 s9, $0x7  }
0x319: {  	[hbm4b:s13+s3] =	stream.linear.scatter [tilespmem:s12], [sflag:$0x6], $0x80, $0x38;
	[tilespmem:$0x19E00] =	vst v63  }
0x31a: {  	s15 =	sadd.s32 $0x70, s11;
	s22 =	sadd.s32 $0x480, s10  }
0x31b: {  	[hbm4b:s15+s3] =	stream.linear.scatter [tilespmem:s14], [sflag:$0x6], $0x80, $0x38;
	[tilespmem:$0x19E00] =	vst v63  }
0x31c: {  	s23 =	simm.s32 $0x8400;
	s8 =	sand.u32 $0xFE80, s22  }
0x31d: {  	[tilespmem:s23], [sflag:$0x2] =	stream.indirect.gather [hbm4b:s4+s21], $0x40, s8, s21, $0xb8;
	[tilespmem:$0x19E00] =	vst v63  }
0x31e: {  	_ =	swait.ge [sflag:s18], $0x2000  }
0x31f: {  	[sflag:s18] =	ssyncset.done $0x0  }
0x320: {  	[sflag:s18] =	ssyncadd.s32 $0xFFFFE000  }
0x321: {  	s9 =	sadd.s32 $0x6, s9;
	_ =	swait.ge [sflag:s6], $0x2000  }
0x322: {  	s11 =	sshll.u32 s9, $0x6;
	[sflag:s6] =	ssyncset.done $0x0  }
0x323: {  	s8 =	sand.u32 $0x3FFFFFC0, s11;
	[sflag:s6] =	ssyncadd.s32 $0xFFFFE000  }
0x324: {  	s12 =	simm.s32 $0x1;
	s14 =	simm.s32 $0xA470;
	v9 =	vld [tilespmem:s8+$0x16C00]  }
0x325: {  	v4 =	vmov s12;
	v6 =	vld [tilespmem:s14+$0xFFFFFFD0]  }
0x326: {  	v14 =	vand.u32 $0x7F, v4  }
0x327: {  	v8 =	vadd.s32 v0, v14  }
0x328: {  	s13 =	simm.s32 $0x0;
	v7 =	vld [tilespmem:s8+$0x16C10]  }
0x329: {  	v4 =	vmov s13;
	v10 =	vld [tilespmem:s14+$0xFFFFFF90]  }
0x32a: {  	v18 =	vand.u32 $0x7E, v4;
	v5 =	vld [tilespmem:s8+$0x16C20];
	v6 =	vadd.f32 v6, v9  }
0x32b: {  	s15 =	simm.s32 $0x3;
	v11 =	vadd.s32 v0, v18;
	s11 =	simm.s32 $0xA4F0;
	v4 =	vld [tilespmem:s8+$0x16C30]  }
0x32c: {  	v12 =	vld [tilespmem:s11+$0xFFFFFFD0];
	[tilespmem:v8+s20+$0x0] =	vst.idx.msk $0xffff, v6;
	v6 =	vmov s15  }
0x32d: {  	v6 =	vand.u32 $0x7F, v6;
	v13 =	vld [tilespmem:s14+$0xFFFFFFE0]  }
0x32e: {  	v8 =	vadd.f32 v10, v9;
	v10 =	vadd.s32 v0, v6  }
0x32f: {  	s22 =	simm.s32 $0x2;
	v15 =	vadd.s32 v1, v14  }
0x330: {  	[tilespmem:v11+s20+$0x0] =	vst.idx.msk $0xffff, v8;
	v8 =	vmov s22;
	v11 =	vld [tilespmem:s11+$0xFFFFFF90]  }
0x331: {  	v12 =	vadd.f32 v12, v9;
	v8 =	vand.u32 $0x7E, v8;
	v16 =	vld [tilespmem:s14+$0xFFFFFFA0]  }
0x332: {  	s12 =	simm.s32 $0xA570;
	s23 =	simm.s32 $0x5;
	v17 =	vadd.s32 v0, v8;
	v13 =	vadd.f32 v13, v7  }
0x333: {  	v19 =	vld [tilespmem:s12+$0xFFFFFFD0];
	[tilespmem:v10+s20+$0x0] =	vst.idx.msk $0xffff, v12;
	v12 =	vadd.s32 v1, v18;
	v10 =	vmov s23  }
0x334: {  	[tilespmem:v15+s20+$0x0] =	vst.idx.msk $0xffff, v13;
	v10 =	vand.u32 $0x7F, v10;
	v13 =	vld [tilespmem:s11+$0xFFFFFFE0]  }
0x335: {  	v11 =	vadd.f32 v11, v9;
	v15 =	vadd.s32 v0, v10;
	v20 =	vld [tilespmem:s14+$0xFFFFFFF0]  }
0x336: {  	s13 =	simm.s32 $0x4;
	v21 =	vadd.s32 v1, v6;
	v16 =	vadd.f32 v16, v7  }
0x337: {  	v22 =	vadd.s32 v2, v14;
	[tilespmem:v17+s20+$0x0] =	vst.idx.msk $0xffff, v11;
	v11 =	vmov s13;
	v17 =	vld [tilespmem:s12+$0xFFFFFF90]  }
0x338: {  	v11 =	vand.u32 $0x7E, v11;
	[tilespmem:v12+s20+$0x0] =	vst.idx.msk $0xffff, v16;
	v12 =	vadd.f32 v19, v9;
	v16 =	vld [tilespmem:s11+$0xFFFFFFA0]  }
0x339: {  	s15 =	simm.s32 $0x7;
	s13 =	simm.s32 $0xA5F0;
	v19 =	vadd.s32 v0, v11;
	v13 =	vadd.f32 v13, v7;
	v23 =	vld [tilespmem:s14+$0xFFFFFFB0]  }
0x33a: {  	v24 =	vld [tilespmem:s13+$0xFFFFFFD0];
	[tilespmem:v15+s20+$0x0] =	vst.idx.msk $0xffff, v12;
	v15 =	vadd.s32 v1, v8;
	v20 =	vadd.f32 v20, v5;
	v12 =	vmov s15  }
0x33b: {  	[tilespmem:v21+s20+$0x0] =	vst.idx.msk $0xffff, v13;
	v21 =	vadd.s32 v2, v18;
	v12 =	vand.u32 $0x7F, v12;
	v25 =	vld [tilespmem:s12+$0xFFFFFFE0]  }
0x33c: {  	v13 =	vadd.f32 v17, v9;
	[tilespmem:v22+s20+$0x0] =	vst.idx.msk $0xffff, v20;
	v17 =	vadd.s32 v0, v12;
	v20 =	vld [tilespmem:s11+$0xFFFFFFF0]  }
0x33d: {  	s22 =	simm.s32 $0x6;
	v26 =	vadd.s32 v1, v10;
	v16 =	vadd.f32 v16, v7;
	v27 =	vld [tilespmem:s14+$0x0]  }
0x33e: {  	v28 =	vadd.s32 v2, v6;
	[tilespmem:v19+s20+$0x0] =	vst.idx.msk $0xffff, v13;
	v13 =	vmov s22;
	v19 =	vadd.f32 v23, v5;
	v23 =	vld [tilespmem:s13+$0xFFFFFF90]  }
0x33f: {  	v30 =	vadd.s32 v3, v14;
	v13 =	vand.u32 $0x7E, v13;
	v29 =	vld [tilespmem:s12+$0xFFFFFFA0];
	[tilespmem:v15+s20+$0x0] =	vst.idx.msk $0xffff, v16;
	v16 =	vadd.f32 v24, v9  }
0x340: {  	[tilespmem:v21+s20+$0x0] =	vst.idx.msk $0xffff, v19;
	v21 =	vadd.s32 v0, v13;
	v14 =	vadd.f32 v25, v7;
	v15 =	vld [tilespmem:s11+$0xFFFFFFB0]  }
0x341: {  	s23 =	simm.s32 $0x9;
	s15 =	simm.s32 $0xA670;
	v19 =	vadd.s32 v1, v11;
	[tilespmem:v17+s20+$0x0] =	vst.idx.msk $0xffff, v16;
	v20 =	vadd.f32 v20, v5;
	v16 =	vld [tilespmem:s14+$0xFFFFFFC0]  }
0x342: {  	v22 =	vld [tilespmem:s15+$0xFFFFFFD0];
	v24 =	vmov s23;
	v17 =	vadd.s32 v2, v8;
	[tilespmem:v26+s20+$0x0] =	vst.idx.msk $0xffff, v14;
	v27 =	vadd.f32 v27, v4  }
0x343: {  	v18 =	vadd.s32 v3, v18;
	v14 =	vand.u32 $0x7F, v24;
	v26 =	vadd.f32 v23, v9;
	v23 =	vld [tilespmem:s13+$0xFFFFFFE0];
	[tilespmem:v28+s20+$0x0] =	vst.idx.msk $0xffff, v20  }
0x344: {  	s8 =	simm.s32 $0xA;
	s22 =	simm.s32 $0x8;
	s14 =	simm.s32 $0xA670;
	v24 =	vadd.s32 v0, v14;
	v25 =	vadd.f32 v29, v7;
	v20 =	vld [tilespmem:s12+$0xFFFFFFF0];
	[tilespmem:v30+s20+$0x0] =	vst.idx.msk $0xffff, v27  }
.LBB2_27:
0x345: {  	p0 =	slt.u32 s8, $0x7E;
	[tilespmem:v21+s20+$0x0] =	vst.idx.msk $0xffff, v26;
	v26 =	vadd.s32 v1, v12;
	v15 =	vadd.f32 v15, v5;
	v27 =	vld [tilespmem:s11+$0x0];
	v28 =	vmov v11  }
0x346: {  	v21 =	vmov s22;
	v11 =	vmovc v13;
	s22 =	smov.u32 s8;
	v29 =	vld [tilespmem:s15+$0xFFFFFF90];
	[tilespmem:v19+s20+$0x0] =	vst.idx.msk $0xffff, v25;
	v25 =	vadd.s32 v2, v10;
	v16 =	vadd.f32 v16, v4  }
0x347: {  	v31 =	vadd.s32 v3, v6;
	v13 =	vand.u32 $0x7E, v21;
	v19 =	vadd.f32 v22, v9;
	v30 =	vld [tilespmem:s13+$0xFFFFFFA0];
	[tilespmem:v17+s20+$0x0] =	vst.idx.msk $0xffff, v15  }
.Ltmp12:
0x348: {  	v6 =	vmov v10;
	v21 =	vadd.s32 v0, v13;
	v17 =	vadd.f32 v23, v7;
	v15 =	vld [tilespmem:s12+$0xFFFFFFB0];
	[tilespmem:v18+s20+$0x0] =	vst.idx.msk $0xffff, v16;
	(pc) =	sbr.rel @p0 .LBB2_27-.Ltmp12, $4  }
0x349: {  	s23 =	sadd.s32 $0x1, s8;
	s15 =	sadd.s32 $0x80, s15;
	v10 =	vmov v12;
	[tilespmem:v24+s20+$0x0] =	vst.idx.msk $0xffff, v19;
	v19 =	vadd.s32 v1, v11;
	v18 =	vadd.f32 v20, v5;
	v16 =	vld [tilespmem:s11+$0xFFFFFFC0];
	s11 =	smov.u32 s12  }
0x34a: {  	v12 =	vmovc v14;
	v20 =	vmov s23;
	s12 =	smov.u32 s13;
	s13 =	smov.u32 s14;
	s14 =	smov.u32 s15;
	v22 =	vld [tilespmem:s15+$0xFFFFFFD0];
	[tilespmem:v26+s20+$0x0] =	vst.idx.msk $0xffff, v17;
	v17 =	vadd.s32 v2, v28;
	v27 =	vadd.f32 v27, v4  }
0x34b: {  	v14 =	vand.u32 $0x7F, v20;
	v26 =	vadd.f32 v29, v9;
	v23 =	vld [tilespmem:s13+$0xFFFFFFE0];
	[tilespmem:v25+s20+$0x0] =	vst.idx.msk $0xffff, v18;
	v18 =	vadd.s32 v3, v8  }
0x34c: {  	s8 =	sadd.s32 $0x2, s8;
	v24 =	vadd.s32 v0, v14;
	v8 =	vmov v28;
	v25 =	vadd.f32 v30, v7;
	v20 =	vld [tilespmem:s12+$0xFFFFFFF0];
	[tilespmem:v31+s20+$0x0] =	vst.idx.msk $0xffff, v27  }
0x34d: {  	v27 =	vmov s22;
	v28 =	vld [tilespmem:s15+$0xFFFFFF90]  }
0x34e: {  	v27 =	vand.u32 $0x7E, v27  }
0x34f: {  	v29 =	vadd.s32 v0, v27;
	_ =	sdelay $0x1  }
0x350: {  	v22 =	vadd.f32 v22, v9  }
0x351: {  	[tilespmem:v21+s20+$0x0] =	vst.idx.msk $0xffff, v26;
	v57 =	vadd.f32 v28, v9  }
0x352: {  	v21 =	vld [tilespmem:s13+$0xFFFFFFA0];
	[tilespmem:v24+s20+$0x0] =	vst.idx.msk $0xffff, v22  }
0x353: {  	v58 =	vadd.s32 v1, v12;
	v24 =	vld [tilespmem:s14+$0xFFFFFFE0];
	[tilespmem:v29+s20+$0x0] =	vst.idx.msk $0xffff, v57  }
0x354: {  	v59 =	vadd.s32 v1, v13;
	v60 =	vld [tilespmem:s14+$0xFFFFFFA0]  }
0x355: {  	v61 =	vadd.s32 v1, v14  }
0x356: {  	v62 =	vadd.s32 v1, v27;
	v23 =	vadd.f32 v23, v7  }
0x357: {  	[tilespmem:v19+s20+$0x0] =	vst.idx.msk $0xffff, v25;
	v63 =	vadd.f32 v21, v7  }
0x358: {  	v30 =	vld [tilespmem:s12+$0xFFFFFFB0];
	[tilespmem:v58+s20+$0x0] =	vst.idx.msk $0xffff, v23;
	v31 =	vadd.f32 v24, v7  }
0x359: {  	v32 =	vadd.s32 v2, v10;
	v33 =	vld [tilespmem:s13+$0xFFFFFFF0];
	[tilespmem:v59+s20+$0x0] =	vst.idx.msk $0xffff, v63;
	v34 =	vadd.f32 v60, v7  }
0x35a: {  	v35 =	vadd.f32 v15, v5;
	v36 =	vadd.s32 v2, v11;
	v19 =	vld [tilespmem:s13+$0xFFFFFFB0];
	[tilespmem:v61+s20+$0x0] =	vst.idx.msk $0xffff, v31  }
0x35b: {  	v37 =	vadd.s32 v2, v12;
	v16 =	vadd.f32 v16, v4;
	v38 =	vld [tilespmem:s14+$0xFFFFFFF0];
	[tilespmem:v62+s20+$0x0] =	vst.idx.msk $0xffff, v34  }
0x35c: {  	v40 =	vadd.s32 v2, v13;
	[tilespmem:v17+s20+$0x0] =	vst.idx.msk $0xffff, v35;
	v39 =	vadd.f32 v20, v5;
	v41 =	vld [tilespmem:s14+$0xFFFFFFB0]  }
0x35d: {  	v42 =	vld [tilespmem:s11+$0x0];
	v44 =	vadd.s32 v2, v14;
	[tilespmem:v18+s20+$0x0] =	vst.idx.msk $0xffff, v16;
	v43 =	vadd.f32 v30, v5  }
0x35e: {  	v47 =	vadd.s32 v2, v27;
	v45 =	vld [tilespmem:s11+$0xFFFFFFC0];
	[tilespmem:v32+s20+$0x0] =	vst.idx.msk $0xffff, v39;
	v46 =	vadd.f32 v33, v5  }
0x35f: {  	v6 =	vadd.s32 v3, v6;
	v48 =	vld [tilespmem:s12+$0x0];
	[tilespmem:v36+s20+$0x0] =	vst.idx.msk $0xffff, v43;
	v49 =	vadd.f32 v19, v5  }
0x360: {  	v8 =	vadd.s32 v3, v8;
	v16 =	vld [tilespmem:s12+$0xFFFFFFC0];
	[tilespmem:v37+s20+$0x0] =	vst.idx.msk $0xffff, v46;
	v50 =	vadd.f32 v38, v5  }
0x361: {  	v51 =	vadd.s32 v3, v10;
	v52 =	vld [tilespmem:s13+$0x0];
	[tilespmem:v40+s20+$0x0] =	vst.idx.msk $0xffff, v49;
	v5 =	vadd.f32 v41, v5  }
0x362: {  	v54 =	vadd.s32 v3, v11;
	v53 =	vadd.f32 v42, v4;
	v15 =	vld [tilespmem:s13+$0xFFFFFFC0];
	[tilespmem:v44+s20+$0x0] =	vst.idx.msk $0xffff, v50  }
0x363: {  	v56 =	vadd.s32 v3, v12;
	v55 =	vadd.f32 v45, v4;
	v57 =	vld [tilespmem:s14+$0x0];
	[tilespmem:v47+s20+$0x0] =	vst.idx.msk $0xffff, v5  }
0x364: {  	v58 =	vadd.s32 v3, v13;
	[tilespmem:v6+s20+$0x0] =	vst.idx.msk $0xffff, v53;
	v5 =	vadd.f32 v48, v4;
	v59 =	vld [tilespmem:s14+$0xFFFFFFC0]  }
0x365: {  	[tilespmem:v8+s20+$0x0] =	vst.idx.msk $0xffff, v55;
	v61 =	vadd.s32 v3, v14;
	v60 =	vadd.f32 v16, v4  }
0x366: {  	v62 =	vadd.s32 v3, v27;
	[tilespmem:v51+s20+$0x0] =	vst.idx.msk $0xffff, v5;
	v5 =	vadd.f32 v52, v4  }
0x367: {  	[tilespmem:v54+s20+$0x0] =	vst.idx.msk $0xffff, v60;
	v63 =	vadd.f32 v15, v4  }
0x368: {  	s8 =	sshll.u32 s9, $0x12;
	[tilespmem:v56+s20+$0x0] =	vst.idx.msk $0xffff, v5;
	v5 =	vadd.f32 v57, v4  }
0x369: {  	s8 =	sor.u32 s5, s8;
	[tilespmem:v58+s20+$0x0] =	vst.idx.msk $0xffff, v63;
	v4 =	vadd.f32 v59, v4  }
0x36a: {  	s8 =	sshrl.u32 s8, $0x3;
	[tilespmem:v61+s20+$0x0] =	vst.idx.msk $0xffff, v5  }
0x36b: {  	s9 =	simm.s32 $0x12800;
	s11 =	sadd.s32 s1, s8;
	[tilespmem:v62+s20+$0x0] =	vst.idx.msk $0xffff, v4  }
0x36c: {  	[hbm4b:s11+s3] =	stream.linear.scatter [tilespmem:s9], [sflag:$0x7], $0x80, $0x38;
	[tilespmem:$0x19E00] =	vst v63  }
0x36d: {  	s12 =	simm.s32 $0x12888;
	s13 =	sadd.s32 $0x10, s11  }
0x36e: {  	[hbm4b:s13+s3] =	stream.linear.scatter [tilespmem:s12], [sflag:$0x7], $0x80, $0x38;
	[tilespmem:$0x19E00] =	vst v63  }
0x36f: {  	s22 =	simm.s32 $0x12998;
	s15 =	sadd.s32 $0x20, s11;
	s14 =	simm.s32 $0x12910  }
0x370: {  	[hbm4b:s15+s3] =	stream.linear.scatter [tilespmem:s14], [sflag:$0x7], $0x80, $0x38;
	[tilespmem:$0x19E00] =	vst v63  }
0x371: {  	s8 =	simm.s32 $0x2200;
	s23 =	sadd.s32 $0x30, s11;
	s9 =	simm.s32 $0x440  }
0x372: {  	[hbm4b:s23+s3] =	stream.linear.scatter [tilespmem:s22], [sflag:$0x7], $0x80, $0x38;
	[tilespmem:$0x19E00] =	vst v63  }
0x373: {  	s12 =	simm.s32 $0x12A20;
	s13 =	sadd.s32 $0x40, s11;
	s14 =	simm.s32 $0x12AA8  }
0x374: {  	[hbm4b:s13+s3] =	stream.linear.scatter [tilespmem:s12], [sflag:$0x7], $0x80, $0x38;
	[tilespmem:$0x19E00] =	vst v63  }
0x375: {  	s15 =	sadd.s32 $0x50, s11;
	s22 =	simm.s32 $0x12B30;
	s23 =	sadd.s32 $0x60, s11  }
0x376: {  	[hbm4b:s15+s3] =	stream.linear.scatter [tilespmem:s14], [sflag:$0x7], $0x80, $0x38;
	[tilespmem:$0x19E00] =	vst v63  }
0x377: {  	s12 =	simm.s32 $0x12BB8;
	s13 =	sadd.s32 $0x70, s11;
	s11 =	sadd.s32 $0x1000, s11  }
0x378: {  	[hbm4b:s23+s3] =	stream.linear.scatter [tilespmem:s22], [sflag:$0x7], $0x80, $0x38;
	[tilespmem:$0x19E00] =	vst v63  }
.LBB2_29:
0x379: {  	[hbm4b:s13+s3] =	stream.linear.scatter [tilespmem:s12], [sflag:$0x7], $0x80, $0x38;
	[tilespmem:$0x19E00] =	vst v63  }
0x37a: {  	s12 =	smov.u32 s9;
	s9 =	smov.u32 s8  }
0x37b: {  	s14 =	sadd.s32 $0x1100, s8;
	s9 =	sshra.s32 s9, $0x2;
	s13 =	sadd.s32 $0x12800, s12  }
0x37c: {  	[hbm4b:s11+s3] =	stream.linear.scatter [tilespmem:s13], [sflag:$0x7], $0x80, $0x38;
	[tilespmem:$0x19E00] =	vst v63  }
0x37d: {  	p0 =	sne.s32 s8, $0x7700;
	s8 =	sadd.s32 $0x12888, s12;
	s13 =	sadd.s32 $0x10, s11  }
0x37e: {  	[hbm4b:s13+s3] =	stream.linear.scatter [tilespmem:s8], [sflag:$0x7], $0x80, $0x38;
	[tilespmem:$0x19E00] =	vst v63  }
0x37f: {  	s8 =	sadd.s32 $0x12910, s12;
	s13 =	sadd.s32 $0x20, s11  }
0x380: {  	[hbm4b:s13+s3] =	stream.linear.scatter [tilespmem:s8], [sflag:$0x7], $0x80, $0x38;
	[tilespmem:$0x19E00] =	vst v63  }
0x381: {  	s8 =	sadd.s32 $0x12998, s12;
	s13 =	sadd.s32 $0x30, s11  }
0x382: {  	[hbm4b:s13+s3] =	stream.linear.scatter [tilespmem:s8], [sflag:$0x7], $0x80, $0x38;
	[tilespmem:$0x19E00] =	vst v63  }
0x383: {  	s8 =	sadd.s32 $0x12A20, s12;
	s13 =	sadd.s32 $0x40, s11  }
0x384: {  	[hbm4b:s13+s3] =	stream.linear.scatter [tilespmem:s8], [sflag:$0x7], $0x80, $0x38;
	[tilespmem:$0x19E00] =	vst v63  }
.Ltmp13:
0x385: {  	s8 =	sadd.s32 $0x12AA8, s12;
	s13 =	sadd.s32 $0x50, s11;
	(pc) =	sbr.rel @p0 .LBB2_29-.Ltmp13, $4  }
0x386: {  	[hbm4b:s13+s3] =	stream.linear.scatter [tilespmem:s8], [sflag:$0x7], $0x80, $0x38;
	[tilespmem:$0x19E00] =	vst v63  }
0x387: {  	s8 =	sadd.s32 $0x12B30, s12;
	s13 =	sadd.s32 $0x60, s11;
	s12 =	sadd.s32 $0x12BB8, s12  }
0x388: {  	[hbm4b:s13+s3] =	stream.linear.scatter [tilespmem:s8], [sflag:$0x7], $0x80, $0x38;
	[tilespmem:$0x19E00] =	vst v63  }
0x389: {  	s13 =	sadd.s32 $0x70, s11;
	s11 =	sadd.s32 $0x1000, s11;
	s8 =	smov.u32 s14  }
0x38a: {  	[hbm4b:s13+s3] =	stream.linear.scatter [tilespmem:s12], [sflag:$0x7], $0x80, $0x38;
	[tilespmem:$0x19E00] =	vst v63  }
0x38b: {  	s8 =	sadd.s32 $0x12800, s9  }
0x38c: {  	[hbm4b:s11+s3] =	stream.linear.scatter [tilespmem:s8], [sflag:$0x7], $0x80, $0x38;
	[tilespmem:$0x19E00] =	vst v63  }
0x38d: {  	s12 =	sadd.s32 $0x12888, s9;
	s13 =	sadd.s32 $0x10, s11  }
0x38e: {  	[hbm4b:s13+s3] =	stream.linear.scatter [tilespmem:s12], [sflag:$0x7], $0x80, $0x38;
	[tilespmem:$0x19E00] =	vst v63  }
0x38f: {  	s14 =	sadd.s32 $0x12910, s9;
	s15 =	sadd.s32 $0x20, s11  }
0x390: {  	[hbm4b:s15+s3] =	stream.linear.scatter [tilespmem:s14], [sflag:$0x7], $0x80, $0x38;
	[tilespmem:$0x19E00] =	vst v63  }
0x391: {  	s22 =	sadd.s32 $0x12998, s9;
	s23 =	sadd.s32 $0x30, s11  }
0x392: {  	[hbm4b:s23+s3] =	stream.linear.scatter [tilespmem:s22], [sflag:$0x7], $0x80, $0x38;
	[tilespmem:$0x19E00] =	vst v63  }
0x393: {  	s12 =	sadd.s32 $0x12A20, s9;
	s13 =	sadd.s32 $0x40, s11  }
0x394: {  	[hbm4b:s13+s3] =	stream.linear.scatter [tilespmem:s12], [sflag:$0x7], $0x80, $0x38;
	[tilespmem:$0x19E00] =	vst v63  }
0x395: {  	s14 =	sadd.s32 $0x12AA8, s9;
	s15 =	sadd.s32 $0x50, s11  }
0x396: {  	[hbm4b:s15+s3] =	stream.linear.scatter [tilespmem:s14], [sflag:$0x7], $0x80, $0x38;
	[tilespmem:$0x19E00] =	vst v63  }
0x397: {  	s22 =	sadd.s32 $0x12B30, s9;
	s23 =	sadd.s32 $0x60, s11  }
0x398: {  	[hbm4b:s23+s3] =	stream.linear.scatter [tilespmem:s22], [sflag:$0x7], $0x80, $0x38;
	[tilespmem:$0x19E00] =	vst v63  }
0x399: {  	s12 =	sadd.s32 $0x12BB8, s9;
	s13 =	sadd.s32 $0x70, s11;
	s14 =	sadd.s32 $0x500, s10  }
0x39a: {  	[hbm4b:s13+s3] =	stream.linear.scatter [tilespmem:s12], [sflag:$0x7], $0x80, $0x38;
	[tilespmem:$0x19E00] =	vst v63  }
0x39b: {  	s8 =	sand.u32 $0xFF00, s14  }
0x39c: {  	[tilespmem:s25], [sflag:$0x3] =	stream.indirect.gather [hbm4b:s4+s21], $0x40, s8, s21, $0xb8;
	[tilespmem:$0x19E00] =	vst v63  }
0x39d: {  	_ =	swait.ge [sflag:s26], $0x2000  }
0x39e: {  	[sflag:s26] =	ssyncset.done $0x0  }
0x39f: {  	[sflag:s26] =	ssyncadd.s32 $0xFFFFE000  }
0x3a0: {  	_ =	swait.ge [sflag:s7], $0x2000  }
0x3a1: {  	s15 =	sshll.u32 s16, $0x6;
	[sflag:s7] =	ssyncset.done $0x0  }
0x3a2: {  	s8 =	sand.u32 $0x3FFFFFC0, s15;
	[sflag:s7] =	ssyncadd.s32 $0xFFFFE000  }
0x3a3: {  	s22 =	simm.s32 $0x1;
	s12 =	simm.s32 $0xC470;
	v9 =	vld [tilespmem:s8+$0x16C00]  }
0x3a4: {  	v4 =	vmov s22;
	v6 =	vld [tilespmem:s12+$0xFFFFFFD0]  }
0x3a5: {  	v14 =	vand.u32 $0x7F, v4  }
0x3a6: {  	v8 =	vadd.s32 v0, v14  }
0x3a7: {  	s23 =	simm.s32 $0x0;
	v7 =	vld [tilespmem:s8+$0x16C10]  }
0x3a8: {  	v4 =	vmov s23;
	v10 =	vld [tilespmem:s12+$0xFFFFFF90]  }
0x3a9: {  	v18 =	vand.u32 $0x7E, v4;
	v5 =	vld [tilespmem:s8+$0x16C20];
	v6 =	vadd.f32 v6, v9  }
0x3aa: {  	s9 =	simm.s32 $0xC4F0;
	s10 =	simm.s32 $0x3;
	v11 =	vadd.s32 v0, v18;
	v4 =	vld [tilespmem:s8+$0x16C30]  }
0x3ab: {  	v12 =	vld [tilespmem:s9+$0xFFFFFFD0];
	[tilespmem:v8+s31+$0x0] =	vst.idx.msk $0xffff, v6;
	v6 =	vmov s10  }
0x3ac: {  	v6 =	vand.u32 $0x7F, v6;
	v13 =	vld [tilespmem:s12+$0xFFFFFFE0]  }
0x3ad: {  	v8 =	vadd.f32 v10, v9;
	v10 =	vadd.s32 v0, v6  }
0x3ae: {  	s11 =	simm.s32 $0x2;
	v15 =	vadd.s32 v1, v14  }
0x3af: {  	[tilespmem:v11+s31+$0x0] =	vst.idx.msk $0xffff, v8;
	v8 =	vmov s11;
	v11 =	vld [tilespmem:s9+$0xFFFFFF90]  }
0x3b0: {  	v12 =	vadd.f32 v12, v9;
	v8 =	vand.u32 $0x7E, v8;
	v16 =	vld [tilespmem:s12+$0xFFFFFFA0]  }
0x3b1: {  	s13 =	simm.s32 $0x5;
	s10 =	simm.s32 $0xC570;
	v17 =	vadd.s32 v0, v8;
	v13 =	vadd.f32 v13, v7  }
0x3b2: {  	v19 =	vld [tilespmem:s10+$0xFFFFFFD0];
	[tilespmem:v10+s31+$0x0] =	vst.idx.msk $0xffff, v12;
	v12 =	vadd.s32 v1, v18;
	v10 =	vmov s13  }
0x3b3: {  	[tilespmem:v15+s31+$0x0] =	vst.idx.msk $0xffff, v13;
	v10 =	vand.u32 $0x7F, v10;
	v13 =	vld [tilespmem:s9+$0xFFFFFFE0]  }
0x3b4: {  	v11 =	vadd.f32 v11, v9;
	v15 =	vadd.s32 v0, v10;
	v20 =	vld [tilespmem:s12+$0xFFFFFFF0]  }
0x3b5: {  	s14 =	simm.s32 $0x4;
	v21 =	vadd.s32 v1, v6;
	v16 =	vadd.f32 v16, v7  }
0x3b6: {  	v22 =	vadd.s32 v2, v14;
	[tilespmem:v17+s31+$0x0] =	vst.idx.msk $0xffff, v11;
	v11 =	vmov s14;
	v17 =	vld [tilespmem:s10+$0xFFFFFF90]  }
0x3b7: {  	v11 =	vand.u32 $0x7E, v11;
	[tilespmem:v12+s31+$0x0] =	vst.idx.msk $0xffff, v16;
	v12 =	vadd.f32 v19, v9;
	v16 =	vld [tilespmem:s9+$0xFFFFFFA0]  }
0x3b8: {  	s15 =	simm.s32 $0x7;
	s11 =	simm.s32 $0xC5F0;
	v19 =	vadd.s32 v0, v11;
	v13 =	vadd.f32 v13, v7;
	v23 =	vld [tilespmem:s12+$0xFFFFFFB0]  }
0x3b9: {  	v24 =	vld [tilespmem:s11+$0xFFFFFFD0];
	[tilespmem:v15+s31+$0x0] =	vst.idx.msk $0xffff, v12;
	v15 =	vadd.s32 v1, v8;
	v20 =	vadd.f32 v20, v5;
	v12 =	vmov s15  }
0x3ba: {  	[tilespmem:v21+s31+$0x0] =	vst.idx.msk $0xffff, v13;
	v21 =	vadd.s32 v2, v18;
	v12 =	vand.u32 $0x7F, v12;
	v25 =	vld [tilespmem:s10+$0xFFFFFFE0]  }
0x3bb: {  	v13 =	vadd.f32 v17, v9;
	[tilespmem:v22+s31+$0x0] =	vst.idx.msk $0xffff, v20;
	v17 =	vadd.s32 v0, v12;
	v20 =	vld [tilespmem:s9+$0xFFFFFFF0]  }
0x3bc: {  	s22 =	simm.s32 $0x6;
	v26 =	vadd.s32 v1, v10;
	v16 =	vadd.f32 v16, v7;
	v27 =	vld [tilespmem:s12+$0x0]  }
0x3bd: {  	v28 =	vadd.s32 v2, v6;
	[tilespmem:v19+s31+$0x0] =	vst.idx.msk $0xffff, v13;
	v13 =	vmov s22;
	v19 =	vadd.f32 v23, v5;
	v23 =	vld [tilespmem:s11+$0xFFFFFF90]  }
0x3be: {  	v30 =	vadd.s32 v3, v14;
	v13 =	vand.u32 $0x7E, v13;
	v29 =	vld [tilespmem:s10+$0xFFFFFFA0];
	[tilespmem:v15+s31+$0x0] =	vst.idx.msk $0xffff, v16;
	v16 =	vadd.f32 v24, v9  }
0x3bf: {  	[tilespmem:v21+s31+$0x0] =	vst.idx.msk $0xffff, v19;
	v21 =	vadd.s32 v0, v13;
	v14 =	vadd.f32 v25, v7;
	v15 =	vld [tilespmem:s9+$0xFFFFFFB0]  }
0x3c0: {  	s23 =	simm.s32 $0x9;
	s13 =	simm.s32 $0xC670;
	v19 =	vadd.s32 v1, v11;
	[tilespmem:v17+s31+$0x0] =	vst.idx.msk $0xffff, v16;
	v20 =	vadd.f32 v20, v5;
	v16 =	vld [tilespmem:s12+$0xFFFFFFC0]  }
0x3c1: {  	v22 =	vld [tilespmem:s13+$0xFFFFFFD0];
	v24 =	vmov s23;
	v17 =	vadd.s32 v2, v8;
	[tilespmem:v26+s31+$0x0] =	vst.idx.msk $0xffff, v14;
	v27 =	vadd.f32 v27, v4  }
0x3c2: {  	v18 =	vadd.s32 v3, v18;
	v14 =	vand.u32 $0x7F, v24;
	v26 =	vadd.f32 v23, v9;
	v23 =	vld [tilespmem:s11+$0xFFFFFFE0];
	[tilespmem:v28+s31+$0x0] =	vst.idx.msk $0xffff, v20  }
0x3c3: {  	s8 =	simm.s32 $0xA;
	s14 =	simm.s32 $0x8;
	s12 =	simm.s32 $0xC670;
	v24 =	vadd.s32 v0, v14;
	v25 =	vadd.f32 v29, v7;
	v20 =	vld [tilespmem:s10+$0xFFFFFFF0];
	[tilespmem:v30+s31+$0x0] =	vst.idx.msk $0xffff, v27  }
.LBB2_31:
0x3c4: {  	p0 =	slt.u32 s8, $0x7E;
	[tilespmem:v21+s31+$0x0] =	vst.idx.msk $0xffff, v26;
	v26 =	vadd.s32 v1, v12;
	v15 =	vadd.f32 v15, v5;
	v27 =	vld [tilespmem:s9+$0x0];
	v28 =	vmov v11  }
0x3c5: {  	v21 =	vmov s14;
	v11 =	vmovc v13;
	s14 =	smov.u32 s8;
	v29 =	vld [tilespmem:s13+$0xFFFFFF90];
	[tilespmem:v19+s31+$0x0] =	vst.idx.msk $0xffff, v25;
	v25 =	vadd.s32 v2, v10;
	v16 =	vadd.f32 v16, v4  }
0x3c6: {  	v31 =	vadd.s32 v3, v6;
	v13 =	vand.u32 $0x7E, v21;
	v19 =	vadd.f32 v22, v9;
	v30 =	vld [tilespmem:s11+$0xFFFFFFA0];
	[tilespmem:v17+s31+$0x0] =	vst.idx.msk $0xffff, v15  }
.Ltmp14:
0x3c7: {  	v6 =	vmov v10;
	v21 =	vadd.s32 v0, v13;
	v17 =	vadd.f32 v23, v7;
	v15 =	vld [tilespmem:s10+$0xFFFFFFB0];
	[tilespmem:v18+s31+$0x0] =	vst.idx.msk $0xffff, v16;
	(pc) =	sbr.rel @p0 .LBB2_31-.Ltmp14, $4  }
0x3c8: {  	s15 =	sadd.s32 $0x1, s8;
	s13 =	sadd.s32 $0x80, s13;
	v10 =	vmov v12;
	[tilespmem:v24+s31+$0x0] =	vst.idx.msk $0xffff, v19;
	v19 =	vadd.s32 v1, v11;
	v18 =	vadd.f32 v20, v5;
	v16 =	vld [tilespmem:s9+$0xFFFFFFC0];
	s9 =	smov.u32 s10  }
0x3c9: {  	v12 =	vmovc v14;
	v20 =	vmov s15;
	s10 =	smov.u32 s11;
	s11 =	smov.u32 s12;
	s12 =	smov.u32 s13;
	v22 =	vld [tilespmem:s13+$0xFFFFFFD0];
	[tilespmem:v26+s31+$0x0] =	vst.idx.msk $0xffff, v17;
	v17 =	vadd.s32 v2, v28;
	v27 =	vadd.f32 v27, v4  }
0x3ca: {  	v14 =	vand.u32 $0x7F, v20;
	v26 =	vadd.f32 v29, v9;
	v23 =	vld [tilespmem:s11+$0xFFFFFFE0];
	[tilespmem:v25+s31+$0x0] =	vst.idx.msk $0xffff, v18;
	v18 =	vadd.s32 v3, v8  }
0x3cb: {  	s8 =	sadd.s32 $0x2, s8;
	v24 =	vadd.s32 v0, v14;
	v8 =	vmov v28;
	v25 =	vadd.f32 v30, v7;
	v20 =	vld [tilespmem:s10+$0xFFFFFFF0];
	[tilespmem:v31+s31+$0x0] =	vst.idx.msk $0xffff, v27  }
0x3cc: {  	v27 =	vmov s14;
	v28 =	vld [tilespmem:s13+$0xFFFFFF90]  }
0x3cd: {  	v27 =	vand.u32 $0x7E, v27  }
0x3ce: {  	v29 =	vadd.s32 v0, v27;
	_ =	sdelay $0x1  }
0x3cf: {  	v22 =	vadd.f32 v22, v9  }
0x3d0: {  	[tilespmem:v21+s31+$0x0] =	vst.idx.msk $0xffff, v26;
	v57 =	vadd.f32 v28, v9  }
0x3d1: {  	v21 =	vld [tilespmem:s11+$0xFFFFFFA0];
	[tilespmem:v24+s31+$0x0] =	vst.idx.msk $0xffff, v22  }
0x3d2: {  	v58 =	vadd.s32 v1, v12;
	v24 =	vld [tilespmem:s12+$0xFFFFFFE0];
	[tilespmem:v29+s31+$0x0] =	vst.idx.msk $0xffff, v57  }
0x3d3: {  	v59 =	vadd.s32 v1, v13;
	v60 =	vld [tilespmem:s12+$0xFFFFFFA0]  }
0x3d4: {  	v61 =	vadd.s32 v1, v14  }
0x3d5: {  	v62 =	vadd.s32 v1, v27;
	v23 =	vadd.f32 v23, v7  }
0x3d6: {  	[tilespmem:v19+s31+$0x0] =	vst.idx.msk $0xffff, v25;
	v63 =	vadd.f32 v21, v7  }
0x3d7: {  	v30 =	vld [tilespmem:s10+$0xFFFFFFB0];
	[tilespmem:v58+s31+$0x0] =	vst.idx.msk $0xffff, v23;
	v31 =	vadd.f32 v24, v7  }
0x3d8: {  	v32 =	vadd.s32 v2, v10;
	v33 =	vld [tilespmem:s11+$0xFFFFFFF0];
	[tilespmem:v59+s31+$0x0] =	vst.idx.msk $0xffff, v63;
	v34 =	vadd.f32 v60, v7  }
0x3d9: {  	v35 =	vadd.f32 v15, v5;
	v36 =	vadd.s32 v2, v11;
	v19 =	vld [tilespmem:s11+$0xFFFFFFB0];
	[tilespmem:v61+s31+$0x0] =	vst.idx.msk $0xffff, v31  }
0x3da: {  	v37 =	vadd.s32 v2, v12;
	v16 =	vadd.f32 v16, v4;
	v38 =	vld [tilespmem:s12+$0xFFFFFFF0];
	[tilespmem:v62+s31+$0x0] =	vst.idx.msk $0xffff, v34  }
0x3db: {  	v40 =	vadd.s32 v2, v13;
	[tilespmem:v17+s31+$0x0] =	vst.idx.msk $0xffff, v35;
	v39 =	vadd.f32 v20, v5;
	v41 =	vld [tilespmem:s12+$0xFFFFFFB0]  }
0x3dc: {  	v42 =	vld [tilespmem:s9+$0x0];
	v44 =	vadd.s32 v2, v14;
	[tilespmem:v18+s31+$0x0] =	vst.idx.msk $0xffff, v16;
	v43 =	vadd.f32 v30, v5  }
0x3dd: {  	v47 =	vadd.s32 v2, v27;
	v45 =	vld [tilespmem:s9+$0xFFFFFFC0];
	[tilespmem:v32+s31+$0x0] =	vst.idx.msk $0xffff, v39;
	v46 =	vadd.f32 v33, v5  }
0x3de: {  	v6 =	vadd.s32 v3, v6;
	v48 =	vld [tilespmem:s10+$0x0];
	[tilespmem:v36+s31+$0x0] =	vst.idx.msk $0xffff, v43;
	v49 =	vadd.f32 v19, v5  }
0x3df: {  	v8 =	vadd.s32 v3, v8;
	v16 =	vld [tilespmem:s10+$0xFFFFFFC0];
	[tilespmem:v37+s31+$0x0] =	vst.idx.msk $0xffff, v46;
	v50 =	vadd.f32 v38, v5  }
0x3e0: {  	v51 =	vadd.s32 v3, v10;
	v52 =	vld [tilespmem:s11+$0x0];
	[tilespmem:v40+s31+$0x0] =	vst.idx.msk $0xffff, v49;
	v5 =	vadd.f32 v41, v5  }
0x3e1: {  	v54 =	vadd.s32 v3, v11;
	v53 =	vadd.f32 v42, v4;
	v15 =	vld [tilespmem:s11+$0xFFFFFFC0];
	[tilespmem:v44+s31+$0x0] =	vst.idx.msk $0xffff, v50  }
0x3e2: {  	v56 =	vadd.s32 v3, v12;
	v55 =	vadd.f32 v45, v4;
	v57 =	vld [tilespmem:s12+$0x0];
	[tilespmem:v47+s31+$0x0] =	vst.idx.msk $0xffff, v5  }
0x3e3: {  	v58 =	vadd.s32 v3, v13;
	[tilespmem:v6+s31+$0x0] =	vst.idx.msk $0xffff, v53;
	v5 =	vadd.f32 v48, v4;
	v59 =	vld [tilespmem:s12+$0xFFFFFFC0]  }
0x3e4: {  	[tilespmem:v8+s31+$0x0] =	vst.idx.msk $0xffff, v55;
	v61 =	vadd.s32 v3, v14;
	v60 =	vadd.f32 v16, v4  }
0x3e5: {  	v62 =	vadd.s32 v3, v27;
	[tilespmem:v51+s31+$0x0] =	vst.idx.msk $0xffff, v5;
	v5 =	vadd.f32 v52, v4  }
0x3e6: {  	[tilespmem:v54+s31+$0x0] =	vst.idx.msk $0xffff, v60;
	v63 =	vadd.f32 v15, v4  }
0x3e7: {  	s8 =	sshll.u32 s16, $0x12;
	[tilespmem:v56+s31+$0x0] =	vst.idx.msk $0xffff, v5;
	v5 =	vadd.f32 v57, v4  }
0x3e8: {  	s8 =	sor.u32 s5, s8;
	[tilespmem:v58+s31+$0x0] =	vst.idx.msk $0xffff, v63;
	v4 =	vadd.f32 v59, v4  }
0x3e9: {  	s8 =	sshrl.u32 s8, $0x3;
	[tilespmem:v61+s31+$0x0] =	vst.idx.msk $0xffff, v5  }
0x3ea: {  	s14 =	simm.s32 $0x14A00;
	s10 =	sadd.s32 s1, s8;
	[tilespmem:v62+s31+$0x0] =	vst.idx.msk $0xffff, v4  }
0x3eb: {  	[hbm4b:s10+s3] =	stream.linear.scatter [tilespmem:s14], [sflag:$0x8], $0x80, $0x38;
	[tilespmem:$0x19E00] =	vst v63  }
0x3ec: {  	s15 =	simm.s32 $0x14A88;
	s16 =	sadd.s32 $0x10, s10  }
0x3ed: {  	[hbm4b:s16+s3] =	stream.linear.scatter [tilespmem:s15], [sflag:$0x8], $0x80, $0x38;
	[tilespmem:$0x19E00] =	vst v63  }
0x3ee: {  	s22 =	simm.s32 $0x14B10;
	s13 =	simm.s32 $0x14C20;
	s23 =	sadd.s32 $0x20, s10  }
0x3ef: {  	[hbm4b:s23+s3] =	stream.linear.scatter [tilespmem:s22], [sflag:$0x8], $0x80, $0x38;
	[tilespmem:$0x19E00] =	vst v63  }
0x3f0: {  	s9 =	simm.s32 $0x440;
	s11 =	simm.s32 $0x14B98;
	s12 =	sadd.s32 $0x30, s10  }
0x3f1: {  	[hbm4b:s12+s3] =	stream.linear.scatter [tilespmem:s11], [sflag:$0x8], $0x80, $0x38;
	[tilespmem:$0x19E00] =	vst v63  }
0x3f2: {  	s8 =	simm.s32 $0x2200;
	s14 =	sadd.s32 $0x40, s10;
	s15 =	simm.s32 $0x14CA8  }
0x3f3: {  	[hbm4b:s14+s3] =	stream.linear.scatter [tilespmem:s13], [sflag:$0x8], $0x80, $0x38;
	[tilespmem:$0x19E00] =	vst v63  }
0x3f4: {  	s16 =	sadd.s32 $0x50, s10;
	s22 =	simm.s32 $0x14D30;
	s23 =	sadd.s32 $0x60, s10  }
0x3f5: {  	[hbm4b:s16+s3] =	stream.linear.scatter [tilespmem:s15], [sflag:$0x8], $0x80, $0x38;
	[tilespmem:$0x19E00] =	vst v63  }
0x3f6: {  	s11 =	simm.s32 $0x14DB8;
	s12 =	sadd.s32 $0x70, s10;
	s10 =	sadd.s32 $0x1000, s10  }
0x3f7: {  	[hbm4b:s23+s3] =	stream.linear.scatter [tilespmem:s22], [sflag:$0x8], $0x80, $0x38;
	[tilespmem:$0x19E00] =	vst v63  }
.LBB2_33:
0x3f8: {  	[hbm4b:s12+s3] =	stream.linear.scatter [tilespmem:s11], [sflag:$0x8], $0x80, $0x38;
	[tilespmem:$0x19E00] =	vst v63  }
0x3f9: {  	s11 =	smov.u32 s9;
	s9 =	smov.u32 s8  }
0x3fa: {  	s13 =	sadd.s32 $0x1100, s8;
	s9 =	sshra.s32 s9, $0x2;
	s12 =	sadd.s32 $0x14A00, s11  }
0x3fb: {  	[hbm4b:s10+s3] =	stream.linear.scatter [tilespmem:s12], [sflag:$0x8], $0x80, $0x38;
	[tilespmem:$0x19E00] =	vst v63  }
0x3fc: {  	p0 =	sne.s32 s8, $0x7700;
	s8 =	sadd.s32 $0x14A88, s11;
	s12 =	sadd.s32 $0x10, s10  }
0x3fd: {  	[hbm4b:s12+s3] =	stream.linear.scatter [tilespmem:s8], [sflag:$0x8], $0x80, $0x38;
	[tilespmem:$0x19E00] =	vst v63  }
0x3fe: {  	s8 =	sadd.s32 $0x14B10, s11;
	s12 =	sadd.s32 $0x20, s10  }
0x3ff: {  	[hbm4b:s12+s3] =	stream.linear.scatter [tilespmem:s8], [sflag:$0x8], $0x80, $0x38;
	[tilespmem:$0x19E00] =	vst v63  }
0x400: {  	s8 =	sadd.s32 $0x14B98, s11;
	s12 =	sadd.s32 $0x30, s10  }
0x401: {  	[hbm4b:s12+s3] =	stream.linear.scatter [tilespmem:s8], [sflag:$0x8], $0x80, $0x38;
	[tilespmem:$0x19E00] =	vst v63  }
0x402: {  	s8 =	sadd.s32 $0x14C20, s11;
	s12 =	sadd.s32 $0x40, s10  }
0x403: {  	[hbm4b:s12+s3] =	stream.linear.scatter [tilespmem:s8], [sflag:$0x8], $0x80, $0x38;
	[tilespmem:$0x19E00] =	vst v63  }
.Ltmp15:
0x404: {  	s8 =	sadd.s32 $0x14CA8, s11;
	s12 =	sadd.s32 $0x50, s10;
	(pc) =	sbr.rel @p0 .LBB2_33-.Ltmp15, $4  }
0x405: {  	[hbm4b:s12+s3] =	stream.linear.scatter [tilespmem:s8], [sflag:$0x8], $0x80, $0x38;
	[tilespmem:$0x19E00] =	vst v63  }
0x406: {  	s8 =	sadd.s32 $0x14D30, s11;
	s12 =	sadd.s32 $0x60, s10;
	s11 =	sadd.s32 $0x14DB8, s11  }
0x407: {  	[hbm4b:s12+s3] =	stream.linear.scatter [tilespmem:s8], [sflag:$0x8], $0x80, $0x38;
	[tilespmem:$0x19E00] =	vst v63  }
0x408: {  	s12 =	sadd.s32 $0x70, s10;
	s10 =	sadd.s32 $0x1000, s10;
	s8 =	smov.u32 s13  }
0x409: {  	[hbm4b:s12+s3] =	stream.linear.scatter [tilespmem:s11], [sflag:$0x8], $0x80, $0x38;
	[tilespmem:$0x19E00] =	vst v63  }
0x40a: {  	s8 =	sadd.s32 $0x14A00, s9  }
0x40b: {  	[hbm4b:s10+s3] =	stream.linear.scatter [tilespmem:s8], [sflag:$0x8], $0x80, $0x38;
	[tilespmem:$0x19E00] =	vst v63  }
0x40c: {  	s13 =	sadd.s32 $0x14A88, s9;
	s14 =	sadd.s32 $0x10, s10  }
0x40d: {  	[hbm4b:s14+s3] =	stream.linear.scatter [tilespmem:s13], [sflag:$0x8], $0x80, $0x38;
	[tilespmem:$0x19E00] =	vst v63  }
0x40e: {  	s15 =	sadd.s32 $0x14B10, s9;
	s16 =	sadd.s32 $0x20, s10  }
0x40f: {  	[hbm4b:s16+s3] =	stream.linear.scatter [tilespmem:s15], [sflag:$0x8], $0x80, $0x38;
	[tilespmem:$0x19E00] =	vst v63  }
0x410: {  	s22 =	sadd.s32 $0x14B98, s9;
	s23 =	sadd.s32 $0x30, s10  }
0x411: {  	[hbm4b:s23+s3] =	stream.linear.scatter [tilespmem:s22], [sflag:$0x8], $0x80, $0x38;
	[tilespmem:$0x19E00] =	vst v63  }
0x412: {  	s11 =	sadd.s32 $0x14C20, s9;
	s12 =	sadd.s32 $0x40, s10;
	s19 =	sadd.s32 $0x1, s19  }
0x413: {  	[hbm4b:s12+s3] =	stream.linear.scatter [tilespmem:s11], [sflag:$0x8], $0x80, $0x38;
	[tilespmem:$0x19E00] =	vst v63  }
0x414: {  	p0 =	sne.s32 s19, $0x30;
	s13 =	sadd.s32 $0x14CA8, s9;
	s14 =	sadd.s32 $0x50, s10  }
0x415: {  	[hbm4b:s14+s3] =	stream.linear.scatter [tilespmem:s13], [sflag:$0x8], $0x80, $0x38;
	[tilespmem:$0x19E00] =	vst v63  }
.Ltmp16:
0x416: {  	_ = 	snop;
	(pc) =	sbr.rel @p0 .LBB2_18-.Ltmp16, $4  }
0x417: {  	s15 =	sadd.s32 $0x14D30, s9;
	s16 =	sadd.s32 $0x60, s10  }
0x418: {  	[hbm4b:s16+s3] =	stream.linear.scatter [tilespmem:s15], [sflag:$0x8], $0x80, $0x38;
	[tilespmem:$0x19E00] =	vst v63  }
0x419: {  	s22 =	sadd.s32 $0x14DB8, s9;
	s23 =	sadd.s32 $0x70, s10  }
0x41a: {  	[hbm4b:s23+s3] =	stream.linear.scatter [tilespmem:s22], [sflag:$0x8], $0x80, $0x38;
	[tilespmem:$0x19E00] =	vst v63  }
0x41b: {  	s8 =	simm.s32 $0x6380  }
0x41c: {  	[tilespmem:s28], [sflag:$0x4] =	stream.indirect.gather [hbm4b:s4+s21], $0x40, s8, s21, $0xb8;
	[tilespmem:$0x19E00] =	vst v63  }
0x41d: {  	_ =	swait.ge [sflag:s29], $0x2000  }
0x41e: {  	[sflag:s29] =	ssyncset.done $0x0  }
0x41f: {  	[sflag:s29] =	ssyncadd.s32 $0xFFFFE000  }
0x420: {  	_ =	swait.ge [sflag:s17], $0x2000  }
0x421: {  	[sflag:s17] =	ssyncset.done $0x0  }
0x422: {  	[sflag:s17] =	ssyncadd.s32 $0xFFFFE000  }
0x423: {  	s12 =	simm.s32 $0x6440;
	s10 =	simm.s32 $0x1;
	v9 =	vld [tilespmem:$0x19D00]  }
0x424: {  	v4 =	vmov s10;
	v6 =	vld [tilespmem:s12+$0x0]  }
0x425: {  	v14 =	vand.u32 $0x7F, v4  }
0x426: {  	v8 =	vadd.s32 v0, v14  }
0x427: {  	s11 =	simm.s32 $0x0;
	v7 =	vld [tilespmem:$0x19D10]  }
0x428: {  	v4 =	vmov s11;
	v10 =	vld [tilespmem:s12+$0xFFFFFFC0]  }
0x429: {  	v18 =	vand.u32 $0x7E, v4;
	v5 =	vld [tilespmem:$0x19D20];
	v6 =	vadd.f32 v6, v9  }
0x42a: {  	s13 =	simm.s32 $0x3;
	s9 =	simm.s32 $0x64C0;
	v11 =	vadd.s32 v0, v18;
	v4 =	vld [tilespmem:$0x19D30]  }
0x42b: {  	v12 =	vld [tilespmem:s9+$0x0];
	[tilespmem:v8+s30+$0x0] =	vst.idx.msk $0xffff, v6;
	v6 =	vmov s13  }
0x42c: {  	v6 =	vand.u32 $0x7F, v6;
	v13 =	vld [tilespmem:s12+$0x10]  }
0x42d: {  	v8 =	vadd.f32 v10, v9;
	v10 =	vadd.s32 v0, v6  }
0x42e: {  	s14 =	simm.s32 $0x2;
	v15 =	vadd.s32 v1, v14  }
0x42f: {  	[tilespmem:v11+s30+$0x0] =	vst.idx.msk $0xffff, v8;
	v8 =	vmov s14;
	v11 =	vld [tilespmem:s9+$0xFFFFFFC0]  }
0x430: {  	v12 =	vadd.f32 v12, v9;
	v8 =	vand.u32 $0x7E, v8;
	v16 =	vld [tilespmem:s12+$0xFFFFFFD0]  }
0x431: {  	s15 =	simm.s32 $0x5;
	s10 =	simm.s32 $0x6540;
	v17 =	vadd.s32 v0, v8;
	v13 =	vadd.f32 v13, v7  }
0x432: {  	v19 =	vld [tilespmem:s10+$0x0];
	[tilespmem:v10+s30+$0x0] =	vst.idx.msk $0xffff, v12;
	v12 =	vadd.s32 v1, v18;
	v10 =	vmov s15  }
0x433: {  	[tilespmem:v15+s30+$0x0] =	vst.idx.msk $0xffff, v13;
	v10 =	vand.u32 $0x7F, v10;
	v13 =	vld [tilespmem:s9+$0x10]  }
0x434: {  	v11 =	vadd.f32 v11, v9;
	v15 =	vadd.s32 v0, v10;
	v20 =	vld [tilespmem:s12+$0x20]  }
0x435: {  	s16 =	simm.s32 $0x4;
	v21 =	vadd.s32 v1, v6;
	v16 =	vadd.f32 v16, v7  }
0x436: {  	v22 =	vadd.s32 v2, v14;
	[tilespmem:v17+s30+$0x0] =	vst.idx.msk $0xffff, v11;
	v11 =	vmov s16;
	v17 =	vld [tilespmem:s10+$0xFFFFFFC0]  }
0x437: {  	v11 =	vand.u32 $0x7E, v11;
	[tilespmem:v12+s30+$0x0] =	vst.idx.msk $0xffff, v16;
	v12 =	vadd.f32 v19, v9;
	v16 =	vld [tilespmem:s9+$0xFFFFFFD0]  }
0x438: {  	s19 =	simm.s32 $0x7;
	s11 =	simm.s32 $0x65C0;
	v19 =	vadd.s32 v0, v11;
	v13 =	vadd.f32 v13, v7;
	v23 =	vld [tilespmem:s12+$0xFFFFFFE0]  }
0x439: {  	v24 =	vld [tilespmem:s11+$0x0];
	[tilespmem:v15+s30+$0x0] =	vst.idx.msk $0xffff, v12;
	v15 =	vadd.s32 v1, v8;
	v20 =	vadd.f32 v20, v5;
	v12 =	vmov s19  }
0x43a: {  	[tilespmem:v21+s30+$0x0] =	vst.idx.msk $0xffff, v13;
	v21 =	vadd.s32 v2, v18;
	v12 =	vand.u32 $0x7F, v12;
	v25 =	vld [tilespmem:s10+$0x10]  }
0x43b: {  	v13 =	vadd.f32 v17, v9;
	[tilespmem:v22+s30+$0x0] =	vst.idx.msk $0xffff, v20;
	v17 =	vadd.s32 v0, v12;
	v20 =	vld [tilespmem:s9+$0x20]  }
0x43c: {  	s22 =	simm.s32 $0x6;
	v26 =	vadd.s32 v1, v10;
	v16 =	vadd.f32 v16, v7;
	v27 =	vld [tilespmem:s12+$0x30]  }
0x43d: {  	v28 =	vadd.s32 v2, v6;
	[tilespmem:v19+s30+$0x0] =	vst.idx.msk $0xffff, v13;
	v13 =	vmov s22;
	v19 =	vadd.f32 v23, v5;
	v23 =	vld [tilespmem:s11+$0xFFFFFFC0]  }
0x43e: {  	v30 =	vadd.s32 v3, v14;
	v13 =	vand.u32 $0x7E, v13;
	v29 =	vld [tilespmem:s10+$0xFFFFFFD0];
	[tilespmem:v15+s30+$0x0] =	vst.idx.msk $0xffff, v16;
	v16 =	vadd.f32 v24, v9  }
0x43f: {  	[tilespmem:v21+s30+$0x0] =	vst.idx.msk $0xffff, v19;
	v21 =	vadd.s32 v0, v13;
	v14 =	vadd.f32 v25, v7;
	v15 =	vld [tilespmem:s9+$0xFFFFFFE0]  }
0x440: {  	s23 =	simm.s32 $0x9;
	s13 =	simm.s32 $0x6640;
	v19 =	vadd.s32 v1, v11;
	[tilespmem:v17+s30+$0x0] =	vst.idx.msk $0xffff, v16;
	v20 =	vadd.f32 v20, v5;
	v16 =	vld [tilespmem:s12+$0xFFFFFFF0]  }
0x441: {  	v22 =	vld [tilespmem:s13+$0x0];
	v24 =	vmov s23;
	v17 =	vadd.s32 v2, v8;
	[tilespmem:v26+s30+$0x0] =	vst.idx.msk $0xffff, v14;
	v27 =	vadd.f32 v27, v4  }
0x442: {  	v18 =	vadd.s32 v3, v18;
	v14 =	vand.u32 $0x7F, v24;
	v26 =	vadd.f32 v23, v9;
	v23 =	vld [tilespmem:s11+$0x10];
	[tilespmem:v28+s30+$0x0] =	vst.idx.msk $0xffff, v20  }
0x443: {  	s8 =	simm.s32 $0xA;
	s14 =	simm.s32 $0x8;
	s12 =	simm.s32 $0x6640;
	v24 =	vadd.s32 v0, v14;
	v25 =	vadd.f32 v29, v7;
	v20 =	vld [tilespmem:s10+$0x20];
	[tilespmem:v30+s30+$0x0] =	vst.idx.msk $0xffff, v27  }
.LBB2_36:
0x444: {  	p0 =	slt.u32 s8, $0x7E;
	[tilespmem:v21+s30+$0x0] =	vst.idx.msk $0xffff, v26;
	v26 =	vadd.s32 v1, v12;
	v15 =	vadd.f32 v15, v5;
	v27 =	vld [tilespmem:s9+$0x30];
	v28 =	vmov v11  }
0x445: {  	v21 =	vmov s14;
	v11 =	vmovc v13;
	s14 =	smov.u32 s8;
	v29 =	vld [tilespmem:s13+$0xFFFFFFC0];
	[tilespmem:v19+s30+$0x0] =	vst.idx.msk $0xffff, v25;
	v25 =	vadd.s32 v2, v10;
	v16 =	vadd.f32 v16, v4  }
0x446: {  	v31 =	vadd.s32 v3, v6;
	v13 =	vand.u32 $0x7E, v21;
	v19 =	vadd.f32 v22, v9;
	v30 =	vld [tilespmem:s11+$0xFFFFFFD0];
	[tilespmem:v17+s30+$0x0] =	vst.idx.msk $0xffff, v15  }
.Ltmp17:
0x447: {  	v6 =	vmov v10;
	v21 =	vadd.s32 v0, v13;
	v17 =	vadd.f32 v23, v7;
	v15 =	vld [tilespmem:s10+$0xFFFFFFE0];
	[tilespmem:v18+s30+$0x0] =	vst.idx.msk $0xffff, v16;
	(pc) =	sbr.rel @p0 .LBB2_36-.Ltmp17, $4  }
0x448: {  	s15 =	sadd.s32 $0x1, s8;
	s13 =	sadd.s32 $0x80, s13;
	v10 =	vmov v12;
	[tilespmem:v24+s30+$0x0] =	vst.idx.msk $0xffff, v19;
	v19 =	vadd.s32 v1, v11;
	v18 =	vadd.f32 v20, v5;
	v16 =	vld [tilespmem:s9+$0xFFFFFFF0];
	s9 =	smov.u32 s10  }
0x449: {  	v12 =	vmovc v14;
	v20 =	vmov s15;
	s10 =	smov.u32 s11;
	s11 =	smov.u32 s12;
	s12 =	smov.u32 s13;
	v22 =	vld [tilespmem:s13+$0x0];
	[tilespmem:v26+s30+$0x0] =	vst.idx.msk $0xffff, v17;
	v17 =	vadd.s32 v2, v28;
	v27 =	vadd.f32 v27, v4  }
0x44a: {  	v14 =	vand.u32 $0x7F, v20;
	v26 =	vadd.f32 v29, v9;
	v23 =	vld [tilespmem:s11+$0x10];
	[tilespmem:v25+s30+$0x0] =	vst.idx.msk $0xffff, v18;
	v18 =	vadd.s32 v3, v8  }
0x44b: {  	s8 =	sadd.s32 $0x2, s8;
	v24 =	vadd.s32 v0, v14;
	v8 =	vmov v28;
	v25 =	vadd.f32 v30, v7;
	v20 =	vld [tilespmem:s10+$0x20];
	[tilespmem:v31+s30+$0x0] =	vst.idx.msk $0xffff, v27  }
0x44c: {  	v27 =	vmov s14;
	v28 =	vld [tilespmem:s13+$0xFFFFFFC0]  }
0x44d: {  	v27 =	vand.u32 $0x7E, v27  }
0x44e: {  	v29 =	vadd.s32 v0, v27;
	_ =	sdelay $0x1  }
0x44f: {  	v22 =	vadd.f32 v22, v9  }
0x450: {  	[tilespmem:v21+s30+$0x0] =	vst.idx.msk $0xffff, v26;
	v57 =	vadd.f32 v28, v9  }
0x451: {  	v21 =	vld [tilespmem:s11+$0xFFFFFFD0];
	[tilespmem:v24+s30+$0x0] =	vst.idx.msk $0xffff, v22  }
0x452: {  	v58 =	vadd.s32 v1, v12;
	v24 =	vld [tilespmem:s12+$0x10];
	[tilespmem:v29+s30+$0x0] =	vst.idx.msk $0xffff, v57  }
0x453: {  	v59 =	vadd.s32 v1, v13;
	v60 =	vld [tilespmem:s12+$0xFFFFFFD0]  }
0x454: {  	v61 =	vadd.s32 v1, v14  }
0x455: {  	v62 =	vadd.s32 v1, v27;
	v23 =	vadd.f32 v23, v7  }
0x456: {  	[tilespmem:v19+s30+$0x0] =	vst.idx.msk $0xffff, v25;
	v63 =	vadd.f32 v21, v7  }
0x457: {  	v30 =	vld [tilespmem:s10+$0xFFFFFFE0];
	[tilespmem:v58+s30+$0x0] =	vst.idx.msk $0xffff, v23;
	v31 =	vadd.f32 v24, v7  }
0x458: {  	v32 =	vadd.s32 v2, v10;
	v33 =	vld [tilespmem:s11+$0x20];
	[tilespmem:v59+s30+$0x0] =	vst.idx.msk $0xffff, v63;
	v34 =	vadd.f32 v60, v7  }
0x459: {  	v35 =	vadd.f32 v15, v5;
	v36 =	vadd.s32 v2, v11;
	v19 =	vld [tilespmem:s11+$0xFFFFFFE0];
	[tilespmem:v61+s30+$0x0] =	vst.idx.msk $0xffff, v31  }
0x45a: {  	v37 =	vadd.s32 v2, v12;
	v16 =	vadd.f32 v16, v4;
	v38 =	vld [tilespmem:s12+$0x20];
	[tilespmem:v62+s30+$0x0] =	vst.idx.msk $0xffff, v34  }
0x45b: {  	v40 =	vadd.s32 v2, v13;
	[tilespmem:v17+s30+$0x0] =	vst.idx.msk $0xffff, v35;
	v39 =	vadd.f32 v20, v5;
	v41 =	vld [tilespmem:s12+$0xFFFFFFE0]  }
0x45c: {  	v42 =	vld [tilespmem:s9+$0x30];
	v44 =	vadd.s32 v2, v14;
	[tilespmem:v18+s30+$0x0] =	vst.idx.msk $0xffff, v16;
	v43 =	vadd.f32 v30, v5  }
0x45d: {  	v47 =	vadd.s32 v2, v27;
	v45 =	vld [tilespmem:s9+$0xFFFFFFF0];
	[tilespmem:v32+s30+$0x0] =	vst.idx.msk $0xffff, v39;
	v46 =	vadd.f32 v33, v5  }
0x45e: {  	v6 =	vadd.s32 v3, v6;
	v48 =	vld [tilespmem:s10+$0x30];
	[tilespmem:v36+s30+$0x0] =	vst.idx.msk $0xffff, v43;
	v49 =	vadd.f32 v19, v5  }
0x45f: {  	v8 =	vadd.s32 v3, v8;
	v16 =	vld [tilespmem:s10+$0xFFFFFFF0];
	[tilespmem:v37+s30+$0x0] =	vst.idx.msk $0xffff, v46;
	v50 =	vadd.f32 v38, v5  }
0x460: {  	v51 =	vadd.s32 v3, v10;
	v52 =	vld [tilespmem:s11+$0x30];
	[tilespmem:v40+s30+$0x0] =	vst.idx.msk $0xffff, v49;
	v5 =	vadd.f32 v41, v5  }
0x461: {  	v54 =	vadd.s32 v3, v11;
	v53 =	vadd.f32 v42, v4;
	v15 =	vld [tilespmem:s11+$0xFFFFFFF0];
	[tilespmem:v44+s30+$0x0] =	vst.idx.msk $0xffff, v50  }
0x462: {  	v56 =	vadd.s32 v3, v12;
	v55 =	vadd.f32 v45, v4;
	v57 =	vld [tilespmem:s12+$0x30];
	[tilespmem:v47+s30+$0x0] =	vst.idx.msk $0xffff, v5  }
0x463: {  	v58 =	vadd.s32 v3, v13;
	[tilespmem:v6+s30+$0x0] =	vst.idx.msk $0xffff, v53;
	v5 =	vadd.f32 v48, v4;
	v59 =	vld [tilespmem:s12+$0xFFFFFFF0]  }
0x464: {  	[tilespmem:v8+s30+$0x0] =	vst.idx.msk $0xffff, v55;
	v61 =	vadd.s32 v3, v14;
	v60 =	vadd.f32 v16, v4  }
0x465: {  	v62 =	vadd.s32 v3, v27;
	[tilespmem:v51+s30+$0x0] =	vst.idx.msk $0xffff, v5;
	v5 =	vadd.f32 v52, v4  }
0x466: {  	[tilespmem:v54+s30+$0x0] =	vst.idx.msk $0xffff, v60;
	v63 =	vadd.f32 v15, v4  }
0x467: {  	[tilespmem:v56+s30+$0x0] =	vst.idx.msk $0xffff, v5;
	v5 =	vadd.f32 v57, v4  }
0x468: {  	[tilespmem:v58+s30+$0x0] =	vst.idx.msk $0xffff, v63;
	v4 =	vadd.f32 v59, v4  }
0x469: {  	[tilespmem:v61+s30+$0x0] =	vst.idx.msk $0xffff, v5  }
0x46a: {  	[tilespmem:v62+s30+$0x0] =	vst.idx.msk $0xffff, v4  }
0x46b: {  	s8 =	simm.s32 $0xE400;
	s10 =	rddreg [dreg:$0xa]  }
0x46c: {  	[hbm4b:s10+s3] =	stream.linear.scatter [tilespmem:s8], [sflag:$0x5], $0x80, $0x38;
	[tilespmem:$0x19E00] =	vst v63  }
0x46d: {  	s22 =	simm.s32 $0xE488;
	s23 =	sadd.s32 $0x10, s10  }
0x46e: {  	[hbm4b:s23+s3] =	stream.linear.scatter [tilespmem:s22], [sflag:$0x5], $0x80, $0x38;
	[tilespmem:$0x19E00] =	vst v63  }
0x46f: {  	s14 =	simm.s32 $0xE620;
	s9 =	simm.s32 $0xE510;
	s11 =	sadd.s32 $0x20, s10  }
0x470: {  	[hbm4b:s11+s3] =	stream.linear.scatter [tilespmem:s9], [sflag:$0x5], $0x80, $0x38;
	[tilespmem:$0x19E00] =	vst v63  }
0x471: {  	s16 =	simm.s32 $0xE6A8;
	s12 =	simm.s32 $0xE598;
	s13 =	sadd.s32 $0x30, s10  }
0x472: {  	[hbm4b:s13+s3] =	stream.linear.scatter [tilespmem:s12], [sflag:$0x5], $0x80, $0x38;
	[tilespmem:$0x19E00] =	vst v63  }
0x473: {  	s15 =	sadd.s32 $0x40, s10;
	s19 =	sadd.s32 $0x50, s10;
	s8 =	simm.s32 $0x2200  }
0x474: {  	[hbm4b:s15+s3] =	stream.linear.scatter [tilespmem:s14], [sflag:$0x5], $0x80, $0x38;
	[tilespmem:$0x19E00] =	vst v63  }
0x475: {  	s22 =	simm.s32 $0xE730;
	s23 =	sadd.s32 $0x60, s10;
	s9 =	simm.s32 $0x440  }
0x476: {  	[hbm4b:s19+s3] =	stream.linear.scatter [tilespmem:s16], [sflag:$0x5], $0x80, $0x38;
	[tilespmem:$0x19E00] =	vst v63  }
0x477: {  	s11 =	simm.s32 $0xE7B8;
	s12 =	sadd.s32 $0x70, s10;
	s10 =	sadd.s32 $0x1000, s10  }
0x478: {  	[hbm4b:s23+s3] =	stream.linear.scatter [tilespmem:s22], [sflag:$0x5], $0x80, $0x38;
	[tilespmem:$0x19E00] =	vst v63  }
.LBB2_38:
0x479: {  	[hbm4b:s12+s3] =	stream.linear.scatter [tilespmem:s11], [sflag:$0x5], $0x80, $0x38;
	[tilespmem:$0x19E00] =	vst v63  }
0x47a: {  	s11 =	smov.u32 s9;
	s9 =	smov.u32 s8  }
0x47b: {  	s13 =	sadd.s32 $0x1100, s8;
	s9 =	sshra.s32 s9, $0x2;
	s12 =	sadd.s32 $0xE400, s11  }
0x47c: {  	[hbm4b:s10+s3] =	stream.linear.scatter [tilespmem:s12], [sflag:$0x5], $0x80, $0x38;
	[tilespmem:$0x19E00] =	vst v63  }
0x47d: {  	p0 =	sne.s32 s8, $0x7700;
	s8 =	sadd.s32 $0xE488, s11;
	s12 =	sadd.s32 $0x10, s10  }
0x47e: {  	[hbm4b:s12+s3] =	stream.linear.scatter [tilespmem:s8], [sflag:$0x5], $0x80, $0x38;
	[tilespmem:$0x19E00] =	vst v63  }
0x47f: {  	s8 =	sadd.s32 $0xE510, s11;
	s12 =	sadd.s32 $0x20, s10  }
0x480: {  	[hbm4b:s12+s3] =	stream.linear.scatter [tilespmem:s8], [sflag:$0x5], $0x80, $0x38;
	[tilespmem:$0x19E00] =	vst v63  }
0x481: {  	s8 =	sadd.s32 $0xE598, s11;
	s12 =	sadd.s32 $0x30, s10  }
0x482: {  	[hbm4b:s12+s3] =	stream.linear.scatter [tilespmem:s8], [sflag:$0x5], $0x80, $0x38;
	[tilespmem:$0x19E00] =	vst v63  }
0x483: {  	s8 =	sadd.s32 $0xE620, s11;
	s12 =	sadd.s32 $0x40, s10  }
0x484: {  	[hbm4b:s12+s3] =	stream.linear.scatter [tilespmem:s8], [sflag:$0x5], $0x80, $0x38;
	[tilespmem:$0x19E00] =	vst v63  }
.Ltmp18:
0x485: {  	s8 =	sadd.s32 $0xE6A8, s11;
	s12 =	sadd.s32 $0x50, s10;
	(pc) =	sbr.rel @p0 .LBB2_38-.Ltmp18, $4  }
0x486: {  	[hbm4b:s12+s3] =	stream.linear.scatter [tilespmem:s8], [sflag:$0x5], $0x80, $0x38;
	[tilespmem:$0x19E00] =	vst v63  }
0x487: {  	s8 =	sadd.s32 $0xE730, s11;
	s12 =	sadd.s32 $0x60, s10;
	s11 =	sadd.s32 $0xE7B8, s11  }
0x488: {  	[hbm4b:s12+s3] =	stream.linear.scatter [tilespmem:s8], [sflag:$0x5], $0x80, $0x38;
	[tilespmem:$0x19E00] =	vst v63  }
0x489: {  	s12 =	sadd.s32 $0x70, s10;
	s10 =	sadd.s32 $0x1000, s10;
	s8 =	smov.u32 s13  }
0x48a: {  	[hbm4b:s12+s3] =	stream.linear.scatter [tilespmem:s11], [sflag:$0x5], $0x80, $0x38;
	[tilespmem:$0x19E00] =	vst v63  }
0x48b: {  	s8 =	sadd.s32 $0xE400, s9  }
0x48c: {  	[hbm4b:s10+s3] =	stream.linear.scatter [tilespmem:s8], [sflag:$0x5], $0x80, $0x38;
	[tilespmem:$0x19E00] =	vst v63  }
0x48d: {  	s14 =	sadd.s32 $0xE488, s9;
	s15 =	sadd.s32 $0x10, s10  }
0x48e: {  	[hbm4b:s15+s3] =	stream.linear.scatter [tilespmem:s14], [sflag:$0x5], $0x80, $0x38;
	[tilespmem:$0x19E00] =	vst v63  }
0x48f: {  	s16 =	sadd.s32 $0xE510, s9;
	s19 =	sadd.s32 $0x20, s10  }
0x490: {  	[hbm4b:s19+s3] =	stream.linear.scatter [tilespmem:s16], [sflag:$0x5], $0x80, $0x38;
	[tilespmem:$0x19E00] =	vst v63  }
0x491: {  	s22 =	sadd.s32 $0xE598, s9;
	s23 =	sadd.s32 $0x30, s10  }
0x492: {  	[hbm4b:s23+s3] =	stream.linear.scatter [tilespmem:s22], [sflag:$0x5], $0x80, $0x38;
	[tilespmem:$0x19E00] =	vst v63  }
0x493: {  	s12 =	sadd.s32 $0xE620, s9;
	s13 =	sadd.s32 $0x40, s10  }
0x494: {  	[hbm4b:s13+s3] =	stream.linear.scatter [tilespmem:s12], [sflag:$0x5], $0x80, $0x38;
	[tilespmem:$0x19E00] =	vst v63  }
0x495: {  	s14 =	sadd.s32 $0xE6A8, s9;
	s15 =	sadd.s32 $0x50, s10  }
0x496: {  	[hbm4b:s15+s3] =	stream.linear.scatter [tilespmem:s14], [sflag:$0x5], $0x80, $0x38;
	[tilespmem:$0x19E00] =	vst v63  }
0x497: {  	s16 =	sadd.s32 $0xE730, s9;
	s19 =	sadd.s32 $0x60, s10  }
0x498: {  	[hbm4b:s19+s3] =	stream.linear.scatter [tilespmem:s16], [sflag:$0x5], $0x80, $0x38;
	[tilespmem:$0x19E00] =	vst v63  }
0x499: {  	s22 =	sadd.s32 $0xE7B8, s9;
	s23 =	sadd.s32 $0x70, s10  }
0x49a: {  	[hbm4b:s23+s3] =	stream.linear.scatter [tilespmem:s22], [sflag:$0x5], $0x80, $0x38;
	[tilespmem:$0x19E00] =	vst v63  }
0x49b: {  	_ =	swait.ge [sflag:s0], $0x2000  }
0x49c: {  	[sflag:s0] =	ssyncset.done $0x0  }
0x49d: {  	[sflag:s0] =	ssyncadd.s32 $0xFFFFE000  }
0x49e: {  	_ =	swait.ge [sflag:s24], $0x2000  }
0x49f: {  	[sflag:s24] =	ssyncset.done $0x0  }
0x4a0: {  	[sflag:s24] =	ssyncadd.s32 $0xFFFFE000  }
0x4a1: {  	s10 =	simm.s32 $0x1;
	s12 =	simm.s32 $0x8470;
	v9 =	vld [tilespmem:$0x19D40]  }
0x4a2: {  	v4 =	vmov s10;
	v6 =	vld [tilespmem:s12+$0xFFFFFFD0]  }
0x4a3: {  	v14 =	vand.u32 $0x7F, v4  }
0x4a4: {  	v8 =	vadd.s32 v0, v14  }
0x4a5: {  	s11 =	simm.s32 $0x0;
	v7 =	vld [tilespmem:$0x19D50]  }
0x4a6: {  	v4 =	vmov s11;
	v10 =	vld [tilespmem:s12+$0xFFFFFF90]  }
0x4a7: {  	v18 =	vand.u32 $0x7E, v4;
	v5 =	vld [tilespmem:$0x19D60];
	v6 =	vadd.f32 v6, v9  }
0x4a8: {  	s9 =	simm.s32 $0x84F0;
	s13 =	simm.s32 $0x3;
	v11 =	vadd.s32 v0, v18;
	v4 =	vld [tilespmem:$0x19D70]  }
0x4a9: {  	v12 =	vld [tilespmem:s9+$0xFFFFFFD0];
	[tilespmem:v8+s2+$0x0] =	vst.idx.msk $0xffff, v6;
	v6 =	vmov s13  }
0x4aa: {  	v6 =	vand.u32 $0x7F, v6;
	v13 =	vld [tilespmem:s12+$0xFFFFFFE0]  }
0x4ab: {  	v8 =	vadd.f32 v10, v9;
	v10 =	vadd.s32 v0, v6  }
0x4ac: {  	v15 =	vadd.s32 v1, v14;
	s14 =	simm.s32 $0x2  }
0x4ad: {  	[tilespmem:v11+s2+$0x0] =	vst.idx.msk $0xffff, v8;
	v8 =	vmov s14;
	v11 =	vld [tilespmem:s9+$0xFFFFFF90]  }
0x4ae: {  	v12 =	vadd.f32 v12, v9;
	v8 =	vand.u32 $0x7E, v8;
	v16 =	vld [tilespmem:s12+$0xFFFFFFA0]  }
0x4af: {  	s10 =	simm.s32 $0x8570;
	s15 =	simm.s32 $0x5;
	v17 =	vadd.s32 v0, v8;
	v13 =	vadd.f32 v13, v7  }
0x4b0: {  	v19 =	vld [tilespmem:s10+$0xFFFFFFD0];
	[tilespmem:v10+s2+$0x0] =	vst.idx.msk $0xffff, v12;
	v12 =	vadd.s32 v1, v18;
	v10 =	vmov s15  }
0x4b1: {  	[tilespmem:v15+s2+$0x0] =	vst.idx.msk $0xffff, v13;
	v10 =	vand.u32 $0x7F, v10;
	v13 =	vld [tilespmem:s9+$0xFFFFFFE0]  }
0x4b2: {  	v11 =	vadd.f32 v11, v9;
	v15 =	vadd.s32 v0, v10;
	v20 =	vld [tilespmem:s12+$0xFFFFFFF0]  }
0x4b3: {  	s16 =	simm.s32 $0x4;
	v21 =	vadd.s32 v1, v6;
	v16 =	vadd.f32 v16, v7  }
0x4b4: {  	v22 =	vadd.s32 v2, v14;
	[tilespmem:v17+s2+$0x0] =	vst.idx.msk $0xffff, v11;
	v11 =	vmov s16;
	v17 =	vld [tilespmem:s10+$0xFFFFFF90]  }
0x4b5: {  	v11 =	vand.u32 $0x7E, v11;
	[tilespmem:v12+s2+$0x0] =	vst.idx.msk $0xffff, v16;
	v12 =	vadd.f32 v19, v9;
	v16 =	vld [tilespmem:s9+$0xFFFFFFA0]  }
0x4b6: {  	s11 =	simm.s32 $0x85F0;
	s19 =	simm.s32 $0x7;
	v19 =	vadd.s32 v0, v11;
	v13 =	vadd.f32 v13, v7;
	v23 =	vld [tilespmem:s12+$0xFFFFFFB0]  }
0x4b7: {  	v24 =	vld [tilespmem:s11+$0xFFFFFFD0];
	[tilespmem:v15+s2+$0x0] =	vst.idx.msk $0xffff, v12;
	v15 =	vadd.s32 v1, v8;
	v20 =	vadd.f32 v20, v5;
	v12 =	vmov s19  }
0x4b8: {  	[tilespmem:v21+s2+$0x0] =	vst.idx.msk $0xffff, v13;
	v21 =	vadd.s32 v2, v18;
	v12 =	vand.u32 $0x7F, v12;
	v25 =	vld [tilespmem:s10+$0xFFFFFFE0]  }
0x4b9: {  	v13 =	vadd.f32 v17, v9;
	[tilespmem:v22+s2+$0x0] =	vst.idx.msk $0xffff, v20;
	v17 =	vadd.s32 v0, v12;
	v20 =	vld [tilespmem:s9+$0xFFFFFFF0]  }
0x4ba: {  	s22 =	simm.s32 $0x6;
	v26 =	vadd.s32 v1, v10;
	v16 =	vadd.f32 v16, v7;
	v27 =	vld [tilespmem:s12+$0x0]  }
0x4bb: {  	v28 =	vadd.s32 v2, v6;
	[tilespmem:v19+s2+$0x0] =	vst.idx.msk $0xffff, v13;
	v13 =	vmov s22;
	v19 =	vadd.f32 v23, v5;
	v23 =	vld [tilespmem:s11+$0xFFFFFF90]  }
0x4bc: {  	v30 =	vadd.s32 v3, v14;
	v13 =	vand.u32 $0x7E, v13;
	v29 =	vld [tilespmem:s10+$0xFFFFFFA0];
	[tilespmem:v15+s2+$0x0] =	vst.idx.msk $0xffff, v16;
	v16 =	vadd.f32 v24, v9  }
0x4bd: {  	[tilespmem:v21+s2+$0x0] =	vst.idx.msk $0xffff, v19;
	v21 =	vadd.s32 v0, v13;
	v14 =	vadd.f32 v25, v7;
	v15 =	vld [tilespmem:s9+$0xFFFFFFB0]  }
0x4be: {  	s23 =	simm.s32 $0x9;
	s13 =	simm.s32 $0x8670;
	v19 =	vadd.s32 v1, v11;
	[tilespmem:v17+s2+$0x0] =	vst.idx.msk $0xffff, v16;
	v20 =	vadd.f32 v20, v5;
	v16 =	vld [tilespmem:s12+$0xFFFFFFC0]  }
0x4bf: {  	v22 =	vld [tilespmem:s13+$0xFFFFFFD0];
	v24 =	vmov s23;
	v17 =	vadd.s32 v2, v8;
	[tilespmem:v26+s2+$0x0] =	vst.idx.msk $0xffff, v14;
	v27 =	vadd.f32 v27, v4  }
0x4c0: {  	v18 =	vadd.s32 v3, v18;
	v14 =	vand.u32 $0x7F, v24;
	v26 =	vadd.f32 v23, v9;
	v23 =	vld [tilespmem:s11+$0xFFFFFFE0];
	[tilespmem:v28+s2+$0x0] =	vst.idx.msk $0xffff, v20  }
0x4c1: {  	s8 =	simm.s32 $0xA;
	s14 =	simm.s32 $0x8;
	s12 =	simm.s32 $0x8670;
	v24 =	vadd.s32 v0, v14;
	v25 =	vadd.f32 v29, v7;
	v20 =	vld [tilespmem:s10+$0xFFFFFFF0];
	[tilespmem:v30+s2+$0x0] =	vst.idx.msk $0xffff, v27  }
.LBB2_40:
0x4c2: {  	p0 =	slt.u32 s8, $0x7E;
	[tilespmem:v21+s2+$0x0] =	vst.idx.msk $0xffff, v26;
	v26 =	vadd.s32 v1, v12;
	v15 =	vadd.f32 v15, v5;
	v27 =	vld [tilespmem:s9+$0x0];
	v28 =	vmov v11  }
0x4c3: {  	v21 =	vmov s14;
	v11 =	vmovc v13;
	s14 =	smov.u32 s8;
	v29 =	vld [tilespmem:s13+$0xFFFFFF90];
	[tilespmem:v19+s2+$0x0] =	vst.idx.msk $0xffff, v25;
	v25 =	vadd.s32 v2, v10;
	v16 =	vadd.f32 v16, v4  }
0x4c4: {  	v31 =	vadd.s32 v3, v6;
	v13 =	vand.u32 $0x7E, v21;
	v19 =	vadd.f32 v22, v9;
	v30 =	vld [tilespmem:s11+$0xFFFFFFA0];
	[tilespmem:v17+s2+$0x0] =	vst.idx.msk $0xffff, v15  }
.Ltmp19:
0x4c5: {  	v6 =	vmov v10;
	v21 =	vadd.s32 v0, v13;
	v17 =	vadd.f32 v23, v7;
	v15 =	vld [tilespmem:s10+$0xFFFFFFB0];
	[tilespmem:v18+s2+$0x0] =	vst.idx.msk $0xffff, v16;
	(pc) =	sbr.rel @p0 .LBB2_40-.Ltmp19, $4  }
0x4c6: {  	s15 =	sadd.s32 $0x1, s8;
	s13 =	sadd.s32 $0x80, s13;
	v10 =	vmov v12;
	[tilespmem:v24+s2+$0x0] =	vst.idx.msk $0xffff, v19;
	v19 =	vadd.s32 v1, v11;
	v18 =	vadd.f32 v20, v5;
	v16 =	vld [tilespmem:s9+$0xFFFFFFC0];
	s9 =	smov.u32 s10  }
0x4c7: {  	v12 =	vmovc v14;
	v20 =	vmov s15;
	s10 =	smov.u32 s11;
	s11 =	smov.u32 s12;
	s12 =	smov.u32 s13;
	v22 =	vld [tilespmem:s13+$0xFFFFFFD0];
	[tilespmem:v26+s2+$0x0] =	vst.idx.msk $0xffff, v17;
	v17 =	vadd.s32 v2, v28;
	v27 =	vadd.f32 v27, v4  }
0x4c8: {  	v14 =	vand.u32 $0x7F, v20;
	v26 =	vadd.f32 v29, v9;
	v23 =	vld [tilespmem:s11+$0xFFFFFFE0];
	[tilespmem:v25+s2+$0x0] =	vst.idx.msk $0xffff, v18;
	v18 =	vadd.s32 v3, v8  }
0x4c9: {  	s8 =	sadd.s32 $0x2, s8;
	v24 =	vadd.s32 v0, v14;
	v8 =	vmov v28;
	v25 =	vadd.f32 v30, v7;
	v20 =	vld [tilespmem:s10+$0xFFFFFFF0];
	[tilespmem:v31+s2+$0x0] =	vst.idx.msk $0xffff, v27  }
0x4ca: {  	v27 =	vmov s14;
	v28 =	vld [tilespmem:s13+$0xFFFFFF90]  }
0x4cb: {  	v27 =	vand.u32 $0x7E, v27  }
0x4cc: {  	v29 =	vadd.s32 v0, v27;
	_ =	sdelay $0x1  }
0x4cd: {  	v22 =	vadd.f32 v22, v9  }
0x4ce: {  	[tilespmem:v21+s2+$0x0] =	vst.idx.msk $0xffff, v26;
	v57 =	vadd.f32 v28, v9  }
0x4cf: {  	v21 =	vld [tilespmem:s11+$0xFFFFFFA0];
	[tilespmem:v24+s2+$0x0] =	vst.idx.msk $0xffff, v22  }
0x4d0: {  	v58 =	vadd.s32 v1, v12;
	v24 =	vld [tilespmem:s12+$0xFFFFFFE0];
	[tilespmem:v29+s2+$0x0] =	vst.idx.msk $0xffff, v57  }
0x4d1: {  	v59 =	vadd.s32 v1, v13;
	v60 =	vld [tilespmem:s12+$0xFFFFFFA0]  }
0x4d2: {  	v61 =	vadd.s32 v1, v14  }
0x4d3: {  	v62 =	vadd.s32 v1, v27;
	v23 =	vadd.f32 v23, v7  }
0x4d4: {  	[tilespmem:v19+s2+$0x0] =	vst.idx.msk $0xffff, v25;
	v63 =	vadd.f32 v21, v7  }
0x4d5: {  	v30 =	vld [tilespmem:s10+$0xFFFFFFB0];
	[tilespmem:v58+s2+$0x0] =	vst.idx.msk $0xffff, v23;
	v31 =	vadd.f32 v24, v7  }
0x4d6: {  	v32 =	vadd.s32 v2, v10;
	v33 =	vld [tilespmem:s11+$0xFFFFFFF0];
	[tilespmem:v59+s2+$0x0] =	vst.idx.msk $0xffff, v63;
	v34 =	vadd.f32 v60, v7  }
0x4d7: {  	v35 =	vadd.f32 v15, v5;
	v36 =	vadd.s32 v2, v11;
	v19 =	vld [tilespmem:s11+$0xFFFFFFB0];
	[tilespmem:v61+s2+$0x0] =	vst.idx.msk $0xffff, v31  }
0x4d8: {  	v37 =	vadd.s32 v2, v12;
	v16 =	vadd.f32 v16, v4;
	v38 =	vld [tilespmem:s12+$0xFFFFFFF0];
	[tilespmem:v62+s2+$0x0] =	vst.idx.msk $0xffff, v34  }
0x4d9: {  	v40 =	vadd.s32 v2, v13;
	[tilespmem:v17+s2+$0x0] =	vst.idx.msk $0xffff, v35;
	v39 =	vadd.f32 v20, v5;
	v41 =	vld [tilespmem:s12+$0xFFFFFFB0]  }
0x4da: {  	v42 =	vld [tilespmem:s9+$0x0];
	v44 =	vadd.s32 v2, v14;
	[tilespmem:v18+s2+$0x0] =	vst.idx.msk $0xffff, v16;
	v43 =	vadd.f32 v30, v5  }
0x4db: {  	v47 =	vadd.s32 v2, v27;
	v45 =	vld [tilespmem:s9+$0xFFFFFFC0];
	[tilespmem:v32+s2+$0x0] =	vst.idx.msk $0xffff, v39;
	v46 =	vadd.f32 v33, v5  }
0x4dc: {  	v6 =	vadd.s32 v3, v6;
	v48 =	vld [tilespmem:s10+$0x0];
	[tilespmem:v36+s2+$0x0] =	vst.idx.msk $0xffff, v43;
	v49 =	vadd.f32 v19, v5  }
0x4dd: {  	v8 =	vadd.s32 v3, v8;
	v16 =	vld [tilespmem:s10+$0xFFFFFFC0];
	[tilespmem:v37+s2+$0x0] =	vst.idx.msk $0xffff, v46;
	v50 =	vadd.f32 v38, v5  }
0x4de: {  	v51 =	vadd.s32 v3, v10;
	v52 =	vld [tilespmem:s11+$0x0];
	[tilespmem:v40+s2+$0x0] =	vst.idx.msk $0xffff, v49;
	v5 =	vadd.f32 v41, v5  }
0x4df: {  	v54 =	vadd.s32 v3, v11;
	v53 =	vadd.f32 v42, v4;
	v15 =	vld [tilespmem:s11+$0xFFFFFFC0];
	[tilespmem:v44+s2+$0x0] =	vst.idx.msk $0xffff, v50  }
0x4e0: {  	v56 =	vadd.s32 v3, v12;
	v55 =	vadd.f32 v45, v4;
	v57 =	vld [tilespmem:s12+$0x0];
	[tilespmem:v47+s2+$0x0] =	vst.idx.msk $0xffff, v5  }
0x4e1: {  	v58 =	vadd.s32 v3, v13;
	[tilespmem:v6+s2+$0x0] =	vst.idx.msk $0xffff, v53;
	v5 =	vadd.f32 v48, v4;
	v59 =	vld [tilespmem:s12+$0xFFFFFFC0]  }
0x4e2: {  	[tilespmem:v8+s2+$0x0] =	vst.idx.msk $0xffff, v55;
	v61 =	vadd.s32 v3, v14;
	v60 =	vadd.f32 v16, v4  }
0x4e3: {  	v62 =	vadd.s32 v3, v27;
	[tilespmem:v51+s2+$0x0] =	vst.idx.msk $0xffff, v5;
	v5 =	vadd.f32 v52, v4  }
0x4e4: {  	[tilespmem:v54+s2+$0x0] =	vst.idx.msk $0xffff, v60;
	v63 =	vadd.f32 v15, v4  }
0x4e5: {  	[tilespmem:v56+s2+$0x0] =	vst.idx.msk $0xffff, v5;
	v5 =	vadd.f32 v57, v4  }
0x4e6: {  	[tilespmem:v58+s2+$0x0] =	vst.idx.msk $0xffff, v63;
	v4 =	vadd.f32 v59, v4  }
0x4e7: {  	[tilespmem:v61+s2+$0x0] =	vst.idx.msk $0xffff, v5  }
0x4e8: {  	[tilespmem:v62+s2+$0x0] =	vst.idx.msk $0xffff, v4  }
0x4e9: {  	s8 =	simm.s32 $0x10600;
	s10 =	rddreg [dreg:$0xb]  }
0x4ea: {  	[hbm4b:s10+s3] =	stream.linear.scatter [tilespmem:s8], [sflag:$0x6], $0x80, $0x38;
	[tilespmem:$0x19E00] =	vst v63  }
0x4eb: {  	s22 =	simm.s32 $0x10688;
	s23 =	sadd.s32 $0x10, s10  }
0x4ec: {  	[hbm4b:s23+s3] =	stream.linear.scatter [tilespmem:s22], [sflag:$0x6], $0x80, $0x38;
	[tilespmem:$0x19E00] =	vst v63  }
0x4ed: {  	s14 =	simm.s32 $0x10820;
	s9 =	simm.s32 $0x10710;
	s11 =	sadd.s32 $0x20, s10  }
0x4ee: {  	[hbm4b:s11+s3] =	stream.linear.scatter [tilespmem:s9], [sflag:$0x6], $0x80, $0x38;
	[tilespmem:$0x19E00] =	vst v63  }
0x4ef: {  	s16 =	simm.s32 $0x108A8;
	s12 =	simm.s32 $0x10798;
	s13 =	sadd.s32 $0x30, s10  }
0x4f0: {  	[hbm4b:s13+s3] =	stream.linear.scatter [tilespmem:s12], [sflag:$0x6], $0x80, $0x38;
	[tilespmem:$0x19E00] =	vst v63  }
0x4f1: {  	s15 =	sadd.s32 $0x40, s10;
	s19 =	sadd.s32 $0x50, s10;
	s8 =	simm.s32 $0x2200  }
0x4f2: {  	[hbm4b:s15+s3] =	stream.linear.scatter [tilespmem:s14], [sflag:$0x6], $0x80, $0x38;
	[tilespmem:$0x19E00] =	vst v63  }
0x4f3: {  	s22 =	simm.s32 $0x10930;
	s23 =	sadd.s32 $0x60, s10;
	s9 =	simm.s32 $0x440  }
0x4f4: {  	[hbm4b:s19+s3] =	stream.linear.scatter [tilespmem:s16], [sflag:$0x6], $0x80, $0x38;
	[tilespmem:$0x19E00] =	vst v63  }
0x4f5: {  	s11 =	simm.s32 $0x109B8;
	s12 =	sadd.s32 $0x70, s10;
	s10 =	sadd.s32 $0x1000, s10  }
0x4f6: {  	[hbm4b:s23+s3] =	stream.linear.scatter [tilespmem:s22], [sflag:$0x6], $0x80, $0x38;
	[tilespmem:$0x19E00] =	vst v63  }
.LBB2_42:
0x4f7: {  	[hbm4b:s12+s3] =	stream.linear.scatter [tilespmem:s11], [sflag:$0x6], $0x80, $0x38;
	[tilespmem:$0x19E00] =	vst v63  }
0x4f8: {  	s11 =	smov.u32 s9;
	s9 =	smov.u32 s8  }
0x4f9: {  	s13 =	sadd.s32 $0x1100, s8;
	s9 =	sshra.s32 s9, $0x2;
	s12 =	sadd.s32 $0x10600, s11  }
0x4fa: {  	[hbm4b:s10+s3] =	stream.linear.scatter [tilespmem:s12], [sflag:$0x6], $0x80, $0x38;
	[tilespmem:$0x19E00] =	vst v63  }
0x4fb: {  	p0 =	sne.s32 s8, $0x7700;
	s8 =	sadd.s32 $0x10688, s11;
	s12 =	sadd.s32 $0x10, s10  }
0x4fc: {  	[hbm4b:s12+s3] =	stream.linear.scatter [tilespmem:s8], [sflag:$0x6], $0x80, $0x38;
	[tilespmem:$0x19E00] =	vst v63  }
0x4fd: {  	s8 =	sadd.s32 $0x10710, s11;
	s12 =	sadd.s32 $0x20, s10  }
0x4fe: {  	[hbm4b:s12+s3] =	stream.linear.scatter [tilespmem:s8], [sflag:$0x6], $0x80, $0x38;
	[tilespmem:$0x19E00] =	vst v63  }
0x4ff: {  	s8 =	sadd.s32 $0x10798, s11;
	s12 =	sadd.s32 $0x30, s10  }
0x500: {  	[hbm4b:s12+s3] =	stream.linear.scatter [tilespmem:s8], [sflag:$0x6], $0x80, $0x38;
	[tilespmem:$0x19E00] =	vst v63  }
0x501: {  	s8 =	sadd.s32 $0x10820, s11;
	s12 =	sadd.s32 $0x40, s10  }
0x502: {  	[hbm4b:s12+s3] =	stream.linear.scatter [tilespmem:s8], [sflag:$0x6], $0x80, $0x38;
	[tilespmem:$0x19E00] =	vst v63  }
.Ltmp20:
0x503: {  	s8 =	sadd.s32 $0x108A8, s11;
	s12 =	sadd.s32 $0x50, s10;
	(pc) =	sbr.rel @p0 .LBB2_42-.Ltmp20, $4  }
0x504: {  	[hbm4b:s12+s3] =	stream.linear.scatter [tilespmem:s8], [sflag:$0x6], $0x80, $0x38;
	[tilespmem:$0x19E00] =	vst v63  }
0x505: {  	s8 =	sadd.s32 $0x10930, s11;
	s12 =	sadd.s32 $0x60, s10;
	s11 =	sadd.s32 $0x109B8, s11  }
0x506: {  	[hbm4b:s12+s3] =	stream.linear.scatter [tilespmem:s8], [sflag:$0x6], $0x80, $0x38;
	[tilespmem:$0x19E00] =	vst v63  }
0x507: {  	s12 =	sadd.s32 $0x70, s10;
	s10 =	sadd.s32 $0x1000, s10;
	s8 =	smov.u32 s13  }
0x508: {  	[hbm4b:s12+s3] =	stream.linear.scatter [tilespmem:s11], [sflag:$0x6], $0x80, $0x38;
	[tilespmem:$0x19E00] =	vst v63  }
0x509: {  	s8 =	sadd.s32 $0x10600, s9  }
0x50a: {  	[hbm4b:s10+s3] =	stream.linear.scatter [tilespmem:s8], [sflag:$0x6], $0x80, $0x38;
	[tilespmem:$0x19E00] =	vst v63  }
0x50b: {  	s14 =	sadd.s32 $0x10688, s9;
	s15 =	sadd.s32 $0x10, s10  }
0x50c: {  	[hbm4b:s15+s3] =	stream.linear.scatter [tilespmem:s14], [sflag:$0x6], $0x80, $0x38;
	[tilespmem:$0x19E00] =	vst v63  }
0x50d: {  	s16 =	sadd.s32 $0x10710, s9;
	s19 =	sadd.s32 $0x20, s10  }
0x50e: {  	[hbm4b:s19+s3] =	stream.linear.scatter [tilespmem:s16], [sflag:$0x6], $0x80, $0x38;
	[tilespmem:$0x19E00] =	vst v63  }
0x50f: {  	s22 =	sadd.s32 $0x10798, s9;
	s23 =	sadd.s32 $0x30, s10  }
0x510: {  	[hbm4b:s23+s3] =	stream.linear.scatter [tilespmem:s22], [sflag:$0x6], $0x80, $0x38;
	[tilespmem:$0x19E00] =	vst v63  }
0x511: {  	s12 =	sadd.s32 $0x10820, s9;
	s13 =	sadd.s32 $0x40, s10  }
0x512: {  	[hbm4b:s13+s3] =	stream.linear.scatter [tilespmem:s12], [sflag:$0x6], $0x80, $0x38;
	[tilespmem:$0x19E00] =	vst v63  }
0x513: {  	s14 =	sadd.s32 $0x108A8, s9;
	s15 =	sadd.s32 $0x50, s10  }
0x514: {  	[hbm4b:s15+s3] =	stream.linear.scatter [tilespmem:s14], [sflag:$0x6], $0x80, $0x38;
	[tilespmem:$0x19E00] =	vst v63  }
0x515: {  	s16 =	sadd.s32 $0x10930, s9;
	s19 =	sadd.s32 $0x60, s10  }
0x516: {  	[hbm4b:s19+s3] =	stream.linear.scatter [tilespmem:s16], [sflag:$0x6], $0x80, $0x38;
	[tilespmem:$0x19E00] =	vst v63  }
0x517: {  	s22 =	sadd.s32 $0x109B8, s9;
	s23 =	sadd.s32 $0x70, s10  }
0x518: {  	[hbm4b:s23+s3] =	stream.linear.scatter [tilespmem:s22], [sflag:$0x6], $0x80, $0x38;
	[tilespmem:$0x19E00] =	vst v63  }
0x519: {  	_ =	swait.ge [sflag:s18], $0x2000  }
0x51a: {  	[sflag:s18] =	ssyncset.done $0x0  }
0x51b: {  	[sflag:s18] =	ssyncadd.s32 $0xFFFFE000  }
0x51c: {  	_ =	swait.ge [sflag:s6], $0x2000  }
0x51d: {  	[sflag:s6] =	ssyncset.done $0x0  }
0x51e: {  	[sflag:s6] =	ssyncadd.s32 $0xFFFFE000  }
0x51f: {  	s10 =	simm.s32 $0x1;
	s12 =	simm.s32 $0xA470;
	v9 =	vld [tilespmem:$0x19D80]  }
0x520: {  	v4 =	vmov s10;
	v6 =	vld [tilespmem:s12+$0xFFFFFFD0]  }
0x521: {  	v14 =	vand.u32 $0x7F, v4  }
0x522: {  	v8 =	vadd.s32 v0, v14  }
0x523: {  	s11 =	simm.s32 $0x0;
	v7 =	vld [tilespmem:$0x19D90]  }
0x524: {  	v4 =	vmov s11;
	v10 =	vld [tilespmem:s12+$0xFFFFFF90]  }
0x525: {  	v18 =	vand.u32 $0x7E, v4;
	v5 =	vld [tilespmem:$0x19DA0];
	v6 =	vadd.f32 v6, v9  }
0x526: {  	s9 =	simm.s32 $0xA4F0;
	s13 =	simm.s32 $0x3;
	v11 =	vadd.s32 v0, v18;
	v4 =	vld [tilespmem:$0x19DB0]  }
0x527: {  	v12 =	vld [tilespmem:s9+$0xFFFFFFD0];
	[tilespmem:v8+s20+$0x0] =	vst.idx.msk $0xffff, v6;
	v6 =	vmov s13  }
0x528: {  	v6 =	vand.u32 $0x7F, v6;
	v13 =	vld [tilespmem:s12+$0xFFFFFFE0]  }
0x529: {  	v8 =	vadd.f32 v10, v9;
	v10 =	vadd.s32 v0, v6  }
0x52a: {  	v15 =	vadd.s32 v1, v14;
	s14 =	simm.s32 $0x2  }
0x52b: {  	[tilespmem:v11+s20+$0x0] =	vst.idx.msk $0xffff, v8;
	v8 =	vmov s14;
	v11 =	vld [tilespmem:s9+$0xFFFFFF90]  }
0x52c: {  	v12 =	vadd.f32 v12, v9;
	v8 =	vand.u32 $0x7E, v8;
	v16 =	vld [tilespmem:s12+$0xFFFFFFA0]  }
0x52d: {  	s10 =	simm.s32 $0xA570;
	s15 =	simm.s32 $0x5;
	v17 =	vadd.s32 v0, v8;
	v13 =	vadd.f32 v13, v7  }
0x52e: {  	v19 =	vld [tilespmem:s10+$0xFFFFFFD0];
	[tilespmem:v10+s20+$0x0] =	vst.idx.msk $0xffff, v12;
	v12 =	vadd.s32 v1, v18;
	v10 =	vmov s15  }
0x52f: {  	[tilespmem:v15+s20+$0x0] =	vst.idx.msk $0xffff, v13;
	v10 =	vand.u32 $0x7F, v10;
	v13 =	vld [tilespmem:s9+$0xFFFFFFE0]  }
0x530: {  	v11 =	vadd.f32 v11, v9;
	v15 =	vadd.s32 v0, v10;
	v20 =	vld [tilespmem:s12+$0xFFFFFFF0]  }
0x531: {  	s16 =	simm.s32 $0x4;
	v21 =	vadd.s32 v1, v6;
	v16 =	vadd.f32 v16, v7  }
0x532: {  	v22 =	vadd.s32 v2, v14;
	[tilespmem:v17+s20+$0x0] =	vst.idx.msk $0xffff, v11;
	v11 =	vmov s16;
	v17 =	vld [tilespmem:s10+$0xFFFFFF90]  }
0x533: {  	v11 =	vand.u32 $0x7E, v11;
	[tilespmem:v12+s20+$0x0] =	vst.idx.msk $0xffff, v16;
	v12 =	vadd.f32 v19, v9;
	v16 =	vld [tilespmem:s9+$0xFFFFFFA0]  }
0x534: {  	s11 =	simm.s32 $0xA5F0;
	s19 =	simm.s32 $0x7;
	v19 =	vadd.s32 v0, v11;
	v13 =	vadd.f32 v13, v7;
	v23 =	vld [tilespmem:s12+$0xFFFFFFB0]  }
0x535: {  	v24 =	vld [tilespmem:s11+$0xFFFFFFD0];
	[tilespmem:v15+s20+$0x0] =	vst.idx.msk $0xffff, v12;
	v15 =	vadd.s32 v1, v8;
	v20 =	vadd.f32 v20, v5;
	v12 =	vmov s19  }
0x536: {  	[tilespmem:v21+s20+$0x0] =	vst.idx.msk $0xffff, v13;
	v21 =	vadd.s32 v2, v18;
	v12 =	vand.u32 $0x7F, v12;
	v25 =	vld [tilespmem:s10+$0xFFFFFFE0]  }
0x537: {  	v13 =	vadd.f32 v17, v9;
	[tilespmem:v22+s20+$0x0] =	vst.idx.msk $0xffff, v20;
	v17 =	vadd.s32 v0, v12;
	v20 =	vld [tilespmem:s9+$0xFFFFFFF0]  }
0x538: {  	s22 =	simm.s32 $0x6;
	v26 =	vadd.s32 v1, v10;
	v16 =	vadd.f32 v16, v7;
	v27 =	vld [tilespmem:s12+$0x0]  }
0x539: {  	v28 =	vadd.s32 v2, v6;
	[tilespmem:v19+s20+$0x0] =	vst.idx.msk $0xffff, v13;
	v13 =	vmov s22;
	v19 =	vadd.f32 v23, v5;
	v23 =	vld [tilespmem:s11+$0xFFFFFF90]  }
0x53a: {  	v30 =	vadd.s32 v3, v14;
	v13 =	vand.u32 $0x7E, v13;
	v29 =	vld [tilespmem:s10+$0xFFFFFFA0];
	[tilespmem:v15+s20+$0x0] =	vst.idx.msk $0xffff, v16;
	v16 =	vadd.f32 v24, v9  }
0x53b: {  	[tilespmem:v21+s20+$0x0] =	vst.idx.msk $0xffff, v19;
	v21 =	vadd.s32 v0, v13;
	v14 =	vadd.f32 v25, v7;
	v15 =	vld [tilespmem:s9+$0xFFFFFFB0]  }
0x53c: {  	s23 =	simm.s32 $0x9;
	s13 =	simm.s32 $0xA670;
	v19 =	vadd.s32 v1, v11;
	[tilespmem:v17+s20+$0x0] =	vst.idx.msk $0xffff, v16;
	v20 =	vadd.f32 v20, v5;
	v16 =	vld [tilespmem:s12+$0xFFFFFFC0]  }
0x53d: {  	v22 =	vld [tilespmem:s13+$0xFFFFFFD0];
	v24 =	vmov s23;
	v17 =	vadd.s32 v2, v8;
	[tilespmem:v26+s20+$0x0] =	vst.idx.msk $0xffff, v14;
	v27 =	vadd.f32 v27, v4  }
0x53e: {  	v18 =	vadd.s32 v3, v18;
	v14 =	vand.u32 $0x7F, v24;
	v26 =	vadd.f32 v23, v9;
	v23 =	vld [tilespmem:s11+$0xFFFFFFE0];
	[tilespmem:v28+s20+$0x0] =	vst.idx.msk $0xffff, v20  }
0x53f: {  	s8 =	simm.s32 $0xA;
	s14 =	simm.s32 $0x8;
	s12 =	simm.s32 $0xA670;
	v24 =	vadd.s32 v0, v14;
	v25 =	vadd.f32 v29, v7;
	v20 =	vld [tilespmem:s10+$0xFFFFFFF0];
	[tilespmem:v30+s20+$0x0] =	vst.idx.msk $0xffff, v27  }
.LBB2_44:
0x540: {  	p0 =	slt.u32 s8, $0x7E;
	[tilespmem:v21+s20+$0x0] =	vst.idx.msk $0xffff, v26;
	v26 =	vadd.s32 v1, v12;
	v15 =	vadd.f32 v15, v5;
	v27 =	vld [tilespmem:s9+$0x0];
	v28 =	vmov v11  }
0x541: {  	v21 =	vmov s14;
	v11 =	vmovc v13;
	s14 =	smov.u32 s8;
	v29 =	vld [tilespmem:s13+$0xFFFFFF90];
	[tilespmem:v19+s20+$0x0] =	vst.idx.msk $0xffff, v25;
	v25 =	vadd.s32 v2, v10;
	v16 =	vadd.f32 v16, v4  }
0x542: {  	v31 =	vadd.s32 v3, v6;
	v13 =	vand.u32 $0x7E, v21;
	v19 =	vadd.f32 v22, v9;
	v30 =	vld [tilespmem:s11+$0xFFFFFFA0];
	[tilespmem:v17+s20+$0x0] =	vst.idx.msk $0xffff, v15  }
.Ltmp21:
0x543: {  	v6 =	vmov v10;
	v21 =	vadd.s32 v0, v13;
	v17 =	vadd.f32 v23, v7;
	v15 =	vld [tilespmem:s10+$0xFFFFFFB0];
	[tilespmem:v18+s20+$0x0] =	vst.idx.msk $0xffff, v16;
	(pc) =	sbr.rel @p0 .LBB2_44-.Ltmp21, $4  }
0x544: {  	s15 =	sadd.s32 $0x1, s8;
	s13 =	sadd.s32 $0x80, s13;
	v10 =	vmov v12;
	[tilespmem:v24+s20+$0x0] =	vst.idx.msk $0xffff, v19;
	v19 =	vadd.s32 v1, v11;
	v18 =	vadd.f32 v20, v5;
	v16 =	vld [tilespmem:s9+$0xFFFFFFC0];
	s9 =	smov.u32 s10  }
0x545: {  	v12 =	vmovc v14;
	v20 =	vmov s15;
	s10 =	smov.u32 s11;
	s11 =	smov.u32 s12;
	s12 =	smov.u32 s13;
	v22 =	vld [tilespmem:s13+$0xFFFFFFD0];
	[tilespmem:v26+s20+$0x0] =	vst.idx.msk $0xffff, v17;
	v17 =	vadd.s32 v2, v28;
	v27 =	vadd.f32 v27, v4  }
0x546: {  	v14 =	vand.u32 $0x7F, v20;
	v26 =	vadd.f32 v29, v9;
	v23 =	vld [tilespmem:s11+$0xFFFFFFE0];
	[tilespmem:v25+s20+$0x0] =	vst.idx.msk $0xffff, v18;
	v18 =	vadd.s32 v3, v8  }
0x547: {  	s8 =	sadd.s32 $0x2, s8;
	v24 =	vadd.s32 v0, v14;
	v8 =	vmov v28;
	v25 =	vadd.f32 v30, v7;
	v20 =	vld [tilespmem:s10+$0xFFFFFFF0];
	[tilespmem:v31+s20+$0x0] =	vst.idx.msk $0xffff, v27  }
0x548: {  	v27 =	vmov s14;
	v28 =	vld [tilespmem:s13+$0xFFFFFF90]  }
0x549: {  	v27 =	vand.u32 $0x7E, v27  }
0x54a: {  	v29 =	vadd.s32 v0, v27;
	_ =	sdelay $0x1  }
0x54b: {  	v22 =	vadd.f32 v22, v9  }
0x54c: {  	[tilespmem:v21+s20+$0x0] =	vst.idx.msk $0xffff, v26;
	v57 =	vadd.f32 v28, v9  }
0x54d: {  	v21 =	vld [tilespmem:s11+$0xFFFFFFA0];
	[tilespmem:v24+s20+$0x0] =	vst.idx.msk $0xffff, v22  }
0x54e: {  	v58 =	vadd.s32 v1, v12;
	v24 =	vld [tilespmem:s12+$0xFFFFFFE0];
	[tilespmem:v29+s20+$0x0] =	vst.idx.msk $0xffff, v57  }
0x54f: {  	v59 =	vadd.s32 v1, v13;
	v60 =	vld [tilespmem:s12+$0xFFFFFFA0]  }
0x550: {  	v61 =	vadd.s32 v1, v14  }
0x551: {  	v62 =	vadd.s32 v1, v27;
	v23 =	vadd.f32 v23, v7  }
0x552: {  	[tilespmem:v19+s20+$0x0] =	vst.idx.msk $0xffff, v25;
	v63 =	vadd.f32 v21, v7  }
0x553: {  	v30 =	vld [tilespmem:s10+$0xFFFFFFB0];
	[tilespmem:v58+s20+$0x0] =	vst.idx.msk $0xffff, v23;
	v31 =	vadd.f32 v24, v7  }
0x554: {  	v32 =	vadd.s32 v2, v10;
	v33 =	vld [tilespmem:s11+$0xFFFFFFF0];
	[tilespmem:v59+s20+$0x0] =	vst.idx.msk $0xffff, v63;
	v34 =	vadd.f32 v60, v7  }
0x555: {  	v35 =	vadd.f32 v15, v5;
	v36 =	vadd.s32 v2, v11;
	v19 =	vld [tilespmem:s11+$0xFFFFFFB0];
	[tilespmem:v61+s20+$0x0] =	vst.idx.msk $0xffff, v31  }
0x556: {  	v37 =	vadd.s32 v2, v12;
	v16 =	vadd.f32 v16, v4;
	v38 =	vld [tilespmem:s12+$0xFFFFFFF0];
	[tilespmem:v62+s20+$0x0] =	vst.idx.msk $0xffff, v34  }
0x557: {  	v40 =	vadd.s32 v2, v13;
	[tilespmem:v17+s20+$0x0] =	vst.idx.msk $0xffff, v35;
	v39 =	vadd.f32 v20, v5;
	v41 =	vld [tilespmem:s12+$0xFFFFFFB0]  }
0x558: {  	v42 =	vld [tilespmem:s9+$0x0];
	v44 =	vadd.s32 v2, v14;
	[tilespmem:v18+s20+$0x0] =	vst.idx.msk $0xffff, v16;
	v43 =	vadd.f32 v30, v5  }
0x559: {  	v47 =	vadd.s32 v2, v27;
	v45 =	vld [tilespmem:s9+$0xFFFFFFC0];
	[tilespmem:v32+s20+$0x0] =	vst.idx.msk $0xffff, v39;
	v46 =	vadd.f32 v33, v5  }
0x55a: {  	v6 =	vadd.s32 v3, v6;
	v48 =	vld [tilespmem:s10+$0x0];
	[tilespmem:v36+s20+$0x0] =	vst.idx.msk $0xffff, v43;
	v49 =	vadd.f32 v19, v5  }
0x55b: {  	v8 =	vadd.s32 v3, v8;
	v16 =	vld [tilespmem:s10+$0xFFFFFFC0];
	[tilespmem:v37+s20+$0x0] =	vst.idx.msk $0xffff, v46;
	v50 =	vadd.f32 v38, v5  }
0x55c: {  	v51 =	vadd.s32 v3, v10;
	v52 =	vld [tilespmem:s11+$0x0];
	[tilespmem:v40+s20+$0x0] =	vst.idx.msk $0xffff, v49;
	v5 =	vadd.f32 v41, v5  }
0x55d: {  	v54 =	vadd.s32 v3, v11;
	v53 =	vadd.f32 v42, v4;
	v15 =	vld [tilespmem:s11+$0xFFFFFFC0];
	[tilespmem:v44+s20+$0x0] =	vst.idx.msk $0xffff, v50  }
0x55e: {  	v56 =	vadd.s32 v3, v12;
	v55 =	vadd.f32 v45, v4;
	v57 =	vld [tilespmem:s12+$0x0];
	[tilespmem:v47+s20+$0x0] =	vst.idx.msk $0xffff, v5  }
0x55f: {  	v58 =	vadd.s32 v3, v13;
	[tilespmem:v6+s20+$0x0] =	vst.idx.msk $0xffff, v53;
	v5 =	vadd.f32 v48, v4;
	v59 =	vld [tilespmem:s12+$0xFFFFFFC0]  }
0x560: {  	[tilespmem:v8+s20+$0x0] =	vst.idx.msk $0xffff, v55;
	v61 =	vadd.s32 v3, v14;
	v60 =	vadd.f32 v16, v4  }
0x561: {  	v62 =	vadd.s32 v3, v27;
	[tilespmem:v51+s20+$0x0] =	vst.idx.msk $0xffff, v5;
	v5 =	vadd.f32 v52, v4  }
0x562: {  	[tilespmem:v54+s20+$0x0] =	vst.idx.msk $0xffff, v60;
	v63 =	vadd.f32 v15, v4  }
0x563: {  	[tilespmem:v56+s20+$0x0] =	vst.idx.msk $0xffff, v5;
	v5 =	vadd.f32 v57, v4  }
0x564: {  	[tilespmem:v58+s20+$0x0] =	vst.idx.msk $0xffff, v63;
	v4 =	vadd.f32 v59, v4  }
0x565: {  	[tilespmem:v61+s20+$0x0] =	vst.idx.msk $0xffff, v5  }
0x566: {  	[tilespmem:v62+s20+$0x0] =	vst.idx.msk $0xffff, v4  }
0x567: {  	s8 =	simm.s32 $0x12800;
	s10 =	rddreg [dreg:$0xc]  }
0x568: {  	[hbm4b:s10+s3] =	stream.linear.scatter [tilespmem:s8], [sflag:$0x7], $0x80, $0x38;
	[tilespmem:$0x19E00] =	vst v63  }
0x569: {  	s22 =	simm.s32 $0x12888;
	s23 =	sadd.s32 $0x10, s10  }
0x56a: {  	[hbm4b:s23+s3] =	stream.linear.scatter [tilespmem:s22], [sflag:$0x7], $0x80, $0x38;
	[tilespmem:$0x19E00] =	vst v63  }
0x56b: {  	s14 =	simm.s32 $0x12A20;
	s9 =	simm.s32 $0x12910;
	s11 =	sadd.s32 $0x20, s10  }
0x56c: {  	[hbm4b:s11+s3] =	stream.linear.scatter [tilespmem:s9], [sflag:$0x7], $0x80, $0x38;
	[tilespmem:$0x19E00] =	vst v63  }
0x56d: {  	s16 =	simm.s32 $0x12AA8;
	s12 =	simm.s32 $0x12998;
	s13 =	sadd.s32 $0x30, s10  }
0x56e: {  	[hbm4b:s13+s3] =	stream.linear.scatter [tilespmem:s12], [sflag:$0x7], $0x80, $0x38;
	[tilespmem:$0x19E00] =	vst v63  }
0x56f: {  	s15 =	sadd.s32 $0x40, s10;
	s19 =	sadd.s32 $0x50, s10;
	s8 =	simm.s32 $0x2200  }
0x570: {  	[hbm4b:s15+s3] =	stream.linear.scatter [tilespmem:s14], [sflag:$0x7], $0x80, $0x38;
	[tilespmem:$0x19E00] =	vst v63  }
0x571: {  	s22 =	simm.s32 $0x12B30;
	s23 =	sadd.s32 $0x60, s10;
	s9 =	simm.s32 $0x440  }
0x572: {  	[hbm4b:s19+s3] =	stream.linear.scatter [tilespmem:s16], [sflag:$0x7], $0x80, $0x38;
	[tilespmem:$0x19E00] =	vst v63  }
0x573: {  	s11 =	simm.s32 $0x12BB8;
	s12 =	sadd.s32 $0x70, s10;
	s10 =	sadd.s32 $0x1000, s10  }
0x574: {  	[hbm4b:s23+s3] =	stream.linear.scatter [tilespmem:s22], [sflag:$0x7], $0x80, $0x38;
	[tilespmem:$0x19E00] =	vst v63  }
.LBB2_46:
0x575: {  	[hbm4b:s12+s3] =	stream.linear.scatter [tilespmem:s11], [sflag:$0x7], $0x80, $0x38;
	[tilespmem:$0x19E00] =	vst v63  }
0x576: {  	s11 =	smov.u32 s9;
	s9 =	smov.u32 s8  }
0x577: {  	s13 =	sadd.s32 $0x1100, s8;
	s9 =	sshra.s32 s9, $0x2;
	s12 =	sadd.s32 $0x12800, s11  }
0x578: {  	[hbm4b:s10+s3] =	stream.linear.scatter [tilespmem:s12], [sflag:$0x7], $0x80, $0x38;
	[tilespmem:$0x19E00] =	vst v63  }
0x579: {  	p0 =	sne.s32 s8, $0x7700;
	s8 =	sadd.s32 $0x12888, s11;
	s12 =	sadd.s32 $0x10, s10  }
0x57a: {  	[hbm4b:s12+s3] =	stream.linear.scatter [tilespmem:s8], [sflag:$0x7], $0x80, $0x38;
	[tilespmem:$0x19E00] =	vst v63  }
0x57b: {  	s8 =	sadd.s32 $0x12910, s11;
	s12 =	sadd.s32 $0x20, s10  }
0x57c: {  	[hbm4b:s12+s3] =	stream.linear.scatter [tilespmem:s8], [sflag:$0x7], $0x80, $0x38;
	[tilespmem:$0x19E00] =	vst v63  }
0x57d: {  	s8 =	sadd.s32 $0x12998, s11;
	s12 =	sadd.s32 $0x30, s10  }
0x57e: {  	[hbm4b:s12+s3] =	stream.linear.scatter [tilespmem:s8], [sflag:$0x7], $0x80, $0x38;
	[tilespmem:$0x19E00] =	vst v63  }
0x57f: {  	s8 =	sadd.s32 $0x12A20, s11;
	s12 =	sadd.s32 $0x40, s10  }
0x580: {  	[hbm4b:s12+s3] =	stream.linear.scatter [tilespmem:s8], [sflag:$0x7], $0x80, $0x38;
	[tilespmem:$0x19E00] =	vst v63  }
.Ltmp22:
0x581: {  	s8 =	sadd.s32 $0x12AA8, s11;
	s12 =	sadd.s32 $0x50, s10;
	(pc) =	sbr.rel @p0 .LBB2_46-.Ltmp22, $4  }
0x582: {  	[hbm4b:s12+s3] =	stream.linear.scatter [tilespmem:s8], [sflag:$0x7], $0x80, $0x38;
	[tilespmem:$0x19E00] =	vst v63  }
0x583: {  	s8 =	sadd.s32 $0x12B30, s11;
	s12 =	sadd.s32 $0x60, s10;
	s11 =	sadd.s32 $0x12BB8, s11  }
0x584: {  	[hbm4b:s12+s3] =	stream.linear.scatter [tilespmem:s8], [sflag:$0x7], $0x80, $0x38;
	[tilespmem:$0x19E00] =	vst v63  }
0x585: {  	s12 =	sadd.s32 $0x70, s10;
	s10 =	sadd.s32 $0x1000, s10;
	s8 =	smov.u32 s13  }
0x586: {  	[hbm4b:s12+s3] =	stream.linear.scatter [tilespmem:s11], [sflag:$0x7], $0x80, $0x38;
	[tilespmem:$0x19E00] =	vst v63  }
0x587: {  	s8 =	sadd.s32 $0x12800, s9  }
0x588: {  	[hbm4b:s10+s3] =	stream.linear.scatter [tilespmem:s8], [sflag:$0x7], $0x80, $0x38;
	[tilespmem:$0x19E00] =	vst v63  }
0x589: {  	s14 =	sadd.s32 $0x12888, s9;
	s15 =	sadd.s32 $0x10, s10  }
0x58a: {  	[hbm4b:s15+s3] =	stream.linear.scatter [tilespmem:s14], [sflag:$0x7], $0x80, $0x38;
	[tilespmem:$0x19E00] =	vst v63  }
0x58b: {  	s16 =	sadd.s32 $0x12910, s9;
	s19 =	sadd.s32 $0x20, s10  }
0x58c: {  	[hbm4b:s19+s3] =	stream.linear.scatter [tilespmem:s16], [sflag:$0x7], $0x80, $0x38;
	[tilespmem:$0x19E00] =	vst v63  }
0x58d: {  	s22 =	sadd.s32 $0x12998, s9;
	s23 =	sadd.s32 $0x30, s10  }
0x58e: {  	[hbm4b:s23+s3] =	stream.linear.scatter [tilespmem:s22], [sflag:$0x7], $0x80, $0x38;
	[tilespmem:$0x19E00] =	vst v63  }
0x58f: {  	s12 =	sadd.s32 $0x12A20, s9;
	s13 =	sadd.s32 $0x40, s10  }
0x590: {  	[hbm4b:s13+s3] =	stream.linear.scatter [tilespmem:s12], [sflag:$0x7], $0x80, $0x38;
	[tilespmem:$0x19E00] =	vst v63  }
0x591: {  	s14 =	sadd.s32 $0x12AA8, s9;
	s15 =	sadd.s32 $0x50, s10  }
0x592: {  	[hbm4b:s15+s3] =	stream.linear.scatter [tilespmem:s14], [sflag:$0x7], $0x80, $0x38;
	[tilespmem:$0x19E00] =	vst v63  }
0x593: {  	s16 =	sadd.s32 $0x12B30, s9;
	s19 =	sadd.s32 $0x60, s10  }
0x594: {  	[hbm4b:s19+s3] =	stream.linear.scatter [tilespmem:s16], [sflag:$0x7], $0x80, $0x38;
	[tilespmem:$0x19E00] =	vst v63  }
0x595: {  	s22 =	sadd.s32 $0x12BB8, s9;
	s23 =	sadd.s32 $0x70, s10  }
0x596: {  	[hbm4b:s23+s3] =	stream.linear.scatter [tilespmem:s22], [sflag:$0x7], $0x80, $0x38;
	[tilespmem:$0x19E00] =	vst v63  }
0x597: {  	_ =	swait.ge [sflag:s26], $0x2000  }
0x598: {  	[sflag:s26] =	ssyncset.done $0x0  }
0x599: {  	[sflag:s26] =	ssyncadd.s32 $0xFFFFE000  }
0x59a: {  	_ =	swait.ge [sflag:s7], $0x2000  }
0x59b: {  	[sflag:s7] =	ssyncset.done $0x0  }
0x59c: {  	[sflag:s7] =	ssyncadd.s32 $0xFFFFE000  }
0x59d: {  	s10 =	simm.s32 $0x1;
	s12 =	simm.s32 $0xC470;
	v9 =	vld [tilespmem:$0x19DC0]  }
0x59e: {  	v4 =	vmov s10;
	v6 =	vld [tilespmem:s12+$0xFFFFFFD0]  }
0x59f: {  	v14 =	vand.u32 $0x7F, v4  }
0x5a0: {  	v8 =	vadd.s32 v0, v14  }
0x5a1: {  	s11 =	simm.s32 $0x0;
	v7 =	vld [tilespmem:$0x19DD0]  }
0x5a2: {  	v4 =	vmov s11;
	v10 =	vld [tilespmem:s12+$0xFFFFFF90]  }
0x5a3: {  	v18 =	vand.u32 $0x7E, v4;
	v5 =	vld [tilespmem:$0x19DE0];
	v6 =	vadd.f32 v6, v9  }
0x5a4: {  	s9 =	simm.s32 $0xC4F0;
	s13 =	simm.s32 $0x3;
	v11 =	vadd.s32 v0, v18;
	v4 =	vld [tilespmem:$0x19DF0]  }
0x5a5: {  	v12 =	vld [tilespmem:s9+$0xFFFFFFD0];
	[tilespmem:v8+s31+$0x0] =	vst.idx.msk $0xffff, v6;
	v6 =	vmov s13  }
0x5a6: {  	v6 =	vand.u32 $0x7F, v6;
	v13 =	vld [tilespmem:s12+$0xFFFFFFE0]  }
0x5a7: {  	v8 =	vadd.f32 v10, v9;
	v10 =	vadd.s32 v0, v6  }
0x5a8: {  	v15 =	vadd.s32 v1, v14;
	s14 =	simm.s32 $0x2  }
0x5a9: {  	[tilespmem:v11+s31+$0x0] =	vst.idx.msk $0xffff, v8;
	v8 =	vmov s14;
	v11 =	vld [tilespmem:s9+$0xFFFFFF90]  }
0x5aa: {  	v12 =	vadd.f32 v12, v9;
	v8 =	vand.u32 $0x7E, v8;
	v16 =	vld [tilespmem:s12+$0xFFFFFFA0]  }
0x5ab: {  	s10 =	simm.s32 $0xC570;
	s15 =	simm.s32 $0x5;
	v17 =	vadd.s32 v0, v8;
	v13 =	vadd.f32 v13, v7  }
0x5ac: {  	v19 =	vld [tilespmem:s10+$0xFFFFFFD0];
	[tilespmem:v10+s31+$0x0] =	vst.idx.msk $0xffff, v12;
	v12 =	vadd.s32 v1, v18;
	v10 =	vmov s15  }
0x5ad: {  	[tilespmem:v15+s31+$0x0] =	vst.idx.msk $0xffff, v13;
	v10 =	vand.u32 $0x7F, v10;
	v13 =	vld [tilespmem:s9+$0xFFFFFFE0]  }
0x5ae: {  	v11 =	vadd.f32 v11, v9;
	v15 =	vadd.s32 v0, v10;
	v20 =	vld [tilespmem:s12+$0xFFFFFFF0]  }
0x5af: {  	s16 =	simm.s32 $0x4;
	v21 =	vadd.s32 v1, v6;
	v16 =	vadd.f32 v16, v7  }
0x5b0: {  	v22 =	vadd.s32 v2, v14;
	[tilespmem:v17+s31+$0x0] =	vst.idx.msk $0xffff, v11;
	v11 =	vmov s16;
	v17 =	vld [tilespmem:s10+$0xFFFFFF90]  }
0x5b1: {  	v11 =	vand.u32 $0x7E, v11;
	[tilespmem:v12+s31+$0x0] =	vst.idx.msk $0xffff, v16;
	v12 =	vadd.f32 v19, v9;
	v16 =	vld [tilespmem:s9+$0xFFFFFFA0]  }
0x5b2: {  	s11 =	simm.s32 $0xC5F0;
	s19 =	simm.s32 $0x7;
	v19 =	vadd.s32 v0, v11;
	v13 =	vadd.f32 v13, v7;
	v23 =	vld [tilespmem:s12+$0xFFFFFFB0]  }
0x5b3: {  	v24 =	vld [tilespmem:s11+$0xFFFFFFD0];
	[tilespmem:v15+s31+$0x0] =	vst.idx.msk $0xffff, v12;
	v15 =	vadd.s32 v1, v8;
	v20 =	vadd.f32 v20, v5;
	v12 =	vmov s19  }
0x5b4: {  	[tilespmem:v21+s31+$0x0] =	vst.idx.msk $0xffff, v13;
	v21 =	vadd.s32 v2, v18;
	v12 =	vand.u32 $0x7F, v12;
	v25 =	vld [tilespmem:s10+$0xFFFFFFE0]  }
0x5b5: {  	v13 =	vadd.f32 v17, v9;
	[tilespmem:v22+s31+$0x0] =	vst.idx.msk $0xffff, v20;
	v17 =	vadd.s32 v0, v12;
	v20 =	vld [tilespmem:s9+$0xFFFFFFF0]  }
0x5b6: {  	s22 =	simm.s32 $0x6;
	v26 =	vadd.s32 v1, v10;
	v16 =	vadd.f32 v16, v7;
	v27 =	vld [tilespmem:s12+$0x0]  }
0x5b7: {  	v28 =	vadd.s32 v2, v6;
	[tilespmem:v19+s31+$0x0] =	vst.idx.msk $0xffff, v13;
	v13 =	vmov s22;
	v19 =	vadd.f32 v23, v5;
	v23 =	vld [tilespmem:s11+$0xFFFFFF90]  }
0x5b8: {  	v30 =	vadd.s32 v3, v14;
	v13 =	vand.u32 $0x7E, v13;
	v29 =	vld [tilespmem:s10+$0xFFFFFFA0];
	[tilespmem:v15+s31+$0x0] =	vst.idx.msk $0xffff, v16;
	v16 =	vadd.f32 v24, v9  }
0x5b9: {  	[tilespmem:v21+s31+$0x0] =	vst.idx.msk $0xffff, v19;
	v21 =	vadd.s32 v0, v13;
	v14 =	vadd.f32 v25, v7;
	v15 =	vld [tilespmem:s9+$0xFFFFFFB0]  }
0x5ba: {  	s23 =	simm.s32 $0x9;
	s13 =	simm.s32 $0xC670;
	v19 =	vadd.s32 v1, v11;
	[tilespmem:v17+s31+$0x0] =	vst.idx.msk $0xffff, v16;
	v20 =	vadd.f32 v20, v5;
	v16 =	vld [tilespmem:s12+$0xFFFFFFC0]  }
0x5bb: {  	v22 =	vld [tilespmem:s13+$0xFFFFFFD0];
	v24 =	vmov s23;
	v17 =	vadd.s32 v2, v8;
	[tilespmem:v26+s31+$0x0] =	vst.idx.msk $0xffff, v14;
	v27 =	vadd.f32 v27, v4  }
0x5bc: {  	v18 =	vadd.s32 v3, v18;
	v14 =	vand.u32 $0x7F, v24;
	v26 =	vadd.f32 v23, v9;
	v23 =	vld [tilespmem:s11+$0xFFFFFFE0];
	[tilespmem:v28+s31+$0x0] =	vst.idx.msk $0xffff, v20  }
0x5bd: {  	s8 =	simm.s32 $0xA;
	s14 =	simm.s32 $0x8;
	s12 =	simm.s32 $0xC670;
	v24 =	vadd.s32 v0, v14;
	v25 =	vadd.f32 v29, v7;
	v20 =	vld [tilespmem:s10+$0xFFFFFFF0];
	[tilespmem:v30+s31+$0x0] =	vst.idx.msk $0xffff, v27  }
.LBB2_48:
0x5be: {  	p0 =	slt.u32 s8, $0x7E;
	[tilespmem:v21+s31+$0x0] =	vst.idx.msk $0xffff, v26;
	v26 =	vadd.s32 v1, v12;
	v15 =	vadd.f32 v15, v5;
	v27 =	vld [tilespmem:s9+$0x0];
	v28 =	vmov v11  }
0x5bf: {  	v21 =	vmov s14;
	v11 =	vmovc v13;
	s14 =	smov.u32 s8;
	v29 =	vld [tilespmem:s13+$0xFFFFFF90];
	[tilespmem:v19+s31+$0x0] =	vst.idx.msk $0xffff, v25;
	v25 =	vadd.s32 v2, v10;
	v16 =	vadd.f32 v16, v4  }
0x5c0: {  	v31 =	vadd.s32 v3, v6;
	v13 =	vand.u32 $0x7E, v21;
	v19 =	vadd.f32 v22, v9;
	v30 =	vld [tilespmem:s11+$0xFFFFFFA0];
	[tilespmem:v17+s31+$0x0] =	vst.idx.msk $0xffff, v15  }
.Ltmp23:
0x5c1: {  	v6 =	vmov v10;
	v21 =	vadd.s32 v0, v13;
	v17 =	vadd.f32 v23, v7;
	v15 =	vld [tilespmem:s10+$0xFFFFFFB0];
	[tilespmem:v18+s31+$0x0] =	vst.idx.msk $0xffff, v16;
	(pc) =	sbr.rel @p0 .LBB2_48-.Ltmp23, $4  }
0x5c2: {  	s15 =	sadd.s32 $0x1, s8;
	s13 =	sadd.s32 $0x80, s13;
	v10 =	vmov v12;
	[tilespmem:v24+s31+$0x0] =	vst.idx.msk $0xffff, v19;
	v19 =	vadd.s32 v1, v11;
	v18 =	vadd.f32 v20, v5;
	v16 =	vld [tilespmem:s9+$0xFFFFFFC0];
	s9 =	smov.u32 s10  }
0x5c3: {  	v12 =	vmovc v14;
	v20 =	vmov s15;
	s10 =	smov.u32 s11;
	s11 =	smov.u32 s12;
	s12 =	smov.u32 s13;
	v22 =	vld [tilespmem:s13+$0xFFFFFFD0];
	[tilespmem:v26+s31+$0x0] =	vst.idx.msk $0xffff, v17;
	v17 =	vadd.s32 v2, v28;
	v27 =	vadd.f32 v27, v4  }
0x5c4: {  	v14 =	vand.u32 $0x7F, v20;
	v26 =	vadd.f32 v29, v9;
	v23 =	vld [tilespmem:s11+$0xFFFFFFE0];
	[tilespmem:v25+s31+$0x0] =	vst.idx.msk $0xffff, v18;
	v18 =	vadd.s32 v3, v8  }
0x5c5: {  	s8 =	sadd.s32 $0x2, s8;
	v24 =	vadd.s32 v0, v14;
	v8 =	vmov v28;
	v25 =	vadd.f32 v30, v7;
	v20 =	vld [tilespmem:s10+$0xFFFFFFF0];
	[tilespmem:v31+s31+$0x0] =	vst.idx.msk $0xffff, v27  }
0x5c6: {  	v27 =	vmov s14;
	v28 =	vld [tilespmem:s13+$0xFFFFFF90]  }
0x5c7: {  	v27 =	vand.u32 $0x7E, v27  }
0x5c8: {  	v29 =	vadd.s32 v0, v27;
	_ =	sdelay $0x1  }
0x5c9: {  	v22 =	vadd.f32 v22, v9  }
0x5ca: {  	[tilespmem:v21+s31+$0x0] =	vst.idx.msk $0xffff, v26;
	v57 =	vadd.f32 v28, v9  }
0x5cb: {  	v21 =	vld [tilespmem:s11+$0xFFFFFFA0];
	[tilespmem:v24+s31+$0x0] =	vst.idx.msk $0xffff, v22  }
0x5cc: {  	v58 =	vadd.s32 v1, v12;
	v24 =	vld [tilespmem:s12+$0xFFFFFFE0];
	[tilespmem:v29+s31+$0x0] =	vst.idx.msk $0xffff, v57  }
0x5cd: {  	v59 =	vadd.s32 v1, v13;
	v60 =	vld [tilespmem:s12+$0xFFFFFFA0]  }
0x5ce: {  	v61 =	vadd.s32 v1, v14  }
0x5cf: {  	v62 =	vadd.s32 v1, v27;
	v23 =	vadd.f32 v23, v7  }
0x5d0: {  	[tilespmem:v19+s31+$0x0] =	vst.idx.msk $0xffff, v25;
	v63 =	vadd.f32 v21, v7  }
0x5d1: {  	v30 =	vld [tilespmem:s10+$0xFFFFFFB0];
	[tilespmem:v58+s31+$0x0] =	vst.idx.msk $0xffff, v23;
	v31 =	vadd.f32 v24, v7  }
0x5d2: {  	v32 =	vadd.s32 v2, v10;
	v33 =	vld [tilespmem:s11+$0xFFFFFFF0];
	[tilespmem:v59+s31+$0x0] =	vst.idx.msk $0xffff, v63;
	v34 =	vadd.f32 v60, v7  }
0x5d3: {  	v35 =	vadd.f32 v15, v5;
	v36 =	vadd.s32 v2, v11;
	v19 =	vld [tilespmem:s11+$0xFFFFFFB0];
	[tilespmem:v61+s31+$0x0] =	vst.idx.msk $0xffff, v31  }
0x5d4: {  	v37 =	vadd.s32 v2, v12;
	v16 =	vadd.f32 v16, v4;
	v38 =	vld [tilespmem:s12+$0xFFFFFFF0];
	[tilespmem:v62+s31+$0x0] =	vst.idx.msk $0xffff, v34  }
0x5d5: {  	v40 =	vadd.s32 v2, v13;
	[tilespmem:v17+s31+$0x0] =	vst.idx.msk $0xffff, v35;
	v39 =	vadd.f32 v20, v5;
	v41 =	vld [tilespmem:s12+$0xFFFFFFB0]  }
0x5d6: {  	v42 =	vld [tilespmem:s9+$0x0];
	v44 =	vadd.s32 v2, v14;
	[tilespmem:v18+s31+$0x0] =	vst.idx.msk $0xffff, v16;
	v43 =	vadd.f32 v30, v5  }
0x5d7: {  	v47 =	vadd.s32 v2, v27;
	v45 =	vld [tilespmem:s9+$0xFFFFFFC0];
	[tilespmem:v32+s31+$0x0] =	vst.idx.msk $0xffff, v39;
	v46 =	vadd.f32 v33, v5  }
0x5d8: {  	v6 =	vadd.s32 v3, v6;
	v48 =	vld [tilespmem:s10+$0x0];
	[tilespmem:v36+s31+$0x0] =	vst.idx.msk $0xffff, v43;
	v49 =	vadd.f32 v19, v5  }
0x5d9: {  	v8 =	vadd.s32 v3, v8;
	v16 =	vld [tilespmem:s10+$0xFFFFFFC0];
	[tilespmem:v37+s31+$0x0] =	vst.idx.msk $0xffff, v46;
	v50 =	vadd.f32 v38, v5  }
0x5da: {  	v51 =	vadd.s32 v3, v10;
	v52 =	vld [tilespmem:s11+$0x0];
	[tilespmem:v40+s31+$0x0] =	vst.idx.msk $0xffff, v49;
	v5 =	vadd.f32 v41, v5  }
0x5db: {  	v54 =	vadd.s32 v3, v11;
	v53 =	vadd.f32 v42, v4;
	v15 =	vld [tilespmem:s11+$0xFFFFFFC0];
	[tilespmem:v44+s31+$0x0] =	vst.idx.msk $0xffff, v50  }
0x5dc: {  	v56 =	vadd.s32 v3, v12;
	v55 =	vadd.f32 v45, v4;
	v57 =	vld [tilespmem:s12+$0x0];
	[tilespmem:v47+s31+$0x0] =	vst.idx.msk $0xffff, v5  }
0x5dd: {  	v58 =	vadd.s32 v3, v13;
	[tilespmem:v6+s31+$0x0] =	vst.idx.msk $0xffff, v53;
	v5 =	vadd.f32 v48, v4;
	v59 =	vld [tilespmem:s12+$0xFFFFFFC0]  }
0x5de: {  	[tilespmem:v8+s31+$0x0] =	vst.idx.msk $0xffff, v55;
	v61 =	vadd.s32 v3, v14;
	v60 =	vadd.f32 v16, v4  }
0x5df: {  	v62 =	vadd.s32 v3, v27;
	[tilespmem:v51+s31+$0x0] =	vst.idx.msk $0xffff, v5;
	v5 =	vadd.f32 v52, v4  }
0x5e0: {  	[tilespmem:v54+s31+$0x0] =	vst.idx.msk $0xffff, v60;
	v63 =	vadd.f32 v15, v4  }
0x5e1: {  	[tilespmem:v56+s31+$0x0] =	vst.idx.msk $0xffff, v5;
	v5 =	vadd.f32 v57, v4  }
0x5e2: {  	[tilespmem:v58+s31+$0x0] =	vst.idx.msk $0xffff, v63;
	v4 =	vadd.f32 v59, v4  }
0x5e3: {  	[tilespmem:v61+s31+$0x0] =	vst.idx.msk $0xffff, v5  }
0x5e4: {  	[tilespmem:v62+s31+$0x0] =	vst.idx.msk $0xffff, v4  }
0x5e5: {  	s8 =	simm.s32 $0x14A00;
	s10 =	rddreg [dreg:$0xd]  }
0x5e6: {  	[hbm4b:s10+s3] =	stream.linear.scatter [tilespmem:s8], [sflag:$0x8], $0x80, $0x38;
	[tilespmem:$0x19E00] =	vst v63  }
0x5e7: {  	s22 =	simm.s32 $0x14A88;
	s23 =	sadd.s32 $0x10, s10  }
0x5e8: {  	[hbm4b:s23+s3] =	stream.linear.scatter [tilespmem:s22], [sflag:$0x8], $0x80, $0x38;
	[tilespmem:$0x19E00] =	vst v63  }
0x5e9: {  	s14 =	simm.s32 $0x14C20;
	s9 =	simm.s32 $0x14B10;
	s11 =	sadd.s32 $0x20, s10  }
0x5ea: {  	[hbm4b:s11+s3] =	stream.linear.scatter [tilespmem:s9], [sflag:$0x8], $0x80, $0x38;
	[tilespmem:$0x19E00] =	vst v63  }
0x5eb: {  	s16 =	simm.s32 $0x14CA8;
	s12 =	simm.s32 $0x14B98;
	s13 =	sadd.s32 $0x30, s10  }
0x5ec: {  	[hbm4b:s13+s3] =	stream.linear.scatter [tilespmem:s12], [sflag:$0x8], $0x80, $0x38;
	[tilespmem:$0x19E00] =	vst v63  }
0x5ed: {  	s15 =	sadd.s32 $0x40, s10;
	s19 =	sadd.s32 $0x50, s10;
	s8 =	simm.s32 $0x2200  }
0x5ee: {  	[hbm4b:s15+s3] =	stream.linear.scatter [tilespmem:s14], [sflag:$0x8], $0x80, $0x38;
	[tilespmem:$0x19E00] =	vst v63  }
0x5ef: {  	s22 =	simm.s32 $0x14D30;
	s23 =	sadd.s32 $0x60, s10;
	s9 =	simm.s32 $0x440  }
0x5f0: {  	[hbm4b:s19+s3] =	stream.linear.scatter [tilespmem:s16], [sflag:$0x8], $0x80, $0x38;
	[tilespmem:$0x19E00] =	vst v63  }
0x5f1: {  	s11 =	simm.s32 $0x14DB8;
	s12 =	sadd.s32 $0x70, s10;
	s10 =	sadd.s32 $0x1000, s10  }
0x5f2: {  	[hbm4b:s23+s3] =	stream.linear.scatter [tilespmem:s22], [sflag:$0x8], $0x80, $0x38;
	[tilespmem:$0x19E00] =	vst v63  }
.LBB2_50:
0x5f3: {  	[hbm4b:s12+s3] =	stream.linear.scatter [tilespmem:s11], [sflag:$0x8], $0x80, $0x38;
	[tilespmem:$0x19E00] =	vst v63  }
0x5f4: {  	s11 =	smov.u32 s9;
	s9 =	smov.u32 s8  }
0x5f5: {  	s13 =	sadd.s32 $0x1100, s8;
	s9 =	sshra.s32 s9, $0x2;
	s12 =	sadd.s32 $0x14A00, s11  }
0x5f6: {  	[hbm4b:s10+s3] =	stream.linear.scatter [tilespmem:s12], [sflag:$0x8], $0x80, $0x38;
	[tilespmem:$0x19E00] =	vst v63  }
0x5f7: {  	p0 =	sne.s32 s8, $0x7700;
	s8 =	sadd.s32 $0x14A88, s11;
	s12 =	sadd.s32 $0x10, s10  }
0x5f8: {  	[hbm4b:s12+s3] =	stream.linear.scatter [tilespmem:s8], [sflag:$0x8], $0x80, $0x38;
	[tilespmem:$0x19E00] =	vst v63  }
0x5f9: {  	s8 =	sadd.s32 $0x14B10, s11;
	s12 =	sadd.s32 $0x20, s10  }
0x5fa: {  	[hbm4b:s12+s3] =	stream.linear.scatter [tilespmem:s8], [sflag:$0x8], $0x80, $0x38;
	[tilespmem:$0x19E00] =	vst v63  }
0x5fb: {  	s8 =	sadd.s32 $0x14B98, s11;
	s12 =	sadd.s32 $0x30, s10  }
0x5fc: {  	[hbm4b:s12+s3] =	stream.linear.scatter [tilespmem:s8], [sflag:$0x8], $0x80, $0x38;
	[tilespmem:$0x19E00] =	vst v63  }
0x5fd: {  	s8 =	sadd.s32 $0x14C20, s11;
	s12 =	sadd.s32 $0x40, s10  }
0x5fe: {  	[hbm4b:s12+s3] =	stream.linear.scatter [tilespmem:s8], [sflag:$0x8], $0x80, $0x38;
	[tilespmem:$0x19E00] =	vst v63  }
.Ltmp24:
0x5ff: {  	s8 =	sadd.s32 $0x14CA8, s11;
	s12 =	sadd.s32 $0x50, s10;
	(pc) =	sbr.rel @p0 .LBB2_50-.Ltmp24, $4  }
0x600: {  	[hbm4b:s12+s3] =	stream.linear.scatter [tilespmem:s8], [sflag:$0x8], $0x80, $0x38;
	[tilespmem:$0x19E00] =	vst v63  }
0x601: {  	s8 =	sadd.s32 $0x14D30, s11;
	s12 =	sadd.s32 $0x60, s10;
	s11 =	sadd.s32 $0x14DB8, s11  }
0x602: {  	[hbm4b:s12+s3] =	stream.linear.scatter [tilespmem:s8], [sflag:$0x8], $0x80, $0x38;
	[tilespmem:$0x19E00] =	vst v63  }
0x603: {  	s12 =	sadd.s32 $0x70, s10;
	s10 =	sadd.s32 $0x1000, s10;
	s8 =	smov.u32 s13  }
0x604: {  	[hbm4b:s12+s3] =	stream.linear.scatter [tilespmem:s11], [sflag:$0x8], $0x80, $0x38;
	[tilespmem:$0x19E00] =	vst v63  }
0x605: {  	s8 =	sadd.s32 $0x14A00, s9  }
0x606: {  	[hbm4b:s10+s3] =	stream.linear.scatter [tilespmem:s8], [sflag:$0x8], $0x80, $0x38;
	[tilespmem:$0x19E00] =	vst v63  }
0x607: {  	s12 =	sadd.s32 $0x14A88, s9;
	s13 =	sadd.s32 $0x10, s10  }
0x608: {  	[hbm4b:s13+s3] =	stream.linear.scatter [tilespmem:s12], [sflag:$0x8], $0x80, $0x38;
	[tilespmem:$0x19E00] =	vst v63  }
0x609: {  	s14 =	sadd.s32 $0x14B10, s9;
	s15 =	sadd.s32 $0x20, s10  }
0x60a: {  	[hbm4b:s15+s3] =	stream.linear.scatter [tilespmem:s14], [sflag:$0x8], $0x80, $0x38;
	[tilespmem:$0x19E00] =	vst v63  }
0x60b: {  	s16 =	sadd.s32 $0x14B98, s9;
	s19 =	sadd.s32 $0x30, s10  }
0x60c: {  	[hbm4b:s19+s3] =	stream.linear.scatter [tilespmem:s16], [sflag:$0x8], $0x80, $0x38;
	[tilespmem:$0x19E00] =	vst v63  }
0x60d: {  	s22 =	sadd.s32 $0x14C20, s9;
	s23 =	sadd.s32 $0x40, s10  }
0x60e: {  	[hbm4b:s23+s3] =	stream.linear.scatter [tilespmem:s22], [sflag:$0x8], $0x80, $0x38;
	[tilespmem:$0x19E00] =	vst v63  }
0x60f: {  	s12 =	sadd.s32 $0x14CA8, s9;
	s13 =	sadd.s32 $0x50, s10  }
0x610: {  	[hbm4b:s13+s3] =	stream.linear.scatter [tilespmem:s12], [sflag:$0x8], $0x80, $0x38;
	[tilespmem:$0x19E00] =	vst v63  }
0x611: {  	s14 =	sadd.s32 $0x14D30, s9;
	s15 =	sadd.s32 $0x60, s10  }
0x612: {  	[hbm4b:s15+s3] =	stream.linear.scatter [tilespmem:s14], [sflag:$0x8], $0x80, $0x38;
	[tilespmem:$0x19E00] =	vst v63  }
0x613: {  	s16 =	sadd.s32 $0x14DB8, s9;
	s19 =	sadd.s32 $0x70, s10  }
0x614: {  	[hbm4b:s19+s3] =	stream.linear.scatter [tilespmem:s16], [sflag:$0x8], $0x80, $0x38;
	[tilespmem:$0x19E00] =	vst v63  }
0x615: {  	_ =	swait.ge [sflag:s17], $0x2000  }
0x616: {  	[sflag:s17] =	ssyncset.done $0x0  }
0x617: {  	[sflag:s17] =	ssyncadd.s32 $0xFFFFE000  }
0x618: {  	_ =	swait.ge [sflag:s24], $0x2000  }
0x619: {  	[sflag:s24] =	ssyncset.done $0x0  }
0x61a: {  	[sflag:s24] =	ssyncadd.s32 $0xFFFFE000  }
0x61b: {  	_ =	swait.ge [sflag:s6], $0x2000  }
0x61c: {  	[sflag:s6] =	ssyncset.done $0x0  }
0x61d: {  	[sflag:s6] =	ssyncadd.s32 $0xFFFFE000  }
0x61e: {  	_ =	swait.ge [sflag:s7], $0x2000  }
0x61f: {  	s22 =	rddreg [dreg:$0xf]  }
0x620: {  	s23 =	rddreg [dreg:$0xe];
	s9 =	sadd.s32 $0x1, s22  }
0x621: {  	p0 =	sne.s32 s9, s23  }
.Ltmp25:
0x622: {  	_ = 	snop;
	(pc) =	sbr.rel @p0 .LBB2_1-.Ltmp25, $3  }
0x623: {  	_ =	sdelay $0x1  }
0x624: {  	[sflag:s7] =	ssyncset.done $0x0  }
0x625: {  	[sflag:s7] =	ssyncadd.s32 $0xFFFFE000  }
0x626: {  	_ =	sfence.sel $0x180000  }
0x627: {  	[bflag:$0x0] =	sbarrier.arrive $0xFFFF  }
0x628: {  	_ =	strace $0x90000047  }
0x629: {  	s0 =	stileid.u32;
	[bflag:$0x2] =	sbarrier.arrive $0xFFFF  }
0x62a: {  	p0 =	sne.s32 s0, $0x0;
	s0 =	rddreg [dreg:$0x3]  }
0x62b: {  	s0 =	sadd.s32 @!p0 $0x100000, s0  }
0x62c: {  	[sflag:s0] =	ssyncadd.tile.s32 @!p0 $0x1;
	_ =	shalt  }
.Lfunc_end2:
_tile_overlayer_lowered:
.L_overlay_start_2:
0x62d: {  	(tag) =	ssettag $0x2  }
0x62e: {  	s0 =	rddreg [dreg:$0x0];
	s2 =	stileid.u32  }
0x62f: {  	s1 =	rddreg [dreg:$0x1];
	p0 =	sne.s32 s2, $0x0  }
0x630: {  	s3 =	rddreg [dreg:$0x2];
	[bflag:$0x3] =	sbarrier.arrive $0xFFFF;
	s2 =	simm.s32 @!p0 $0x1C09  }
0x631: {  	[timem:s3], [sflag:s2] =	dma.local @!p0 [hbm:s0], s1  }
0x632: {  	s0 =	simm.s32 @!p0 $0x9  }
0x633: {  	_ =	swait.ge @!p0 [sflag:s0], s1  }
0x634: {  	s1 =	ssub.s32 @!p0 $0x0, s1;
	[sflag:s0] =	ssyncset.done @!p0 $0x0  }
0x635: {  	[sflag:s0] =	ssyncadd.s32 @!p0 s1  }
0x636: {  	[bflag:$0x3] =	sbarrier.arrive $0xFFFF  }
0x637: {  	_ =	shalt  }

</sc_bundles>
